<compile_context>
chip_gen: v7x
topology: tpu7x:2x2x1
jax: 0.10.2.dev20260603
libtpu: 0.0.44.dev20260713+nightly
codegen_flags: <defaults>
</compile_context>

<pallas_src>
import functools

import jax
import jax.numpy as jnp
from jax import lax
from jax.experimental import pallas as pl
from jax.experimental.pallas import tpu as pltpu
from jax.experimental.pallas import tpu_sc as plsc

_B = 1024
_D = 64
_MARGIN = 1.0
_N_PAIRS = _B * (_B - 1) // 2

_L = 16
_NW = 16
_ROWS = _B // _NW
_NCH = 5
_DP = _NCH * _L
_CP = 128


def _sc_seg_kernel(emb_hbm, tgt_hbm, out_hbm, rows_v, tgt_v, accl_v, sem):
    wid = lax.axis_index("s")
    base = wid * _ROWS

    pltpu.sync_copy(emb_hbm.at[pl.ds(base, _ROWS)], rows_v)
    pltpu.sync_copy(tgt_hbm.at[pl.ds(base, _ROWS)], tgt_v)

    zvec = jnp.zeros((_L,), jnp.float32)

    def zero_row(i, _):
        for j in range(_NCH):
            accl_v[i, pl.ds(j * _L, _L)] = zvec
        return 0

    lax.fori_loop(0, _CP, zero_row, 0)

    lane = lax.iota(jnp.int32, _L)
    dn = lax.GatherDimensionNumbers(
        offset_dims=(), collapsed_slice_dims=(0,), start_index_map=(0,))
    for blk in range(_ROWS // _L):
        idx16 = tgt_v[pl.ds(blk * _L, _L)]
        for rr in range(_L):
            r = blk * _L + rr
            cls_vec = lax.gather(
                idx16, jnp.full((_L, 1), rr, jnp.int32), dn, (1,),
                mode=lax.GatherScatterMode.PROMISE_IN_BOUNDS)
            c0 = rows_v[r, pl.ds(0, _L)]
            c1 = rows_v[r, pl.ds(_L, _L)]
            c2 = rows_v[r, pl.ds(2 * _L, _L)]
            c3 = rows_v[r, pl.ds(3 * _L, _L)]
            sumsq = jnp.sum(c0 * c0 + c1 * c1 + c2 * c2 + c3 * c3)
            c4 = jnp.where(lane == 0, sumsq,
                           jnp.where(lane == 1, jnp.float32(1.0),
                                     jnp.float32(0.0)))
            for j, cj in enumerate((c0, c1, c2, c3, c4)):
                plsc.addupdate_scatter(
                    accl_v, [cls_vec, jnp.int32(j * _L) + lane], cj)

    for k in range(_NW):
        @pl.when(wid == k)
        def _():
            pltpu.sync_copy(accl_v, out_hbm.at[k])


_sc_seg = functools.partial(
    pl.kernel,
    out_type=jax.ShapeDtypeStruct((_NW, _CP, _DP), jnp.float32),
    mesh=plsc.VectorSubcoreMesh(
        core_axis_name="c", subcore_axis_name="s", num_cores=1),
    scratch_types=[
        pltpu.VMEM((_ROWS, _D), jnp.float32),
        pltpu.VMEM((_ROWS,), jnp.int32),
        pltpu.VMEM((_CP, _DP), jnp.float32),
        pltpu.SemaphoreType.DMA,
    ],
    compiler_params=pltpu.CompilerParams(needs_layout_passes=False),
)(_sc_seg_kernel)


def _tc_kernel(e_ref, t_ref, a_ref, out_ref):
    e = e_ref[...]
    t = t_ref[...]
    g = lax.dot_general(
        e, e, (((1,), (1,)), ((), ())), preferred_element_type=jnp.float32
    )
    nrm = jnp.sum(e * e, axis=1, keepdims=True)
    d2 = jnp.maximum(nrm + nrm.T - 2.0 * g, 0.0)
    neg = jnp.maximum(_MARGIN - jnp.sqrt(d2 + 1e-6), 0.0)
    diff = t != t.reshape(1, _B)
    neg_total = 0.5 * jnp.sum(jnp.where(diff, neg * neg, 0.0))

    acc = jnp.sum(a_ref[...], axis=0)
    ssum = jnp.sum(acc[:, :_D] * acc[:, :_D], axis=1)
    m = acc[:, _D]
    n = acc[:, _D + 1]
    pos_total = jnp.sum(n * m - ssum)

    out_ref[...] = ((neg_total + pos_total)
                    / jnp.float32(_N_PAIRS)).reshape(1, 1)


def kernel(embeddings, target):
    accs = _sc_seg(embeddings, target)
    out = pl.pallas_call(
        _tc_kernel,
        out_shape=jax.ShapeDtypeStruct((1, 1), jnp.float32),
    )(embeddings, target.reshape(_B, 1), accs)
    return out[0, 0]

# --- scband reference (transcript-rebuilt; emitter-appended) ---
"""Pipeline reference for scband-online-contrastive-loss-3599182594940 (READ-ONLY COPY).

The authoritative reference and input builder live on the scoring server;
editing this copy changes nothing except your own understanding.
"""

import jax, jax.numpy as jnp
import numpy as np

MARGIN = 1.0
B = 1024
D = 64
NUM_CLASSES = 100


def setup_inputs(seed: int = 0) -> dict:
    key = jax.random.key(seed)
    k1, k2 = jax.random.split(key)
    embeddings = jax.random.normal(k1, (B, D), dtype=jnp.float32)
    target = jax.random.randint(k2, (B,), 0, NUM_CLASSES, dtype=jnp.int32)
    return {"embeddings": embeddings, "target": target}


def reference(embeddings, target):
    # AllPairsSelector: every unordered pair (i < j). Positive pairs share a label,
    # negative pairs differ. Matches pair_selector.get_pairs semantics.
    idx0_np, idx1_np = np.triu_indices(B, k=1)
    idx0 = jnp.asarray(idx0_np, dtype=jnp.int32)
    idx1 = jnp.asarray(idx1_np, dtype=jnp.int32)

    e0 = jnp.take(embeddings, idx0, axis=0)
    e1 = jnp.take(embeddings, idx1, axis=0)
    d2 = jnp.sum((e0 - e1) ** 2, axis=1)

    t0 = jnp.take(target, idx0)
    t1 = jnp.take(target, idx1)
    same = t0 == t1

    positive_loss = d2
    negative_loss = jax.nn.relu(MARGIN - jnp.sqrt(d2 + 1e-6)) ** 2

    # loss = torch.cat([positive_loss, negative_loss]).mean()
    # with all-pairs selector: n_pos + n_neg = total number of pairs
    total = jnp.sum(jnp.where(same, positive_loss, 0.0)) + jnp.sum(jnp.where(same, 0.0, negative_loss))
    n_pairs = jnp.asarray(idx0.shape[0], dtype=jnp.float32)
    return total / n_pairs

if __name__ == "__main__":
    import jax
    _d = setup_inputs()
    print(jax.jit(kernel)(*tuple(_d.values())))

</pallas_src>

<mosaic_0001>
#map = affine_map<(d0, d1) -> (0, 0)>
#map1 = affine_map<(d0, d1) -> (0)>
#map2 = affine_map<(d0, d1) -> (0, 0, 0)>
module attributes {stable_mosaic.version = 14 : i64} {
  func.func @_sc_seg_kernel(%arg0: i32, %arg1: i32, %arg2: memref<1024x64xf32, #tpu.memory_space<hbm>>, %arg3: memref<1024xi32, #tpu.memory_space<hbm>>, %arg4: memref<16x128x80xf32, #tpu.memory_space<hbm>>, %arg5: memref<64x64xf32, #tpu.memory_space<vmem>>, %arg6: memref<64xi32, #tpu.memory_space<vmem>>, %arg7: memref<128x80xf32, #tpu.memory_space<vmem>>, %arg8: memref<!tpu.dma_semaphore, #tpu.memory_space<semaphore_mem>>) attributes {dimension_semantics = [#tpu.dimension_semantics<core_parallel>, #tpu.dimension_semantics<subcore_parallel>], iteration_bounds = array<i64: 1, 16>, scalar_prefetch = 0 : i64, scratch_operands = 4 : i64, tpu.core_type = #tpu.core_type<sc_vector_subcore>, window_params = [{transform_indices = #map}, {transform_indices = #map1}, {transform_indices = #map2}]} {
    %mul3A = arith.constant 64 : i32
    %mul3A_0 = arith.muli %arg1, %mul3A : i32
    "tpu.region"() ({
      %run_scoped3A = tpu.sem_alloc : memref<!tpu.dma_semaphore, #tpu.memory_space<semaphore_mem>>
      %dma_start3A = arith.constant 0 : i32
      %dma_start3A_3863 = tpu.memref_slice %arg2[%mul3A_0, %dma_start3A] : memref<1024x64xf32, #tpu.memory_space<hbm>> -> memref<64x64xf32, #tpu.memory_space<hbm>>
      %dma_start3A_3864 = arith.constant 0 : i32
      %dma_start3A_3865 = tpu.memref_slice %arg2[%mul3A_0, %dma_start3A_3864] : memref<1024x64xf32, #tpu.memory_space<hbm>> -> memref<64x64xf32, #tpu.memory_space<hbm>>
      tpu.enqueue_dma source(%dma_start3A_3865 : memref<64x64xf32, #tpu.memory_space<hbm>>) target(%arg5 : memref<64x64xf32, #tpu.memory_space<vmem>>) target_semaphore(%run_scoped3A : memref<!tpu.dma_semaphore, #tpu.memory_space<semaphore_mem>>)
      %dma_wait3A = arith.constant 0 : i32
      %dma_wait3A_3866 = tpu.memref_slice %arg2[%mul3A_0, %dma_wait3A] : memref<1024x64xf32, #tpu.memory_space<hbm>> -> memref<64x64xf32, #tpu.memory_space<hbm>>
      %dma_wait3A_3867 = arith.constant 0 : i32
      %dma_wait3A_3868 = tpu.memref_slice %arg2[%mul3A_0, %dma_wait3A_3867] : memref<1024x64xf32, #tpu.memory_space<hbm>> -> memref<64x64xf32, #tpu.memory_space<hbm>>
      tpu.wait_dma2 semaphore(%run_scoped3A : memref<!tpu.dma_semaphore, #tpu.memory_space<semaphore_mem>>) src(%dma_wait3A_3868 : memref<64x64xf32, #tpu.memory_space<hbm>>) dst(%arg5 : memref<64x64xf32, #tpu.memory_space<vmem>>)
      tpu.yield
    }) : () -> ()
    "tpu.region"() ({
      %run_scoped3A = tpu.sem_alloc : memref<!tpu.dma_semaphore, #tpu.memory_space<semaphore_mem>>
      %dma_start3A = tpu.memref_slice %arg3[%mul3A_0] : memref<1024xi32, #tpu.memory_space<hbm>> -> memref<64xi32, #tpu.memory_space<hbm>>
      %dma_start3A_3863 = tpu.memref_slice %arg3[%mul3A_0] : memref<1024xi32, #tpu.memory_space<hbm>> -> memref<64xi32, #tpu.memory_space<hbm>>
      tpu.enqueue_dma source(%dma_start3A_3863 : memref<64xi32, #tpu.memory_space<hbm>>) target(%arg6 : memref<64xi32, #tpu.memory_space<vmem>>) target_semaphore(%run_scoped3A : memref<!tpu.dma_semaphore, #tpu.memory_space<semaphore_mem>>)
      %dma_wait3A = tpu.memref_slice %arg3[%mul3A_0] : memref<1024xi32, #tpu.memory_space<hbm>> -> memref<64xi32, #tpu.memory_space<hbm>>
      %dma_wait3A_3864 = tpu.memref_slice %arg3[%mul3A_0] : memref<1024xi32, #tpu.memory_space<hbm>> -> memref<64xi32, #tpu.memory_space<hbm>>
      tpu.wait_dma2 semaphore(%run_scoped3A : memref<!tpu.dma_semaphore, #tpu.memory_space<semaphore_mem>>) src(%dma_wait3A_3864 : memref<64xi32, #tpu.memory_space<hbm>>) dst(%arg6 : memref<64xi32, #tpu.memory_space<vmem>>)
      tpu.yield
    }) : () -> ()
    %broadcast_in_dim3A = arith.constant 0.000000e+00 : f32
    %broadcast_in_dim3A_1 = vector.broadcast %broadcast_in_dim3A : f32 to vector<16xf32>
    %scan3A = arith.constant 0 : i32
    %scan3A_2 = arith.constant 0 : i32
    %scan3A_3 = arith.constant 128 : i32
    %scan3A_4 = arith.addi %scan3A_2, %scan3A_3 : i32
    %scan3A_5 = arith.constant 1 : i32
    %scan3A_6 = scf.for %scan3A_3863 = %scan3A_2 to %scan3A_4 step %scan3A_5 iter_args(%scan3A_3864 = %scan3A) -> (i32)  : i32 {
      %swap3A = arith.index_cast %scan3A_3863 : i32 to index
      %swap3A_3865 = arith.constant 0 : index
      %swap3A_3866 = tpu.vector_load %arg7[%swap3A, %swap3A_3865] {strides = array<i32>} : memref<128x80xf32, #tpu.memory_space<vmem>>, vector<16xf32>,
      tpu.vector_store %arg7[%swap3A, %swap3A_3865], %broadcast_in_dim3A_1 {strides = array<i32>} : memref<128x80xf32, #tpu.memory_space<vmem>>, vector<16xf32>,
      %swap3A_3867 = arith.index_cast %scan3A_3863 : i32 to index
      %swap3A_3868 = arith.constant 16 : index
      %swap3A_3869 = tpu.vector_load %arg7[%swap3A_3867, %swap3A_3868] {strides = array<i32>} : memref<128x80xf32, #tpu.memory_space<vmem>>, vector<16xf32>,
      tpu.vector_store %arg7[%swap3A_3867, %swap3A_3868], %broadcast_in_dim3A_1 {strides = array<i32>} : memref<128x80xf32, #tpu.memory_space<vmem>>, vector<16xf32>,
      %swap3A_3870 = arith.index_cast %scan3A_3863 : i32 to index
      %swap3A_3871 = arith.constant 32 : index
      %swap3A_3872 = tpu.vector_load %arg7[%swap3A_3870, %swap3A_3871] {strides = array<i32>} : memref<128x80xf32, #tpu.memory_space<vmem>>, vector<16xf32>,
      tpu.vector_store %arg7[%swap3A_3870, %swap3A_3871], %broadcast_in_dim3A_1 {strides = array<i32>} : memref<128x80xf32, #tpu.memory_space<vmem>>, vector<16xf32>,
      %swap3A_3873 = arith.index_cast %scan3A_3863 : i32 to index
      %swap3A_3874 = arith.constant 48 : index
      %swap3A_3875 = tpu.vector_load %arg7[%swap3A_3873, %swap3A_3874] {strides = array<i32>} : memref<128x80xf32, #tpu.memory_space<vmem>>, vector<16xf32>,
      tpu.vector_store %arg7[%swap3A_3873, %swap3A_3874], %broadcast_in_dim3A_1 {strides = array<i32>} : memref<128x80xf32, #tpu.memory_space<vmem>>, vector<16xf32>,
      %swap3A_3876 = arith.index_cast %scan3A_3863 : i32 to index
      %swap3A_3877 = arith.constant 64 : index
      %swap3A_3878 = tpu.vector_load %arg7[%swap3A_3876, %swap3A_3877] {strides = array<i32>} : memref<128x80xf32, #tpu.memory_space<vmem>>, vector<16xf32>,
      tpu.vector_store %arg7[%swap3A_3876, %swap3A_3877], %broadcast_in_dim3A_1 {strides = array<i32>} : memref<128x80xf32, #tpu.memory_space<vmem>>, vector<16xf32>,
      %scan3A_3879 = arith.constant 0 : i32
      scf.yield %scan3A_3879 : i32
    }
    %scan3A_7 = arith.constant 128 : i32
    %iota3A = tpu.iota {dimensions = array<i32: 0>} : vector<16xi32>
    %get3A = arith.constant 0 : index
    %get3A_8 = tpu.vector_load %arg6[%get3A] {strides = array<i32>} : memref<64xi32, #tpu.memory_space<vmem>>, vector<16xi32>,
    %broadcast_in_dim3A_9 = arith.constant 0 : i32
    %broadcast_in_dim3A_10 = vector.broadcast %broadcast_in_dim3A_9 : i32 to vector<16x1xi32>
    %gather3A = vector.shape_cast %broadcast_in_dim3A_10 : vector<16x1xi32> to vector<16xi32>
    %gather3A_11 = tpu.dynamic_gather %get3A_8[%gather3A] in [0] : vector<16xi32>, vector<16xi32> -> vector<16xi32>
    %get3A_12 = arith.constant 0 : i32
    %get3A_13 = arith.index_cast %get3A_12 : i32 to index
    %get3A_14 = arith.constant 0 : index
    %get3A_15 = tpu.vector_load %arg5[%get3A_13, %get3A_14] {strides = array<i32>} : memref<64x64xf32, #tpu.memory_space<vmem>>, vector<16xf32>,
    %get3A_16 = arith.constant 0 : i32
    %get3A_17 = arith.index_cast %get3A_16 : i32 to index
    %get3A_18 = arith.constant 16 : index
    %get3A_19 = tpu.vector_load %arg5[%get3A_17, %get3A_18] {strides = array<i32>} : memref<64x64xf32, #tpu.memory_space<vmem>>, vector<16xf32>,
    %get3A_20 = arith.constant 0 : i32
    %get3A_21 = arith.index_cast %get3A_20 : i32 to index
    %get3A_22 = arith.constant 32 : index
    %get3A_23 = tpu.vector_load %arg5[%get3A_21, %get3A_22] {strides = array<i32>} : memref<64x64xf32, #tpu.memory_space<vmem>>, vector<16xf32>,
    %get3A_24 = arith.constant 0 : i32
    %get3A_25 = arith.index_cast %get3A_24 : i32 to index
    %get3A_26 = arith.constant 48 : index
    %get3A_27 = tpu.vector_load %arg5[%get3A_25, %get3A_26] {strides = array<i32>} : memref<64x64xf32, #tpu.memory_space<vmem>>, vector<16xf32>,
    %mul3A_28 = arith.mulf %get3A_15, %get3A_15 : vector<16xf32>
    %mul3A_29 = arith.mulf %get3A_19, %get3A_19 : vector<16xf32>
    %add3A = arith.addf %mul3A_28, %mul3A_29 : vector<16xf32>
    %mul3A_30 = arith.mulf %get3A_23, %get3A_23 : vector<16xf32>
    %add3A_31 = arith.addf %add3A, %mul3A_30 : vector<16xf32>
    %mul3A_32 = arith.mulf %get3A_27, %get3A_27 : vector<16xf32>
    %add3A_33 = arith.addf %add3A_31, %mul3A_32 : vector<16xf32>
    %reduce_sum3A = arith.constant true
    %reduce_sum3A_34 = vector.broadcast %reduce_sum3A : i1 to vector<16xi1>
    %reduce_sum3A_35 = tpu.scan <sum>, %add3A_33 masked %reduce_sum3A_34 : vector<16xf32>, vector<16xi1> -> vector<16xf32>
    %reduce_sum3A_36 = vector.extract %reduce_sum3A_35[15] : f32 from vector<16xf32>
    %eq3A = arith.constant 0 : i32
    %eq3A_37 = vector.broadcast %eq3A : i32 to vector<16xi32>
    %eq3A_38 = arith.cmpi eq, %iota3A, %eq3A_37 : vector<16xi32>
    %eq3A_39 = arith.constant 1 : i32
    %eq3A_40 = vector.broadcast %eq3A_39 : i32 to vector<16xi32>
    %eq3A_41 = arith.cmpi eq, %iota3A, %eq3A_40 : vector<16xi32>
    %jit3A = arith.constant 1.000000e+00 : f32
    %jit3A_42 = arith.constant 0.000000e+00 : f32
    %broadcast_in_dim3A_43 = vector.broadcast %jit3A : f32 to vector<16xf32>
    %broadcast_in_dim3A_44 = vector.broadcast %jit3A_42 : f32 to vector<16xf32>
    %select_n3A = arith.select %eq3A_41, %broadcast_in_dim3A_43, %broadcast_in_dim3A_44 : vector<16xi1>, vector<16xf32>
    %broadcast_in_dim3A_45 = vector.broadcast %reduce_sum3A_36 : f32 to vector<16xf32>
    %select_n3A_46 = arith.select %eq3A_38, %broadcast_in_dim3A_45, %select_n3A : vector<16xi1>, vector<16xf32>
    %add3A_47 = arith.constant 0 : i32
    %add3A_48 = vector.broadcast %add3A_47 : i32 to vector<16xi32>
    %add3A_49 = arith.addi %add3A_48, %iota3A : vector<16xi32>
    tpu.vector_store_idx %arg7[%gather3A_11, %add3A_49], %get3A_15 {add = true} : memref<128x80xf32, #tpu.memory_space<vmem>>[vector<16xi32>, vector<16xi32>], vector<16xf32>,
    %add3A_50 = arith.constant 16 : i32
    %add3A_51 = vector.broadcast %add3A_50 : i32 to vector<16xi32>
    %add3A_52 = arith.addi %add3A_51, %iota3A : vector<16xi32>
    tpu.vector_store_idx %arg7[%gather3A_11, %add3A_52], %get3A_19 {add = true} : memref<128x80xf32, #tpu.memory_space<vmem>>[vector<16xi32>, vector<16xi32>], vector<16xf32>,
    %add3A_53 = arith.constant 32 : i32
    %add3A_54 = vector.broadcast %add3A_53 : i32 to vector<16xi32>
    %add3A_55 = arith.addi %add3A_54, %iota3A : vector<16xi32>
    tpu.vector_store_idx %arg7[%gather3A_11, %add3A_55], %get3A_23 {add = true} : memref<128x80xf32, #tpu.memory_space<vmem>>[vector<16xi32>, vector<16xi32>], vector<16xf32>,
    %add3A_56 = arith.constant 48 : i32
    %add3A_57 = vector.broadcast %add3A_56 : i32 to vector<16xi32>
    %add3A_58 = arith.addi %add3A_57, %iota3A : vector<16xi32>
    tpu.vector_store_idx %arg7[%gather3A_11, %add3A_58], %get3A_27 {add = true} : memref<128x80xf32, #tpu.memory_space<vmem>>[vector<16xi32>, vector<16xi32>], vector<16xf32>,
    %add3A_59 = arith.constant 64 : i32
    %add3A_60 = vector.broadcast %add3A_59 : i32 to vector<16xi32>
    %add3A_61 = arith.addi %add3A_60, %iota3A : vector<16xi32>
    tpu.vector_store_idx %arg7[%gather3A_11, %add3A_61], %select_n3A_46 {add = true} : memref<128x80xf32, #tpu.memory_space<vmem>>[vector<16xi32>, vector<16xi32>], vector<16xf32>,
    %broadcast_in_dim3A_62 = arith.constant 1 : i32
    %broadcast_in_dim3A_63 = vector.broadcast %broadcast_in_dim3A_62 : i32 to vector<16x1xi32>
    %gather3A_64 = vector.shape_cast %broadcast_in_dim3A_63 : vector<16x1xi32> to vector<16xi32>
    %gather3A_65 = tpu.dynamic_gather %get3A_8[%gather3A_64] in [0] : vector<16xi32>, vector<16xi32> -> vector<16xi32>
    %get3A_66 = arith.constant 1 : i32
    %get3A_67 = arith.index_cast %get3A_66 : i32 to index
    %get3A_68 = arith.constant 0 : index
    %get3A_69 = tpu.vector_load %arg5[%get3A_67, %get3A_68] {strides = array<i32>} : memref<64x64xf32, #tpu.memory_space<vmem>>, vector<16xf32>,
    %get3A_70 = arith.constant 1 : i32
    %get3A_71 = arith.index_cast %get3A_70 : i32 to index
    %get3A_72 = arith.constant 16 : index
    %get3A_73 = tpu.vector_load %arg5[%get3A_71, %get3A_72] {strides = array<i32>} : memref<64x64xf32, #tpu.memory_space<vmem>>, vector<16xf32>,
    %get3A_74 = arith.constant 1 : i32
    %get3A_75 = arith.index_cast %get3A_74 : i32 to index
    %get3A_76 = arith.constant 32 : index
    %get3A_77 = tpu.vector_load %arg5[%get3A_75, %get3A_76] {strides = array<i32>} : memref<64x64xf32, #tpu.memory_space<vmem>>, vector<16xf32>,
    %get3A_78 = arith.constant 1 : i32
    %get3A_79 = arith.index_cast %get3A_78 : i32 to index
    %get3A_80 = arith.constant 48 : index
    %get3A_81 = tpu.vector_load %arg5[%get3A_79, %get3A_80] {strides = array<i32>} : memref<64x64xf32, #tpu.memory_space<vmem>>, vector<16xf32>,
    %mul3A_82 = arith.mulf %get3A_69, %get3A_69 : vector<16xf32>
    %mul3A_83 = arith.mulf %get3A_73, %get3A_73 : vector<16xf32>
    %add3A_84 = arith.addf %mul3A_82, %mul3A_83 : vector<16xf32>
    %mul3A_85 = arith.mulf %get3A_77, %get3A_77 : vector<16xf32>
    %add3A_86 = arith.addf %add3A_84, %mul3A_85 : vector<16xf32>
    %mul3A_87 = arith.mulf %get3A_81, %get3A_81 : vector<16xf32>
    %add3A_88 = arith.addf %add3A_86, %mul3A_87 : vector<16xf32>
    %reduce_sum3A_89 = arith.constant true
    %reduce_sum3A_90 = vector.broadcast %reduce_sum3A_89 : i1 to vector<16xi1>
    %reduce_sum3A_91 = tpu.scan <sum>, %add3A_88 masked %reduce_sum3A_90 : vector<16xf32>, vector<16xi1> -> vector<16xf32>
    %reduce_sum3A_92 = vector.extract %reduce_sum3A_91[15] : f32 from vector<16xf32>
    %eq3A_93 = arith.constant 0 : i32
    %eq3A_94 = vector.broadcast %eq3A_93 : i32 to vector<16xi32>
    %eq3A_95 = arith.cmpi eq, %iota3A, %eq3A_94 : vector<16xi32>
    %eq3A_96 = arith.constant 1 : i32
    %eq3A_97 = vector.broadcast %eq3A_96 : i32 to vector<16xi32>
    %eq3A_98 = arith.cmpi eq, %iota3A, %eq3A_97 : vector<16xi32>
    %jit3A_99 = arith.constant 1.000000e+00 : f32
    %jit3A_100 = arith.constant 0.000000e+00 : f32
    %broadcast_in_dim3A_101 = vector.broadcast %jit3A_99 : f32 to vector<16xf32>
    %broadcast_in_dim3A_102 = vector.broadcast %jit3A_100 : f32 to vector<16xf32>
    %select_n3A_103 = arith.select %eq3A_98, %broadcast_in_dim3A_101, %broadcast_in_dim3A_102 : vector<16xi1>, vector<16xf32>
    %broadcast_in_dim3A_104 = vector.broadcast %reduce_sum3A_92 : f32 to vector<16xf32>
    %select_n3A_105 = arith.select %eq3A_95, %broadcast_in_dim3A_104, %select_n3A_103 : vector<16xi1>, vector<16xf32>
    %add3A_106 = arith.constant 0 : i32
    %add3A_107 = vector.broadcast %add3A_106 : i32 to vector<16xi32>
    %add3A_108 = arith.addi %add3A_107, %iota3A : vector<16xi32>
    tpu.vector_store_idx %arg7[%gather3A_65, %add3A_108], %get3A_69 {add = true} : memref<128x80xf32, #tpu.memory_space<vmem>>[vector<16xi32>, vector<16xi32>], vector<16xf32>,
    %add3A_109 = arith.constant 16 : i32
    %add3A_110 = vector.broadcast %add3A_109 : i32 to vector<16xi32>
    %add3A_111 = arith.addi %add3A_110, %iota3A : vector<16xi32>
    tpu.vector_store_idx %arg7[%gather3A_65, %add3A_111], %get3A_73 {add = true} : memref<128x80xf32, #tpu.memory_space<vmem>>[vector<16xi32>, vector<16xi32>], vector<16xf32>,
    %add3A_112 = arith.constant 32 : i32
    %add3A_113 = vector.broadcast %add3A_112 : i32 to vector<16xi32>
    %add3A_114 = arith.addi %add3A_113, %iota3A : vector<16xi32>
    tpu.vector_store_idx %arg7[%gather3A_65, %add3A_114], %get3A_77 {add = true} : memref<128x80xf32, #tpu.memory_space<vmem>>[vector<16xi32>, vector<16xi32>], vector<16xf32>,
    %add3A_115 = arith.constant 48 : i32
    %add3A_116 = vector.broadcast %add3A_115 : i32 to vector<16xi32>
    %add3A_117 = arith.addi %add3A_116, %iota3A : vector<16xi32>
    tpu.vector_store_idx %arg7[%gather3A_65, %add3A_117], %get3A_81 {add = true} : memref<128x80xf32, #tpu.memory_space<vmem>>[vector<16xi32>, vector<16xi32>], vector<16xf32>,
    %add3A_118 = arith.constant 64 : i32
    %add3A_119 = vector.broadcast %add3A_118 : i32 to vector<16xi32>
    %add3A_120 = arith.addi %add3A_119, %iota3A : vector<16xi32>
    tpu.vector_store_idx %arg7[%gather3A_65, %add3A_120], %select_n3A_105 {add = true} : memref<128x80xf32, #tpu.memory_space<vmem>>[vector<16xi32>, vector<16xi32>], vector<16xf32>,
    %broadcast_in_dim3A_121 = arith.constant 2 : i32
    %broadcast_in_dim3A_122 = vector.broadcast %broadcast_in_dim3A_121 : i32 to vector<16x1xi32>
    %gather3A_123 = vector.shape_cast %broadcast_in_dim3A_122 : vector<16x1xi32> to vector<16xi32>
    %gather3A_124 = tpu.dynamic_gather %get3A_8[%gather3A_123] in [0] : vector<16xi32>, vector<16xi32> -> vector<16xi32>
    %get3A_125 = arith.constant 2 : i32
    %get3A_126 = arith.index_cast %get3A_125 : i32 to index
    %get3A_127 = arith.constant 0 : index
    %get3A_128 = tpu.vector_load %arg5[%get3A_126, %get3A_127] {strides = array<i32>} : memref<64x64xf32, #tpu.memory_space<vmem>>, vector<16xf32>,
    %get3A_129 = arith.constant 2 : i32
    %get3A_130 = arith.index_cast %get3A_129 : i32 to index
    %get3A_131 = arith.constant 16 : index
    %get3A_132 = tpu.vector_load %arg5[%get3A_130, %get3A_131] {strides = array<i32>} : memref<64x64xf32, #tpu.memory_space<vmem>>, vector<16xf32>,
    %get3A_133 = arith.constant 2 : i32
    %get3A_134 = arith.index_cast %get3A_133 : i32 to index
    %get3A_135 = arith.constant 32 : index
    %get3A_136 = tpu.vector_load %arg5[%get3A_134, %get3A_135] {strides = array<i32>} : memref<64x64xf32, #tpu.memory_space<vmem>>, vector<16xf32>,
    %get3A_137 = arith.constant 2 : i32
    %get3A_138 = arith.index_cast %get3A_137 : i32 to index
    %get3A_139 = arith.constant 48 : index
    %get3A_140 = tpu.vector_load %arg5[%get3A_138, %get3A_139] {strides = array<i32>} : memref<64x64xf32, #tpu.memory_space<vmem>>, vector<16xf32>,
    %mul3A_141 = arith.mulf %get3A_128, %get3A_128 : vector<16xf32>
    %mul3A_142 = arith.mulf %get3A_132, %get3A_132 : vector<16xf32>
    %add3A_143 = arith.addf %mul3A_141, %mul3A_142 : vector<16xf32>
    %mul3A_144 = arith.mulf %get3A_136, %get3A_136 : vector<16xf32>
    %add3A_145 = arith.addf %add3A_143, %mul3A_144 : vector<16xf32>
    %mul3A_146 = arith.mulf %get3A_140, %get3A_140 : vector<16xf32>
    %add3A_147 = arith.addf %add3A_145, %mul3A_146 : vector<16xf32>
    %reduce_sum3A_148 = arith.constant true
    %reduce_sum3A_149 = vector.broadcast %reduce_sum3A_148 : i1 to vector<16xi1>
    %reduce_sum3A_150 = tpu.scan <sum>, %add3A_147 masked %reduce_sum3A_149 : vector<16xf32>, vector<16xi1> -> vector<16xf32>
    %reduce_sum3A_151 = vector.extract %reduce_sum3A_150[15] : f32 from vector<16xf32>
    %eq3A_152 = arith.constant 0 : i32
    %eq3A_153 = vector.broadcast %eq3A_152 : i32 to vector<16xi32>
    %eq3A_154 = arith.cmpi eq, %iota3A, %eq3A_153 : vector<16xi32>
    %eq3A_155 = arith.constant 1 : i32
    %eq3A_156 = vector.broadcast %eq3A_155 : i32 to vector<16xi32>
    %eq3A_157 = arith.cmpi eq, %iota3A, %eq3A_156 : vector<16xi32>
    %jit3A_158 = arith.constant 1.000000e+00 : f32
    %jit3A_159 = arith.constant 0.000000e+00 : f32
    %broadcast_in_dim3A_160 = vector.broadcast %jit3A_158 : f32 to vector<16xf32>
    %broadcast_in_dim3A_161 = vector.broadcast %jit3A_159 : f32 to vector<16xf32>
    %select_n3A_162 = arith.select %eq3A_157, %broadcast_in_dim3A_160, %broadcast_in_dim3A_161 : vector<16xi1>, vector<16xf32>
    %broadcast_in_dim3A_163 = vector.broadcast %reduce_sum3A_151 : f32 to vector<16xf32>
    %select_n3A_164 = arith.select %eq3A_154, %broadcast_in_dim3A_163, %select_n3A_162 : vector<16xi1>, vector<16xf32>
    %add3A_165 = arith.constant 0 : i32
    %add3A_166 = vector.broadcast %add3A_165 : i32 to vector<16xi32>
    %add3A_167 = arith.addi %add3A_166, %iota3A : vector<16xi32>
    tpu.vector_store_idx %arg7[%gather3A_124, %add3A_167], %get3A_128 {add = true} : memref<128x80xf32, #tpu.memory_space<vmem>>[vector<16xi32>, vector<16xi32>], vector<16xf32>,
    %add3A_168 = arith.constant 16 : i32
    %add3A_169 = vector.broadcast %add3A_168 : i32 to vector<16xi32>
    %add3A_170 = arith.addi %add3A_169, %iota3A : vector<16xi32>
    tpu.vector_store_idx %arg7[%gather3A_124, %add3A_170], %get3A_132 {add = true} : memref<128x80xf32, #tpu.memory_space<vmem>>[vector<16xi32>, vector<16xi32>], vector<16xf32>,
    %add3A_171 = arith.constant 32 : i32
    %add3A_172 = vector.broadcast %add3A_171 : i32 to vector<16xi32>
    %add3A_173 = arith.addi %add3A_172, %iota3A : vector<16xi32>
    tpu.vector_store_idx %arg7[%gather3A_124, %add3A_173], %get3A_136 {add = true} : memref<128x80xf32, #tpu.memory_space<vmem>>[vector<16xi32>, vector<16xi32>], vector<16xf32>,
    %add3A_174 = arith.constant 48 : i32
    %add3A_175 = vector.broadcast %add3A_174 : i32 to vector<16xi32>
    %add3A_176 = arith.addi %add3A_175, %iota3A : vector<16xi32>
    tpu.vector_store_idx %arg7[%gather3A_124, %add3A_176], %get3A_140 {add = true} : memref<128x80xf32, #tpu.memory_space<vmem>>[vector<16xi32>, vector<16xi32>], vector<16xf32>,
    %add3A_177 = arith.constant 64 : i32
    %add3A_178 = vector.broadcast %add3A_177 : i32 to vector<16xi32>
    %add3A_179 = arith.addi %add3A_178, %iota3A : vector<16xi32>
    tpu.vector_store_idx %arg7[%gather3A_124, %add3A_179], %select_n3A_164 {add = true} : memref<128x80xf32, #tpu.memory_space<vmem>>[vector<16xi32>, vector<16xi32>], vector<16xf32>,
    %broadcast_in_dim3A_180 = arith.constant 3 : i32
    %broadcast_in_dim3A_181 = vector.broadcast %broadcast_in_dim3A_180 : i32 to vector<16x1xi32>
    %gather3A_182 = vector.shape_cast %broadcast_in_dim3A_181 : vector<16x1xi32> to vector<16xi32>
    %gather3A_183 = tpu.dynamic_gather %get3A_8[%gather3A_182] in [0] : vector<16xi32>, vector<16xi32> -> vector<16xi32>
    %get3A_184 = arith.constant 3 : i32
    %get3A_185 = arith.index_cast %get3A_184 : i32 to index
    %get3A_186 = arith.constant 0 : index
    %get3A_187 = tpu.vector_load %arg5[%get3A_185, %get3A_186] {strides = array<i32>} : memref<64x64xf32, #tpu.memory_space<vmem>>, vector<16xf32>,
    %get3A_188 = arith.constant 3 : i32
    %get3A_189 = arith.index_cast %get3A_188 : i32 to index
    %get3A_190 = arith.constant 16 : index
    %get3A_191 = tpu.vector_load %arg5[%get3A_189, %get3A_190] {strides = array<i32>} : memref<64x64xf32, #tpu.memory_space<vmem>>, vector<16xf32>,
    %get3A_192 = arith.constant 3 : i32
    %get3A_193 = arith.index_cast %get3A_192 : i32 to index
    %get3A_194 = arith.constant 32 : index
    %get3A_195 = tpu.vector_load %arg5[%get3A_193, %get3A_194] {strides = array<i32>} : memref<64x64xf32, #tpu.memory_space<vmem>>, vector<16xf32>,
    %get3A_196 = arith.constant 3 : i32
    %get3A_197 = arith.index_cast %get3A_196 : i32 to index
    %get3A_198 = arith.constant 48 : index
    %get3A_199 = tpu.vector_load %arg5[%get3A_197, %get3A_198] {strides = array<i32>} : memref<64x64xf32, #tpu.memory_space<vmem>>, vector<16xf32>,
    %mul3A_200 = arith.mulf %get3A_187, %get3A_187 : vector<16xf32>
    %mul3A_201 = arith.mulf %get3A_191, %get3A_191 : vector<16xf32>
    %add3A_202 = arith.addf %mul3A_200, %mul3A_201 : vector<16xf32>
    %mul3A_203 = arith.mulf %get3A_195, %get3A_195 : vector<16xf32>
    %add3A_204 = arith.addf %add3A_202, %mul3A_203 : vector<16xf32>
    %mul3A_205 = arith.mulf %get3A_199, %get3A_199 : vector<16xf32>
    %add3A_206 = arith.addf %add3A_204, %mul3A_205 : vector<16xf32>
    %reduce_sum3A_207 = arith.constant true
    %reduce_sum3A_208 = vector.broadcast %reduce_sum3A_207 : i1 to vector<16xi1>
    %reduce_sum3A_209 = tpu.scan <sum>, %add3A_206 masked %reduce_sum3A_208 : vector<16xf32>, vector<16xi1> -> vector<16xf32>
    %reduce_sum3A_210 = vector.extract %reduce_sum3A_209[15] : f32 from vector<16xf32>
    %eq3A_211 = arith.constant 0 : i32
    %eq3A_212 = vector.broadcast %eq3A_211 : i32 to vector<16xi32>
    %eq3A_213 = arith.cmpi eq, %iota3A, %eq3A_212 : vector<16xi32>
    %eq3A_214 = arith.constant 1 : i32
    %eq3A_215 = vector.broadcast %eq3A_214 : i32 to vector<16xi32>
    %eq3A_216 = arith.cmpi eq, %iota3A, %eq3A_215 : vector<16xi32>
    %jit3A_217 = arith.constant 1.000000e+00 : f32
    %jit3A_218 = arith.constant 0.000000e+00 : f32
    %broadcast_in_dim3A_219 = vector.broadcast %jit3A_217 : f32 to vector<16xf32>
    %broadcast_in_dim3A_220 = vector.broadcast %jit3A_218 : f32 to vector<16xf32>
    %select_n3A_221 = arith.select %eq3A_216, %broadcast_in_dim3A_219, %broadcast_in_dim3A_220 : vector<16xi1>, vector<16xf32>
    %broadcast_in_dim3A_222 = vector.broadcast %reduce_sum3A_210 : f32 to vector<16xf32>
    %select_n3A_223 = arith.select %eq3A_213, %broadcast_in_dim3A_222, %select_n3A_221 : vector<16xi1>, vector<16xf32>
    %add3A_224 = arith.constant 0 : i32
    %add3A_225 = vector.broadcast %add3A_224 : i32 to vector<16xi32>
    %add3A_226 = arith.addi %add3A_225, %iota3A : vector<16xi32>
    tpu.vector_store_idx %arg7[%gather3A_183, %add3A_226], %get3A_187 {add = true} : memref<128x80xf32, #tpu.memory_space<vmem>>[vector<16xi32>, vector<16xi32>], vector<16xf32>,
    %add3A_227 = arith.constant 16 : i32
    %add3A_228 = vector.broadcast %add3A_227 : i32 to vector<16xi32>
    %add3A_229 = arith.addi %add3A_228, %iota3A : vector<16xi32>
    tpu.vector_store_idx %arg7[%gather3A_183, %add3A_229], %get3A_191 {add = true} : memref<128x80xf32, #tpu.memory_space<vmem>>[vector<16xi32>, vector<16xi32>], vector<16xf32>,
    %add3A_230 = arith.constant 32 : i32
    %add3A_231 = vector.broadcast %add3A_230 : i32 to vector<16xi32>
    %add3A_232 = arith.addi %add3A_231, %iota3A : vector<16xi32>
    tpu.vector_store_idx %arg7[%gather3A_183, %add3A_232], %get3A_195 {add = true} : memref<128x80xf32, #tpu.memory_space<vmem>>[vector<16xi32>, vector<16xi32>], vector<16xf32>,
    %add3A_233 = arith.constant 48 : i32
    %add3A_234 = vector.broadcast %add3A_233 : i32 to vector<16xi32>
    %add3A_235 = arith.addi %add3A_234, %iota3A : vector<16xi32>
    tpu.vector_store_idx %arg7[%gather3A_183, %add3A_235], %get3A_199 {add = true} : memref<128x80xf32, #tpu.memory_space<vmem>>[vector<16xi32>, vector<16xi32>], vector<16xf32>,
    %add3A_236 = arith.constant 64 : i32
    %add3A_237 = vector.broadcast %add3A_236 : i32 to vector<16xi32>
    %add3A_238 = arith.addi %add3A_237, %iota3A : vector<16xi32>
    tpu.vector_store_idx %arg7[%gather3A_183, %add3A_238], %select_n3A_223 {add = true} : memref<128x80xf32, #tpu.memory_space<vmem>>[vector<16xi32>, vector<16xi32>], vector<16xf32>,
    %broadcast_in_dim3A_239 = arith.constant 4 : i32
    %broadcast_in_dim3A_240 = vector.broadcast %broadcast_in_dim3A_239 : i32 to vector<16x1xi32>
    %gather3A_241 = vector.shape_cast %broadcast_in_dim3A_240 : vector<16x1xi32> to vector<16xi32>
    %gather3A_242 = tpu.dynamic_gather %get3A_8[%gather3A_241] in [0] : vector<16xi32>, vector<16xi32> -> vector<16xi32>
    %get3A_243 = arith.constant 4 : i32
    %get3A_244 = arith.index_cast %get3A_243 : i32 to index
    %get3A_245 = arith.constant 0 : index
    %get3A_246 = tpu.vector_load %arg5[%get3A_244, %get3A_245] {strides = array<i32>} : memref<64x64xf32, #tpu.memory_space<vmem>>, vector<16xf32>,
    %get3A_247 = arith.constant 4 : i32
    %get3A_248 = arith.index_cast %get3A_247 : i32 to index
    %get3A_249 = arith.constant 16 : index
    %get3A_250 = tpu.vector_load %arg5[%get3A_248, %get3A_249] {strides = array<i32>} : memref<64x64xf32, #tpu.memory_space<vmem>>, vector<16xf32>,
    %get3A_251 = arith.constant 4 : i32
    %get3A_252 = arith.index_cast %get3A_251 : i32 to index
    %get3A_253 = arith.constant 32 : index
    %get3A_254 = tpu.vector_load %arg5[%get3A_252, %get3A_253] {strides = array<i32>} : memref<64x64xf32, #tpu.memory_space<vmem>>, vector<16xf32>,
    %get3A_255 = arith.constant 4 : i32
    %get3A_256 = arith.index_cast %get3A_255 : i32 to index
    %get3A_257 = arith.constant 48 : index
    %get3A_258 = tpu.vector_load %arg5[%get3A_256, %get3A_257] {strides = array<i32>} : memref<64x64xf32, #tpu.memory_space<vmem>>, vector<16xf32>,
    %mul3A_259 = arith.mulf %get3A_246, %get3A_246 : vector<16xf32>
    %mul3A_260 = arith.mulf %get3A_250, %get3A_250 : vector<16xf32>
    %add3A_261 = arith.addf %mul3A_259, %mul3A_260 : vector<16xf32>
    %mul3A_262 = arith.mulf %get3A_254, %get3A_254 : vector<16xf32>
    %add3A_263 = arith.addf %add3A_261, %mul3A_262 : vector<16xf32>
    %mul3A_264 = arith.mulf %get3A_258, %get3A_258 : vector<16xf32>
    %add3A_265 = arith.addf %add3A_263, %mul3A_264 : vector<16xf32>
    %reduce_sum3A_266 = arith.constant true
    %reduce_sum3A_267 = vector.broadcast %reduce_sum3A_266 : i1 to vector<16xi1>
    %reduce_sum3A_268 = tpu.scan <sum>, %add3A_265 masked %reduce_sum3A_267 : vector<16xf32>, vector<16xi1> -> vector<16xf32>
    %reduce_sum3A_269 = vector.extract %reduce_sum3A_268[15] : f32 from vector<16xf32>
    %eq3A_270 = arith.constant 0 : i32
    %eq3A_271 = vector.broadcast %eq3A_270 : i32 to vector<16xi32>
    %eq3A_272 = arith.cmpi eq, %iota3A, %eq3A_271 : vector<16xi32>
    %eq3A_273 = arith.constant 1 : i32
    %eq3A_274 = vector.broadcast %eq3A_273 : i32 to vector<16xi32>
    %eq3A_275 = arith.cmpi eq, %iota3A, %eq3A_274 : vector<16xi32>
    %jit3A_276 = arith.constant 1.000000e+00 : f32
    %jit3A_277 = arith.constant 0.000000e+00 : f32
    %broadcast_in_dim3A_278 = vector.broadcast %jit3A_276 : f32 to vector<16xf32>
    %broadcast_in_dim3A_279 = vector.broadcast %jit3A_277 : f32 to vector<16xf32>
    %select_n3A_280 = arith.select %eq3A_275, %broadcast_in_dim3A_278, %broadcast_in_dim3A_279 : vector<16xi1>, vector<16xf32>
    %broadcast_in_dim3A_281 = vector.broadcast %reduce_sum3A_269 : f32 to vector<16xf32>
    %select_n3A_282 = arith.select %eq3A_272, %broadcast_in_dim3A_281, %select_n3A_280 : vector<16xi1>, vector<16xf32>
    %add3A_283 = arith.constant 0 : i32
    %add3A_284 = vector.broadcast %add3A_283 : i32 to vector<16xi32>
    %add3A_285 = arith.addi %add3A_284, %iota3A : vector<16xi32>
    tpu.vector_store_idx %arg7[%gather3A_242, %add3A_285], %get3A_246 {add = true} : memref<128x80xf32, #tpu.memory_space<vmem>>[vector<16xi32>, vector<16xi32>], vector<16xf32>,
    %add3A_286 = arith.constant 16 : i32
    %add3A_287 = vector.broadcast %add3A_286 : i32 to vector<16xi32>
    %add3A_288 = arith.addi %add3A_287, %iota3A : vector<16xi32>
    tpu.vector_store_idx %arg7[%gather3A_242, %add3A_288], %get3A_250 {add = true} : memref<128x80xf32, #tpu.memory_space<vmem>>[vector<16xi32>, vector<16xi32>], vector<16xf32>,
    %add3A_289 = arith.constant 32 : i32
    %add3A_290 = vector.broadcast %add3A_289 : i32 to vector<16xi32>
    %add3A_291 = arith.addi %add3A_290, %iota3A : vector<16xi32>
    tpu.vector_store_idx %arg7[%gather3A_242, %add3A_291], %get3A_254 {add = true} : memref<128x80xf32, #tpu.memory_space<vmem>>[vector<16xi32>, vector<16xi32>], vector<16xf32>,
    %add3A_292 = arith.constant 48 : i32
    %add3A_293 = vector.broadcast %add3A_292 : i32 to vector<16xi32>
    %add3A_294 = arith.addi %add3A_293, %iota3A : vector<16xi32>
    tpu.vector_store_idx %arg7[%gather3A_242, %add3A_294], %get3A_258 {add = true} : memref<128x80xf32, #tpu.memory_space<vmem>>[vector<16xi32>, vector<16xi32>], vector<16xf32>,
    %add3A_295 = arith.constant 64 : i32
    %add3A_296 = vector.broadcast %add3A_295 : i32 to vector<16xi32>
    %add3A_297 = arith.addi %add3A_296, %iota3A : vector<16xi32>
    tpu.vector_store_idx %arg7[%gather3A_242, %add3A_297], %select_n3A_282 {add = true} : memref<128x80xf32, #tpu.memory_space<vmem>>[vector<16xi32>, vector<16xi32>], vector<16xf32>,
    %broadcast_in_dim3A_298 = arith.constant 5 : i32
    %broadcast_in_dim3A_299 = vector.broadcast %broadcast_in_dim3A_298 : i32 to vector<16x1xi32>
    %gather3A_300 = vector.shape_cast %broadcast_in_dim3A_299 : vector<16x1xi32> to vector<16xi32>
    %gather3A_301 = tpu.dynamic_gather %get3A_8[%gather3A_300] in [0] : vector<16xi32>, vector<16xi32> -> vector<16xi32>
    %get3A_302 = arith.constant 5 : i32
    %get3A_303 = arith.index_cast %get3A_302 : i32 to index
    %get3A_304 = arith.constant 0 : index
    %get3A_305 = tpu.vector_load %arg5[%get3A_303, %get3A_304] {strides = array<i32>} : memref<64x64xf32, #tpu.memory_space<vmem>>, vector<16xf32>,
    %get3A_306 = arith.constant 5 : i32
    %get3A_307 = arith.index_cast %get3A_306 : i32 to index
    %get3A_308 = arith.constant 16 : index
    %get3A_309 = tpu.vector_load %arg5[%get3A_307, %get3A_308] {strides = array<i32>} : memref<64x64xf32, #tpu.memory_space<vmem>>, vector<16xf32>,
    %get3A_310 = arith.constant 5 : i32
    %get3A_311 = arith.index_cast %get3A_310 : i32 to index
    %get3A_312 = arith.constant 32 : index
    %get3A_313 = tpu.vector_load %arg5[%get3A_311, %get3A_312] {strides = array<i32>} : memref<64x64xf32, #tpu.memory_space<vmem>>, vector<16xf32>,
    %get3A_314 = arith.constant 5 : i32
    %get3A_315 = arith.index_cast %get3A_314 : i32 to index
    %get3A_316 = arith.constant 48 : index
    %get3A_317 = tpu.vector_load %arg5[%get3A_315, %get3A_316] {strides = array<i32>} : memref<64x64xf32, #tpu.memory_space<vmem>>, vector<16xf32>,
    %mul3A_318 = arith.mulf %get3A_305, %get3A_305 : vector<16xf32>
    %mul3A_319 = arith.mulf %get3A_309, %get3A_309 : vector<16xf32>
    %add3A_320 = arith.addf %mul3A_318, %mul3A_319 : vector<16xf32>
    %mul3A_321 = arith.mulf %get3A_313, %get3A_313 : vector<16xf32>
    %add3A_322 = arith.addf %add3A_320, %mul3A_321 : vector<16xf32>
    %mul3A_323 = arith.mulf %get3A_317, %get3A_317 : vector<16xf32>
    %add3A_324 = arith.addf %add3A_322, %mul3A_323 : vector<16xf32>
    %reduce_sum3A_325 = arith.constant true
    %reduce_sum3A_326 = vector.broadcast %reduce_sum3A_325 : i1 to vector<16xi1>
    %reduce_sum3A_327 = tpu.scan <sum>, %add3A_324 masked %reduce_sum3A_326 : vector<16xf32>, vector<16xi1> -> vector<16xf32>
    %reduce_sum3A_328 = vector.extract %reduce_sum3A_327[15] : f32 from vector<16xf32>
    %eq3A_329 = arith.constant 0 : i32
    %eq3A_330 = vector.broadcast %eq3A_329 : i32 to vector<16xi32>
    %eq3A_331 = arith.cmpi eq, %iota3A, %eq3A_330 : vector<16xi32>
    %eq3A_332 = arith.constant 1 : i32
    %eq3A_333 = vector.broadcast %eq3A_332 : i32 to vector<16xi32>
    %eq3A_334 = arith.cmpi eq, %iota3A, %eq3A_333 : vector<16xi32>
    %jit3A_335 = arith.constant 1.000000e+00 : f32
    %jit3A_336 = arith.constant 0.000000e+00 : f32
    %broadcast_in_dim3A_337 = vector.broadcast %jit3A_335 : f32 to vector<16xf32>
    %broadcast_in_dim3A_338 = vector.broadcast %jit3A_336 : f32 to vector<16xf32>
    %select_n3A_339 = arith.select %eq3A_334, %broadcast_in_dim3A_337, %broadcast_in_dim3A_338 : vector<16xi1>, vector<16xf32>
    %broadcast_in_dim3A_340 = vector.broadcast %reduce_sum3A_328 : f32 to vector<16xf32>
    %select_n3A_341 = arith.select %eq3A_331, %broadcast_in_dim3A_340, %select_n3A_339 : vector<16xi1>, vector<16xf32>
    %add3A_342 = arith.constant 0 : i32
    %add3A_343 = vector.broadcast %add3A_342 : i32 to vector<16xi32>
    %add3A_344 = arith.addi %add3A_343, %iota3A : vector<16xi32>
    tpu.vector_store_idx %arg7[%gather3A_301, %add3A_344], %get3A_305 {add = true} : memref<128x80xf32, #tpu.memory_space<vmem>>[vector<16xi32>, vector<16xi32>], vector<16xf32>,
    %add3A_345 = arith.constant 16 : i32
    %add3A_346 = vector.broadcast %add3A_345 : i32 to vector<16xi32>
    %add3A_347 = arith.addi %add3A_346, %iota3A : vector<16xi32>
    tpu.vector_store_idx %arg7[%gather3A_301, %add3A_347], %get3A_309 {add = true} : memref<128x80xf32, #tpu.memory_space<vmem>>[vector<16xi32>, vector<16xi32>], vector<16xf32>,
    %add3A_348 = arith.constant 32 : i32
    %add3A_349 = vector.broadcast %add3A_348 : i32 to vector<16xi32>
    %add3A_350 = arith.addi %add3A_349, %iota3A : vector<16xi32>
    tpu.vector_store_idx %arg7[%gather3A_301, %add3A_350], %get3A_313 {add = true} : memref<128x80xf32, #tpu.memory_space<vmem>>[vector<16xi32>, vector<16xi32>], vector<16xf32>,
    %add3A_351 = arith.constant 48 : i32
    %add3A_352 = vector.broadcast %add3A_351 : i32 to vector<16xi32>
    %add3A_353 = arith.addi %add3A_352, %iota3A : vector<16xi32>
    tpu.vector_store_idx %arg7[%gather3A_301, %add3A_353], %get3A_317 {add = true} : memref<128x80xf32, #tpu.memory_space<vmem>>[vector<16xi32>, vector<16xi32>], vector<16xf32>,
    %add3A_354 = arith.constant 64 : i32
    %add3A_355 = vector.broadcast %add3A_354 : i32 to vector<16xi32>
    %add3A_356 = arith.addi %add3A_355, %iota3A : vector<16xi32>
    tpu.vector_store_idx %arg7[%gather3A_301, %add3A_356], %select_n3A_341 {add = true} : memref<128x80xf32, #tpu.memory_space<vmem>>[vector<16xi32>, vector<16xi32>], vector<16xf32>,
    %broadcast_in_dim3A_357 = arith.constant 6 : i32
    %broadcast_in_dim3A_358 = vector.broadcast %broadcast_in_dim3A_357 : i32 to vector<16x1xi32>
    %gather3A_359 = vector.shape_cast %broadcast_in_dim3A_358 : vector<16x1xi32> to vector<16xi32>
    %gather3A_360 = tpu.dynamic_gather %get3A_8[%gather3A_359] in [0] : vector<16xi32>, vector<16xi32> -> vector<16xi32>
    %get3A_361 = arith.constant 6 : i32
    %get3A_362 = arith.index_cast %get3A_361 : i32 to index
    %get3A_363 = arith.constant 0 : index
    %get3A_364 = tpu.vector_load %arg5[%get3A_362, %get3A_363] {strides = array<i32>} : memref<64x64xf32, #tpu.memory_space<vmem>>, vector<16xf32>,
    %get3A_365 = arith.constant 6 : i32
    %get3A_366 = arith.index_cast %get3A_365 : i32 to index
    %get3A_367 = arith.constant 16 : index
    %get3A_368 = tpu.vector_load %arg5[%get3A_366, %get3A_367] {strides = array<i32>} : memref<64x64xf32, #tpu.memory_space<vmem>>, vector<16xf32>,
    %get3A_369 = arith.constant 6 : i32
    %get3A_370 = arith.index_cast %get3A_369 : i32 to index
    %get3A_371 = arith.constant 32 : index
    %get3A_372 = tpu.vector_load %arg5[%get3A_370, %get3A_371] {strides = array<i32>} : memref<64x64xf32, #tpu.memory_space<vmem>>, vector<16xf32>,
    %get3A_373 = arith.constant 6 : i32
    %get3A_374 = arith.index_cast %get3A_373 : i32 to index
    %get3A_375 = arith.constant 48 : index
    %get3A_376 = tpu.vector_load %arg5[%get3A_374, %get3A_375] {strides = array<i32>} : memref<64x64xf32, #tpu.memory_space<vmem>>, vector<16xf32>,
    %mul3A_377 = arith.mulf %get3A_364, %get3A_364 : vector<16xf32>
    %mul3A_378 = arith.mulf %get3A_368, %get3A_368 : vector<16xf32>
    %add3A_379 = arith.addf %mul3A_377, %mul3A_378 : vector<16xf32>
    %mul3A_380 = arith.mulf %get3A_372, %get3A_372 : vector<16xf32>
    %add3A_381 = arith.addf %add3A_379, %mul3A_380 : vector<16xf32>
    %mul3A_382 = arith.mulf %get3A_376, %get3A_376 : vector<16xf32>
    %add3A_383 = arith.addf %add3A_381, %mul3A_382 : vector<16xf32>
    %reduce_sum3A_384 = arith.constant true
    %reduce_sum3A_385 = vector.broadcast %reduce_sum3A_384 : i1 to vector<16xi1>
    %reduce_sum3A_386 = tpu.scan <sum>, %add3A_383 masked %reduce_sum3A_385 : vector<16xf32>, vector<16xi1> -> vector<16xf32>
    %reduce_sum3A_387 = vector.extract %reduce_sum3A_386[15] : f32 from vector<16xf32>
    %eq3A_388 = arith.constant 0 : i32
    %eq3A_389 = vector.broadcast %eq3A_388 : i32 to vector<16xi32>
    %eq3A_390 = arith.cmpi eq, %iota3A, %eq3A_389 : vector<16xi32>
    %eq3A_391 = arith.constant 1 : i32
    %eq3A_392 = vector.broadcast %eq3A_391 : i32 to vector<16xi32>
    %eq3A_393 = arith.cmpi eq, %iota3A, %eq3A_392 : vector<16xi32>
    %jit3A_394 = arith.constant 1.000000e+00 : f32
    %jit3A_395 = arith.constant 0.000000e+00 : f32
    %broadcast_in_dim3A_396 = vector.broadcast %jit3A_394 : f32 to vector<16xf32>
    %broadcast_in_dim3A_397 = vector.broadcast %jit3A_395 : f32 to vector<16xf32>
    %select_n3A_398 = arith.select %eq3A_393, %broadcast_in_dim3A_396, %broadcast_in_dim3A_397 : vector<16xi1>, vector<16xf32>
    %broadcast_in_dim3A_399 = vector.broadcast %reduce_sum3A_387 : f32 to vector<16xf32>
    %select_n3A_400 = arith.select %eq3A_390, %broadcast_in_dim3A_399, %select_n3A_398 : vector<16xi1>, vector<16xf32>
    %add3A_401 = arith.constant 0 : i32
    %add3A_402 = vector.broadcast %add3A_401 : i32 to vector<16xi32>
    %add3A_403 = arith.addi %add3A_402, %iota3A : vector<16xi32>
    tpu.vector_store_idx %arg7[%gather3A_360, %add3A_403], %get3A_364 {add = true} : memref<128x80xf32, #tpu.memory_space<vmem>>[vector<16xi32>, vector<16xi32>], vector<16xf32>,
    %add3A_404 = arith.constant 16 : i32
    %add3A_405 = vector.broadcast %add3A_404 : i32 to vector<16xi32>
    %add3A_406 = arith.addi %add3A_405, %iota3A : vector<16xi32>
    tpu.vector_store_idx %arg7[%gather3A_360, %add3A_406], %get3A_368 {add = true} : memref<128x80xf32, #tpu.memory_space<vmem>>[vector<16xi32>, vector<16xi32>], vector<16xf32>,
    %add3A_407 = arith.constant 32 : i32
    %add3A_408 = vector.broadcast %add3A_407 : i32 to vector<16xi32>
    %add3A_409 = arith.addi %add3A_408, %iota3A : vector<16xi32>
    tpu.vector_store_idx %arg7[%gather3A_360, %add3A_409], %get3A_372 {add = true} : memref<128x80xf32, #tpu.memory_space<vmem>>[vector<16xi32>, vector<16xi32>], vector<16xf32>,
    %add3A_410 = arith.constant 48 : i32
    %add3A_411 = vector.broadcast %add3A_410 : i32 to vector<16xi32>
    %add3A_412 = arith.addi %add3A_411, %iota3A : vector<16xi32>
    tpu.vector_store_idx %arg7[%gather3A_360, %add3A_412], %get3A_376 {add = true} : memref<128x80xf32, #tpu.memory_space<vmem>>[vector<16xi32>, vector<16xi32>], vector<16xf32>,
    %add3A_413 = arith.constant 64 : i32
    %add3A_414 = vector.broadcast %add3A_413 : i32 to vector<16xi32>
    %add3A_415 = arith.addi %add3A_414, %iota3A : vector<16xi32>
    tpu.vector_store_idx %arg7[%gather3A_360, %add3A_415], %select_n3A_400 {add = true} : memref<128x80xf32, #tpu.memory_space<vmem>>[vector<16xi32>, vector<16xi32>], vector<16xf32>,
    %broadcast_in_dim3A_416 = arith.constant 7 : i32
    %broadcast_in_dim3A_417 = vector.broadcast %broadcast_in_dim3A_416 : i32 to vector<16x1xi32>
    %gather3A_418 = vector.shape_cast %broadcast_in_dim3A_417 : vector<16x1xi32> to vector<16xi32>
    %gather3A_419 = tpu.dynamic_gather %get3A_8[%gather3A_418] in [0] : vector<16xi32>, vector<16xi32> -> vector<16xi32>
    %get3A_420 = arith.constant 7 : i32
    %get3A_421 = arith.index_cast %get3A_420 : i32 to index
    %get3A_422 = arith.constant 0 : index
    %get3A_423 = tpu.vector_load %arg5[%get3A_421, %get3A_422] {strides = array<i32>} : memref<64x64xf32, #tpu.memory_space<vmem>>, vector<16xf32>,
    %get3A_424 = arith.constant 7 : i32
    %get3A_425 = arith.index_cast %get3A_424 : i32 to index
    %get3A_426 = arith.constant 16 : index
    %get3A_427 = tpu.vector_load %arg5[%get3A_425, %get3A_426] {strides = array<i32>} : memref<64x64xf32, #tpu.memory_space<vmem>>, vector<16xf32>,
    %get3A_428 = arith.constant 7 : i32
    %get3A_429 = arith.index_cast %get3A_428 : i32 to index
    %get3A_430 = arith.constant 32 : index
    %get3A_431 = tpu.vector_load %arg5[%get3A_429, %get3A_430] {strides = array<i32>} : memref<64x64xf32, #tpu.memory_space<vmem>>, vector<16xf32>,
    %get3A_432 = arith.constant 7 : i32
    %get3A_433 = arith.index_cast %get3A_432 : i32 to index
    %get3A_434 = arith.constant 48 : index
    %get3A_435 = tpu.vector_load %arg5[%get3A_433, %get3A_434] {strides = array<i32>} : memref<64x64xf32, #tpu.memory_space<vmem>>, vector<16xf32>,
    %mul3A_436 = arith.mulf %get3A_423, %get3A_423 : vector<16xf32>
    %mul3A_437 = arith.mulf %get3A_427, %get3A_427 : vector<16xf32>
    %add3A_438 = arith.addf %mul3A_436, %mul3A_437 : vector<16xf32>
    %mul3A_439 = arith.mulf %get3A_431, %get3A_431 : vector<16xf32>
    %add3A_440 = arith.addf %add3A_438, %mul3A_439 : vector<16xf32>
    %mul3A_441 = arith.mulf %get3A_435, %get3A_435 : vector<16xf32>
    %add3A_442 = arith.addf %add3A_440, %mul3A_441 : vector<16xf32>
    %reduce_sum3A_443 = arith.constant true
    %reduce_sum3A_444 = vector.broadcast %reduce_sum3A_443 : i1 to vector<16xi1>
    %reduce_sum3A_445 = tpu.scan <sum>, %add3A_442 masked %reduce_sum3A_444 : vector<16xf32>, vector<16xi1> -> vector<16xf32>
    %reduce_sum3A_446 = vector.extract %reduce_sum3A_445[15] : f32 from vector<16xf32>
    %eq3A_447 = arith.constant 0 : i32
    %eq3A_448 = vector.broadcast %eq3A_447 : i32 to vector<16xi32>
    %eq3A_449 = arith.cmpi eq, %iota3A, %eq3A_448 : vector<16xi32>
    %eq3A_450 = arith.constant 1 : i32
    %eq3A_451 = vector.broadcast %eq3A_450 : i32 to vector<16xi32>
    %eq3A_452 = arith.cmpi eq, %iota3A, %eq3A_451 : vector<16xi32>
    %jit3A_453 = arith.constant 1.000000e+00 : f32
    %jit3A_454 = arith.constant 0.000000e+00 : f32
    %broadcast_in_dim3A_455 = vector.broadcast %jit3A_453 : f32 to vector<16xf32>
    %broadcast_in_dim3A_456 = vector.broadcast %jit3A_454 : f32 to vector<16xf32>
    %select_n3A_457 = arith.select %eq3A_452, %broadcast_in_dim3A_455, %broadcast_in_dim3A_456 : vector<16xi1>, vector<16xf32>
    %broadcast_in_dim3A_458 = vector.broadcast %reduce_sum3A_446 : f32 to vector<16xf32>
    %select_n3A_459 = arith.select %eq3A_449, %broadcast_in_dim3A_458, %select_n3A_457 : vector<16xi1>, vector<16xf32>
    %add3A_460 = arith.constant 0 : i32
    %add3A_461 = vector.broadcast %add3A_460 : i32 to vector<16xi32>
    %add3A_462 = arith.addi %add3A_461, %iota3A : vector<16xi32>
    tpu.vector_store_idx %arg7[%gather3A_419, %add3A_462], %get3A_423 {add = true} : memref<128x80xf32, #tpu.memory_space<vmem>>[vector<16xi32>, vector<16xi32>], vector<16xf32>,
    %add3A_463 = arith.constant 16 : i32
    %add3A_464 = vector.broadcast %add3A_463 : i32 to vector<16xi32>
    %add3A_465 = arith.addi %add3A_464, %iota3A : vector<16xi32>
    tpu.vector_store_idx %arg7[%gather3A_419, %add3A_465], %get3A_427 {add = true} : memref<128x80xf32, #tpu.memory_space<vmem>>[vector<16xi32>, vector<16xi32>], vector<16xf32>,
    %add3A_466 = arith.constant 32 : i32
    %add3A_467 = vector.broadcast %add3A_466 : i32 to vector<16xi32>
    %add3A_468 = arith.addi %add3A_467, %iota3A : vector<16xi32>
    tpu.vector_store_idx %arg7[%gather3A_419, %add3A_468], %get3A_431 {add = true} : memref<128x80xf32, #tpu.memory_space<vmem>>[vector<16xi32>, vector<16xi32>], vector<16xf32>,
    %add3A_469 = arith.constant 48 : i32
    %add3A_470 = vector.broadcast %add3A_469 : i32 to vector<16xi32>
    %add3A_471 = arith.addi %add3A_470, %iota3A : vector<16xi32>
    tpu.vector_store_idx %arg7[%gather3A_419, %add3A_471], %get3A_435 {add = true} : memref<128x80xf32, #tpu.memory_space<vmem>>[vector<16xi32>, vector<16xi32>], vector<16xf32>,
    %add3A_472 = arith.constant 64 : i32
    %add3A_473 = vector.broadcast %add3A_472 : i32 to vector<16xi32>
    %add3A_474 = arith.addi %add3A_473, %iota3A : vector<16xi32>
    tpu.vector_store_idx %arg7[%gather3A_419, %add3A_474], %select_n3A_459 {add = true} : memref<128x80xf32, #tpu.memory_space<vmem>>[vector<16xi32>, vector<16xi32>], vector<16xf32>,
    %broadcast_in_dim3A_475 = arith.constant 8 : i32
    %broadcast_in_dim3A_476 = vector.broadcast %broadcast_in_dim3A_475 : i32 to vector<16x1xi32>
    %gather3A_477 = vector.shape_cast %broadcast_in_dim3A_476 : vector<16x1xi32> to vector<16xi32>
    %gather3A_478 = tpu.dynamic_gather %get3A_8[%gather3A_477] in [0] : vector<16xi32>, vector<16xi32> -> vector<16xi32>
    %get3A_479 = arith.constant 8 : i32
    %get3A_480 = arith.index_cast %get3A_479 : i32 to index
    %get3A_481 = arith.constant 0 : index
    %get3A_482 = tpu.vector_load %arg5[%get3A_480, %get3A_481] {strides = array<i32>} : memref<64x64xf32, #tpu.memory_space<vmem>>, vector<16xf32>,
    %get3A_483 = arith.constant 8 : i32
    %get3A_484 = arith.index_cast %get3A_483 : i32 to index
    %get3A_485 = arith.constant 16 : index
    %get3A_486 = tpu.vector_load %arg5[%get3A_484, %get3A_485] {strides = array<i32>} : memref<64x64xf32, #tpu.memory_space<vmem>>, vector<16xf32>,
    %get3A_487 = arith.constant 8 : i32
    %get3A_488 = arith.index_cast %get3A_487 : i32 to index
    %get3A_489 = arith.constant 32 : index
    %get3A_490 = tpu.vector_load %arg5[%get3A_488, %get3A_489] {strides = array<i32>} : memref<64x64xf32, #tpu.memory_space<vmem>>, vector<16xf32>,
    %get3A_491 = arith.constant 8 : i32
    %get3A_492 = arith.index_cast %get3A_491 : i32 to index
    %get3A_493 = arith.constant 48 : index
    %get3A_494 = tpu.vector_load %arg5[%get3A_492, %get3A_493] {strides = array<i32>} : memref<64x64xf32, #tpu.memory_space<vmem>>, vector<16xf32>,
    %mul3A_495 = arith.mulf %get3A_482, %get3A_482 : vector<16xf32>
    %mul3A_496 = arith.mulf %get3A_486, %get3A_486 : vector<16xf32>
    %add3A_497 = arith.addf %mul3A_495, %mul3A_496 : vector<16xf32>
    %mul3A_498 = arith.mulf %get3A_490, %get3A_490 : vector<16xf32>
    %add3A_499 = arith.addf %add3A_497, %mul3A_498 : vector<16xf32>
    %mul3A_500 = arith.mulf %get3A_494, %get3A_494 : vector<16xf32>
    %add3A_501 = arith.addf %add3A_499, %mul3A_500 : vector<16xf32>
    %reduce_sum3A_502 = arith.constant true
    %reduce_sum3A_503 = vector.broadcast %reduce_sum3A_502 : i1 to vector<16xi1>
    %reduce_sum3A_504 = tpu.scan <sum>, %add3A_501 masked %reduce_sum3A_503 : vector<16xf32>, vector<16xi1> -> vector<16xf32>
    %reduce_sum3A_505 = vector.extract %reduce_sum3A_504[15] : f32 from vector<16xf32>
    %eq3A_506 = arith.constant 0 : i32
    %eq3A_507 = vector.broadcast %eq3A_506 : i32 to vector<16xi32>
    %eq3A_508 = arith.cmpi eq, %iota3A, %eq3A_507 : vector<16xi32>
    %eq3A_509 = arith.constant 1 : i32
    %eq3A_510 = vector.broadcast %eq3A_509 : i32 to vector<16xi32>
    %eq3A_511 = arith.cmpi eq, %iota3A, %eq3A_510 : vector<16xi32>
    %jit3A_512 = arith.constant 1.000000e+00 : f32
    %jit3A_513 = arith.constant 0.000000e+00 : f32
    %broadcast_in_dim3A_514 = vector.broadcast %jit3A_512 : f32 to vector<16xf32>
    %broadcast_in_dim3A_515 = vector.broadcast %jit3A_513 : f32 to vector<16xf32>
    %select_n3A_516 = arith.select %eq3A_511, %broadcast_in_dim3A_514, %broadcast_in_dim3A_515 : vector<16xi1>, vector<16xf32>
    %broadcast_in_dim3A_517 = vector.broadcast %reduce_sum3A_505 : f32 to vector<16xf32>
    %select_n3A_518 = arith.select %eq3A_508, %broadcast_in_dim3A_517, %select_n3A_516 : vector<16xi1>, vector<16xf32>
    %add3A_519 = arith.constant 0 : i32
    %add3A_520 = vector.broadcast %add3A_519 : i32 to vector<16xi32>
    %add3A_521 = arith.addi %add3A_520, %iota3A : vector<16xi32>
    tpu.vector_store_idx %arg7[%gather3A_478, %add3A_521], %get3A_482 {add = true} : memref<128x80xf32, #tpu.memory_space<vmem>>[vector<16xi32>, vector<16xi32>], vector<16xf32>,
    %add3A_522 = arith.constant 16 : i32
    %add3A_523 = vector.broadcast %add3A_522 : i32 to vector<16xi32>
    %add3A_524 = arith.addi %add3A_523, %iota3A : vector<16xi32>
    tpu.vector_store_idx %arg7[%gather3A_478, %add3A_524], %get3A_486 {add = true} : memref<128x80xf32, #tpu.memory_space<vmem>>[vector<16xi32>, vector<16xi32>], vector<16xf32>,
    %add3A_525 = arith.constant 32 : i32
    %add3A_526 = vector.broadcast %add3A_525 : i32 to vector<16xi32>
    %add3A_527 = arith.addi %add3A_526, %iota3A : vector<16xi32>
    tpu.vector_store_idx %arg7[%gather3A_478, %add3A_527], %get3A_490 {add = true} : memref<128x80xf32, #tpu.memory_space<vmem>>[vector<16xi32>, vector<16xi32>], vector<16xf32>,
    %add3A_528 = arith.constant 48 : i32
    %add3A_529 = vector.broadcast %add3A_528 : i32 to vector<16xi32>
    %add3A_530 = arith.addi %add3A_529, %iota3A : vector<16xi32>
    tpu.vector_store_idx %arg7[%gather3A_478, %add3A_530], %get3A_494 {add = true} : memref<128x80xf32, #tpu.memory_space<vmem>>[vector<16xi32>, vector<16xi32>], vector<16xf32>,
    %add3A_531 = arith.constant 64 : i32
    %add3A_532 = vector.broadcast %add3A_531 : i32 to vector<16xi32>
    %add3A_533 = arith.addi %add3A_532, %iota3A : vector<16xi32>
    tpu.vector_store_idx %arg7[%gather3A_478, %add3A_533], %select_n3A_518 {add = true} : memref<128x80xf32, #tpu.memory_space<vmem>>[vector<16xi32>, vector<16xi32>], vector<16xf32>,
    %broadcast_in_dim3A_534 = arith.constant 9 : i32
    %broadcast_in_dim3A_535 = vector.broadcast %broadcast_in_dim3A_534 : i32 to vector<16x1xi32>
    %gather3A_536 = vector.shape_cast %broadcast_in_dim3A_535 : vector<16x1xi32> to vector<16xi32>
    %gather3A_537 = tpu.dynamic_gather %get3A_8[%gather3A_536] in [0] : vector<16xi32>, vector<16xi32> -> vector<16xi32>
    %get3A_538 = arith.constant 9 : i32
    %get3A_539 = arith.index_cast %get3A_538 : i32 to index
    %get3A_540 = arith.constant 0 : index
    %get3A_541 = tpu.vector_load %arg5[%get3A_539, %get3A_540] {strides = array<i32>} : memref<64x64xf32, #tpu.memory_space<vmem>>, vector<16xf32>,
    %get3A_542 = arith.constant 9 : i32
    %get3A_543 = arith.index_cast %get3A_542 : i32 to index
    %get3A_544 = arith.constant 16 : index
    %get3A_545 = tpu.vector_load %arg5[%get3A_543, %get3A_544] {strides = array<i32>} : memref<64x64xf32, #tpu.memory_space<vmem>>, vector<16xf32>,
    %get3A_546 = arith.constant 9 : i32
    %get3A_547 = arith.index_cast %get3A_546 : i32 to index
    %get3A_548 = arith.constant 32 : index
    %get3A_549 = tpu.vector_load %arg5[%get3A_547, %get3A_548] {strides = array<i32>} : memref<64x64xf32, #tpu.memory_space<vmem>>, vector<16xf32>,
    %get3A_550 = arith.constant 9 : i32
    %get3A_551 = arith.index_cast %get3A_550 : i32 to index
    %get3A_552 = arith.constant 48 : index
    %get3A_553 = tpu.vector_load %arg5[%get3A_551, %get3A_552] {strides = array<i32>} : memref<64x64xf32, #tpu.memory_space<vmem>>, vector<16xf32>,
    %mul3A_554 = arith.mulf %get3A_541, %get3A_541 : vector<16xf32>
    %mul3A_555 = arith.mulf %get3A_545, %get3A_545 : vector<16xf32>
    %add3A_556 = arith.addf %mul3A_554, %mul3A_555 : vector<16xf32>
    %mul3A_557 = arith.mulf %get3A_549, %get3A_549 : vector<16xf32>
    %add3A_558 = arith.addf %add3A_556, %mul3A_557 : vector<16xf32>
    %mul3A_559 = arith.mulf %get3A_553, %get3A_553 : vector<16xf32>
    %add3A_560 = arith.addf %add3A_558, %mul3A_559 : vector<16xf32>
    %reduce_sum3A_561 = arith.constant true
    %reduce_sum3A_562 = vector.broadcast %reduce_sum3A_561 : i1 to vector<16xi1>
    %reduce_sum3A_563 = tpu.scan <sum>, %add3A_560 masked %reduce_sum3A_562 : vector<16xf32>, vector<16xi1> -> vector<16xf32>
    %reduce_sum3A_564 = vector.extract %reduce_sum3A_563[15] : f32 from vector<16xf32>
    %eq3A_565 = arith.constant 0 : i32
    %eq3A_566 = vector.broadcast %eq3A_565 : i32 to vector<16xi32>
    %eq3A_567 = arith.cmpi eq, %iota3A, %eq3A_566 : vector<16xi32>
    %eq3A_568 = arith.constant 1 : i32
    %eq3A_569 = vector.broadcast %eq3A_568 : i32 to vector<16xi32>
    %eq3A_570 = arith.cmpi eq, %iota3A, %eq3A_569 : vector<16xi32>
    %jit3A_571 = arith.constant 1.000000e+00 : f32
    %jit3A_572 = arith.constant 0.000000e+00 : f32
    %broadcast_in_dim3A_573 = vector.broadcast %jit3A_571 : f32 to vector<16xf32>
    %broadcast_in_dim3A_574 = vector.broadcast %jit3A_572 : f32 to vector<16xf32>
    %select_n3A_575 = arith.select %eq3A_570, %broadcast_in_dim3A_573, %broadcast_in_dim3A_574 : vector<16xi1>, vector<16xf32>
    %broadcast_in_dim3A_576 = vector.broadcast %reduce_sum3A_564 : f32 to vector<16xf32>
    %select_n3A_577 = arith.select %eq3A_567, %broadcast_in_dim3A_576, %select_n3A_575 : vector<16xi1>, vector<16xf32>
    %add3A_578 = arith.constant 0 : i32
    %add3A_579 = vector.broadcast %add3A_578 : i32 to vector<16xi32>
    %add3A_580 = arith.addi %add3A_579, %iota3A : vector<16xi32>
    tpu.vector_store_idx %arg7[%gather3A_537, %add3A_580], %get3A_541 {add = true} : memref<128x80xf32, #tpu.memory_space<vmem>>[vector<16xi32>, vector<16xi32>], vector<16xf32>,
    %add3A_581 = arith.constant 16 : i32
    %add3A_582 = vector.broadcast %add3A_581 : i32 to vector<16xi32>
    %add3A_583 = arith.addi %add3A_582, %iota3A : vector<16xi32>
    tpu.vector_store_idx %arg7[%gather3A_537, %add3A_583], %get3A_545 {add = true} : memref<128x80xf32, #tpu.memory_space<vmem>>[vector<16xi32>, vector<16xi32>], vector<16xf32>,
    %add3A_584 = arith.constant 32 : i32
    %add3A_585 = vector.broadcast %add3A_584 : i32 to vector<16xi32>
    %add3A_586 = arith.addi %add3A_585, %iota3A : vector<16xi32>
    tpu.vector_store_idx %arg7[%gather3A_537, %add3A_586], %get3A_549 {add = true} : memref<128x80xf32, #tpu.memory_space<vmem>>[vector<16xi32>, vector<16xi32>], vector<16xf32>,
    %add3A_587 = arith.constant 48 : i32
    %add3A_588 = vector.broadcast %add3A_587 : i32 to vector<16xi32>
    %add3A_589 = arith.addi %add3A_588, %iota3A : vector<16xi32>
    tpu.vector_store_idx %arg7[%gather3A_537, %add3A_589], %get3A_553 {add = true} : memref<128x80xf32, #tpu.memory_space<vmem>>[vector<16xi32>, vector<16xi32>], vector<16xf32>,
    %add3A_590 = arith.constant 64 : i32
    %add3A_591 = vector.broadcast %add3A_590 : i32 to vector<16xi32>
    %add3A_592 = arith.addi %add3A_591, %iota3A : vector<16xi32>
    tpu.vector_store_idx %arg7[%gather3A_537, %add3A_592], %select_n3A_577 {add = true} : memref<128x80xf32, #tpu.memory_space<vmem>>[vector<16xi32>, vector<16xi32>], vector<16xf32>,
    %broadcast_in_dim3A_593 = arith.constant 10 : i32
    %broadcast_in_dim3A_594 = vector.broadcast %broadcast_in_dim3A_593 : i32 to vector<16x1xi32>
    %gather3A_595 = vector.shape_cast %broadcast_in_dim3A_594 : vector<16x1xi32> to vector<16xi32>
    %gather3A_596 = tpu.dynamic_gather %get3A_8[%gather3A_595] in [0] : vector<16xi32>, vector<16xi32> -> vector<16xi32>
    %get3A_597 = arith.constant 10 : i32
    %get3A_598 = arith.index_cast %get3A_597 : i32 to index
    %get3A_599 = arith.constant 0 : index
    %get3A_600 = tpu.vector_load %arg5[%get3A_598, %get3A_599] {strides = array<i32>} : memref<64x64xf32, #tpu.memory_space<vmem>>, vector<16xf32>,
    %get3A_601 = arith.constant 10 : i32
    %get3A_602 = arith.index_cast %get3A_601 : i32 to index
    %get3A_603 = arith.constant 16 : index
    %get3A_604 = tpu.vector_load %arg5[%get3A_602, %get3A_603] {strides = array<i32>} : memref<64x64xf32, #tpu.memory_space<vmem>>, vector<16xf32>,
    %get3A_605 = arith.constant 10 : i32
    %get3A_606 = arith.index_cast %get3A_605 : i32 to index
    %get3A_607 = arith.constant 32 : index
    %get3A_608 = tpu.vector_load %arg5[%get3A_606, %get3A_607] {strides = array<i32>} : memref<64x64xf32, #tpu.memory_space<vmem>>, vector<16xf32>,
    %get3A_609 = arith.constant 10 : i32
    %get3A_610 = arith.index_cast %get3A_609 : i32 to index
    %get3A_611 = arith.constant 48 : index
    %get3A_612 = tpu.vector_load %arg5[%get3A_610, %get3A_611] {strides = array<i32>} : memref<64x64xf32, #tpu.memory_space<vmem>>, vector<16xf32>,
    %mul3A_613 = arith.mulf %get3A_600, %get3A_600 : vector<16xf32>
    %mul3A_614 = arith.mulf %get3A_604, %get3A_604 : vector<16xf32>
    %add3A_615 = arith.addf %mul3A_613, %mul3A_614 : vector<16xf32>
    %mul3A_616 = arith.mulf %get3A_608, %get3A_608 : vector<16xf32>
    %add3A_617 = arith.addf %add3A_615, %mul3A_616 : vector<16xf32>
    %mul3A_618 = arith.mulf %get3A_612, %get3A_612 : vector<16xf32>
    %add3A_619 = arith.addf %add3A_617, %mul3A_618 : vector<16xf32>
    %reduce_sum3A_620 = arith.constant true
    %reduce_sum3A_621 = vector.broadcast %reduce_sum3A_620 : i1 to vector<16xi1>
    %reduce_sum3A_622 = tpu.scan <sum>, %add3A_619 masked %reduce_sum3A_621 : vector<16xf32>, vector<16xi1> -> vector<16xf32>
    %reduce_sum3A_623 = vector.extract %reduce_sum3A_622[15] : f32 from vector<16xf32>
    %eq3A_624 = arith.constant 0 : i32
    %eq3A_625 = vector.broadcast %eq3A_624 : i32 to vector<16xi32>
    %eq3A_626 = arith.cmpi eq, %iota3A, %eq3A_625 : vector<16xi32>
    %eq3A_627 = arith.constant 1 : i32
    %eq3A_628 = vector.broadcast %eq3A_627 : i32 to vector<16xi32>
    %eq3A_629 = arith.cmpi eq, %iota3A, %eq3A_628 : vector<16xi32>
    %jit3A_630 = arith.constant 1.000000e+00 : f32
    %jit3A_631 = arith.constant 0.000000e+00 : f32
    %broadcast_in_dim3A_632 = vector.broadcast %jit3A_630 : f32 to vector<16xf32>
    %broadcast_in_dim3A_633 = vector.broadcast %jit3A_631 : f32 to vector<16xf32>
    %select_n3A_634 = arith.select %eq3A_629, %broadcast_in_dim3A_632, %broadcast_in_dim3A_633 : vector<16xi1>, vector<16xf32>
    %broadcast_in_dim3A_635 = vector.broadcast %reduce_sum3A_623 : f32 to vector<16xf32>
    %select_n3A_636 = arith.select %eq3A_626, %broadcast_in_dim3A_635, %select_n3A_634 : vector<16xi1>, vector<16xf32>
    %add3A_637 = arith.constant 0 : i32
    %add3A_638 = vector.broadcast %add3A_637 : i32 to vector<16xi32>
    %add3A_639 = arith.addi %add3A_638, %iota3A : vector<16xi32>
    tpu.vector_store_idx %arg7[%gather3A_596, %add3A_639], %get3A_600 {add = true} : memref<128x80xf32, #tpu.memory_space<vmem>>[vector<16xi32>, vector<16xi32>], vector<16xf32>,
    %add3A_640 = arith.constant 16 : i32
    %add3A_641 = vector.broadcast %add3A_640 : i32 to vector<16xi32>
    %add3A_642 = arith.addi %add3A_641, %iota3A : vector<16xi32>
    tpu.vector_store_idx %arg7[%gather3A_596, %add3A_642], %get3A_604 {add = true} : memref<128x80xf32, #tpu.memory_space<vmem>>[vector<16xi32>, vector<16xi32>], vector<16xf32>,
    %add3A_643 = arith.constant 32 : i32
    %add3A_644 = vector.broadcast %add3A_643 : i32 to vector<16xi32>
    %add3A_645 = arith.addi %add3A_644, %iota3A : vector<16xi32>
    tpu.vector_store_idx %arg7[%gather3A_596, %add3A_645], %get3A_608 {add = true} : memref<128x80xf32, #tpu.memory_space<vmem>>[vector<16xi32>, vector<16xi32>], vector<16xf32>,
    %add3A_646 = arith.constant 48 : i32
    %add3A_647 = vector.broadcast %add3A_646 : i32 to vector<16xi32>
    %add3A_648 = arith.addi %add3A_647, %iota3A : vector<16xi32>
    tpu.vector_store_idx %arg7[%gather3A_596, %add3A_648], %get3A_612 {add = true} : memref<128x80xf32, #tpu.memory_space<vmem>>[vector<16xi32>, vector<16xi32>], vector<16xf32>,
    %add3A_649 = arith.constant 64 : i32
    %add3A_650 = vector.broadcast %add3A_649 : i32 to vector<16xi32>
    %add3A_651 = arith.addi %add3A_650, %iota3A : vector<16xi32>
    tpu.vector_store_idx %arg7[%gather3A_596, %add3A_651], %select_n3A_636 {add = true} : memref<128x80xf32, #tpu.memory_space<vmem>>[vector<16xi32>, vector<16xi32>], vector<16xf32>,
    %broadcast_in_dim3A_652 = arith.constant 11 : i32
    %broadcast_in_dim3A_653 = vector.broadcast %broadcast_in_dim3A_652 : i32 to vector<16x1xi32>
    %gather3A_654 = vector.shape_cast %broadcast_in_dim3A_653 : vector<16x1xi32> to vector<16xi32>
    %gather3A_655 = tpu.dynamic_gather %get3A_8[%gather3A_654] in [0] : vector<16xi32>, vector<16xi32> -> vector<16xi32>
    %get3A_656 = arith.constant 11 : i32
    %get3A_657 = arith.index_cast %get3A_656 : i32 to index
    %get3A_658 = arith.constant 0 : index
    %get3A_659 = tpu.vector_load %arg5[%get3A_657, %get3A_658] {strides = array<i32>} : memref<64x64xf32, #tpu.memory_space<vmem>>, vector<16xf32>,
    %get3A_660 = arith.constant 11 : i32
    %get3A_661 = arith.index_cast %get3A_660 : i32 to index
    %get3A_662 = arith.constant 16 : index
    %get3A_663 = tpu.vector_load %arg5[%get3A_661, %get3A_662] {strides = array<i32>} : memref<64x64xf32, #tpu.memory_space<vmem>>, vector<16xf32>,
    %get3A_664 = arith.constant 11 : i32
    %get3A_665 = arith.index_cast %get3A_664 : i32 to index
    %get3A_666 = arith.constant 32 : index
    %get3A_667 = tpu.vector_load %arg5[%get3A_665, %get3A_666] {strides = array<i32>} : memref<64x64xf32, #tpu.memory_space<vmem>>, vector<16xf32>,
    %get3A_668 = arith.constant 11 : i32
    %get3A_669 = arith.index_cast %get3A_668 : i32 to index
    %get3A_670 = arith.constant 48 : index
    %get3A_671 = tpu.vector_load %arg5[%get3A_669, %get3A_670] {strides = array<i32>} : memref<64x64xf32, #tpu.memory_space<vmem>>, vector<16xf32>,
    %mul3A_672 = arith.mulf %get3A_659, %get3A_659 : vector<16xf32>
    %mul3A_673 = arith.mulf %get3A_663, %get3A_663 : vector<16xf32>
    %add3A_674 = arith.addf %mul3A_672, %mul3A_673 : vector<16xf32>
    %mul3A_675 = arith.mulf %get3A_667, %get3A_667 : vector<16xf32>
    %add3A_676 = arith.addf %add3A_674, %mul3A_675 : vector<16xf32>
    %mul3A_677 = arith.mulf %get3A_671, %get3A_671 : vector<16xf32>
    %add3A_678 = arith.addf %add3A_676, %mul3A_677 : vector<16xf32>
    %reduce_sum3A_679 = arith.constant true
    %reduce_sum3A_680 = vector.broadcast %reduce_sum3A_679 : i1 to vector<16xi1>
    %reduce_sum3A_681 = tpu.scan <sum>, %add3A_678 masked %reduce_sum3A_680 : vector<16xf32>, vector<16xi1> -> vector<16xf32>
    %reduce_sum3A_682 = vector.extract %reduce_sum3A_681[15] : f32 from vector<16xf32>
    %eq3A_683 = arith.constant 0 : i32
    %eq3A_684 = vector.broadcast %eq3A_683 : i32 to vector<16xi32>
    %eq3A_685 = arith.cmpi eq, %iota3A, %eq3A_684 : vector<16xi32>
    %eq3A_686 = arith.constant 1 : i32
    %eq3A_687 = vector.broadcast %eq3A_686 : i32 to vector<16xi32>
    %eq3A_688 = arith.cmpi eq, %iota3A, %eq3A_687 : vector<16xi32>
    %jit3A_689 = arith.constant 1.000000e+00 : f32
    %jit3A_690 = arith.constant 0.000000e+00 : f32
    %broadcast_in_dim3A_691 = vector.broadcast %jit3A_689 : f32 to vector<16xf32>
    %broadcast_in_dim3A_692 = vector.broadcast %jit3A_690 : f32 to vector<16xf32>
    %select_n3A_693 = arith.select %eq3A_688, %broadcast_in_dim3A_691, %broadcast_in_dim3A_692 : vector<16xi1>, vector<16xf32>
    %broadcast_in_dim3A_694 = vector.broadcast %reduce_sum3A_682 : f32 to vector<16xf32>
    %select_n3A_695 = arith.select %eq3A_685, %broadcast_in_dim3A_694, %select_n3A_693 : vector<16xi1>, vector<16xf32>
    %add3A_696 = arith.constant 0 : i32
    %add3A_697 = vector.broadcast %add3A_696 : i32 to vector<16xi32>
    %add3A_698 = arith.addi %add3A_697, %iota3A : vector<16xi32>
    tpu.vector_store_idx %arg7[%gather3A_655, %add3A_698], %get3A_659 {add = true} : memref<128x80xf32, #tpu.memory_space<vmem>>[vector<16xi32>, vector<16xi32>], vector<16xf32>,
    %add3A_699 = arith.constant 16 : i32
    %add3A_700 = vector.broadcast %add3A_699 : i32 to vector<16xi32>
    %add3A_701 = arith.addi %add3A_700, %iota3A : vector<16xi32>
    tpu.vector_store_idx %arg7[%gather3A_655, %add3A_701], %get3A_663 {add = true} : memref<128x80xf32, #tpu.memory_space<vmem>>[vector<16xi32>, vector<16xi32>], vector<16xf32>,
    %add3A_702 = arith.constant 32 : i32
    %add3A_703 = vector.broadcast %add3A_702 : i32 to vector<16xi32>
    %add3A_704 = arith.addi %add3A_703, %iota3A : vector<16xi32>
    tpu.vector_store_idx %arg7[%gather3A_655, %add3A_704], %get3A_667 {add = true} : memref<128x80xf32, #tpu.memory_space<vmem>>[vector<16xi32>, vector<16xi32>], vector<16xf32>,
    %add3A_705 = arith.constant 48 : i32
    %add3A_706 = vector.broadcast %add3A_705 : i32 to vector<16xi32>
    %add3A_707 = arith.addi %add3A_706, %iota3A : vector<16xi32>
    tpu.vector_store_idx %arg7[%gather3A_655, %add3A_707], %get3A_671 {add = true} : memref<128x80xf32, #tpu.memory_space<vmem>>[vector<16xi32>, vector<16xi32>], vector<16xf32>,
    %add3A_708 = arith.constant 64 : i32
    %add3A_709 = vector.broadcast %add3A_708 : i32 to vector<16xi32>
    %add3A_710 = arith.addi %add3A_709, %iota3A : vector<16xi32>
    tpu.vector_store_idx %arg7[%gather3A_655, %add3A_710], %select_n3A_695 {add = true} : memref<128x80xf32, #tpu.memory_space<vmem>>[vector<16xi32>, vector<16xi32>], vector<16xf32>,
    %broadcast_in_dim3A_711 = arith.constant 12 : i32
    %broadcast_in_dim3A_712 = vector.broadcast %broadcast_in_dim3A_711 : i32 to vector<16x1xi32>
    %gather3A_713 = vector.shape_cast %broadcast_in_dim3A_712 : vector<16x1xi32> to vector<16xi32>
    %gather3A_714 = tpu.dynamic_gather %get3A_8[%gather3A_713] in [0] : vector<16xi32>, vector<16xi32> -> vector<16xi32>
    %get3A_715 = arith.constant 12 : i32
    %get3A_716 = arith.index_cast %get3A_715 : i32 to index
    %get3A_717 = arith.constant 0 : index
    %get3A_718 = tpu.vector_load %arg5[%get3A_716, %get3A_717] {strides = array<i32>} : memref<64x64xf32, #tpu.memory_space<vmem>>, vector<16xf32>,
    %get3A_719 = arith.constant 12 : i32
    %get3A_720 = arith.index_cast %get3A_719 : i32 to index
    %get3A_721 = arith.constant 16 : index
    %get3A_722 = tpu.vector_load %arg5[%get3A_720, %get3A_721] {strides = array<i32>} : memref<64x64xf32, #tpu.memory_space<vmem>>, vector<16xf32>,
    %get3A_723 = arith.constant 12 : i32
    %get3A_724 = arith.index_cast %get3A_723 : i32 to index
    %get3A_725 = arith.constant 32 : index
    %get3A_726 = tpu.vector_load %arg5[%get3A_724, %get3A_725] {strides = array<i32>} : memref<64x64xf32, #tpu.memory_space<vmem>>, vector<16xf32>,
    %get3A_727 = arith.constant 12 : i32
    %get3A_728 = arith.index_cast %get3A_727 : i32 to index
    %get3A_729 = arith.constant 48 : index
    %get3A_730 = tpu.vector_load %arg5[%get3A_728, %get3A_729] {strides = array<i32>} : memref<64x64xf32, #tpu.memory_space<vmem>>, vector<16xf32>,
    %mul3A_731 = arith.mulf %get3A_718, %get3A_718 : vector<16xf32>
    %mul3A_732 = arith.mulf %get3A_722, %get3A_722 : vector<16xf32>
    %add3A_733 = arith.addf %mul3A_731, %mul3A_732 : vector<16xf32>
    %mul3A_734 = arith.mulf %get3A_726, %get3A_726 : vector<16xf32>
    %add3A_735 = arith.addf %add3A_733, %mul3A_734 : vector<16xf32>
    %mul3A_736 = arith.mulf %get3A_730, %get3A_730 : vector<16xf32>
    %add3A_737 = arith.addf %add3A_735, %mul3A_736 : vector<16xf32>
    %reduce_sum3A_738 = arith.constant true
    %reduce_sum3A_739 = vector.broadcast %reduce_sum3A_738 : i1 to vector<16xi1>
    %reduce_sum3A_740 = tpu.scan <sum>, %add3A_737 masked %reduce_sum3A_739 : vector<16xf32>, vector<16xi1> -> vector<16xf32>
    %reduce_sum3A_741 = vector.extract %reduce_sum3A_740[15] : f32 from vector<16xf32>
    %eq3A_742 = arith.constant 0 : i32
    %eq3A_743 = vector.broadcast %eq3A_742 : i32 to vector<16xi32>
    %eq3A_744 = arith.cmpi eq, %iota3A, %eq3A_743 : vector<16xi32>
    %eq3A_745 = arith.constant 1 : i32
    %eq3A_746 = vector.broadcast %eq3A_745 : i32 to vector<16xi32>
    %eq3A_747 = arith.cmpi eq, %iota3A, %eq3A_746 : vector<16xi32>
    %jit3A_748 = arith.constant 1.000000e+00 : f32
    %jit3A_749 = arith.constant 0.000000e+00 : f32
    %broadcast_in_dim3A_750 = vector.broadcast %jit3A_748 : f32 to vector<16xf32>
    %broadcast_in_dim3A_751 = vector.broadcast %jit3A_749 : f32 to vector<16xf32>
    %select_n3A_752 = arith.select %eq3A_747, %broadcast_in_dim3A_750, %broadcast_in_dim3A_751 : vector<16xi1>, vector<16xf32>
    %broadcast_in_dim3A_753 = vector.broadcast %reduce_sum3A_741 : f32 to vector<16xf32>
    %select_n3A_754 = arith.select %eq3A_744, %broadcast_in_dim3A_753, %select_n3A_752 : vector<16xi1>, vector<16xf32>
    %add3A_755 = arith.constant 0 : i32
    %add3A_756 = vector.broadcast %add3A_755 : i32 to vector<16xi32>
    %add3A_757 = arith.addi %add3A_756, %iota3A : vector<16xi32>
    tpu.vector_store_idx %arg7[%gather3A_714, %add3A_757], %get3A_718 {add = true} : memref<128x80xf32, #tpu.memory_space<vmem>>[vector<16xi32>, vector<16xi32>], vector<16xf32>,
    %add3A_758 = arith.constant 16 : i32
    %add3A_759 = vector.broadcast %add3A_758 : i32 to vector<16xi32>
    %add3A_760 = arith.addi %add3A_759, %iota3A : vector<16xi32>
    tpu.vector_store_idx %arg7[%gather3A_714, %add3A_760], %get3A_722 {add = true} : memref<128x80xf32, #tpu.memory_space<vmem>>[vector<16xi32>, vector<16xi32>], vector<16xf32>,
    %add3A_761 = arith.constant 32 : i32
    %add3A_762 = vector.broadcast %add3A_761 : i32 to vector<16xi32>
    %add3A_763 = arith.addi %add3A_762, %iota3A : vector<16xi32>
    tpu.vector_store_idx %arg7[%gather3A_714, %add3A_763], %get3A_726 {add = true} : memref<128x80xf32, #tpu.memory_space<vmem>>[vector<16xi32>, vector<16xi32>], vector<16xf32>,
    %add3A_764 = arith.constant 48 : i32
    %add3A_765 = vector.broadcast %add3A_764 : i32 to vector<16xi32>
    %add3A_766 = arith.addi %add3A_765, %iota3A : vector<16xi32>
    tpu.vector_store_idx %arg7[%gather3A_714, %add3A_766], %get3A_730 {add = true} : memref<128x80xf32, #tpu.memory_space<vmem>>[vector<16xi32>, vector<16xi32>], vector<16xf32>,
    %add3A_767 = arith.constant 64 : i32
    %add3A_768 = vector.broadcast %add3A_767 : i32 to vector<16xi32>
    %add3A_769 = arith.addi %add3A_768, %iota3A : vector<16xi32>
    tpu.vector_store_idx %arg7[%gather3A_714, %add3A_769], %select_n3A_754 {add = true} : memref<128x80xf32, #tpu.memory_space<vmem>>[vector<16xi32>, vector<16xi32>], vector<16xf32>,
    %broadcast_in_dim3A_770 = arith.constant 13 : i32
    %broadcast_in_dim3A_771 = vector.broadcast %broadcast_in_dim3A_770 : i32 to vector<16x1xi32>
    %gather3A_772 = vector.shape_cast %broadcast_in_dim3A_771 : vector<16x1xi32> to vector<16xi32>
    %gather3A_773 = tpu.dynamic_gather %get3A_8[%gather3A_772] in [0] : vector<16xi32>, vector<16xi32> -> vector<16xi32>
    %get3A_774 = arith.constant 13 : i32
    %get3A_775 = arith.index_cast %get3A_774 : i32 to index
    %get3A_776 = arith.constant 0 : index
    %get3A_777 = tpu.vector_load %arg5[%get3A_775, %get3A_776] {strides = array<i32>} : memref<64x64xf32, #tpu.memory_space<vmem>>, vector<16xf32>,
    %get3A_778 = arith.constant 13 : i32
    %get3A_779 = arith.index_cast %get3A_778 : i32 to index
    %get3A_780 = arith.constant 16 : index
    %get3A_781 = tpu.vector_load %arg5[%get3A_779, %get3A_780] {strides = array<i32>} : memref<64x64xf32, #tpu.memory_space<vmem>>, vector<16xf32>,
    %get3A_782 = arith.constant 13 : i32
    %get3A_783 = arith.index_cast %get3A_782 : i32 to index
    %get3A_784 = arith.constant 32 : index
    %get3A_785 = tpu.vector_load %arg5[%get3A_783, %get3A_784] {strides = array<i32>} : memref<64x64xf32, #tpu.memory_space<vmem>>, vector<16xf32>,
    %get3A_786 = arith.constant 13 : i32
    %get3A_787 = arith.index_cast %get3A_786 : i32 to index
    %get3A_788 = arith.constant 48 : index
    %get3A_789 = tpu.vector_load %arg5[%get3A_787, %get3A_788] {strides = array<i32>} : memref<64x64xf32, #tpu.memory_space<vmem>>, vector<16xf32>,
    %mul3A_790 = arith.mulf %get3A_777, %get3A_777 : vector<16xf32>
    %mul3A_791 = arith.mulf %get3A_781, %get3A_781 : vector<16xf32>
    %add3A_792 = arith.addf %mul3A_790, %mul3A_791 : vector<16xf32>
    %mul3A_793 = arith.mulf %get3A_785, %get3A_785 : vector<16xf32>
    %add3A_794 = arith.addf %add3A_792, %mul3A_793 : vector<16xf32>
    %mul3A_795 = arith.mulf %get3A_789, %get3A_789 : vector<16xf32>
    %add3A_796 = arith.addf %add3A_794, %mul3A_795 : vector<16xf32>
    %reduce_sum3A_797 = arith.constant true
    %reduce_sum3A_798 = vector.broadcast %reduce_sum3A_797 : i1 to vector<16xi1>
    %reduce_sum3A_799 = tpu.scan <sum>, %add3A_796 masked %reduce_sum3A_798 : vector<16xf32>, vector<16xi1> -> vector<16xf32>
    %reduce_sum3A_800 = vector.extract %reduce_sum3A_799[15] : f32 from vector<16xf32>
    %eq3A_801 = arith.constant 0 : i32
    %eq3A_802 = vector.broadcast %eq3A_801 : i32 to vector<16xi32>
    %eq3A_803 = arith.cmpi eq, %iota3A, %eq3A_802 : vector<16xi32>
    %eq3A_804 = arith.constant 1 : i32
    %eq3A_805 = vector.broadcast %eq3A_804 : i32 to vector<16xi32>
    %eq3A_806 = arith.cmpi eq, %iota3A, %eq3A_805 : vector<16xi32>
    %jit3A_807 = arith.constant 1.000000e+00 : f32
    %jit3A_808 = arith.constant 0.000000e+00 : f32
    %broadcast_in_dim3A_809 = vector.broadcast %jit3A_807 : f32 to vector<16xf32>
    %broadcast_in_dim3A_810 = vector.broadcast %jit3A_808 : f32 to vector<16xf32>
    %select_n3A_811 = arith.select %eq3A_806, %broadcast_in_dim3A_809, %broadcast_in_dim3A_810 : vector<16xi1>, vector<16xf32>
    %broadcast_in_dim3A_812 = vector.broadcast %reduce_sum3A_800 : f32 to vector<16xf32>
    %select_n3A_813 = arith.select %eq3A_803, %broadcast_in_dim3A_812, %select_n3A_811 : vector<16xi1>, vector<16xf32>
    %add3A_814 = arith.constant 0 : i32
    %add3A_815 = vector.broadcast %add3A_814 : i32 to vector<16xi32>
    %add3A_816 = arith.addi %add3A_815, %iota3A : vector<16xi32>
    tpu.vector_store_idx %arg7[%gather3A_773, %add3A_816], %get3A_777 {add = true} : memref<128x80xf32, #tpu.memory_space<vmem>>[vector<16xi32>, vector<16xi32>], vector<16xf32>,
    %add3A_817 = arith.constant 16 : i32
    %add3A_818 = vector.broadcast %add3A_817 : i32 to vector<16xi32>
    %add3A_819 = arith.addi %add3A_818, %iota3A : vector<16xi32>
    tpu.vector_store_idx %arg7[%gather3A_773, %add3A_819], %get3A_781 {add = true} : memref<128x80xf32, #tpu.memory_space<vmem>>[vector<16xi32>, vector<16xi32>], vector<16xf32>,
    %add3A_820 = arith.constant 32 : i32
    %add3A_821 = vector.broadcast %add3A_820 : i32 to vector<16xi32>
    %add3A_822 = arith.addi %add3A_821, %iota3A : vector<16xi32>
    tpu.vector_store_idx %arg7[%gather3A_773, %add3A_822], %get3A_785 {add = true} : memref<128x80xf32, #tpu.memory_space<vmem>>[vector<16xi32>, vector<16xi32>], vector<16xf32>,
    %add3A_823 = arith.constant 48 : i32
    %add3A_824 = vector.broadcast %add3A_823 : i32 to vector<16xi32>
    %add3A_825 = arith.addi %add3A_824, %iota3A : vector<16xi32>
    tpu.vector_store_idx %arg7[%gather3A_773, %add3A_825], %get3A_789 {add = true} : memref<128x80xf32, #tpu.memory_space<vmem>>[vector<16xi32>, vector<16xi32>], vector<16xf32>,
    %add3A_826 = arith.constant 64 : i32
    %add3A_827 = vector.broadcast %add3A_826 : i32 to vector<16xi32>
    %add3A_828 = arith.addi %add3A_827, %iota3A : vector<16xi32>
    tpu.vector_store_idx %arg7[%gather3A_773, %add3A_828], %select_n3A_813 {add = true} : memref<128x80xf32, #tpu.memory_space<vmem>>[vector<16xi32>, vector<16xi32>], vector<16xf32>,
    %broadcast_in_dim3A_829 = arith.constant 14 : i32
    %broadcast_in_dim3A_830 = vector.broadcast %broadcast_in_dim3A_829 : i32 to vector<16x1xi32>
    %gather3A_831 = vector.shape_cast %broadcast_in_dim3A_830 : vector<16x1xi32> to vector<16xi32>
    %gather3A_832 = tpu.dynamic_gather %get3A_8[%gather3A_831] in [0] : vector<16xi32>, vector<16xi32> -> vector<16xi32>
    %get3A_833 = arith.constant 14 : i32
    %get3A_834 = arith.index_cast %get3A_833 : i32 to index
    %get3A_835 = arith.constant 0 : index
    %get3A_836 = tpu.vector_load %arg5[%get3A_834, %get3A_835] {strides = array<i32>} : memref<64x64xf32, #tpu.memory_space<vmem>>, vector<16xf32>,
    %get3A_837 = arith.constant 14 : i32
    %get3A_838 = arith.index_cast %get3A_837 : i32 to index
    %get3A_839 = arith.constant 16 : index
    %get3A_840 = tpu.vector_load %arg5[%get3A_838, %get3A_839] {strides = array<i32>} : memref<64x64xf32, #tpu.memory_space<vmem>>, vector<16xf32>,
    %get3A_841 = arith.constant 14 : i32
    %get3A_842 = arith.index_cast %get3A_841 : i32 to index
    %get3A_843 = arith.constant 32 : index
    %get3A_844 = tpu.vector_load %arg5[%get3A_842, %get3A_843] {strides = array<i32>} : memref<64x64xf32, #tpu.memory_space<vmem>>, vector<16xf32>,
    %get3A_845 = arith.constant 14 : i32
    %get3A_846 = arith.index_cast %get3A_845 : i32 to index
    %get3A_847 = arith.constant 48 : index
    %get3A_848 = tpu.vector_load %arg5[%get3A_846, %get3A_847] {strides = array<i32>} : memref<64x64xf32, #tpu.memory_space<vmem>>, vector<16xf32>,
    %mul3A_849 = arith.mulf %get3A_836, %get3A_836 : vector<16xf32>
    %mul3A_850 = arith.mulf %get3A_840, %get3A_840 : vector<16xf32>
    %add3A_851 = arith.addf %mul3A_849, %mul3A_850 : vector<16xf32>
    %mul3A_852 = arith.mulf %get3A_844, %get3A_844 : vector<16xf32>
    %add3A_853 = arith.addf %add3A_851, %mul3A_852 : vector<16xf32>
    %mul3A_854 = arith.mulf %get3A_848, %get3A_848 : vector<16xf32>
    %add3A_855 = arith.addf %add3A_853, %mul3A_854 : vector<16xf32>
    %reduce_sum3A_856 = arith.constant true
    %reduce_sum3A_857 = vector.broadcast %reduce_sum3A_856 : i1 to vector<16xi1>
    %reduce_sum3A_858 = tpu.scan <sum>, %add3A_855 masked %reduce_sum3A_857 : vector<16xf32>, vector<16xi1> -> vector<16xf32>
    %reduce_sum3A_859 = vector.extract %reduce_sum3A_858[15] : f32 from vector<16xf32>
    %eq3A_860 = arith.constant 0 : i32
    %eq3A_861 = vector.broadcast %eq3A_860 : i32 to vector<16xi32>
    %eq3A_862 = arith.cmpi eq, %iota3A, %eq3A_861 : vector<16xi32>
    %eq3A_863 = arith.constant 1 : i32
    %eq3A_864 = vector.broadcast %eq3A_863 : i32 to vector<16xi32>
    %eq3A_865 = arith.cmpi eq, %iota3A, %eq3A_864 : vector<16xi32>
    %jit3A_866 = arith.constant 1.000000e+00 : f32
    %jit3A_867 = arith.constant 0.000000e+00 : f32
    %broadcast_in_dim3A_868 = vector.broadcast %jit3A_866 : f32 to vector<16xf32>
    %broadcast_in_dim3A_869 = vector.broadcast %jit3A_867 : f32 to vector<16xf32>
    %select_n3A_870 = arith.select %eq3A_865, %broadcast_in_dim3A_868, %broadcast_in_dim3A_869 : vector<16xi1>, vector<16xf32>
    %broadcast_in_dim3A_871 = vector.broadcast %reduce_sum3A_859 : f32 to vector<16xf32>
    %select_n3A_872 = arith.select %eq3A_862, %broadcast_in_dim3A_871, %select_n3A_870 : vector<16xi1>, vector<16xf32>
    %add3A_873 = arith.constant 0 : i32
    %add3A_874 = vector.broadcast %add3A_873 : i32 to vector<16xi32>
    %add3A_875 = arith.addi %add3A_874, %iota3A : vector<16xi32>
    tpu.vector_store_idx %arg7[%gather3A_832, %add3A_875], %get3A_836 {add = true} : memref<128x80xf32, #tpu.memory_space<vmem>>[vector<16xi32>, vector<16xi32>], vector<16xf32>,
    %add3A_876 = arith.constant 16 : i32
    %add3A_877 = vector.broadcast %add3A_876 : i32 to vector<16xi32>
    %add3A_878 = arith.addi %add3A_877, %iota3A : vector<16xi32>
    tpu.vector_store_idx %arg7[%gather3A_832, %add3A_878], %get3A_840 {add = true} : memref<128x80xf32, #tpu.memory_space<vmem>>[vector<16xi32>, vector<16xi32>], vector<16xf32>,
    %add3A_879 = arith.constant 32 : i32
    %add3A_880 = vector.broadcast %add3A_879 : i32 to vector<16xi32>
    %add3A_881 = arith.addi %add3A_880, %iota3A : vector<16xi32>
    tpu.vector_store_idx %arg7[%gather3A_832, %add3A_881], %get3A_844 {add = true} : memref<128x80xf32, #tpu.memory_space<vmem>>[vector<16xi32>, vector<16xi32>], vector<16xf32>,
    %add3A_882 = arith.constant 48 : i32
    %add3A_883 = vector.broadcast %add3A_882 : i32 to vector<16xi32>
    %add3A_884 = arith.addi %add3A_883, %iota3A : vector<16xi32>
    tpu.vector_store_idx %arg7[%gather3A_832, %add3A_884], %get3A_848 {add = true} : memref<128x80xf32, #tpu.memory_space<vmem>>[vector<16xi32>, vector<16xi32>], vector<16xf32>,
    %add3A_885 = arith.constant 64 : i32
    %add3A_886 = vector.broadcast %add3A_885 : i32 to vector<16xi32>
    %add3A_887 = arith.addi %add3A_886, %iota3A : vector<16xi32>
    tpu.vector_store_idx %arg7[%gather3A_832, %add3A_887], %select_n3A_872 {add = true} : memref<128x80xf32, #tpu.memory_space<vmem>>[vector<16xi32>, vector<16xi32>], vector<16xf32>,
    %broadcast_in_dim3A_888 = arith.constant 15 : i32
    %broadcast_in_dim3A_889 = vector.broadcast %broadcast_in_dim3A_888 : i32 to vector<16x1xi32>
    %gather3A_890 = vector.shape_cast %broadcast_in_dim3A_889 : vector<16x1xi32> to vector<16xi32>
    %gather3A_891 = tpu.dynamic_gather %get3A_8[%gather3A_890] in [0] : vector<16xi32>, vector<16xi32> -> vector<16xi32>
    %get3A_892 = arith.constant 15 : i32
    %get3A_893 = arith.index_cast %get3A_892 : i32 to index
    %get3A_894 = arith.constant 0 : index
    %get3A_895 = tpu.vector_load %arg5[%get3A_893, %get3A_894] {strides = array<i32>} : memref<64x64xf32, #tpu.memory_space<vmem>>, vector<16xf32>,
    %get3A_896 = arith.constant 15 : i32
    %get3A_897 = arith.index_cast %get3A_896 : i32 to index
    %get3A_898 = arith.constant 16 : index
    %get3A_899 = tpu.vector_load %arg5[%get3A_897, %get3A_898] {strides = array<i32>} : memref<64x64xf32, #tpu.memory_space<vmem>>, vector<16xf32>,
    %get3A_900 = arith.constant 15 : i32
    %get3A_901 = arith.index_cast %get3A_900 : i32 to index
    %get3A_902 = arith.constant 32 : index
    %get3A_903 = tpu.vector_load %arg5[%get3A_901, %get3A_902] {strides = array<i32>} : memref<64x64xf32, #tpu.memory_space<vmem>>, vector<16xf32>,
    %get3A_904 = arith.constant 15 : i32
    %get3A_905 = arith.index_cast %get3A_904 : i32 to index
    %get3A_906 = arith.constant 48 : index
    %get3A_907 = tpu.vector_load %arg5[%get3A_905, %get3A_906] {strides = array<i32>} : memref<64x64xf32, #tpu.memory_space<vmem>>, vector<16xf32>,
    %mul3A_908 = arith.mulf %get3A_895, %get3A_895 : vector<16xf32>
    %mul3A_909 = arith.mulf %get3A_899, %get3A_899 : vector<16xf32>
    %add3A_910 = arith.addf %mul3A_908, %mul3A_909 : vector<16xf32>
    %mul3A_911 = arith.mulf %get3A_903, %get3A_903 : vector<16xf32>
    %add3A_912 = arith.addf %add3A_910, %mul3A_911 : vector<16xf32>
    %mul3A_913 = arith.mulf %get3A_907, %get3A_907 : vector<16xf32>
    %add3A_914 = arith.addf %add3A_912, %mul3A_913 : vector<16xf32>
    %reduce_sum3A_915 = arith.constant true
    %reduce_sum3A_916 = vector.broadcast %reduce_sum3A_915 : i1 to vector<16xi1>
    %reduce_sum3A_917 = tpu.scan <sum>, %add3A_914 masked %reduce_sum3A_916 : vector<16xf32>, vector<16xi1> -> vector<16xf32>
    %reduce_sum3A_918 = vector.extract %reduce_sum3A_917[15] : f32 from vector<16xf32>
    %eq3A_919 = arith.constant 0 : i32
    %eq3A_920 = vector.broadcast %eq3A_919 : i32 to vector<16xi32>
    %eq3A_921 = arith.cmpi eq, %iota3A, %eq3A_920 : vector<16xi32>
    %eq3A_922 = arith.constant 1 : i32
    %eq3A_923 = vector.broadcast %eq3A_922 : i32 to vector<16xi32>
    %eq3A_924 = arith.cmpi eq, %iota3A, %eq3A_923 : vector<16xi32>
    %jit3A_925 = arith.constant 1.000000e+00 : f32
    %jit3A_926 = arith.constant 0.000000e+00 : f32
    %broadcast_in_dim3A_927 = vector.broadcast %jit3A_925 : f32 to vector<16xf32>
    %broadcast_in_dim3A_928 = vector.broadcast %jit3A_926 : f32 to vector<16xf32>
    %select_n3A_929 = arith.select %eq3A_924, %broadcast_in_dim3A_927, %broadcast_in_dim3A_928 : vector<16xi1>, vector<16xf32>
    %broadcast_in_dim3A_930 = vector.broadcast %reduce_sum3A_918 : f32 to vector<16xf32>
    %select_n3A_931 = arith.select %eq3A_921, %broadcast_in_dim3A_930, %select_n3A_929 : vector<16xi1>, vector<16xf32>
    %add3A_932 = arith.constant 0 : i32
    %add3A_933 = vector.broadcast %add3A_932 : i32 to vector<16xi32>
    %add3A_934 = arith.addi %add3A_933, %iota3A : vector<16xi32>
    tpu.vector_store_idx %arg7[%gather3A_891, %add3A_934], %get3A_895 {add = true} : memref<128x80xf32, #tpu.memory_space<vmem>>[vector<16xi32>, vector<16xi32>], vector<16xf32>,
    %add3A_935 = arith.constant 16 : i32
    %add3A_936 = vector.broadcast %add3A_935 : i32 to vector<16xi32>
    %add3A_937 = arith.addi %add3A_936, %iota3A : vector<16xi32>
    tpu.vector_store_idx %arg7[%gather3A_891, %add3A_937], %get3A_899 {add = true} : memref<128x80xf32, #tpu.memory_space<vmem>>[vector<16xi32>, vector<16xi32>], vector<16xf32>,
    %add3A_938 = arith.constant 32 : i32
    %add3A_939 = vector.broadcast %add3A_938 : i32 to vector<16xi32>
    %add3A_940 = arith.addi %add3A_939, %iota3A : vector<16xi32>
    tpu.vector_store_idx %arg7[%gather3A_891, %add3A_940], %get3A_903 {add = true} : memref<128x80xf32, #tpu.memory_space<vmem>>[vector<16xi32>, vector<16xi32>], vector<16xf32>,
    %add3A_941 = arith.constant 48 : i32
    %add3A_942 = vector.broadcast %add3A_941 : i32 to vector<16xi32>
    %add3A_943 = arith.addi %add3A_942, %iota3A : vector<16xi32>
    tpu.vector_store_idx %arg7[%gather3A_891, %add3A_943], %get3A_907 {add = true} : memref<128x80xf32, #tpu.memory_space<vmem>>[vector<16xi32>, vector<16xi32>], vector<16xf32>,
    %add3A_944 = arith.constant 64 : i32
    %add3A_945 = vector.broadcast %add3A_944 : i32 to vector<16xi32>
    %add3A_946 = arith.addi %add3A_945, %iota3A : vector<16xi32>
    tpu.vector_store_idx %arg7[%gather3A_891, %add3A_946], %select_n3A_931 {add = true} : memref<128x80xf32, #tpu.memory_space<vmem>>[vector<16xi32>, vector<16xi32>], vector<16xf32>,
    %get3A_947 = arith.constant 16 : index
    %get3A_948 = tpu.vector_load %arg6[%get3A_947] {strides = array<i32>} : memref<64xi32, #tpu.memory_space<vmem>>, vector<16xi32>,
    %broadcast_in_dim3A_949 = arith.constant 0 : i32
    %broadcast_in_dim3A_950 = vector.broadcast %broadcast_in_dim3A_949 : i32 to vector<16x1xi32>
    %gather3A_951 = vector.shape_cast %broadcast_in_dim3A_950 : vector<16x1xi32> to vector<16xi32>
    %gather3A_952 = tpu.dynamic_gather %get3A_948[%gather3A_951] in [0] : vector<16xi32>, vector<16xi32> -> vector<16xi32>
    %get3A_953 = arith.constant 16 : i32
    %get3A_954 = arith.index_cast %get3A_953 : i32 to index
    %get3A_955 = arith.constant 0 : index
    %get3A_956 = tpu.vector_load %arg5[%get3A_954, %get3A_955] {strides = array<i32>} : memref<64x64xf32, #tpu.memory_space<vmem>>, vector<16xf32>,
    %get3A_957 = arith.constant 16 : i32
    %get3A_958 = arith.index_cast %get3A_957 : i32 to index
    %get3A_959 = arith.constant 16 : index
    %get3A_960 = tpu.vector_load %arg5[%get3A_958, %get3A_959] {strides = array<i32>} : memref<64x64xf32, #tpu.memory_space<vmem>>, vector<16xf32>,
    %get3A_961 = arith.constant 16 : i32
    %get3A_962 = arith.index_cast %get3A_961 : i32 to index
    %get3A_963 = arith.constant 32 : index
    %get3A_964 = tpu.vector_load %arg5[%get3A_962, %get3A_963] {strides = array<i32>} : memref<64x64xf32, #tpu.memory_space<vmem>>, vector<16xf32>,
    %get3A_965 = arith.constant 16 : i32
    %get3A_966 = arith.index_cast %get3A_965 : i32 to index
    %get3A_967 = arith.constant 48 : index
    %get3A_968 = tpu.vector_load %arg5[%get3A_966, %get3A_967] {strides = array<i32>} : memref<64x64xf32, #tpu.memory_space<vmem>>, vector<16xf32>,
    %mul3A_969 = arith.mulf %get3A_956, %get3A_956 : vector<16xf32>
    %mul3A_970 = arith.mulf %get3A_960, %get3A_960 : vector<16xf32>
    %add3A_971 = arith.addf %mul3A_969, %mul3A_970 : vector<16xf32>
    %mul3A_972 = arith.mulf %get3A_964, %get3A_964 : vector<16xf32>
    %add3A_973 = arith.addf %add3A_971, %mul3A_972 : vector<16xf32>
    %mul3A_974 = arith.mulf %get3A_968, %get3A_968 : vector<16xf32>
    %add3A_975 = arith.addf %add3A_973, %mul3A_974 : vector<16xf32>
    %reduce_sum3A_976 = arith.constant true
    %reduce_sum3A_977 = vector.broadcast %reduce_sum3A_976 : i1 to vector<16xi1>
    %reduce_sum3A_978 = tpu.scan <sum>, %add3A_975 masked %reduce_sum3A_977 : vector<16xf32>, vector<16xi1> -> vector<16xf32>
    %reduce_sum3A_979 = vector.extract %reduce_sum3A_978[15] : f32 from vector<16xf32>
    %eq3A_980 = arith.constant 0 : i32
    %eq3A_981 = vector.broadcast %eq3A_980 : i32 to vector<16xi32>
    %eq3A_982 = arith.cmpi eq, %iota3A, %eq3A_981 : vector<16xi32>
    %eq3A_983 = arith.constant 1 : i32
    %eq3A_984 = vector.broadcast %eq3A_983 : i32 to vector<16xi32>
    %eq3A_985 = arith.cmpi eq, %iota3A, %eq3A_984 : vector<16xi32>
    %jit3A_986 = arith.constant 1.000000e+00 : f32
    %jit3A_987 = arith.constant 0.000000e+00 : f32
    %broadcast_in_dim3A_988 = vector.broadcast %jit3A_986 : f32 to vector<16xf32>
    %broadcast_in_dim3A_989 = vector.broadcast %jit3A_987 : f32 to vector<16xf32>
    %select_n3A_990 = arith.select %eq3A_985, %broadcast_in_dim3A_988, %broadcast_in_dim3A_989 : vector<16xi1>, vector<16xf32>
    %broadcast_in_dim3A_991 = vector.broadcast %reduce_sum3A_979 : f32 to vector<16xf32>
    %select_n3A_992 = arith.select %eq3A_982, %broadcast_in_dim3A_991, %select_n3A_990 : vector<16xi1>, vector<16xf32>
    %add3A_993 = arith.constant 0 : i32
    %add3A_994 = vector.broadcast %add3A_993 : i32 to vector<16xi32>
    %add3A_995 = arith.addi %add3A_994, %iota3A : vector<16xi32>
    tpu.vector_store_idx %arg7[%gather3A_952, %add3A_995], %get3A_956 {add = true} : memref<128x80xf32, #tpu.memory_space<vmem>>[vector<16xi32>, vector<16xi32>], vector<16xf32>,
    %add3A_996 = arith.constant 16 : i32
    %add3A_997 = vector.broadcast %add3A_996 : i32 to vector<16xi32>
    %add3A_998 = arith.addi %add3A_997, %iota3A : vector<16xi32>
    tpu.vector_store_idx %arg7[%gather3A_952, %add3A_998], %get3A_960 {add = true} : memref<128x80xf32, #tpu.memory_space<vmem>>[vector<16xi32>, vector<16xi32>], vector<16xf32>,
    %add3A_999 = arith.constant 32 : i32
    %add3A_1000 = vector.broadcast %add3A_999 : i32 to vector<16xi32>
    %add3A_1001 = arith.addi %add3A_1000, %iota3A : vector<16xi32>
    tpu.vector_store_idx %arg7[%gather3A_952, %add3A_1001], %get3A_964 {add = true} : memref<128x80xf32, #tpu.memory_space<vmem>>[vector<16xi32>, vector<16xi32>], vector<16xf32>,
    %add3A_1002 = arith.constant 48 : i32
    %add3A_1003 = vector.broadcast %add3A_1002 : i32 to vector<16xi32>
    %add3A_1004 = arith.addi %add3A_1003, %iota3A : vector<16xi32>
    tpu.vector_store_idx %arg7[%gather3A_952, %add3A_1004], %get3A_968 {add = true} : memref<128x80xf32, #tpu.memory_space<vmem>>[vector<16xi32>, vector<16xi32>], vector<16xf32>,
    %add3A_1005 = arith.constant 64 : i32
    %add3A_1006 = vector.broadcast %add3A_1005 : i32 to vector<16xi32>
    %add3A_1007 = arith.addi %add3A_1006, %iota3A : vector<16xi32>
    tpu.vector_store_idx %arg7[%gather3A_952, %add3A_1007], %select_n3A_992 {add = true} : memref<128x80xf32, #tpu.memory_space<vmem>>[vector<16xi32>, vector<16xi32>], vector<16xf32>,
    %broadcast_in_dim3A_1008 = arith.constant 1 : i32
    %broadcast_in_dim3A_1009 = vector.broadcast %broadcast_in_dim3A_1008 : i32 to vector<16x1xi32>
    %gather3A_1010 = vector.shape_cast %broadcast_in_dim3A_1009 : vector<16x1xi32> to vector<16xi32>
    %gather3A_1011 = tpu.dynamic_gather %get3A_948[%gather3A_1010] in [0] : vector<16xi32>, vector<16xi32> -> vector<16xi32>
    %get3A_1012 = arith.constant 17 : i32
    %get3A_1013 = arith.index_cast %get3A_1012 : i32 to index
    %get3A_1014 = arith.constant 0 : index
    %get3A_1015 = tpu.vector_load %arg5[%get3A_1013, %get3A_1014] {strides = array<i32>} : memref<64x64xf32, #tpu.memory_space<vmem>>, vector<16xf32>,
    %get3A_1016 = arith.constant 17 : i32
    %get3A_1017 = arith.index_cast %get3A_1016 : i32 to index
    %get3A_1018 = arith.constant 16 : index
    %get3A_1019 = tpu.vector_load %arg5[%get3A_1017, %get3A_1018] {strides = array<i32>} : memref<64x64xf32, #tpu.memory_space<vmem>>, vector<16xf32>,
    %get3A_1020 = arith.constant 17 : i32
    %get3A_1021 = arith.index_cast %get3A_1020 : i32 to index
    %get3A_1022 = arith.constant 32 : index
    %get3A_1023 = tpu.vector_load %arg5[%get3A_1021, %get3A_1022] {strides = array<i32>} : memref<64x64xf32, #tpu.memory_space<vmem>>, vector<16xf32>,
    %get3A_1024 = arith.constant 17 : i32
    %get3A_1025 = arith.index_cast %get3A_1024 : i32 to index
    %get3A_1026 = arith.constant 48 : index
    %get3A_1027 = tpu.vector_load %arg5[%get3A_1025, %get3A_1026] {strides = array<i32>} : memref<64x64xf32, #tpu.memory_space<vmem>>, vector<16xf32>,
    %mul3A_1028 = arith.mulf %get3A_1015, %get3A_1015 : vector<16xf32>
    %mul3A_1029 = arith.mulf %get3A_1019, %get3A_1019 : vector<16xf32>
    %add3A_1030 = arith.addf %mul3A_1028, %mul3A_1029 : vector<16xf32>
    %mul3A_1031 = arith.mulf %get3A_1023, %get3A_1023 : vector<16xf32>
    %add3A_1032 = arith.addf %add3A_1030, %mul3A_1031 : vector<16xf32>
    %mul3A_1033 = arith.mulf %get3A_1027, %get3A_1027 : vector<16xf32>
    %add3A_1034 = arith.addf %add3A_1032, %mul3A_1033 : vector<16xf32>
    %reduce_sum3A_1035 = arith.constant true
    %reduce_sum3A_1036 = vector.broadcast %reduce_sum3A_1035 : i1 to vector<16xi1>
    %reduce_sum3A_1037 = tpu.scan <sum>, %add3A_1034 masked %reduce_sum3A_1036 : vector<16xf32>, vector<16xi1> -> vector<16xf32>
    %reduce_sum3A_1038 = vector.extract %reduce_sum3A_1037[15] : f32 from vector<16xf32>
    %eq3A_1039 = arith.constant 0 : i32
    %eq3A_1040 = vector.broadcast %eq3A_1039 : i32 to vector<16xi32>
    %eq3A_1041 = arith.cmpi eq, %iota3A, %eq3A_1040 : vector<16xi32>
    %eq3A_1042 = arith.constant 1 : i32
    %eq3A_1043 = vector.broadcast %eq3A_1042 : i32 to vector<16xi32>
    %eq3A_1044 = arith.cmpi eq, %iota3A, %eq3A_1043 : vector<16xi32>
    %jit3A_1045 = arith.constant 1.000000e+00 : f32
    %jit3A_1046 = arith.constant 0.000000e+00 : f32
    %broadcast_in_dim3A_1047 = vector.broadcast %jit3A_1045 : f32 to vector<16xf32>
    %broadcast_in_dim3A_1048 = vector.broadcast %jit3A_1046 : f32 to vector<16xf32>
    %select_n3A_1049 = arith.select %eq3A_1044, %broadcast_in_dim3A_1047, %broadcast_in_dim3A_1048 : vector<16xi1>, vector<16xf32>
    %broadcast_in_dim3A_1050 = vector.broadcast %reduce_sum3A_1038 : f32 to vector<16xf32>
    %select_n3A_1051 = arith.select %eq3A_1041, %broadcast_in_dim3A_1050, %select_n3A_1049 : vector<16xi1>, vector<16xf32>
    %add3A_1052 = arith.constant 0 : i32
    %add3A_1053 = vector.broadcast %add3A_1052 : i32 to vector<16xi32>
    %add3A_1054 = arith.addi %add3A_1053, %iota3A : vector<16xi32>
    tpu.vector_store_idx %arg7[%gather3A_1011, %add3A_1054], %get3A_1015 {add = true} : memref<128x80xf32, #tpu.memory_space<vmem>>[vector<16xi32>, vector<16xi32>], vector<16xf32>,
    %add3A_1055 = arith.constant 16 : i32
    %add3A_1056 = vector.broadcast %add3A_1055 : i32 to vector<16xi32>
    %add3A_1057 = arith.addi %add3A_1056, %iota3A : vector<16xi32>
    tpu.vector_store_idx %arg7[%gather3A_1011, %add3A_1057], %get3A_1019 {add = true} : memref<128x80xf32, #tpu.memory_space<vmem>>[vector<16xi32>, vector<16xi32>], vector<16xf32>,
    %add3A_1058 = arith.constant 32 : i32
    %add3A_1059 = vector.broadcast %add3A_1058 : i32 to vector<16xi32>
    %add3A_1060 = arith.addi %add3A_1059, %iota3A : vector<16xi32>
    tpu.vector_store_idx %arg7[%gather3A_1011, %add3A_1060], %get3A_1023 {add = true} : memref<128x80xf32, #tpu.memory_space<vmem>>[vector<16xi32>, vector<16xi32>], vector<16xf32>,
    %add3A_1061 = arith.constant 48 : i32
    %add3A_1062 = vector.broadcast %add3A_1061 : i32 to vector<16xi32>
    %add3A_1063 = arith.addi %add3A_1062, %iota3A : vector<16xi32>
    tpu.vector_store_idx %arg7[%gather3A_1011, %add3A_1063], %get3A_1027 {add = true} : memref<128x80xf32, #tpu.memory_space<vmem>>[vector<16xi32>, vector<16xi32>], vector<16xf32>,
    %add3A_1064 = arith.constant 64 : i32
    %add3A_1065 = vector.broadcast %add3A_1064 : i32 to vector<16xi32>
    %add3A_1066 = arith.addi %add3A_1065, %iota3A : vector<16xi32>
    tpu.vector_store_idx %arg7[%gather3A_1011, %add3A_1066], %select_n3A_1051 {add = true} : memref<128x80xf32, #tpu.memory_space<vmem>>[vector<16xi32>, vector<16xi32>], vector<16xf32>,
    %broadcast_in_dim3A_1067 = arith.constant 2 : i32
    %broadcast_in_dim3A_1068 = vector.broadcast %broadcast_in_dim3A_1067 : i32 to vector<16x1xi32>
    %gather3A_1069 = vector.shape_cast %broadcast_in_dim3A_1068 : vector<16x1xi32> to vector<16xi32>
    %gather3A_1070 = tpu.dynamic_gather %get3A_948[%gather3A_1069] in [0] : vector<16xi32>, vector<16xi32> -> vector<16xi32>
    %get3A_1071 = arith.constant 18 : i32
    %get3A_1072 = arith.index_cast %get3A_1071 : i32 to index
    %get3A_1073 = arith.constant 0 : index
    %get3A_1074 = tpu.vector_load %arg5[%get3A_1072, %get3A_1073] {strides = array<i32>} : memref<64x64xf32, #tpu.memory_space<vmem>>, vector<16xf32>,
    %get3A_1075 = arith.constant 18 : i32
    %get3A_1076 = arith.index_cast %get3A_1075 : i32 to index
    %get3A_1077 = arith.constant 16 : index
    %get3A_1078 = tpu.vector_load %arg5[%get3A_1076, %get3A_1077] {strides = array<i32>} : memref<64x64xf32, #tpu.memory_space<vmem>>, vector<16xf32>,
    %get3A_1079 = arith.constant 18 : i32
    %get3A_1080 = arith.index_cast %get3A_1079 : i32 to index
    %get3A_1081 = arith.constant 32 : index
    %get3A_1082 = tpu.vector_load %arg5[%get3A_1080, %get3A_1081] {strides = array<i32>} : memref<64x64xf32, #tpu.memory_space<vmem>>, vector<16xf32>,
    %get3A_1083 = arith.constant 18 : i32
    %get3A_1084 = arith.index_cast %get3A_1083 : i32 to index
    %get3A_1085 = arith.constant 48 : index
    %get3A_1086 = tpu.vector_load %arg5[%get3A_1084, %get3A_1085] {strides = array<i32>} : memref<64x64xf32, #tpu.memory_space<vmem>>, vector<16xf32>,
    %mul3A_1087 = arith.mulf %get3A_1074, %get3A_1074 : vector<16xf32>
    %mul3A_1088 = arith.mulf %get3A_1078, %get3A_1078 : vector<16xf32>
    %add3A_1089 = arith.addf %mul3A_1087, %mul3A_1088 : vector<16xf32>
    %mul3A_1090 = arith.mulf %get3A_1082, %get3A_1082 : vector<16xf32>
    %add3A_1091 = arith.addf %add3A_1089, %mul3A_1090 : vector<16xf32>
    %mul3A_1092 = arith.mulf %get3A_1086, %get3A_1086 : vector<16xf32>
    %add3A_1093 = arith.addf %add3A_1091, %mul3A_1092 : vector<16xf32>
    %reduce_sum3A_1094 = arith.constant true
    %reduce_sum3A_1095 = vector.broadcast %reduce_sum3A_1094 : i1 to vector<16xi1>
    %reduce_sum3A_1096 = tpu.scan <sum>, %add3A_1093 masked %reduce_sum3A_1095 : vector<16xf32>, vector<16xi1> -> vector<16xf32>
    %reduce_sum3A_1097 = vector.extract %reduce_sum3A_1096[15] : f32 from vector<16xf32>
    %eq3A_1098 = arith.constant 0 : i32
    %eq3A_1099 = vector.broadcast %eq3A_1098 : i32 to vector<16xi32>
    %eq3A_1100 = arith.cmpi eq, %iota3A, %eq3A_1099 : vector<16xi32>
    %eq3A_1101 = arith.constant 1 : i32
    %eq3A_1102 = vector.broadcast %eq3A_1101 : i32 to vector<16xi32>
    %eq3A_1103 = arith.cmpi eq, %iota3A, %eq3A_1102 : vector<16xi32>
    %jit3A_1104 = arith.constant 1.000000e+00 : f32
    %jit3A_1105 = arith.constant 0.000000e+00 : f32
    %broadcast_in_dim3A_1106 = vector.broadcast %jit3A_1104 : f32 to vector<16xf32>
    %broadcast_in_dim3A_1107 = vector.broadcast %jit3A_1105 : f32 to vector<16xf32>
    %select_n3A_1108 = arith.select %eq3A_1103, %broadcast_in_dim3A_1106, %broadcast_in_dim3A_1107 : vector<16xi1>, vector<16xf32>
    %broadcast_in_dim3A_1109 = vector.broadcast %reduce_sum3A_1097 : f32 to vector<16xf32>
    %select_n3A_1110 = arith.select %eq3A_1100, %broadcast_in_dim3A_1109, %select_n3A_1108 : vector<16xi1>, vector<16xf32>
    %add3A_1111 = arith.constant 0 : i32
    %add3A_1112 = vector.broadcast %add3A_1111 : i32 to vector<16xi32>
    %add3A_1113 = arith.addi %add3A_1112, %iota3A : vector<16xi32>
    tpu.vector_store_idx %arg7[%gather3A_1070, %add3A_1113], %get3A_1074 {add = true} : memref<128x80xf32, #tpu.memory_space<vmem>>[vector<16xi32>, vector<16xi32>], vector<16xf32>,
    %add3A_1114 = arith.constant 16 : i32
    %add3A_1115 = vector.broadcast %add3A_1114 : i32 to vector<16xi32>
    %add3A_1116 = arith.addi %add3A_1115, %iota3A : vector<16xi32>
    tpu.vector_store_idx %arg7[%gather3A_1070, %add3A_1116], %get3A_1078 {add = true} : memref<128x80xf32, #tpu.memory_space<vmem>>[vector<16xi32>, vector<16xi32>], vector<16xf32>,
    %add3A_1117 = arith.constant 32 : i32
    %add3A_1118 = vector.broadcast %add3A_1117 : i32 to vector<16xi32>
    %add3A_1119 = arith.addi %add3A_1118, %iota3A : vector<16xi32>
    tpu.vector_store_idx %arg7[%gather3A_1070, %add3A_1119], %get3A_1082 {add = true} : memref<128x80xf32, #tpu.memory_space<vmem>>[vector<16xi32>, vector<16xi32>], vector<16xf32>,
    %add3A_1120 = arith.constant 48 : i32
    %add3A_1121 = vector.broadcast %add3A_1120 : i32 to vector<16xi32>
    %add3A_1122 = arith.addi %add3A_1121, %iota3A : vector<16xi32>
    tpu.vector_store_idx %arg7[%gather3A_1070, %add3A_1122], %get3A_1086 {add = true} : memref<128x80xf32, #tpu.memory_space<vmem>>[vector<16xi32>, vector<16xi32>], vector<16xf32>,
    %add3A_1123 = arith.constant 64 : i32
    %add3A_1124 = vector.broadcast %add3A_1123 : i32 to vector<16xi32>
    %add3A_1125 = arith.addi %add3A_1124, %iota3A : vector<16xi32>
    tpu.vector_store_idx %arg7[%gather3A_1070, %add3A_1125], %select_n3A_1110 {add = true} : memref<128x80xf32, #tpu.memory_space<vmem>>[vector<16xi32>, vector<16xi32>], vector<16xf32>,
    %broadcast_in_dim3A_1126 = arith.constant 3 : i32
    %broadcast_in_dim3A_1127 = vector.broadcast %broadcast_in_dim3A_1126 : i32 to vector<16x1xi32>
    %gather3A_1128 = vector.shape_cast %broadcast_in_dim3A_1127 : vector<16x1xi32> to vector<16xi32>
    %gather3A_1129 = tpu.dynamic_gather %get3A_948[%gather3A_1128] in [0] : vector<16xi32>, vector<16xi32> -> vector<16xi32>
    %get3A_1130 = arith.constant 19 : i32
    %get3A_1131 = arith.index_cast %get3A_1130 : i32 to index
    %get3A_1132 = arith.constant 0 : index
    %get3A_1133 = tpu.vector_load %arg5[%get3A_1131, %get3A_1132] {strides = array<i32>} : memref<64x64xf32, #tpu.memory_space<vmem>>, vector<16xf32>,
    %get3A_1134 = arith.constant 19 : i32
    %get3A_1135 = arith.index_cast %get3A_1134 : i32 to index
    %get3A_1136 = arith.constant 16 : index
    %get3A_1137 = tpu.vector_load %arg5[%get3A_1135, %get3A_1136] {strides = array<i32>} : memref<64x64xf32, #tpu.memory_space<vmem>>, vector<16xf32>,
    %get3A_1138 = arith.constant 19 : i32
    %get3A_1139 = arith.index_cast %get3A_1138 : i32 to index
    %get3A_1140 = arith.constant 32 : index
    %get3A_1141 = tpu.vector_load %arg5[%get3A_1139, %get3A_1140] {strides = array<i32>} : memref<64x64xf32, #tpu.memory_space<vmem>>, vector<16xf32>,
    %get3A_1142 = arith.constant 19 : i32
    %get3A_1143 = arith.index_cast %get3A_1142 : i32 to index
    %get3A_1144 = arith.constant 48 : index
    %get3A_1145 = tpu.vector_load %arg5[%get3A_1143, %get3A_1144] {strides = array<i32>} : memref<64x64xf32, #tpu.memory_space<vmem>>, vector<16xf32>,
    %mul3A_1146 = arith.mulf %get3A_1133, %get3A_1133 : vector<16xf32>
    %mul3A_1147 = arith.mulf %get3A_1137, %get3A_1137 : vector<16xf32>
    %add3A_1148 = arith.addf %mul3A_1146, %mul3A_1147 : vector<16xf32>
    %mul3A_1149 = arith.mulf %get3A_1141, %get3A_1141 : vector<16xf32>
    %add3A_1150 = arith.addf %add3A_1148, %mul3A_1149 : vector<16xf32>
    %mul3A_1151 = arith.mulf %get3A_1145, %get3A_1145 : vector<16xf32>
    %add3A_1152 = arith.addf %add3A_1150, %mul3A_1151 : vector<16xf32>
    %reduce_sum3A_1153 = arith.constant true
    %reduce_sum3A_1154 = vector.broadcast %reduce_sum3A_1153 : i1 to vector<16xi1>
    %reduce_sum3A_1155 = tpu.scan <sum>, %add3A_1152 masked %reduce_sum3A_1154 : vector<16xf32>, vector<16xi1> -> vector<16xf32>
    %reduce_sum3A_1156 = vector.extract %reduce_sum3A_1155[15] : f32 from vector<16xf32>
    %eq3A_1157 = arith.constant 0 : i32
    %eq3A_1158 = vector.broadcast %eq3A_1157 : i32 to vector<16xi32>
    %eq3A_1159 = arith.cmpi eq, %iota3A, %eq3A_1158 : vector<16xi32>
    %eq3A_1160 = arith.constant 1 : i32
    %eq3A_1161 = vector.broadcast %eq3A_1160 : i32 to vector<16xi32>
    %eq3A_1162 = arith.cmpi eq, %iota3A, %eq3A_1161 : vector<16xi32>
    %jit3A_1163 = arith.constant 1.000000e+00 : f32
    %jit3A_1164 = arith.constant 0.000000e+00 : f32
    %broadcast_in_dim3A_1165 = vector.broadcast %jit3A_1163 : f32 to vector<16xf32>
    %broadcast_in_dim3A_1166 = vector.broadcast %jit3A_1164 : f32 to vector<16xf32>
    %select_n3A_1167 = arith.select %eq3A_1162, %broadcast_in_dim3A_1165, %broadcast_in_dim3A_1166 : vector<16xi1>, vector<16xf32>
    %broadcast_in_dim3A_1168 = vector.broadcast %reduce_sum3A_1156 : f32 to vector<16xf32>
    %select_n3A_1169 = arith.select %eq3A_1159, %broadcast_in_dim3A_1168, %select_n3A_1167 : vector<16xi1>, vector<16xf32>
    %add3A_1170 = arith.constant 0 : i32
    %add3A_1171 = vector.broadcast %add3A_1170 : i32 to vector<16xi32>
    %add3A_1172 = arith.addi %add3A_1171, %iota3A : vector<16xi32>
    tpu.vector_store_idx %arg7[%gather3A_1129, %add3A_1172], %get3A_1133 {add = true} : memref<128x80xf32, #tpu.memory_space<vmem>>[vector<16xi32>, vector<16xi32>], vector<16xf32>,
    %add3A_1173 = arith.constant 16 : i32
    %add3A_1174 = vector.broadcast %add3A_1173 : i32 to vector<16xi32>
    %add3A_1175 = arith.addi %add3A_1174, %iota3A : vector<16xi32>
    tpu.vector_store_idx %arg7[%gather3A_1129, %add3A_1175], %get3A_1137 {add = true} : memref<128x80xf32, #tpu.memory_space<vmem>>[vector<16xi32>, vector<16xi32>], vector<16xf32>,
    %add3A_1176 = arith.constant 32 : i32
    %add3A_1177 = vector.broadcast %add3A_1176 : i32 to vector<16xi32>
    %add3A_1178 = arith.addi %add3A_1177, %iota3A : vector<16xi32>
    tpu.vector_store_idx %arg7[%gather3A_1129, %add3A_1178], %get3A_1141 {add = true} : memref<128x80xf32, #tpu.memory_space<vmem>>[vector<16xi32>, vector<16xi32>], vector<16xf32>,
    %add3A_1179 = arith.constant 48 : i32
    %add3A_1180 = vector.broadcast %add3A_1179 : i32 to vector<16xi32>
    %add3A_1181 = arith.addi %add3A_1180, %iota3A : vector<16xi32>
    tpu.vector_store_idx %arg7[%gather3A_1129, %add3A_1181], %get3A_1145 {add = true} : memref<128x80xf32, #tpu.memory_space<vmem>>[vector<16xi32>, vector<16xi32>], vector<16xf32>,
    %add3A_1182 = arith.constant 64 : i32
    %add3A_1183 = vector.broadcast %add3A_1182 : i32 to vector<16xi32>
    %add3A_1184 = arith.addi %add3A_1183, %iota3A : vector<16xi32>
    tpu.vector_store_idx %arg7[%gather3A_1129, %add3A_1184], %select_n3A_1169 {add = true} : memref<128x80xf32, #tpu.memory_space<vmem>>[vector<16xi32>, vector<16xi32>], vector<16xf32>,
    %broadcast_in_dim3A_1185 = arith.constant 4 : i32
    %broadcast_in_dim3A_1186 = vector.broadcast %broadcast_in_dim3A_1185 : i32 to vector<16x1xi32>
    %gather3A_1187 = vector.shape_cast %broadcast_in_dim3A_1186 : vector<16x1xi32> to vector<16xi32>
    %gather3A_1188 = tpu.dynamic_gather %get3A_948[%gather3A_1187] in [0] : vector<16xi32>, vector<16xi32> -> vector<16xi32>
    %get3A_1189 = arith.constant 20 : i32
    %get3A_1190 = arith.index_cast %get3A_1189 : i32 to index
    %get3A_1191 = arith.constant 0 : index
    %get3A_1192 = tpu.vector_load %arg5[%get3A_1190, %get3A_1191] {strides = array<i32>} : memref<64x64xf32, #tpu.memory_space<vmem>>, vector<16xf32>,
    %get3A_1193 = arith.constant 20 : i32
    %get3A_1194 = arith.index_cast %get3A_1193 : i32 to index
    %get3A_1195 = arith.constant 16 : index
    %get3A_1196 = tpu.vector_load %arg5[%get3A_1194, %get3A_1195] {strides = array<i32>} : memref<64x64xf32, #tpu.memory_space<vmem>>, vector<16xf32>,
    %get3A_1197 = arith.constant 20 : i32
    %get3A_1198 = arith.index_cast %get3A_1197 : i32 to index
    %get3A_1199 = arith.constant 32 : index
    %get3A_1200 = tpu.vector_load %arg5[%get3A_1198, %get3A_1199] {strides = array<i32>} : memref<64x64xf32, #tpu.memory_space<vmem>>, vector<16xf32>,
    %get3A_1201 = arith.constant 20 : i32
    %get3A_1202 = arith.index_cast %get3A_1201 : i32 to index
    %get3A_1203 = arith.constant 48 : index
    %get3A_1204 = tpu.vector_load %arg5[%get3A_1202, %get3A_1203] {strides = array<i32>} : memref<64x64xf32, #tpu.memory_space<vmem>>, vector<16xf32>,
    %mul3A_1205 = arith.mulf %get3A_1192, %get3A_1192 : vector<16xf32>
    %mul3A_1206 = arith.mulf %get3A_1196, %get3A_1196 : vector<16xf32>
    %add3A_1207 = arith.addf %mul3A_1205, %mul3A_1206 : vector<16xf32>
    %mul3A_1208 = arith.mulf %get3A_1200, %get3A_1200 : vector<16xf32>
    %add3A_1209 = arith.addf %add3A_1207, %mul3A_1208 : vector<16xf32>
    %mul3A_1210 = arith.mulf %get3A_1204, %get3A_1204 : vector<16xf32>
    %add3A_1211 = arith.addf %add3A_1209, %mul3A_1210 : vector<16xf32>
    %reduce_sum3A_1212 = arith.constant true
    %reduce_sum3A_1213 = vector.broadcast %reduce_sum3A_1212 : i1 to vector<16xi1>
    %reduce_sum3A_1214 = tpu.scan <sum>, %add3A_1211 masked %reduce_sum3A_1213 : vector<16xf32>, vector<16xi1> -> vector<16xf32>
    %reduce_sum3A_1215 = vector.extract %reduce_sum3A_1214[15] : f32 from vector<16xf32>
    %eq3A_1216 = arith.constant 0 : i32
    %eq3A_1217 = vector.broadcast %eq3A_1216 : i32 to vector<16xi32>
    %eq3A_1218 = arith.cmpi eq, %iota3A, %eq3A_1217 : vector<16xi32>
    %eq3A_1219 = arith.constant 1 : i32
    %eq3A_1220 = vector.broadcast %eq3A_1219 : i32 to vector<16xi32>
    %eq3A_1221 = arith.cmpi eq, %iota3A, %eq3A_1220 : vector<16xi32>
    %jit3A_1222 = arith.constant 1.000000e+00 : f32
    %jit3A_1223 = arith.constant 0.000000e+00 : f32
    %broadcast_in_dim3A_1224 = vector.broadcast %jit3A_1222 : f32 to vector<16xf32>
    %broadcast_in_dim3A_1225 = vector.broadcast %jit3A_1223 : f32 to vector<16xf32>
    %select_n3A_1226 = arith.select %eq3A_1221, %broadcast_in_dim3A_1224, %broadcast_in_dim3A_1225 : vector<16xi1>, vector<16xf32>
    %broadcast_in_dim3A_1227 = vector.broadcast %reduce_sum3A_1215 : f32 to vector<16xf32>
    %select_n3A_1228 = arith.select %eq3A_1218, %broadcast_in_dim3A_1227, %select_n3A_1226 : vector<16xi1>, vector<16xf32>
    %add3A_1229 = arith.constant 0 : i32
    %add3A_1230 = vector.broadcast %add3A_1229 : i32 to vector<16xi32>
    %add3A_1231 = arith.addi %add3A_1230, %iota3A : vector<16xi32>
    tpu.vector_store_idx %arg7[%gather3A_1188, %add3A_1231], %get3A_1192 {add = true} : memref<128x80xf32, #tpu.memory_space<vmem>>[vector<16xi32>, vector<16xi32>], vector<16xf32>,
    %add3A_1232 = arith.constant 16 : i32
    %add3A_1233 = vector.broadcast %add3A_1232 : i32 to vector<16xi32>
    %add3A_1234 = arith.addi %add3A_1233, %iota3A : vector<16xi32>
    tpu.vector_store_idx %arg7[%gather3A_1188, %add3A_1234], %get3A_1196 {add = true} : memref<128x80xf32, #tpu.memory_space<vmem>>[vector<16xi32>, vector<16xi32>], vector<16xf32>,
    %add3A_1235 = arith.constant 32 : i32
    %add3A_1236 = vector.broadcast %add3A_1235 : i32 to vector<16xi32>
    %add3A_1237 = arith.addi %add3A_1236, %iota3A : vector<16xi32>
    tpu.vector_store_idx %arg7[%gather3A_1188, %add3A_1237], %get3A_1200 {add = true} : memref<128x80xf32, #tpu.memory_space<vmem>>[vector<16xi32>, vector<16xi32>], vector<16xf32>,
    %add3A_1238 = arith.constant 48 : i32
    %add3A_1239 = vector.broadcast %add3A_1238 : i32 to vector<16xi32>
    %add3A_1240 = arith.addi %add3A_1239, %iota3A : vector<16xi32>
    tpu.vector_store_idx %arg7[%gather3A_1188, %add3A_1240], %get3A_1204 {add = true} : memref<128x80xf32, #tpu.memory_space<vmem>>[vector<16xi32>, vector<16xi32>], vector<16xf32>,
    %add3A_1241 = arith.constant 64 : i32
    %add3A_1242 = vector.broadcast %add3A_1241 : i32 to vector<16xi32>
    %add3A_1243 = arith.addi %add3A_1242, %iota3A : vector<16xi32>
    tpu.vector_store_idx %arg7[%gather3A_1188, %add3A_1243], %select_n3A_1228 {add = true} : memref<128x80xf32, #tpu.memory_space<vmem>>[vector<16xi32>, vector<16xi32>], vector<16xf32>,
    %broadcast_in_dim3A_1244 = arith.constant 5 : i32
    %broadcast_in_dim3A_1245 = vector.broadcast %broadcast_in_dim3A_1244 : i32 to vector<16x1xi32>
    %gather3A_1246 = vector.shape_cast %broadcast_in_dim3A_1245 : vector<16x1xi32> to vector<16xi32>
    %gather3A_1247 = tpu.dynamic_gather %get3A_948[%gather3A_1246] in [0] : vector<16xi32>, vector<16xi32> -> vector<16xi32>
    %get3A_1248 = arith.constant 21 : i32
    %get3A_1249 = arith.index_cast %get3A_1248 : i32 to index
    %get3A_1250 = arith.constant 0 : index
    %get3A_1251 = tpu.vector_load %arg5[%get3A_1249, %get3A_1250] {strides = array<i32>} : memref<64x64xf32, #tpu.memory_space<vmem>>, vector<16xf32>,
    %get3A_1252 = arith.constant 21 : i32
    %get3A_1253 = arith.index_cast %get3A_1252 : i32 to index
    %get3A_1254 = arith.constant 16 : index
    %get3A_1255 = tpu.vector_load %arg5[%get3A_1253, %get3A_1254] {strides = array<i32>} : memref<64x64xf32, #tpu.memory_space<vmem>>, vector<16xf32>,
    %get3A_1256 = arith.constant 21 : i32
    %get3A_1257 = arith.index_cast %get3A_1256 : i32 to index
    %get3A_1258 = arith.constant 32 : index
    %get3A_1259 = tpu.vector_load %arg5[%get3A_1257, %get3A_1258] {strides = array<i32>} : memref<64x64xf32, #tpu.memory_space<vmem>>, vector<16xf32>,
    %get3A_1260 = arith.constant 21 : i32
    %get3A_1261 = arith.index_cast %get3A_1260 : i32 to index
    %get3A_1262 = arith.constant 48 : index
    %get3A_1263 = tpu.vector_load %arg5[%get3A_1261, %get3A_1262] {strides = array<i32>} : memref<64x64xf32, #tpu.memory_space<vmem>>, vector<16xf32>,
    %mul3A_1264 = arith.mulf %get3A_1251, %get3A_1251 : vector<16xf32>
    %mul3A_1265 = arith.mulf %get3A_1255, %get3A_1255 : vector<16xf32>
    %add3A_1266 = arith.addf %mul3A_1264, %mul3A_1265 : vector<16xf32>
    %mul3A_1267 = arith.mulf %get3A_1259, %get3A_1259 : vector<16xf32>
    %add3A_1268 = arith.addf %add3A_1266, %mul3A_1267 : vector<16xf32>
    %mul3A_1269 = arith.mulf %get3A_1263, %get3A_1263 : vector<16xf32>
    %add3A_1270 = arith.addf %add3A_1268, %mul3A_1269 : vector<16xf32>
    %reduce_sum3A_1271 = arith.constant true
    %reduce_sum3A_1272 = vector.broadcast %reduce_sum3A_1271 : i1 to vector<16xi1>
    %reduce_sum3A_1273 = tpu.scan <sum>, %add3A_1270 masked %reduce_sum3A_1272 : vector<16xf32>, vector<16xi1> -> vector<16xf32>
    %reduce_sum3A_1274 = vector.extract %reduce_sum3A_1273[15] : f32 from vector<16xf32>
    %eq3A_1275 = arith.constant 0 : i32
    %eq3A_1276 = vector.broadcast %eq3A_1275 : i32 to vector<16xi32>
    %eq3A_1277 = arith.cmpi eq, %iota3A, %eq3A_1276 : vector<16xi32>
    %eq3A_1278 = arith.constant 1 : i32
    %eq3A_1279 = vector.broadcast %eq3A_1278 : i32 to vector<16xi32>
    %eq3A_1280 = arith.cmpi eq, %iota3A, %eq3A_1279 : vector<16xi32>
    %jit3A_1281 = arith.constant 1.000000e+00 : f32
    %jit3A_1282 = arith.constant 0.000000e+00 : f32
    %broadcast_in_dim3A_1283 = vector.broadcast %jit3A_1281 : f32 to vector<16xf32>
    %broadcast_in_dim3A_1284 = vector.broadcast %jit3A_1282 : f32 to vector<16xf32>
    %select_n3A_1285 = arith.select %eq3A_1280, %broadcast_in_dim3A_1283, %broadcast_in_dim3A_1284 : vector<16xi1>, vector<16xf32>
    %broadcast_in_dim3A_1286 = vector.broadcast %reduce_sum3A_1274 : f32 to vector<16xf32>
    %select_n3A_1287 = arith.select %eq3A_1277, %broadcast_in_dim3A_1286, %select_n3A_1285 : vector<16xi1>, vector<16xf32>
    %add3A_1288 = arith.constant 0 : i32
    %add3A_1289 = vector.broadcast %add3A_1288 : i32 to vector<16xi32>
    %add3A_1290 = arith.addi %add3A_1289, %iota3A : vector<16xi32>
    tpu.vector_store_idx %arg7[%gather3A_1247, %add3A_1290], %get3A_1251 {add = true} : memref<128x80xf32, #tpu.memory_space<vmem>>[vector<16xi32>, vector<16xi32>], vector<16xf32>,
    %add3A_1291 = arith.constant 16 : i32
    %add3A_1292 = vector.broadcast %add3A_1291 : i32 to vector<16xi32>
    %add3A_1293 = arith.addi %add3A_1292, %iota3A : vector<16xi32>
    tpu.vector_store_idx %arg7[%gather3A_1247, %add3A_1293], %get3A_1255 {add = true} : memref<128x80xf32, #tpu.memory_space<vmem>>[vector<16xi32>, vector<16xi32>], vector<16xf32>,
    %add3A_1294 = arith.constant 32 : i32
    %add3A_1295 = vector.broadcast %add3A_1294 : i32 to vector<16xi32>
    %add3A_1296 = arith.addi %add3A_1295, %iota3A : vector<16xi32>
    tpu.vector_store_idx %arg7[%gather3A_1247, %add3A_1296], %get3A_1259 {add = true} : memref<128x80xf32, #tpu.memory_space<vmem>>[vector<16xi32>, vector<16xi32>], vector<16xf32>,
    %add3A_1297 = arith.constant 48 : i32
    %add3A_1298 = vector.broadcast %add3A_1297 : i32 to vector<16xi32>
    %add3A_1299 = arith.addi %add3A_1298, %iota3A : vector<16xi32>
    tpu.vector_store_idx %arg7[%gather3A_1247, %add3A_1299], %get3A_1263 {add = true} : memref<128x80xf32, #tpu.memory_space<vmem>>[vector<16xi32>, vector<16xi32>], vector<16xf32>,
    %add3A_1300 = arith.constant 64 : i32
    %add3A_1301 = vector.broadcast %add3A_1300 : i32 to vector<16xi32>
    %add3A_1302 = arith.addi %add3A_1301, %iota3A : vector<16xi32>
    tpu.vector_store_idx %arg7[%gather3A_1247, %add3A_1302], %select_n3A_1287 {add = true} : memref<128x80xf32, #tpu.memory_space<vmem>>[vector<16xi32>, vector<16xi32>], vector<16xf32>,
    %broadcast_in_dim3A_1303 = arith.constant 6 : i32
    %broadcast_in_dim3A_1304 = vector.broadcast %broadcast_in_dim3A_1303 : i32 to vector<16x1xi32>
    %gather3A_1305 = vector.shape_cast %broadcast_in_dim3A_1304 : vector<16x1xi32> to vector<16xi32>
    %gather3A_1306 = tpu.dynamic_gather %get3A_948[%gather3A_1305] in [0] : vector<16xi32>, vector<16xi32> -> vector<16xi32>
    %get3A_1307 = arith.constant 22 : i32
    %get3A_1308 = arith.index_cast %get3A_1307 : i32 to index
    %get3A_1309 = arith.constant 0 : index
    %get3A_1310 = tpu.vector_load %arg5[%get3A_1308, %get3A_1309] {strides = array<i32>} : memref<64x64xf32, #tpu.memory_space<vmem>>, vector<16xf32>,
    %get3A_1311 = arith.constant 22 : i32
    %get3A_1312 = arith.index_cast %get3A_1311 : i32 to index
    %get3A_1313 = arith.constant 16 : index
    %get3A_1314 = tpu.vector_load %arg5[%get3A_1312, %get3A_1313] {strides = array<i32>} : memref<64x64xf32, #tpu.memory_space<vmem>>, vector<16xf32>,
    %get3A_1315 = arith.constant 22 : i32
    %get3A_1316 = arith.index_cast %get3A_1315 : i32 to index
    %get3A_1317 = arith.constant 32 : index
    %get3A_1318 = tpu.vector_load %arg5[%get3A_1316, %get3A_1317] {strides = array<i32>} : memref<64x64xf32, #tpu.memory_space<vmem>>, vector<16xf32>,
    %get3A_1319 = arith.constant 22 : i32
    %get3A_1320 = arith.index_cast %get3A_1319 : i32 to index
    %get3A_1321 = arith.constant 48 : index
    %get3A_1322 = tpu.vector_load %arg5[%get3A_1320, %get3A_1321] {strides = array<i32>} : memref<64x64xf32, #tpu.memory_space<vmem>>, vector<16xf32>,
    %mul3A_1323 = arith.mulf %get3A_1310, %get3A_1310 : vector<16xf32>
    %mul3A_1324 = arith.mulf %get3A_1314, %get3A_1314 : vector<16xf32>
    %add3A_1325 = arith.addf %mul3A_1323, %mul3A_1324 : vector<16xf32>
    %mul3A_1326 = arith.mulf %get3A_1318, %get3A_1318 : vector<16xf32>
    %add3A_1327 = arith.addf %add3A_1325, %mul3A_1326 : vector<16xf32>
    %mul3A_1328 = arith.mulf %get3A_1322, %get3A_1322 : vector<16xf32>
    %add3A_1329 = arith.addf %add3A_1327, %mul3A_1328 : vector<16xf32>
    %reduce_sum3A_1330 = arith.constant true
    %reduce_sum3A_1331 = vector.broadcast %reduce_sum3A_1330 : i1 to vector<16xi1>
    %reduce_sum3A_1332 = tpu.scan <sum>, %add3A_1329 masked %reduce_sum3A_1331 : vector<16xf32>, vector<16xi1> -> vector<16xf32>
    %reduce_sum3A_1333 = vector.extract %reduce_sum3A_1332[15] : f32 from vector<16xf32>
    %eq3A_1334 = arith.constant 0 : i32
    %eq3A_1335 = vector.broadcast %eq3A_1334 : i32 to vector<16xi32>
    %eq3A_1336 = arith.cmpi eq, %iota3A, %eq3A_1335 : vector<16xi32>
    %eq3A_1337 = arith.constant 1 : i32
    %eq3A_1338 = vector.broadcast %eq3A_1337 : i32 to vector<16xi32>
    %eq3A_1339 = arith.cmpi eq, %iota3A, %eq3A_1338 : vector<16xi32>
    %jit3A_1340 = arith.constant 1.000000e+00 : f32
    %jit3A_1341 = arith.constant 0.000000e+00 : f32
    %broadcast_in_dim3A_1342 = vector.broadcast %jit3A_1340 : f32 to vector<16xf32>
    %broadcast_in_dim3A_1343 = vector.broadcast %jit3A_1341 : f32 to vector<16xf32>
    %select_n3A_1344 = arith.select %eq3A_1339, %broadcast_in_dim3A_1342, %broadcast_in_dim3A_1343 : vector<16xi1>, vector<16xf32>
    %broadcast_in_dim3A_1345 = vector.broadcast %reduce_sum3A_1333 : f32 to vector<16xf32>
    %select_n3A_1346 = arith.select %eq3A_1336, %broadcast_in_dim3A_1345, %select_n3A_1344 : vector<16xi1>, vector<16xf32>
    %add3A_1347 = arith.constant 0 : i32
    %add3A_1348 = vector.broadcast %add3A_1347 : i32 to vector<16xi32>
    %add3A_1349 = arith.addi %add3A_1348, %iota3A : vector<16xi32>
    tpu.vector_store_idx %arg7[%gather3A_1306, %add3A_1349], %get3A_1310 {add = true} : memref<128x80xf32, #tpu.memory_space<vmem>>[vector<16xi32>, vector<16xi32>], vector<16xf32>,
    %add3A_1350 = arith.constant 16 : i32
    %add3A_1351 = vector.broadcast %add3A_1350 : i32 to vector<16xi32>
    %add3A_1352 = arith.addi %add3A_1351, %iota3A : vector<16xi32>
    tpu.vector_store_idx %arg7[%gather3A_1306, %add3A_1352], %get3A_1314 {add = true} : memref<128x80xf32, #tpu.memory_space<vmem>>[vector<16xi32>, vector<16xi32>], vector<16xf32>,
    %add3A_1353 = arith.constant 32 : i32
    %add3A_1354 = vector.broadcast %add3A_1353 : i32 to vector<16xi32>
    %add3A_1355 = arith.addi %add3A_1354, %iota3A : vector<16xi32>
    tpu.vector_store_idx %arg7[%gather3A_1306, %add3A_1355], %get3A_1318 {add = true} : memref<128x80xf32, #tpu.memory_space<vmem>>[vector<16xi32>, vector<16xi32>], vector<16xf32>,
    %add3A_1356 = arith.constant 48 : i32
    %add3A_1357 = vector.broadcast %add3A_1356 : i32 to vector<16xi32>
    %add3A_1358 = arith.addi %add3A_1357, %iota3A : vector<16xi32>
    tpu.vector_store_idx %arg7[%gather3A_1306, %add3A_1358], %get3A_1322 {add = true} : memref<128x80xf32, #tpu.memory_space<vmem>>[vector<16xi32>, vector<16xi32>], vector<16xf32>,
    %add3A_1359 = arith.constant 64 : i32
    %add3A_1360 = vector.broadcast %add3A_1359 : i32 to vector<16xi32>
    %add3A_1361 = arith.addi %add3A_1360, %iota3A : vector<16xi32>
    tpu.vector_store_idx %arg7[%gather3A_1306, %add3A_1361], %select_n3A_1346 {add = true} : memref<128x80xf32, #tpu.memory_space<vmem>>[vector<16xi32>, vector<16xi32>], vector<16xf32>,
    %broadcast_in_dim3A_1362 = arith.constant 7 : i32
    %broadcast_in_dim3A_1363 = vector.broadcast %broadcast_in_dim3A_1362 : i32 to vector<16x1xi32>
    %gather3A_1364 = vector.shape_cast %broadcast_in_dim3A_1363 : vector<16x1xi32> to vector<16xi32>
    %gather3A_1365 = tpu.dynamic_gather %get3A_948[%gather3A_1364] in [0] : vector<16xi32>, vector<16xi32> -> vector<16xi32>
    %get3A_1366 = arith.constant 23 : i32
    %get3A_1367 = arith.index_cast %get3A_1366 : i32 to index
    %get3A_1368 = arith.constant 0 : index
    %get3A_1369 = tpu.vector_load %arg5[%get3A_1367, %get3A_1368] {strides = array<i32>} : memref<64x64xf32, #tpu.memory_space<vmem>>, vector<16xf32>,
    %get3A_1370 = arith.constant 23 : i32
    %get3A_1371 = arith.index_cast %get3A_1370 : i32 to index
    %get3A_1372 = arith.constant 16 : index
    %get3A_1373 = tpu.vector_load %arg5[%get3A_1371, %get3A_1372] {strides = array<i32>} : memref<64x64xf32, #tpu.memory_space<vmem>>, vector<16xf32>,
    %get3A_1374 = arith.constant 23 : i32
    %get3A_1375 = arith.index_cast %get3A_1374 : i32 to index
    %get3A_1376 = arith.constant 32 : index
    %get3A_1377 = tpu.vector_load %arg5[%get3A_1375, %get3A_1376] {strides = array<i32>} : memref<64x64xf32, #tpu.memory_space<vmem>>, vector<16xf32>,
    %get3A_1378 = arith.constant 23 : i32
    %get3A_1379 = arith.index_cast %get3A_1378 : i32 to index
    %get3A_1380 = arith.constant 48 : index
    %get3A_1381 = tpu.vector_load %arg5[%get3A_1379, %get3A_1380] {strides = array<i32>} : memref<64x64xf32, #tpu.memory_space<vmem>>, vector<16xf32>,
    %mul3A_1382 = arith.mulf %get3A_1369, %get3A_1369 : vector<16xf32>
    %mul3A_1383 = arith.mulf %get3A_1373, %get3A_1373 : vector<16xf32>
    %add3A_1384 = arith.addf %mul3A_1382, %mul3A_1383 : vector<16xf32>
    %mul3A_1385 = arith.mulf %get3A_1377, %get3A_1377 : vector<16xf32>
    %add3A_1386 = arith.addf %add3A_1384, %mul3A_1385 : vector<16xf32>
    %mul3A_1387 = arith.mulf %get3A_1381, %get3A_1381 : vector<16xf32>
    %add3A_1388 = arith.addf %add3A_1386, %mul3A_1387 : vector<16xf32>
    %reduce_sum3A_1389 = arith.constant true
    %reduce_sum3A_1390 = vector.broadcast %reduce_sum3A_1389 : i1 to vector<16xi1>
    %reduce_sum3A_1391 = tpu.scan <sum>, %add3A_1388 masked %reduce_sum3A_1390 : vector<16xf32>, vector<16xi1> -> vector<16xf32>
    %reduce_sum3A_1392 = vector.extract %reduce_sum3A_1391[15] : f32 from vector<16xf32>
    %eq3A_1393 = arith.constant 0 : i32
    %eq3A_1394 = vector.broadcast %eq3A_1393 : i32 to vector<16xi32>
    %eq3A_1395 = arith.cmpi eq, %iota3A, %eq3A_1394 : vector<16xi32>
    %eq3A_1396 = arith.constant 1 : i32
    %eq3A_1397 = vector.broadcast %eq3A_1396 : i32 to vector<16xi32>
    %eq3A_1398 = arith.cmpi eq, %iota3A, %eq3A_1397 : vector<16xi32>
    %jit3A_1399 = arith.constant 1.000000e+00 : f32
    %jit3A_1400 = arith.constant 0.000000e+00 : f32
    %broadcast_in_dim3A_1401 = vector.broadcast %jit3A_1399 : f32 to vector<16xf32>
    %broadcast_in_dim3A_1402 = vector.broadcast %jit3A_1400 : f32 to vector<16xf32>
    %select_n3A_1403 = arith.select %eq3A_1398, %broadcast_in_dim3A_1401, %broadcast_in_dim3A_1402 : vector<16xi1>, vector<16xf32>
    %broadcast_in_dim3A_1404 = vector.broadcast %reduce_sum3A_1392 : f32 to vector<16xf32>
    %select_n3A_1405 = arith.select %eq3A_1395, %broadcast_in_dim3A_1404, %select_n3A_1403 : vector<16xi1>, vector<16xf32>
    %add3A_1406 = arith.constant 0 : i32
    %add3A_1407 = vector.broadcast %add3A_1406 : i32 to vector<16xi32>
    %add3A_1408 = arith.addi %add3A_1407, %iota3A : vector<16xi32>
    tpu.vector_store_idx %arg7[%gather3A_1365, %add3A_1408], %get3A_1369 {add = true} : memref<128x80xf32, #tpu.memory_space<vmem>>[vector<16xi32>, vector<16xi32>], vector<16xf32>,
    %add3A_1409 = arith.constant 16 : i32
    %add3A_1410 = vector.broadcast %add3A_1409 : i32 to vector<16xi32>
    %add3A_1411 = arith.addi %add3A_1410, %iota3A : vector<16xi32>
    tpu.vector_store_idx %arg7[%gather3A_1365, %add3A_1411], %get3A_1373 {add = true} : memref<128x80xf32, #tpu.memory_space<vmem>>[vector<16xi32>, vector<16xi32>], vector<16xf32>,
    %add3A_1412 = arith.constant 32 : i32
    %add3A_1413 = vector.broadcast %add3A_1412 : i32 to vector<16xi32>
    %add3A_1414 = arith.addi %add3A_1413, %iota3A : vector<16xi32>
    tpu.vector_store_idx %arg7[%gather3A_1365, %add3A_1414], %get3A_1377 {add = true} : memref<128x80xf32, #tpu.memory_space<vmem>>[vector<16xi32>, vector<16xi32>], vector<16xf32>,
    %add3A_1415 = arith.constant 48 : i32
    %add3A_1416 = vector.broadcast %add3A_1415 : i32 to vector<16xi32>
    %add3A_1417 = arith.addi %add3A_1416, %iota3A : vector<16xi32>
    tpu.vector_store_idx %arg7[%gather3A_1365, %add3A_1417], %get3A_1381 {add = true} : memref<128x80xf32, #tpu.memory_space<vmem>>[vector<16xi32>, vector<16xi32>], vector<16xf32>,
    %add3A_1418 = arith.constant 64 : i32
    %add3A_1419 = vector.broadcast %add3A_1418 : i32 to vector<16xi32>
    %add3A_1420 = arith.addi %add3A_1419, %iota3A : vector<16xi32>
    tpu.vector_store_idx %arg7[%gather3A_1365, %add3A_1420], %select_n3A_1405 {add = true} : memref<128x80xf32, #tpu.memory_space<vmem>>[vector<16xi32>, vector<16xi32>], vector<16xf32>,
    %broadcast_in_dim3A_1421 = arith.constant 8 : i32
    %broadcast_in_dim3A_1422 = vector.broadcast %broadcast_in_dim3A_1421 : i32 to vector<16x1xi32>
    %gather3A_1423 = vector.shape_cast %broadcast_in_dim3A_1422 : vector<16x1xi32> to vector<16xi32>
    %gather3A_1424 = tpu.dynamic_gather %get3A_948[%gather3A_1423] in [0] : vector<16xi32>, vector<16xi32> -> vector<16xi32>
    %get3A_1425 = arith.constant 24 : i32
    %get3A_1426 = arith.index_cast %get3A_1425 : i32 to index
    %get3A_1427 = arith.constant 0 : index
    %get3A_1428 = tpu.vector_load %arg5[%get3A_1426, %get3A_1427] {strides = array<i32>} : memref<64x64xf32, #tpu.memory_space<vmem>>, vector<16xf32>,
    %get3A_1429 = arith.constant 24 : i32
    %get3A_1430 = arith.index_cast %get3A_1429 : i32 to index
    %get3A_1431 = arith.constant 16 : index
    %get3A_1432 = tpu.vector_load %arg5[%get3A_1430, %get3A_1431] {strides = array<i32>} : memref<64x64xf32, #tpu.memory_space<vmem>>, vector<16xf32>,
    %get3A_1433 = arith.constant 24 : i32
    %get3A_1434 = arith.index_cast %get3A_1433 : i32 to index
    %get3A_1435 = arith.constant 32 : index
    %get3A_1436 = tpu.vector_load %arg5[%get3A_1434, %get3A_1435] {strides = array<i32>} : memref<64x64xf32, #tpu.memory_space<vmem>>, vector<16xf32>,
    %get3A_1437 = arith.constant 24 : i32
    %get3A_1438 = arith.index_cast %get3A_1437 : i32 to index
    %get3A_1439 = arith.constant 48 : index
    %get3A_1440 = tpu.vector_load %arg5[%get3A_1438, %get3A_1439] {strides = array<i32>} : memref<64x64xf32, #tpu.memory_space<vmem>>, vector<16xf32>,
    %mul3A_1441 = arith.mulf %get3A_1428, %get3A_1428 : vector<16xf32>
    %mul3A_1442 = arith.mulf %get3A_1432, %get3A_1432 : vector<16xf32>
    %add3A_1443 = arith.addf %mul3A_1441, %mul3A_1442 : vector<16xf32>
    %mul3A_1444 = arith.mulf %get3A_1436, %get3A_1436 : vector<16xf32>
    %add3A_1445 = arith.addf %add3A_1443, %mul3A_1444 : vector<16xf32>
    %mul3A_1446 = arith.mulf %get3A_1440, %get3A_1440 : vector<16xf32>
    %add3A_1447 = arith.addf %add3A_1445, %mul3A_1446 : vector<16xf32>
    %reduce_sum3A_1448 = arith.constant true
    %reduce_sum3A_1449 = vector.broadcast %reduce_sum3A_1448 : i1 to vector<16xi1>
    %reduce_sum3A_1450 = tpu.scan <sum>, %add3A_1447 masked %reduce_sum3A_1449 : vector<16xf32>, vector<16xi1> -> vector<16xf32>
    %reduce_sum3A_1451 = vector.extract %reduce_sum3A_1450[15] : f32 from vector<16xf32>
    %eq3A_1452 = arith.constant 0 : i32
    %eq3A_1453 = vector.broadcast %eq3A_1452 : i32 to vector<16xi32>
    %eq3A_1454 = arith.cmpi eq, %iota3A, %eq3A_1453 : vector<16xi32>
    %eq3A_1455 = arith.constant 1 : i32
    %eq3A_1456 = vector.broadcast %eq3A_1455 : i32 to vector<16xi32>
    %eq3A_1457 = arith.cmpi eq, %iota3A, %eq3A_1456 : vector<16xi32>
    %jit3A_1458 = arith.constant 1.000000e+00 : f32
    %jit3A_1459 = arith.constant 0.000000e+00 : f32
    %broadcast_in_dim3A_1460 = vector.broadcast %jit3A_1458 : f32 to vector<16xf32>
    %broadcast_in_dim3A_1461 = vector.broadcast %jit3A_1459 : f32 to vector<16xf32>
    %select_n3A_1462 = arith.select %eq3A_1457, %broadcast_in_dim3A_1460, %broadcast_in_dim3A_1461 : vector<16xi1>, vector<16xf32>
    %broadcast_in_dim3A_1463 = vector.broadcast %reduce_sum3A_1451 : f32 to vector<16xf32>
    %select_n3A_1464 = arith.select %eq3A_1454, %broadcast_in_dim3A_1463, %select_n3A_1462 : vector<16xi1>, vector<16xf32>
    %add3A_1465 = arith.constant 0 : i32
    %add3A_1466 = vector.broadcast %add3A_1465 : i32 to vector<16xi32>
    %add3A_1467 = arith.addi %add3A_1466, %iota3A : vector<16xi32>
    tpu.vector_store_idx %arg7[%gather3A_1424, %add3A_1467], %get3A_1428 {add = true} : memref<128x80xf32, #tpu.memory_space<vmem>>[vector<16xi32>, vector<16xi32>], vector<16xf32>,
    %add3A_1468 = arith.constant 16 : i32
    %add3A_1469 = vector.broadcast %add3A_1468 : i32 to vector<16xi32>
    %add3A_1470 = arith.addi %add3A_1469, %iota3A : vector<16xi32>
    tpu.vector_store_idx %arg7[%gather3A_1424, %add3A_1470], %get3A_1432 {add = true} : memref<128x80xf32, #tpu.memory_space<vmem>>[vector<16xi32>, vector<16xi32>], vector<16xf32>,
    %add3A_1471 = arith.constant 32 : i32
    %add3A_1472 = vector.broadcast %add3A_1471 : i32 to vector<16xi32>
    %add3A_1473 = arith.addi %add3A_1472, %iota3A : vector<16xi32>
    tpu.vector_store_idx %arg7[%gather3A_1424, %add3A_1473], %get3A_1436 {add = true} : memref<128x80xf32, #tpu.memory_space<vmem>>[vector<16xi32>, vector<16xi32>], vector<16xf32>,
    %add3A_1474 = arith.constant 48 : i32
    %add3A_1475 = vector.broadcast %add3A_1474 : i32 to vector<16xi32>
    %add3A_1476 = arith.addi %add3A_1475, %iota3A : vector<16xi32>
    tpu.vector_store_idx %arg7[%gather3A_1424, %add3A_1476], %get3A_1440 {add = true} : memref<128x80xf32, #tpu.memory_space<vmem>>[vector<16xi32>, vector<16xi32>], vector<16xf32>,
    %add3A_1477 = arith.constant 64 : i32
    %add3A_1478 = vector.broadcast %add3A_1477 : i32 to vector<16xi32>
    %add3A_1479 = arith.addi %add3A_1478, %iota3A : vector<16xi32>
    tpu.vector_store_idx %arg7[%gather3A_1424, %add3A_1479], %select_n3A_1464 {add = true} : memref<128x80xf32, #tpu.memory_space<vmem>>[vector<16xi32>, vector<16xi32>], vector<16xf32>,
    %broadcast_in_dim3A_1480 = arith.constant 9 : i32
    %broadcast_in_dim3A_1481 = vector.broadcast %broadcast_in_dim3A_1480 : i32 to vector<16x1xi32>
    %gather3A_1482 = vector.shape_cast %broadcast_in_dim3A_1481 : vector<16x1xi32> to vector<16xi32>
    %gather3A_1483 = tpu.dynamic_gather %get3A_948[%gather3A_1482] in [0] : vector<16xi32>, vector<16xi32> -> vector<16xi32>
    %get3A_1484 = arith.constant 25 : i32
    %get3A_1485 = arith.index_cast %get3A_1484 : i32 to index
    %get3A_1486 = arith.constant 0 : index
    %get3A_1487 = tpu.vector_load %arg5[%get3A_1485, %get3A_1486] {strides = array<i32>} : memref<64x64xf32, #tpu.memory_space<vmem>>, vector<16xf32>,
    %get3A_1488 = arith.constant 25 : i32
    %get3A_1489 = arith.index_cast %get3A_1488 : i32 to index
    %get3A_1490 = arith.constant 16 : index
    %get3A_1491 = tpu.vector_load %arg5[%get3A_1489, %get3A_1490] {strides = array<i32>} : memref<64x64xf32, #tpu.memory_space<vmem>>, vector<16xf32>,
    %get3A_1492 = arith.constant 25 : i32
    %get3A_1493 = arith.index_cast %get3A_1492 : i32 to index
    %get3A_1494 = arith.constant 32 : index
    %get3A_1495 = tpu.vector_load %arg5[%get3A_1493, %get3A_1494] {strides = array<i32>} : memref<64x64xf32, #tpu.memory_space<vmem>>, vector<16xf32>,
    %get3A_1496 = arith.constant 25 : i32
    %get3A_1497 = arith.index_cast %get3A_1496 : i32 to index
    %get3A_1498 = arith.constant 48 : index
    %get3A_1499 = tpu.vector_load %arg5[%get3A_1497, %get3A_1498] {strides = array<i32>} : memref<64x64xf32, #tpu.memory_space<vmem>>, vector<16xf32>,
    %mul3A_1500 = arith.mulf %get3A_1487, %get3A_1487 : vector<16xf32>
    %mul3A_1501 = arith.mulf %get3A_1491, %get3A_1491 : vector<16xf32>
    %add3A_1502 = arith.addf %mul3A_1500, %mul3A_1501 : vector<16xf32>
    %mul3A_1503 = arith.mulf %get3A_1495, %get3A_1495 : vector<16xf32>
    %add3A_1504 = arith.addf %add3A_1502, %mul3A_1503 : vector<16xf32>
    %mul3A_1505 = arith.mulf %get3A_1499, %get3A_1499 : vector<16xf32>
    %add3A_1506 = arith.addf %add3A_1504, %mul3A_1505 : vector<16xf32>
    %reduce_sum3A_1507 = arith.constant true
    %reduce_sum3A_1508 = vector.broadcast %reduce_sum3A_1507 : i1 to vector<16xi1>
    %reduce_sum3A_1509 = tpu.scan <sum>, %add3A_1506 masked %reduce_sum3A_1508 : vector<16xf32>, vector<16xi1> -> vector<16xf32>
    %reduce_sum3A_1510 = vector.extract %reduce_sum3A_1509[15] : f32 from vector<16xf32>
    %eq3A_1511 = arith.constant 0 : i32
    %eq3A_1512 = vector.broadcast %eq3A_1511 : i32 to vector<16xi32>
    %eq3A_1513 = arith.cmpi eq, %iota3A, %eq3A_1512 : vector<16xi32>
    %eq3A_1514 = arith.constant 1 : i32
    %eq3A_1515 = vector.broadcast %eq3A_1514 : i32 to vector<16xi32>
    %eq3A_1516 = arith.cmpi eq, %iota3A, %eq3A_1515 : vector<16xi32>
    %jit3A_1517 = arith.constant 1.000000e+00 : f32
    %jit3A_1518 = arith.constant 0.000000e+00 : f32
    %broadcast_in_dim3A_1519 = vector.broadcast %jit3A_1517 : f32 to vector<16xf32>
    %broadcast_in_dim3A_1520 = vector.broadcast %jit3A_1518 : f32 to vector<16xf32>
    %select_n3A_1521 = arith.select %eq3A_1516, %broadcast_in_dim3A_1519, %broadcast_in_dim3A_1520 : vector<16xi1>, vector<16xf32>
    %broadcast_in_dim3A_1522 = vector.broadcast %reduce_sum3A_1510 : f32 to vector<16xf32>
    %select_n3A_1523 = arith.select %eq3A_1513, %broadcast_in_dim3A_1522, %select_n3A_1521 : vector<16xi1>, vector<16xf32>
    %add3A_1524 = arith.constant 0 : i32
    %add3A_1525 = vector.broadcast %add3A_1524 : i32 to vector<16xi32>
    %add3A_1526 = arith.addi %add3A_1525, %iota3A : vector<16xi32>
    tpu.vector_store_idx %arg7[%gather3A_1483, %add3A_1526], %get3A_1487 {add = true} : memref<128x80xf32, #tpu.memory_space<vmem>>[vector<16xi32>, vector<16xi32>], vector<16xf32>,
    %add3A_1527 = arith.constant 16 : i32
    %add3A_1528 = vector.broadcast %add3A_1527 : i32 to vector<16xi32>
    %add3A_1529 = arith.addi %add3A_1528, %iota3A : vector<16xi32>
    tpu.vector_store_idx %arg7[%gather3A_1483, %add3A_1529], %get3A_1491 {add = true} : memref<128x80xf32, #tpu.memory_space<vmem>>[vector<16xi32>, vector<16xi32>], vector<16xf32>,
    %add3A_1530 = arith.constant 32 : i32
    %add3A_1531 = vector.broadcast %add3A_1530 : i32 to vector<16xi32>
    %add3A_1532 = arith.addi %add3A_1531, %iota3A : vector<16xi32>
    tpu.vector_store_idx %arg7[%gather3A_1483, %add3A_1532], %get3A_1495 {add = true} : memref<128x80xf32, #tpu.memory_space<vmem>>[vector<16xi32>, vector<16xi32>], vector<16xf32>,
    %add3A_1533 = arith.constant 48 : i32
    %add3A_1534 = vector.broadcast %add3A_1533 : i32 to vector<16xi32>
    %add3A_1535 = arith.addi %add3A_1534, %iota3A : vector<16xi32>
    tpu.vector_store_idx %arg7[%gather3A_1483, %add3A_1535], %get3A_1499 {add = true} : memref<128x80xf32, #tpu.memory_space<vmem>>[vector<16xi32>, vector<16xi32>], vector<16xf32>,
    %add3A_1536 = arith.constant 64 : i32
    %add3A_1537 = vector.broadcast %add3A_1536 : i32 to vector<16xi32>
    %add3A_1538 = arith.addi %add3A_1537, %iota3A : vector<16xi32>
    tpu.vector_store_idx %arg7[%gather3A_1483, %add3A_1538], %select_n3A_1523 {add = true} : memref<128x80xf32, #tpu.memory_space<vmem>>[vector<16xi32>, vector<16xi32>], vector<16xf32>,
    %broadcast_in_dim3A_1539 = arith.constant 10 : i32
    %broadcast_in_dim3A_1540 = vector.broadcast %broadcast_in_dim3A_1539 : i32 to vector<16x1xi32>
    %gather3A_1541 = vector.shape_cast %broadcast_in_dim3A_1540 : vector<16x1xi32> to vector<16xi32>
    %gather3A_1542 = tpu.dynamic_gather %get3A_948[%gather3A_1541] in [0] : vector<16xi32>, vector<16xi32> -> vector<16xi32>
    %get3A_1543 = arith.constant 26 : i32
    %get3A_1544 = arith.index_cast %get3A_1543 : i32 to index
    %get3A_1545 = arith.constant 0 : index
    %get3A_1546 = tpu.vector_load %arg5[%get3A_1544, %get3A_1545] {strides = array<i32>} : memref<64x64xf32, #tpu.memory_space<vmem>>, vector<16xf32>,
    %get3A_1547 = arith.constant 26 : i32
    %get3A_1548 = arith.index_cast %get3A_1547 : i32 to index
    %get3A_1549 = arith.constant 16 : index
    %get3A_1550 = tpu.vector_load %arg5[%get3A_1548, %get3A_1549] {strides = array<i32>} : memref<64x64xf32, #tpu.memory_space<vmem>>, vector<16xf32>,
    %get3A_1551 = arith.constant 26 : i32
    %get3A_1552 = arith.index_cast %get3A_1551 : i32 to index
    %get3A_1553 = arith.constant 32 : index
    %get3A_1554 = tpu.vector_load %arg5[%get3A_1552, %get3A_1553] {strides = array<i32>} : memref<64x64xf32, #tpu.memory_space<vmem>>, vector<16xf32>,
    %get3A_1555 = arith.constant 26 : i32
    %get3A_1556 = arith.index_cast %get3A_1555 : i32 to index
    %get3A_1557 = arith.constant 48 : index
    %get3A_1558 = tpu.vector_load %arg5[%get3A_1556, %get3A_1557] {strides = array<i32>} : memref<64x64xf32, #tpu.memory_space<vmem>>, vector<16xf32>,
    %mul3A_1559 = arith.mulf %get3A_1546, %get3A_1546 : vector<16xf32>
    %mul3A_1560 = arith.mulf %get3A_1550, %get3A_1550 : vector<16xf32>
    %add3A_1561 = arith.addf %mul3A_1559, %mul3A_1560 : vector<16xf32>
    %mul3A_1562 = arith.mulf %get3A_1554, %get3A_1554 : vector<16xf32>
    %add3A_1563 = arith.addf %add3A_1561, %mul3A_1562 : vector<16xf32>
    %mul3A_1564 = arith.mulf %get3A_1558, %get3A_1558 : vector<16xf32>
    %add3A_1565 = arith.addf %add3A_1563, %mul3A_1564 : vector<16xf32>
    %reduce_sum3A_1566 = arith.constant true
    %reduce_sum3A_1567 = vector.broadcast %reduce_sum3A_1566 : i1 to vector<16xi1>
    %reduce_sum3A_1568 = tpu.scan <sum>, %add3A_1565 masked %reduce_sum3A_1567 : vector<16xf32>, vector<16xi1> -> vector<16xf32>
    %reduce_sum3A_1569 = vector.extract %reduce_sum3A_1568[15] : f32 from vector<16xf32>
    %eq3A_1570 = arith.constant 0 : i32
    %eq3A_1571 = vector.broadcast %eq3A_1570 : i32 to vector<16xi32>
    %eq3A_1572 = arith.cmpi eq, %iota3A, %eq3A_1571 : vector<16xi32>
    %eq3A_1573 = arith.constant 1 : i32
    %eq3A_1574 = vector.broadcast %eq3A_1573 : i32 to vector<16xi32>
    %eq3A_1575 = arith.cmpi eq, %iota3A, %eq3A_1574 : vector<16xi32>
    %jit3A_1576 = arith.constant 1.000000e+00 : f32
    %jit3A_1577 = arith.constant 0.000000e+00 : f32
    %broadcast_in_dim3A_1578 = vector.broadcast %jit3A_1576 : f32 to vector<16xf32>
    %broadcast_in_dim3A_1579 = vector.broadcast %jit3A_1577 : f32 to vector<16xf32>
    %select_n3A_1580 = arith.select %eq3A_1575, %broadcast_in_dim3A_1578, %broadcast_in_dim3A_1579 : vector<16xi1>, vector<16xf32>
    %broadcast_in_dim3A_1581 = vector.broadcast %reduce_sum3A_1569 : f32 to vector<16xf32>
    %select_n3A_1582 = arith.select %eq3A_1572, %broadcast_in_dim3A_1581, %select_n3A_1580 : vector<16xi1>, vector<16xf32>
    %add3A_1583 = arith.constant 0 : i32
    %add3A_1584 = vector.broadcast %add3A_1583 : i32 to vector<16xi32>
    %add3A_1585 = arith.addi %add3A_1584, %iota3A : vector<16xi32>
    tpu.vector_store_idx %arg7[%gather3A_1542, %add3A_1585], %get3A_1546 {add = true} : memref<128x80xf32, #tpu.memory_space<vmem>>[vector<16xi32>, vector<16xi32>], vector<16xf32>,
    %add3A_1586 = arith.constant 16 : i32
    %add3A_1587 = vector.broadcast %add3A_1586 : i32 to vector<16xi32>
    %add3A_1588 = arith.addi %add3A_1587, %iota3A : vector<16xi32>
    tpu.vector_store_idx %arg7[%gather3A_1542, %add3A_1588], %get3A_1550 {add = true} : memref<128x80xf32, #tpu.memory_space<vmem>>[vector<16xi32>, vector<16xi32>], vector<16xf32>,
    %add3A_1589 = arith.constant 32 : i32
    %add3A_1590 = vector.broadcast %add3A_1589 : i32 to vector<16xi32>
    %add3A_1591 = arith.addi %add3A_1590, %iota3A : vector<16xi32>
    tpu.vector_store_idx %arg7[%gather3A_1542, %add3A_1591], %get3A_1554 {add = true} : memref<128x80xf32, #tpu.memory_space<vmem>>[vector<16xi32>, vector<16xi32>], vector<16xf32>,
    %add3A_1592 = arith.constant 48 : i32
    %add3A_1593 = vector.broadcast %add3A_1592 : i32 to vector<16xi32>
    %add3A_1594 = arith.addi %add3A_1593, %iota3A : vector<16xi32>
    tpu.vector_store_idx %arg7[%gather3A_1542, %add3A_1594], %get3A_1558 {add = true} : memref<128x80xf32, #tpu.memory_space<vmem>>[vector<16xi32>, vector<16xi32>], vector<16xf32>,
    %add3A_1595 = arith.constant 64 : i32
    %add3A_1596 = vector.broadcast %add3A_1595 : i32 to vector<16xi32>
    %add3A_1597 = arith.addi %add3A_1596, %iota3A : vector<16xi32>
    tpu.vector_store_idx %arg7[%gather3A_1542, %add3A_1597], %select_n3A_1582 {add = true} : memref<128x80xf32, #tpu.memory_space<vmem>>[vector<16xi32>, vector<16xi32>], vector<16xf32>,
    %broadcast_in_dim3A_1598 = arith.constant 11 : i32
    %broadcast_in_dim3A_1599 = vector.broadcast %broadcast_in_dim3A_1598 : i32 to vector<16x1xi32>
    %gather3A_1600 = vector.shape_cast %broadcast_in_dim3A_1599 : vector<16x1xi32> to vector<16xi32>
    %gather3A_1601 = tpu.dynamic_gather %get3A_948[%gather3A_1600] in [0] : vector<16xi32>, vector<16xi32> -> vector<16xi32>
    %get3A_1602 = arith.constant 27 : i32
    %get3A_1603 = arith.index_cast %get3A_1602 : i32 to index
    %get3A_1604 = arith.constant 0 : index
    %get3A_1605 = tpu.vector_load %arg5[%get3A_1603, %get3A_1604] {strides = array<i32>} : memref<64x64xf32, #tpu.memory_space<vmem>>, vector<16xf32>,
    %get3A_1606 = arith.constant 27 : i32
    %get3A_1607 = arith.index_cast %get3A_1606 : i32 to index
    %get3A_1608 = arith.constant 16 : index
    %get3A_1609 = tpu.vector_load %arg5[%get3A_1607, %get3A_1608] {strides = array<i32>} : memref<64x64xf32, #tpu.memory_space<vmem>>, vector<16xf32>,
    %get3A_1610 = arith.constant 27 : i32
    %get3A_1611 = arith.index_cast %get3A_1610 : i32 to index
    %get3A_1612 = arith.constant 32 : index
    %get3A_1613 = tpu.vector_load %arg5[%get3A_1611, %get3A_1612] {strides = array<i32>} : memref<64x64xf32, #tpu.memory_space<vmem>>, vector<16xf32>,
    %get3A_1614 = arith.constant 27 : i32
    %get3A_1615 = arith.index_cast %get3A_1614 : i32 to index
    %get3A_1616 = arith.constant 48 : index
    %get3A_1617 = tpu.vector_load %arg5[%get3A_1615, %get3A_1616] {strides = array<i32>} : memref<64x64xf32, #tpu.memory_space<vmem>>, vector<16xf32>,
    %mul3A_1618 = arith.mulf %get3A_1605, %get3A_1605 : vector<16xf32>
    %mul3A_1619 = arith.mulf %get3A_1609, %get3A_1609 : vector<16xf32>
    %add3A_1620 = arith.addf %mul3A_1618, %mul3A_1619 : vector<16xf32>
    %mul3A_1621 = arith.mulf %get3A_1613, %get3A_1613 : vector<16xf32>
    %add3A_1622 = arith.addf %add3A_1620, %mul3A_1621 : vector<16xf32>
    %mul3A_1623 = arith.mulf %get3A_1617, %get3A_1617 : vector<16xf32>
    %add3A_1624 = arith.addf %add3A_1622, %mul3A_1623 : vector<16xf32>
    %reduce_sum3A_1625 = arith.constant true
    %reduce_sum3A_1626 = vector.broadcast %reduce_sum3A_1625 : i1 to vector<16xi1>
    %reduce_sum3A_1627 = tpu.scan <sum>, %add3A_1624 masked %reduce_sum3A_1626 : vector<16xf32>, vector<16xi1> -> vector<16xf32>
    %reduce_sum3A_1628 = vector.extract %reduce_sum3A_1627[15] : f32 from vector<16xf32>
    %eq3A_1629 = arith.constant 0 : i32
    %eq3A_1630 = vector.broadcast %eq3A_1629 : i32 to vector<16xi32>
    %eq3A_1631 = arith.cmpi eq, %iota3A, %eq3A_1630 : vector<16xi32>
    %eq3A_1632 = arith.constant 1 : i32
    %eq3A_1633 = vector.broadcast %eq3A_1632 : i32 to vector<16xi32>
    %eq3A_1634 = arith.cmpi eq, %iota3A, %eq3A_1633 : vector<16xi32>
    %jit3A_1635 = arith.constant 1.000000e+00 : f32
    %jit3A_1636 = arith.constant 0.000000e+00 : f32
    %broadcast_in_dim3A_1637 = vector.broadcast %jit3A_1635 : f32 to vector<16xf32>
    %broadcast_in_dim3A_1638 = vector.broadcast %jit3A_1636 : f32 to vector<16xf32>
    %select_n3A_1639 = arith.select %eq3A_1634, %broadcast_in_dim3A_1637, %broadcast_in_dim3A_1638 : vector<16xi1>, vector<16xf32>
    %broadcast_in_dim3A_1640 = vector.broadcast %reduce_sum3A_1628 : f32 to vector<16xf32>
    %select_n3A_1641 = arith.select %eq3A_1631, %broadcast_in_dim3A_1640, %select_n3A_1639 : vector<16xi1>, vector<16xf32>
    %add3A_1642 = arith.constant 0 : i32
    %add3A_1643 = vector.broadcast %add3A_1642 : i32 to vector<16xi32>
    %add3A_1644 = arith.addi %add3A_1643, %iota3A : vector<16xi32>
    tpu.vector_store_idx %arg7[%gather3A_1601, %add3A_1644], %get3A_1605 {add = true} : memref<128x80xf32, #tpu.memory_space<vmem>>[vector<16xi32>, vector<16xi32>], vector<16xf32>,
    %add3A_1645 = arith.constant 16 : i32
    %add3A_1646 = vector.broadcast %add3A_1645 : i32 to vector<16xi32>
    %add3A_1647 = arith.addi %add3A_1646, %iota3A : vector<16xi32>
    tpu.vector_store_idx %arg7[%gather3A_1601, %add3A_1647], %get3A_1609 {add = true} : memref<128x80xf32, #tpu.memory_space<vmem>>[vector<16xi32>, vector<16xi32>], vector<16xf32>,
    %add3A_1648 = arith.constant 32 : i32
    %add3A_1649 = vector.broadcast %add3A_1648 : i32 to vector<16xi32>
    %add3A_1650 = arith.addi %add3A_1649, %iota3A : vector<16xi32>
    tpu.vector_store_idx %arg7[%gather3A_1601, %add3A_1650], %get3A_1613 {add = true} : memref<128x80xf32, #tpu.memory_space<vmem>>[vector<16xi32>, vector<16xi32>], vector<16xf32>,
    %add3A_1651 = arith.constant 48 : i32
    %add3A_1652 = vector.broadcast %add3A_1651 : i32 to vector<16xi32>
    %add3A_1653 = arith.addi %add3A_1652, %iota3A : vector<16xi32>
    tpu.vector_store_idx %arg7[%gather3A_1601, %add3A_1653], %get3A_1617 {add = true} : memref<128x80xf32, #tpu.memory_space<vmem>>[vector<16xi32>, vector<16xi32>], vector<16xf32>,
    %add3A_1654 = arith.constant 64 : i32
    %add3A_1655 = vector.broadcast %add3A_1654 : i32 to vector<16xi32>
    %add3A_1656 = arith.addi %add3A_1655, %iota3A : vector<16xi32>
    tpu.vector_store_idx %arg7[%gather3A_1601, %add3A_1656], %select_n3A_1641 {add = true} : memref<128x80xf32, #tpu.memory_space<vmem>>[vector<16xi32>, vector<16xi32>], vector<16xf32>,
    %broadcast_in_dim3A_1657 = arith.constant 12 : i32
    %broadcast_in_dim3A_1658 = vector.broadcast %broadcast_in_dim3A_1657 : i32 to vector<16x1xi32>
    %gather3A_1659 = vector.shape_cast %broadcast_in_dim3A_1658 : vector<16x1xi32> to vector<16xi32>
    %gather3A_1660 = tpu.dynamic_gather %get3A_948[%gather3A_1659] in [0] : vector<16xi32>, vector<16xi32> -> vector<16xi32>
    %get3A_1661 = arith.constant 28 : i32
    %get3A_1662 = arith.index_cast %get3A_1661 : i32 to index
    %get3A_1663 = arith.constant 0 : index
    %get3A_1664 = tpu.vector_load %arg5[%get3A_1662, %get3A_1663] {strides = array<i32>} : memref<64x64xf32, #tpu.memory_space<vmem>>, vector<16xf32>,
    %get3A_1665 = arith.constant 28 : i32
    %get3A_1666 = arith.index_cast %get3A_1665 : i32 to index
    %get3A_1667 = arith.constant 16 : index
    %get3A_1668 = tpu.vector_load %arg5[%get3A_1666, %get3A_1667] {strides = array<i32>} : memref<64x64xf32, #tpu.memory_space<vmem>>, vector<16xf32>,
    %get3A_1669 = arith.constant 28 : i32
    %get3A_1670 = arith.index_cast %get3A_1669 : i32 to index
    %get3A_1671 = arith.constant 32 : index
    %get3A_1672 = tpu.vector_load %arg5[%get3A_1670, %get3A_1671] {strides = array<i32>} : memref<64x64xf32, #tpu.memory_space<vmem>>, vector<16xf32>,
    %get3A_1673 = arith.constant 28 : i32
    %get3A_1674 = arith.index_cast %get3A_1673 : i32 to index
    %get3A_1675 = arith.constant 48 : index
    %get3A_1676 = tpu.vector_load %arg5[%get3A_1674, %get3A_1675] {strides = array<i32>} : memref<64x64xf32, #tpu.memory_space<vmem>>, vector<16xf32>,
    %mul3A_1677 = arith.mulf %get3A_1664, %get3A_1664 : vector<16xf32>
    %mul3A_1678 = arith.mulf %get3A_1668, %get3A_1668 : vector<16xf32>
    %add3A_1679 = arith.addf %mul3A_1677, %mul3A_1678 : vector<16xf32>
    %mul3A_1680 = arith.mulf %get3A_1672, %get3A_1672 : vector<16xf32>
    %add3A_1681 = arith.addf %add3A_1679, %mul3A_1680 : vector<16xf32>
    %mul3A_1682 = arith.mulf %get3A_1676, %get3A_1676 : vector<16xf32>
    %add3A_1683 = arith.addf %add3A_1681, %mul3A_1682 : vector<16xf32>
    %reduce_sum3A_1684 = arith.constant true
    %reduce_sum3A_1685 = vector.broadcast %reduce_sum3A_1684 : i1 to vector<16xi1>
    %reduce_sum3A_1686 = tpu.scan <sum>, %add3A_1683 masked %reduce_sum3A_1685 : vector<16xf32>, vector<16xi1> -> vector<16xf32>
    %reduce_sum3A_1687 = vector.extract %reduce_sum3A_1686[15] : f32 from vector<16xf32>
    %eq3A_1688 = arith.constant 0 : i32
    %eq3A_1689 = vector.broadcast %eq3A_1688 : i32 to vector<16xi32>
    %eq3A_1690 = arith.cmpi eq, %iota3A, %eq3A_1689 : vector<16xi32>
    %eq3A_1691 = arith.constant 1 : i32
    %eq3A_1692 = vector.broadcast %eq3A_1691 : i32 to vector<16xi32>
    %eq3A_1693 = arith.cmpi eq, %iota3A, %eq3A_1692 : vector<16xi32>
    %jit3A_1694 = arith.constant 1.000000e+00 : f32
    %jit3A_1695 = arith.constant 0.000000e+00 : f32
    %broadcast_in_dim3A_1696 = vector.broadcast %jit3A_1694 : f32 to vector<16xf32>
    %broadcast_in_dim3A_1697 = vector.broadcast %jit3A_1695 : f32 to vector<16xf32>
    %select_n3A_1698 = arith.select %eq3A_1693, %broadcast_in_dim3A_1696, %broadcast_in_dim3A_1697 : vector<16xi1>, vector<16xf32>
    %broadcast_in_dim3A_1699 = vector.broadcast %reduce_sum3A_1687 : f32 to vector<16xf32>
    %select_n3A_1700 = arith.select %eq3A_1690, %broadcast_in_dim3A_1699, %select_n3A_1698 : vector<16xi1>, vector<16xf32>
    %add3A_1701 = arith.constant 0 : i32
    %add3A_1702 = vector.broadcast %add3A_1701 : i32 to vector<16xi32>
    %add3A_1703 = arith.addi %add3A_1702, %iota3A : vector<16xi32>
    tpu.vector_store_idx %arg7[%gather3A_1660, %add3A_1703], %get3A_1664 {add = true} : memref<128x80xf32, #tpu.memory_space<vmem>>[vector<16xi32>, vector<16xi32>], vector<16xf32>,
    %add3A_1704 = arith.constant 16 : i32
    %add3A_1705 = vector.broadcast %add3A_1704 : i32 to vector<16xi32>
    %add3A_1706 = arith.addi %add3A_1705, %iota3A : vector<16xi32>
    tpu.vector_store_idx %arg7[%gather3A_1660, %add3A_1706], %get3A_1668 {add = true} : memref<128x80xf32, #tpu.memory_space<vmem>>[vector<16xi32>, vector<16xi32>], vector<16xf32>,
    %add3A_1707 = arith.constant 32 : i32
    %add3A_1708 = vector.broadcast %add3A_1707 : i32 to vector<16xi32>
    %add3A_1709 = arith.addi %add3A_1708, %iota3A : vector<16xi32>
    tpu.vector_store_idx %arg7[%gather3A_1660, %add3A_1709], %get3A_1672 {add = true} : memref<128x80xf32, #tpu.memory_space<vmem>>[vector<16xi32>, vector<16xi32>], vector<16xf32>,
    %add3A_1710 = arith.constant 48 : i32
    %add3A_1711 = vector.broadcast %add3A_1710 : i32 to vector<16xi32>
    %add3A_1712 = arith.addi %add3A_1711, %iota3A : vector<16xi32>
    tpu.vector_store_idx %arg7[%gather3A_1660, %add3A_1712], %get3A_1676 {add = true} : memref<128x80xf32, #tpu.memory_space<vmem>>[vector<16xi32>, vector<16xi32>], vector<16xf32>,
    %add3A_1713 = arith.constant 64 : i32
    %add3A_1714 = vector.broadcast %add3A_1713 : i32 to vector<16xi32>
    %add3A_1715 = arith.addi %add3A_1714, %iota3A : vector<16xi32>
    tpu.vector_store_idx %arg7[%gather3A_1660, %add3A_1715], %select_n3A_1700 {add = true} : memref<128x80xf32, #tpu.memory_space<vmem>>[vector<16xi32>, vector<16xi32>], vector<16xf32>,
    %broadcast_in_dim3A_1716 = arith.constant 13 : i32
    %broadcast_in_dim3A_1717 = vector.broadcast %broadcast_in_dim3A_1716 : i32 to vector<16x1xi32>
    %gather3A_1718 = vector.shape_cast %broadcast_in_dim3A_1717 : vector<16x1xi32> to vector<16xi32>
    %gather3A_1719 = tpu.dynamic_gather %get3A_948[%gather3A_1718] in [0] : vector<16xi32>, vector<16xi32> -> vector<16xi32>
    %get3A_1720 = arith.constant 29 : i32
    %get3A_1721 = arith.index_cast %get3A_1720 : i32 to index
    %get3A_1722 = arith.constant 0 : index
    %get3A_1723 = tpu.vector_load %arg5[%get3A_1721, %get3A_1722] {strides = array<i32>} : memref<64x64xf32, #tpu.memory_space<vmem>>, vector<16xf32>,
    %get3A_1724 = arith.constant 29 : i32
    %get3A_1725 = arith.index_cast %get3A_1724 : i32 to index
    %get3A_1726 = arith.constant 16 : index
    %get3A_1727 = tpu.vector_load %arg5[%get3A_1725, %get3A_1726] {strides = array<i32>} : memref<64x64xf32, #tpu.memory_space<vmem>>, vector<16xf32>,
    %get3A_1728 = arith.constant 29 : i32
    %get3A_1729 = arith.index_cast %get3A_1728 : i32 to index
    %get3A_1730 = arith.constant 32 : index
    %get3A_1731 = tpu.vector_load %arg5[%get3A_1729, %get3A_1730] {strides = array<i32>} : memref<64x64xf32, #tpu.memory_space<vmem>>, vector<16xf32>,
    %get3A_1732 = arith.constant 29 : i32
    %get3A_1733 = arith.index_cast %get3A_1732 : i32 to index
    %get3A_1734 = arith.constant 48 : index
    %get3A_1735 = tpu.vector_load %arg5[%get3A_1733, %get3A_1734] {strides = array<i32>} : memref<64x64xf32, #tpu.memory_space<vmem>>, vector<16xf32>,
    %mul3A_1736 = arith.mulf %get3A_1723, %get3A_1723 : vector<16xf32>
    %mul3A_1737 = arith.mulf %get3A_1727, %get3A_1727 : vector<16xf32>
    %add3A_1738 = arith.addf %mul3A_1736, %mul3A_1737 : vector<16xf32>
    %mul3A_1739 = arith.mulf %get3A_1731, %get3A_1731 : vector<16xf32>
    %add3A_1740 = arith.addf %add3A_1738, %mul3A_1739 : vector<16xf32>
    %mul3A_1741 = arith.mulf %get3A_1735, %get3A_1735 : vector<16xf32>
    %add3A_1742 = arith.addf %add3A_1740, %mul3A_1741 : vector<16xf32>
    %reduce_sum3A_1743 = arith.constant true
    %reduce_sum3A_1744 = vector.broadcast %reduce_sum3A_1743 : i1 to vector<16xi1>
    %reduce_sum3A_1745 = tpu.scan <sum>, %add3A_1742 masked %reduce_sum3A_1744 : vector<16xf32>, vector<16xi1> -> vector<16xf32>
    %reduce_sum3A_1746 = vector.extract %reduce_sum3A_1745[15] : f32 from vector<16xf32>
    %eq3A_1747 = arith.constant 0 : i32
    %eq3A_1748 = vector.broadcast %eq3A_1747 : i32 to vector<16xi32>
    %eq3A_1749 = arith.cmpi eq, %iota3A, %eq3A_1748 : vector<16xi32>
    %eq3A_1750 = arith.constant 1 : i32
    %eq3A_1751 = vector.broadcast %eq3A_1750 : i32 to vector<16xi32>
    %eq3A_1752 = arith.cmpi eq, %iota3A, %eq3A_1751 : vector<16xi32>
    %jit3A_1753 = arith.constant 1.000000e+00 : f32
    %jit3A_1754 = arith.constant 0.000000e+00 : f32
    %broadcast_in_dim3A_1755 = vector.broadcast %jit3A_1753 : f32 to vector<16xf32>
    %broadcast_in_dim3A_1756 = vector.broadcast %jit3A_1754 : f32 to vector<16xf32>
    %select_n3A_1757 = arith.select %eq3A_1752, %broadcast_in_dim3A_1755, %broadcast_in_dim3A_1756 : vector<16xi1>, vector<16xf32>
    %broadcast_in_dim3A_1758 = vector.broadcast %reduce_sum3A_1746 : f32 to vector<16xf32>
    %select_n3A_1759 = arith.select %eq3A_1749, %broadcast_in_dim3A_1758, %select_n3A_1757 : vector<16xi1>, vector<16xf32>
    %add3A_1760 = arith.constant 0 : i32
    %add3A_1761 = vector.broadcast %add3A_1760 : i32 to vector<16xi32>
    %add3A_1762 = arith.addi %add3A_1761, %iota3A : vector<16xi32>
    tpu.vector_store_idx %arg7[%gather3A_1719, %add3A_1762], %get3A_1723 {add = true} : memref<128x80xf32, #tpu.memory_space<vmem>>[vector<16xi32>, vector<16xi32>], vector<16xf32>,
    %add3A_1763 = arith.constant 16 : i32
    %add3A_1764 = vector.broadcast %add3A_1763 : i32 to vector<16xi32>
    %add3A_1765 = arith.addi %add3A_1764, %iota3A : vector<16xi32>
    tpu.vector_store_idx %arg7[%gather3A_1719, %add3A_1765], %get3A_1727 {add = true} : memref<128x80xf32, #tpu.memory_space<vmem>>[vector<16xi32>, vector<16xi32>], vector<16xf32>,
    %add3A_1766 = arith.constant 32 : i32
    %add3A_1767 = vector.broadcast %add3A_1766 : i32 to vector<16xi32>
    %add3A_1768 = arith.addi %add3A_1767, %iota3A : vector<16xi32>
    tpu.vector_store_idx %arg7[%gather3A_1719, %add3A_1768], %get3A_1731 {add = true} : memref<128x80xf32, #tpu.memory_space<vmem>>[vector<16xi32>, vector<16xi32>], vector<16xf32>,
    %add3A_1769 = arith.constant 48 : i32
    %add3A_1770 = vector.broadcast %add3A_1769 : i32 to vector<16xi32>
    %add3A_1771 = arith.addi %add3A_1770, %iota3A : vector<16xi32>
    tpu.vector_store_idx %arg7[%gather3A_1719, %add3A_1771], %get3A_1735 {add = true} : memref<128x80xf32, #tpu.memory_space<vmem>>[vector<16xi32>, vector<16xi32>], vector<16xf32>,
    %add3A_1772 = arith.constant 64 : i32
    %add3A_1773 = vector.broadcast %add3A_1772 : i32 to vector<16xi32>
    %add3A_1774 = arith.addi %add3A_1773, %iota3A : vector<16xi32>
    tpu.vector_store_idx %arg7[%gather3A_1719, %add3A_1774], %select_n3A_1759 {add = true} : memref<128x80xf32, #tpu.memory_space<vmem>>[vector<16xi32>, vector<16xi32>], vector<16xf32>,
    %broadcast_in_dim3A_1775 = arith.constant 14 : i32
    %broadcast_in_dim3A_1776 = vector.broadcast %broadcast_in_dim3A_1775 : i32 to vector<16x1xi32>
    %gather3A_1777 = vector.shape_cast %broadcast_in_dim3A_1776 : vector<16x1xi32> to vector<16xi32>
    %gather3A_1778 = tpu.dynamic_gather %get3A_948[%gather3A_1777] in [0] : vector<16xi32>, vector<16xi32> -> vector<16xi32>
    %get3A_1779 = arith.constant 30 : i32
    %get3A_1780 = arith.index_cast %get3A_1779 : i32 to index
    %get3A_1781 = arith.constant 0 : index
    %get3A_1782 = tpu.vector_load %arg5[%get3A_1780, %get3A_1781] {strides = array<i32>} : memref<64x64xf32, #tpu.memory_space<vmem>>, vector<16xf32>,
    %get3A_1783 = arith.constant 30 : i32
    %get3A_1784 = arith.index_cast %get3A_1783 : i32 to index
    %get3A_1785 = arith.constant 16 : index
    %get3A_1786 = tpu.vector_load %arg5[%get3A_1784, %get3A_1785] {strides = array<i32>} : memref<64x64xf32, #tpu.memory_space<vmem>>, vector<16xf32>,
    %get3A_1787 = arith.constant 30 : i32
    %get3A_1788 = arith.index_cast %get3A_1787 : i32 to index
    %get3A_1789 = arith.constant 32 : index
    %get3A_1790 = tpu.vector_load %arg5[%get3A_1788, %get3A_1789] {strides = array<i32>} : memref<64x64xf32, #tpu.memory_space<vmem>>, vector<16xf32>,
    %get3A_1791 = arith.constant 30 : i32
    %get3A_1792 = arith.index_cast %get3A_1791 : i32 to index
    %get3A_1793 = arith.constant 48 : index
    %get3A_1794 = tpu.vector_load %arg5[%get3A_1792, %get3A_1793] {strides = array<i32>} : memref<64x64xf32, #tpu.memory_space<vmem>>, vector<16xf32>,
    %mul3A_1795 = arith.mulf %get3A_1782, %get3A_1782 : vector<16xf32>
    %mul3A_1796 = arith.mulf %get3A_1786, %get3A_1786 : vector<16xf32>
    %add3A_1797 = arith.addf %mul3A_1795, %mul3A_1796 : vector<16xf32>
    %mul3A_1798 = arith.mulf %get3A_1790, %get3A_1790 : vector<16xf32>
    %add3A_1799 = arith.addf %add3A_1797, %mul3A_1798 : vector<16xf32>
    %mul3A_1800 = arith.mulf %get3A_1794, %get3A_1794 : vector<16xf32>
    %add3A_1801 = arith.addf %add3A_1799, %mul3A_1800 : vector<16xf32>
    %reduce_sum3A_1802 = arith.constant true
    %reduce_sum3A_1803 = vector.broadcast %reduce_sum3A_1802 : i1 to vector<16xi1>
    %reduce_sum3A_1804 = tpu.scan <sum>, %add3A_1801 masked %reduce_sum3A_1803 : vector<16xf32>, vector<16xi1> -> vector<16xf32>
    %reduce_sum3A_1805 = vector.extract %reduce_sum3A_1804[15] : f32 from vector<16xf32>
    %eq3A_1806 = arith.constant 0 : i32
    %eq3A_1807 = vector.broadcast %eq3A_1806 : i32 to vector<16xi32>
    %eq3A_1808 = arith.cmpi eq, %iota3A, %eq3A_1807 : vector<16xi32>
    %eq3A_1809 = arith.constant 1 : i32
    %eq3A_1810 = vector.broadcast %eq3A_1809 : i32 to vector<16xi32>
    %eq3A_1811 = arith.cmpi eq, %iota3A, %eq3A_1810 : vector<16xi32>
    %jit3A_1812 = arith.constant 1.000000e+00 : f32
    %jit3A_1813 = arith.constant 0.000000e+00 : f32
    %broadcast_in_dim3A_1814 = vector.broadcast %jit3A_1812 : f32 to vector<16xf32>
    %broadcast_in_dim3A_1815 = vector.broadcast %jit3A_1813 : f32 to vector<16xf32>
    %select_n3A_1816 = arith.select %eq3A_1811, %broadcast_in_dim3A_1814, %broadcast_in_dim3A_1815 : vector<16xi1>, vector<16xf32>
    %broadcast_in_dim3A_1817 = vector.broadcast %reduce_sum3A_1805 : f32 to vector<16xf32>
    %select_n3A_1818 = arith.select %eq3A_1808, %broadcast_in_dim3A_1817, %select_n3A_1816 : vector<16xi1>, vector<16xf32>
    %add3A_1819 = arith.constant 0 : i32
    %add3A_1820 = vector.broadcast %add3A_1819 : i32 to vector<16xi32>
    %add3A_1821 = arith.addi %add3A_1820, %iota3A : vector<16xi32>
    tpu.vector_store_idx %arg7[%gather3A_1778, %add3A_1821], %get3A_1782 {add = true} : memref<128x80xf32, #tpu.memory_space<vmem>>[vector<16xi32>, vector<16xi32>], vector<16xf32>,
    %add3A_1822 = arith.constant 16 : i32
    %add3A_1823 = vector.broadcast %add3A_1822 : i32 to vector<16xi32>
    %add3A_1824 = arith.addi %add3A_1823, %iota3A : vector<16xi32>
    tpu.vector_store_idx %arg7[%gather3A_1778, %add3A_1824], %get3A_1786 {add = true} : memref<128x80xf32, #tpu.memory_space<vmem>>[vector<16xi32>, vector<16xi32>], vector<16xf32>,
    %add3A_1825 = arith.constant 32 : i32
    %add3A_1826 = vector.broadcast %add3A_1825 : i32 to vector<16xi32>
    %add3A_1827 = arith.addi %add3A_1826, %iota3A : vector<16xi32>
    tpu.vector_store_idx %arg7[%gather3A_1778, %add3A_1827], %get3A_1790 {add = true} : memref<128x80xf32, #tpu.memory_space<vmem>>[vector<16xi32>, vector<16xi32>], vector<16xf32>,
    %add3A_1828 = arith.constant 48 : i32
    %add3A_1829 = vector.broadcast %add3A_1828 : i32 to vector<16xi32>
    %add3A_1830 = arith.addi %add3A_1829, %iota3A : vector<16xi32>
    tpu.vector_store_idx %arg7[%gather3A_1778, %add3A_1830], %get3A_1794 {add = true} : memref<128x80xf32, #tpu.memory_space<vmem>>[vector<16xi32>, vector<16xi32>], vector<16xf32>,
    %add3A_1831 = arith.constant 64 : i32
    %add3A_1832 = vector.broadcast %add3A_1831 : i32 to vector<16xi32>
    %add3A_1833 = arith.addi %add3A_1832, %iota3A : vector<16xi32>
    tpu.vector_store_idx %arg7[%gather3A_1778, %add3A_1833], %select_n3A_1818 {add = true} : memref<128x80xf32, #tpu.memory_space<vmem>>[vector<16xi32>, vector<16xi32>], vector<16xf32>,
    %broadcast_in_dim3A_1834 = arith.constant 15 : i32
    %broadcast_in_dim3A_1835 = vector.broadcast %broadcast_in_dim3A_1834 : i32 to vector<16x1xi32>
    %gather3A_1836 = vector.shape_cast %broadcast_in_dim3A_1835 : vector<16x1xi32> to vector<16xi32>
    %gather3A_1837 = tpu.dynamic_gather %get3A_948[%gather3A_1836] in [0] : vector<16xi32>, vector<16xi32> -> vector<16xi32>
    %get3A_1838 = arith.constant 31 : i32
    %get3A_1839 = arith.index_cast %get3A_1838 : i32 to index
    %get3A_1840 = arith.constant 0 : index
    %get3A_1841 = tpu.vector_load %arg5[%get3A_1839, %get3A_1840] {strides = array<i32>} : memref<64x64xf32, #tpu.memory_space<vmem>>, vector<16xf32>,
    %get3A_1842 = arith.constant 31 : i32
    %get3A_1843 = arith.index_cast %get3A_1842 : i32 to index
    %get3A_1844 = arith.constant 16 : index
    %get3A_1845 = tpu.vector_load %arg5[%get3A_1843, %get3A_1844] {strides = array<i32>} : memref<64x64xf32, #tpu.memory_space<vmem>>, vector<16xf32>,
    %get3A_1846 = arith.constant 31 : i32
    %get3A_1847 = arith.index_cast %get3A_1846 : i32 to index
    %get3A_1848 = arith.constant 32 : index
    %get3A_1849 = tpu.vector_load %arg5[%get3A_1847, %get3A_1848] {strides = array<i32>} : memref<64x64xf32, #tpu.memory_space<vmem>>, vector<16xf32>,
    %get3A_1850 = arith.constant 31 : i32
    %get3A_1851 = arith.index_cast %get3A_1850 : i32 to index
    %get3A_1852 = arith.constant 48 : index
    %get3A_1853 = tpu.vector_load %arg5[%get3A_1851, %get3A_1852] {strides = array<i32>} : memref<64x64xf32, #tpu.memory_space<vmem>>, vector<16xf32>,
    %mul3A_1854 = arith.mulf %get3A_1841, %get3A_1841 : vector<16xf32>
    %mul3A_1855 = arith.mulf %get3A_1845, %get3A_1845 : vector<16xf32>
    %add3A_1856 = arith.addf %mul3A_1854, %mul3A_1855 : vector<16xf32>
    %mul3A_1857 = arith.mulf %get3A_1849, %get3A_1849 : vector<16xf32>
    %add3A_1858 = arith.addf %add3A_1856, %mul3A_1857 : vector<16xf32>
    %mul3A_1859 = arith.mulf %get3A_1853, %get3A_1853 : vector<16xf32>
    %add3A_1860 = arith.addf %add3A_1858, %mul3A_1859 : vector<16xf32>
    %reduce_sum3A_1861 = arith.constant true
    %reduce_sum3A_1862 = vector.broadcast %reduce_sum3A_1861 : i1 to vector<16xi1>
    %reduce_sum3A_1863 = tpu.scan <sum>, %add3A_1860 masked %reduce_sum3A_1862 : vector<16xf32>, vector<16xi1> -> vector<16xf32>
    %reduce_sum3A_1864 = vector.extract %reduce_sum3A_1863[15] : f32 from vector<16xf32>
    %eq3A_1865 = arith.constant 0 : i32
    %eq3A_1866 = vector.broadcast %eq3A_1865 : i32 to vector<16xi32>
    %eq3A_1867 = arith.cmpi eq, %iota3A, %eq3A_1866 : vector<16xi32>
    %eq3A_1868 = arith.constant 1 : i32
    %eq3A_1869 = vector.broadcast %eq3A_1868 : i32 to vector<16xi32>
    %eq3A_1870 = arith.cmpi eq, %iota3A, %eq3A_1869 : vector<16xi32>
    %jit3A_1871 = arith.constant 1.000000e+00 : f32
    %jit3A_1872 = arith.constant 0.000000e+00 : f32
    %broadcast_in_dim3A_1873 = vector.broadcast %jit3A_1871 : f32 to vector<16xf32>
    %broadcast_in_dim3A_1874 = vector.broadcast %jit3A_1872 : f32 to vector<16xf32>
    %select_n3A_1875 = arith.select %eq3A_1870, %broadcast_in_dim3A_1873, %broadcast_in_dim3A_1874 : vector<16xi1>, vector<16xf32>
    %broadcast_in_dim3A_1876 = vector.broadcast %reduce_sum3A_1864 : f32 to vector<16xf32>
    %select_n3A_1877 = arith.select %eq3A_1867, %broadcast_in_dim3A_1876, %select_n3A_1875 : vector<16xi1>, vector<16xf32>
    %add3A_1878 = arith.constant 0 : i32
    %add3A_1879 = vector.broadcast %add3A_1878 : i32 to vector<16xi32>
    %add3A_1880 = arith.addi %add3A_1879, %iota3A : vector<16xi32>
    tpu.vector_store_idx %arg7[%gather3A_1837, %add3A_1880], %get3A_1841 {add = true} : memref<128x80xf32, #tpu.memory_space<vmem>>[vector<16xi32>, vector<16xi32>], vector<16xf32>,
    %add3A_1881 = arith.constant 16 : i32
    %add3A_1882 = vector.broadcast %add3A_1881 : i32 to vector<16xi32>
    %add3A_1883 = arith.addi %add3A_1882, %iota3A : vector<16xi32>
    tpu.vector_store_idx %arg7[%gather3A_1837, %add3A_1883], %get3A_1845 {add = true} : memref<128x80xf32, #tpu.memory_space<vmem>>[vector<16xi32>, vector<16xi32>], vector<16xf32>,
    %add3A_1884 = arith.constant 32 : i32
    %add3A_1885 = vector.broadcast %add3A_1884 : i32 to vector<16xi32>
    %add3A_1886 = arith.addi %add3A_1885, %iota3A : vector<16xi32>
    tpu.vector_store_idx %arg7[%gather3A_1837, %add3A_1886], %get3A_1849 {add = true} : memref<128x80xf32, #tpu.memory_space<vmem>>[vector<16xi32>, vector<16xi32>], vector<16xf32>,
    %add3A_1887 = arith.constant 48 : i32
    %add3A_1888 = vector.broadcast %add3A_1887 : i32 to vector<16xi32>
    %add3A_1889 = arith.addi %add3A_1888, %iota3A : vector<16xi32>
    tpu.vector_store_idx %arg7[%gather3A_1837, %add3A_1889], %get3A_1853 {add = true} : memref<128x80xf32, #tpu.memory_space<vmem>>[vector<16xi32>, vector<16xi32>], vector<16xf32>,
    %add3A_1890 = arith.constant 64 : i32
    %add3A_1891 = vector.broadcast %add3A_1890 : i32 to vector<16xi32>
    %add3A_1892 = arith.addi %add3A_1891, %iota3A : vector<16xi32>
    tpu.vector_store_idx %arg7[%gather3A_1837, %add3A_1892], %select_n3A_1877 {add = true} : memref<128x80xf32, #tpu.memory_space<vmem>>[vector<16xi32>, vector<16xi32>], vector<16xf32>,
    %get3A_1893 = arith.constant 32 : index
    %get3A_1894 = tpu.vector_load %arg6[%get3A_1893] {strides = array<i32>} : memref<64xi32, #tpu.memory_space<vmem>>, vector<16xi32>,
    %broadcast_in_dim3A_1895 = arith.constant 0 : i32
    %broadcast_in_dim3A_1896 = vector.broadcast %broadcast_in_dim3A_1895 : i32 to vector<16x1xi32>
    %gather3A_1897 = vector.shape_cast %broadcast_in_dim3A_1896 : vector<16x1xi32> to vector<16xi32>
    %gather3A_1898 = tpu.dynamic_gather %get3A_1894[%gather3A_1897] in [0] : vector<16xi32>, vector<16xi32> -> vector<16xi32>
    %get3A_1899 = arith.constant 32 : i32
    %get3A_1900 = arith.index_cast %get3A_1899 : i32 to index
    %get3A_1901 = arith.constant 0 : index
    %get3A_1902 = tpu.vector_load %arg5[%get3A_1900, %get3A_1901] {strides = array<i32>} : memref<64x64xf32, #tpu.memory_space<vmem>>, vector<16xf32>,
    %get3A_1903 = arith.constant 32 : i32
    %get3A_1904 = arith.index_cast %get3A_1903 : i32 to index
    %get3A_1905 = arith.constant 16 : index
    %get3A_1906 = tpu.vector_load %arg5[%get3A_1904, %get3A_1905] {strides = array<i32>} : memref<64x64xf32, #tpu.memory_space<vmem>>, vector<16xf32>,
    %get3A_1907 = arith.constant 32 : i32
    %get3A_1908 = arith.index_cast %get3A_1907 : i32 to index
    %get3A_1909 = arith.constant 32 : index
    %get3A_1910 = tpu.vector_load %arg5[%get3A_1908, %get3A_1909] {strides = array<i32>} : memref<64x64xf32, #tpu.memory_space<vmem>>, vector<16xf32>,
    %get3A_1911 = arith.constant 32 : i32
    %get3A_1912 = arith.index_cast %get3A_1911 : i32 to index
    %get3A_1913 = arith.constant 48 : index
    %get3A_1914 = tpu.vector_load %arg5[%get3A_1912, %get3A_1913] {strides = array<i32>} : memref<64x64xf32, #tpu.memory_space<vmem>>, vector<16xf32>,
    %mul3A_1915 = arith.mulf %get3A_1902, %get3A_1902 : vector<16xf32>
    %mul3A_1916 = arith.mulf %get3A_1906, %get3A_1906 : vector<16xf32>
    %add3A_1917 = arith.addf %mul3A_1915, %mul3A_1916 : vector<16xf32>
    %mul3A_1918 = arith.mulf %get3A_1910, %get3A_1910 : vector<16xf32>
    %add3A_1919 = arith.addf %add3A_1917, %mul3A_1918 : vector<16xf32>
    %mul3A_1920 = arith.mulf %get3A_1914, %get3A_1914 : vector<16xf32>
    %add3A_1921 = arith.addf %add3A_1919, %mul3A_1920 : vector<16xf32>
    %reduce_sum3A_1922 = arith.constant true
    %reduce_sum3A_1923 = vector.broadcast %reduce_sum3A_1922 : i1 to vector<16xi1>
    %reduce_sum3A_1924 = tpu.scan <sum>, %add3A_1921 masked %reduce_sum3A_1923 : vector<16xf32>, vector<16xi1> -> vector<16xf32>
    %reduce_sum3A_1925 = vector.extract %reduce_sum3A_1924[15] : f32 from vector<16xf32>
    %eq3A_1926 = arith.constant 0 : i32
    %eq3A_1927 = vector.broadcast %eq3A_1926 : i32 to vector<16xi32>
    %eq3A_1928 = arith.cmpi eq, %iota3A, %eq3A_1927 : vector<16xi32>
    %eq3A_1929 = arith.constant 1 : i32
    %eq3A_1930 = vector.broadcast %eq3A_1929 : i32 to vector<16xi32>
    %eq3A_1931 = arith.cmpi eq, %iota3A, %eq3A_1930 : vector<16xi32>
    %jit3A_1932 = arith.constant 1.000000e+00 : f32
    %jit3A_1933 = arith.constant 0.000000e+00 : f32
    %broadcast_in_dim3A_1934 = vector.broadcast %jit3A_1932 : f32 to vector<16xf32>
    %broadcast_in_dim3A_1935 = vector.broadcast %jit3A_1933 : f32 to vector<16xf32>
    %select_n3A_1936 = arith.select %eq3A_1931, %broadcast_in_dim3A_1934, %broadcast_in_dim3A_1935 : vector<16xi1>, vector<16xf32>
    %broadcast_in_dim3A_1937 = vector.broadcast %reduce_sum3A_1925 : f32 to vector<16xf32>
    %select_n3A_1938 = arith.select %eq3A_1928, %broadcast_in_dim3A_1937, %select_n3A_1936 : vector<16xi1>, vector<16xf32>
    %add3A_1939 = arith.constant 0 : i32
    %add3A_1940 = vector.broadcast %add3A_1939 : i32 to vector<16xi32>
    %add3A_1941 = arith.addi %add3A_1940, %iota3A : vector<16xi32>
    tpu.vector_store_idx %arg7[%gather3A_1898, %add3A_1941], %get3A_1902 {add = true} : memref<128x80xf32, #tpu.memory_space<vmem>>[vector<16xi32>, vector<16xi32>], vector<16xf32>,
    %add3A_1942 = arith.constant 16 : i32
    %add3A_1943 = vector.broadcast %add3A_1942 : i32 to vector<16xi32>
    %add3A_1944 = arith.addi %add3A_1943, %iota3A : vector<16xi32>
    tpu.vector_store_idx %arg7[%gather3A_1898, %add3A_1944], %get3A_1906 {add = true} : memref<128x80xf32, #tpu.memory_space<vmem>>[vector<16xi32>, vector<16xi32>], vector<16xf32>,
    %add3A_1945 = arith.constant 32 : i32
    %add3A_1946 = vector.broadcast %add3A_1945 : i32 to vector<16xi32>
    %add3A_1947 = arith.addi %add3A_1946, %iota3A : vector<16xi32>
    tpu.vector_store_idx %arg7[%gather3A_1898, %add3A_1947], %get3A_1910 {add = true} : memref<128x80xf32, #tpu.memory_space<vmem>>[vector<16xi32>, vector<16xi32>], vector<16xf32>,
    %add3A_1948 = arith.constant 48 : i32
    %add3A_1949 = vector.broadcast %add3A_1948 : i32 to vector<16xi32>
    %add3A_1950 = arith.addi %add3A_1949, %iota3A : vector<16xi32>
    tpu.vector_store_idx %arg7[%gather3A_1898, %add3A_1950], %get3A_1914 {add = true} : memref<128x80xf32, #tpu.memory_space<vmem>>[vector<16xi32>, vector<16xi32>], vector<16xf32>,
    %add3A_1951 = arith.constant 64 : i32
    %add3A_1952 = vector.broadcast %add3A_1951 : i32 to vector<16xi32>
    %add3A_1953 = arith.addi %add3A_1952, %iota3A : vector<16xi32>
    tpu.vector_store_idx %arg7[%gather3A_1898, %add3A_1953], %select_n3A_1938 {add = true} : memref<128x80xf32, #tpu.memory_space<vmem>>[vector<16xi32>, vector<16xi32>], vector<16xf32>,
    %broadcast_in_dim3A_1954 = arith.constant 1 : i32
    %broadcast_in_dim3A_1955 = vector.broadcast %broadcast_in_dim3A_1954 : i32 to vector<16x1xi32>
    %gather3A_1956 = vector.shape_cast %broadcast_in_dim3A_1955 : vector<16x1xi32> to vector<16xi32>
    %gather3A_1957 = tpu.dynamic_gather %get3A_1894[%gather3A_1956] in [0] : vector<16xi32>, vector<16xi32> -> vector<16xi32>
    %get3A_1958 = arith.constant 33 : i32
    %get3A_1959 = arith.index_cast %get3A_1958 : i32 to index
    %get3A_1960 = arith.constant 0 : index
    %get3A_1961 = tpu.vector_load %arg5[%get3A_1959, %get3A_1960] {strides = array<i32>} : memref<64x64xf32, #tpu.memory_space<vmem>>, vector<16xf32>,
    %get3A_1962 = arith.constant 33 : i32
    %get3A_1963 = arith.index_cast %get3A_1962 : i32 to index
    %get3A_1964 = arith.constant 16 : index
    %get3A_1965 = tpu.vector_load %arg5[%get3A_1963, %get3A_1964] {strides = array<i32>} : memref<64x64xf32, #tpu.memory_space<vmem>>, vector<16xf32>,
    %get3A_1966 = arith.constant 33 : i32
    %get3A_1967 = arith.index_cast %get3A_1966 : i32 to index
    %get3A_1968 = arith.constant 32 : index
    %get3A_1969 = tpu.vector_load %arg5[%get3A_1967, %get3A_1968] {strides = array<i32>} : memref<64x64xf32, #tpu.memory_space<vmem>>, vector<16xf32>,
    %get3A_1970 = arith.constant 33 : i32
    %get3A_1971 = arith.index_cast %get3A_1970 : i32 to index
    %get3A_1972 = arith.constant 48 : index
    %get3A_1973 = tpu.vector_load %arg5[%get3A_1971, %get3A_1972] {strides = array<i32>} : memref<64x64xf32, #tpu.memory_space<vmem>>, vector<16xf32>,
    %mul3A_1974 = arith.mulf %get3A_1961, %get3A_1961 : vector<16xf32>
    %mul3A_1975 = arith.mulf %get3A_1965, %get3A_1965 : vector<16xf32>
    %add3A_1976 = arith.addf %mul3A_1974, %mul3A_1975 : vector<16xf32>
    %mul3A_1977 = arith.mulf %get3A_1969, %get3A_1969 : vector<16xf32>
    %add3A_1978 = arith.addf %add3A_1976, %mul3A_1977 : vector<16xf32>
    %mul3A_1979 = arith.mulf %get3A_1973, %get3A_1973 : vector<16xf32>
    %add3A_1980 = arith.addf %add3A_1978, %mul3A_1979 : vector<16xf32>
    %reduce_sum3A_1981 = arith.constant true
    %reduce_sum3A_1982 = vector.broadcast %reduce_sum3A_1981 : i1 to vector<16xi1>
    %reduce_sum3A_1983 = tpu.scan <sum>, %add3A_1980 masked %reduce_sum3A_1982 : vector<16xf32>, vector<16xi1> -> vector<16xf32>
    %reduce_sum3A_1984 = vector.extract %reduce_sum3A_1983[15] : f32 from vector<16xf32>
    %eq3A_1985 = arith.constant 0 : i32
    %eq3A_1986 = vector.broadcast %eq3A_1985 : i32 to vector<16xi32>
    %eq3A_1987 = arith.cmpi eq, %iota3A, %eq3A_1986 : vector<16xi32>
    %eq3A_1988 = arith.constant 1 : i32
    %eq3A_1989 = vector.broadcast %eq3A_1988 : i32 to vector<16xi32>
    %eq3A_1990 = arith.cmpi eq, %iota3A, %eq3A_1989 : vector<16xi32>
    %jit3A_1991 = arith.constant 1.000000e+00 : f32
    %jit3A_1992 = arith.constant 0.000000e+00 : f32
    %broadcast_in_dim3A_1993 = vector.broadcast %jit3A_1991 : f32 to vector<16xf32>
    %broadcast_in_dim3A_1994 = vector.broadcast %jit3A_1992 : f32 to vector<16xf32>
    %select_n3A_1995 = arith.select %eq3A_1990, %broadcast_in_dim3A_1993, %broadcast_in_dim3A_1994 : vector<16xi1>, vector<16xf32>
    %broadcast_in_dim3A_1996 = vector.broadcast %reduce_sum3A_1984 : f32 to vector<16xf32>
    %select_n3A_1997 = arith.select %eq3A_1987, %broadcast_in_dim3A_1996, %select_n3A_1995 : vector<16xi1>, vector<16xf32>
    %add3A_1998 = arith.constant 0 : i32
    %add3A_1999 = vector.broadcast %add3A_1998 : i32 to vector<16xi32>
    %add3A_2000 = arith.addi %add3A_1999, %iota3A : vector<16xi32>
    tpu.vector_store_idx %arg7[%gather3A_1957, %add3A_2000], %get3A_1961 {add = true} : memref<128x80xf32, #tpu.memory_space<vmem>>[vector<16xi32>, vector<16xi32>], vector<16xf32>,
    %add3A_2001 = arith.constant 16 : i32
    %add3A_2002 = vector.broadcast %add3A_2001 : i32 to vector<16xi32>
    %add3A_2003 = arith.addi %add3A_2002, %iota3A : vector<16xi32>
    tpu.vector_store_idx %arg7[%gather3A_1957, %add3A_2003], %get3A_1965 {add = true} : memref<128x80xf32, #tpu.memory_space<vmem>>[vector<16xi32>, vector<16xi32>], vector<16xf32>,
    %add3A_2004 = arith.constant 32 : i32
    %add3A_2005 = vector.broadcast %add3A_2004 : i32 to vector<16xi32>
    %add3A_2006 = arith.addi %add3A_2005, %iota3A : vector<16xi32>
    tpu.vector_store_idx %arg7[%gather3A_1957, %add3A_2006], %get3A_1969 {add = true} : memref<128x80xf32, #tpu.memory_space<vmem>>[vector<16xi32>, vector<16xi32>], vector<16xf32>,
    %add3A_2007 = arith.constant 48 : i32
    %add3A_2008 = vector.broadcast %add3A_2007 : i32 to vector<16xi32>
    %add3A_2009 = arith.addi %add3A_2008, %iota3A : vector<16xi32>
    tpu.vector_store_idx %arg7[%gather3A_1957, %add3A_2009], %get3A_1973 {add = true} : memref<128x80xf32, #tpu.memory_space<vmem>>[vector<16xi32>, vector<16xi32>], vector<16xf32>,
    %add3A_2010 = arith.constant 64 : i32
    %add3A_2011 = vector.broadcast %add3A_2010 : i32 to vector<16xi32>
    %add3A_2012 = arith.addi %add3A_2011, %iota3A : vector<16xi32>
    tpu.vector_store_idx %arg7[%gather3A_1957, %add3A_2012], %select_n3A_1997 {add = true} : memref<128x80xf32, #tpu.memory_space<vmem>>[vector<16xi32>, vector<16xi32>], vector<16xf32>,
    %broadcast_in_dim3A_2013 = arith.constant 2 : i32
    %broadcast_in_dim3A_2014 = vector.broadcast %broadcast_in_dim3A_2013 : i32 to vector<16x1xi32>
    %gather3A_2015 = vector.shape_cast %broadcast_in_dim3A_2014 : vector<16x1xi32> to vector<16xi32>
    %gather3A_2016 = tpu.dynamic_gather %get3A_1894[%gather3A_2015] in [0] : vector<16xi32>, vector<16xi32> -> vector<16xi32>
    %get3A_2017 = arith.constant 34 : i32
    %get3A_2018 = arith.index_cast %get3A_2017 : i32 to index
    %get3A_2019 = arith.constant 0 : index
    %get3A_2020 = tpu.vector_load %arg5[%get3A_2018, %get3A_2019] {strides = array<i32>} : memref<64x64xf32, #tpu.memory_space<vmem>>, vector<16xf32>,
    %get3A_2021 = arith.constant 34 : i32
    %get3A_2022 = arith.index_cast %get3A_2021 : i32 to index
    %get3A_2023 = arith.constant 16 : index
    %get3A_2024 = tpu.vector_load %arg5[%get3A_2022, %get3A_2023] {strides = array<i32>} : memref<64x64xf32, #tpu.memory_space<vmem>>, vector<16xf32>,
    %get3A_2025 = arith.constant 34 : i32
    %get3A_2026 = arith.index_cast %get3A_2025 : i32 to index
    %get3A_2027 = arith.constant 32 : index
    %get3A_2028 = tpu.vector_load %arg5[%get3A_2026, %get3A_2027] {strides = array<i32>} : memref<64x64xf32, #tpu.memory_space<vmem>>, vector<16xf32>,
    %get3A_2029 = arith.constant 34 : i32
    %get3A_2030 = arith.index_cast %get3A_2029 : i32 to index
    %get3A_2031 = arith.constant 48 : index
    %get3A_2032 = tpu.vector_load %arg5[%get3A_2030, %get3A_2031] {strides = array<i32>} : memref<64x64xf32, #tpu.memory_space<vmem>>, vector<16xf32>,
    %mul3A_2033 = arith.mulf %get3A_2020, %get3A_2020 : vector<16xf32>
    %mul3A_2034 = arith.mulf %get3A_2024, %get3A_2024 : vector<16xf32>
    %add3A_2035 = arith.addf %mul3A_2033, %mul3A_2034 : vector<16xf32>
    %mul3A_2036 = arith.mulf %get3A_2028, %get3A_2028 : vector<16xf32>
    %add3A_2037 = arith.addf %add3A_2035, %mul3A_2036 : vector<16xf32>
    %mul3A_2038 = arith.mulf %get3A_2032, %get3A_2032 : vector<16xf32>
    %add3A_2039 = arith.addf %add3A_2037, %mul3A_2038 : vector<16xf32>
    %reduce_sum3A_2040 = arith.constant true
    %reduce_sum3A_2041 = vector.broadcast %reduce_sum3A_2040 : i1 to vector<16xi1>
    %reduce_sum3A_2042 = tpu.scan <sum>, %add3A_2039 masked %reduce_sum3A_2041 : vector<16xf32>, vector<16xi1> -> vector<16xf32>
    %reduce_sum3A_2043 = vector.extract %reduce_sum3A_2042[15] : f32 from vector<16xf32>
    %eq3A_2044 = arith.constant 0 : i32
    %eq3A_2045 = vector.broadcast %eq3A_2044 : i32 to vector<16xi32>
    %eq3A_2046 = arith.cmpi eq, %iota3A, %eq3A_2045 : vector<16xi32>
    %eq3A_2047 = arith.constant 1 : i32
    %eq3A_2048 = vector.broadcast %eq3A_2047 : i32 to vector<16xi32>
    %eq3A_2049 = arith.cmpi eq, %iota3A, %eq3A_2048 : vector<16xi32>
    %jit3A_2050 = arith.constant 1.000000e+00 : f32
    %jit3A_2051 = arith.constant 0.000000e+00 : f32
    %broadcast_in_dim3A_2052 = vector.broadcast %jit3A_2050 : f32 to vector<16xf32>
    %broadcast_in_dim3A_2053 = vector.broadcast %jit3A_2051 : f32 to vector<16xf32>
    %select_n3A_2054 = arith.select %eq3A_2049, %broadcast_in_dim3A_2052, %broadcast_in_dim3A_2053 : vector<16xi1>, vector<16xf32>
    %broadcast_in_dim3A_2055 = vector.broadcast %reduce_sum3A_2043 : f32 to vector<16xf32>
    %select_n3A_2056 = arith.select %eq3A_2046, %broadcast_in_dim3A_2055, %select_n3A_2054 : vector<16xi1>, vector<16xf32>
    %add3A_2057 = arith.constant 0 : i32
    %add3A_2058 = vector.broadcast %add3A_2057 : i32 to vector<16xi32>
    %add3A_2059 = arith.addi %add3A_2058, %iota3A : vector<16xi32>
    tpu.vector_store_idx %arg7[%gather3A_2016, %add3A_2059], %get3A_2020 {add = true} : memref<128x80xf32, #tpu.memory_space<vmem>>[vector<16xi32>, vector<16xi32>], vector<16xf32>,
    %add3A_2060 = arith.constant 16 : i32
    %add3A_2061 = vector.broadcast %add3A_2060 : i32 to vector<16xi32>
    %add3A_2062 = arith.addi %add3A_2061, %iota3A : vector<16xi32>
    tpu.vector_store_idx %arg7[%gather3A_2016, %add3A_2062], %get3A_2024 {add = true} : memref<128x80xf32, #tpu.memory_space<vmem>>[vector<16xi32>, vector<16xi32>], vector<16xf32>,
    %add3A_2063 = arith.constant 32 : i32
    %add3A_2064 = vector.broadcast %add3A_2063 : i32 to vector<16xi32>
    %add3A_2065 = arith.addi %add3A_2064, %iota3A : vector<16xi32>
    tpu.vector_store_idx %arg7[%gather3A_2016, %add3A_2065], %get3A_2028 {add = true} : memref<128x80xf32, #tpu.memory_space<vmem>>[vector<16xi32>, vector<16xi32>], vector<16xf32>,
    %add3A_2066 = arith.constant 48 : i32
    %add3A_2067 = vector.broadcast %add3A_2066 : i32 to vector<16xi32>
    %add3A_2068 = arith.addi %add3A_2067, %iota3A : vector<16xi32>
    tpu.vector_store_idx %arg7[%gather3A_2016, %add3A_2068], %get3A_2032 {add = true} : memref<128x80xf32, #tpu.memory_space<vmem>>[vector<16xi32>, vector<16xi32>], vector<16xf32>,
    %add3A_2069 = arith.constant 64 : i32
    %add3A_2070 = vector.broadcast %add3A_2069 : i32 to vector<16xi32>
    %add3A_2071 = arith.addi %add3A_2070, %iota3A : vector<16xi32>
    tpu.vector_store_idx %arg7[%gather3A_2016, %add3A_2071], %select_n3A_2056 {add = true} : memref<128x80xf32, #tpu.memory_space<vmem>>[vector<16xi32>, vector<16xi32>], vector<16xf32>,
    %broadcast_in_dim3A_2072 = arith.constant 3 : i32
    %broadcast_in_dim3A_2073 = vector.broadcast %broadcast_in_dim3A_2072 : i32 to vector<16x1xi32>
    %gather3A_2074 = vector.shape_cast %broadcast_in_dim3A_2073 : vector<16x1xi32> to vector<16xi32>
    %gather3A_2075 = tpu.dynamic_gather %get3A_1894[%gather3A_2074] in [0] : vector<16xi32>, vector<16xi32> -> vector<16xi32>
    %get3A_2076 = arith.constant 35 : i32
    %get3A_2077 = arith.index_cast %get3A_2076 : i32 to index
    %get3A_2078 = arith.constant 0 : index
    %get3A_2079 = tpu.vector_load %arg5[%get3A_2077, %get3A_2078] {strides = array<i32>} : memref<64x64xf32, #tpu.memory_space<vmem>>, vector<16xf32>,
    %get3A_2080 = arith.constant 35 : i32
    %get3A_2081 = arith.index_cast %get3A_2080 : i32 to index
    %get3A_2082 = arith.constant 16 : index
    %get3A_2083 = tpu.vector_load %arg5[%get3A_2081, %get3A_2082] {strides = array<i32>} : memref<64x64xf32, #tpu.memory_space<vmem>>, vector<16xf32>,
    %get3A_2084 = arith.constant 35 : i32
    %get3A_2085 = arith.index_cast %get3A_2084 : i32 to index
    %get3A_2086 = arith.constant 32 : index
    %get3A_2087 = tpu.vector_load %arg5[%get3A_2085, %get3A_2086] {strides = array<i32>} : memref<64x64xf32, #tpu.memory_space<vmem>>, vector<16xf32>,
    %get3A_2088 = arith.constant 35 : i32
    %get3A_2089 = arith.index_cast %get3A_2088 : i32 to index
    %get3A_2090 = arith.constant 48 : index
    %get3A_2091 = tpu.vector_load %arg5[%get3A_2089, %get3A_2090] {strides = array<i32>} : memref<64x64xf32, #tpu.memory_space<vmem>>, vector<16xf32>,
    %mul3A_2092 = arith.mulf %get3A_2079, %get3A_2079 : vector<16xf32>
    %mul3A_2093 = arith.mulf %get3A_2083, %get3A_2083 : vector<16xf32>
    %add3A_2094 = arith.addf %mul3A_2092, %mul3A_2093 : vector<16xf32>
    %mul3A_2095 = arith.mulf %get3A_2087, %get3A_2087 : vector<16xf32>
    %add3A_2096 = arith.addf %add3A_2094, %mul3A_2095 : vector<16xf32>
    %mul3A_2097 = arith.mulf %get3A_2091, %get3A_2091 : vector<16xf32>
    %add3A_2098 = arith.addf %add3A_2096, %mul3A_2097 : vector<16xf32>
    %reduce_sum3A_2099 = arith.constant true
    %reduce_sum3A_2100 = vector.broadcast %reduce_sum3A_2099 : i1 to vector<16xi1>
    %reduce_sum3A_2101 = tpu.scan <sum>, %add3A_2098 masked %reduce_sum3A_2100 : vector<16xf32>, vector<16xi1> -> vector<16xf32>
    %reduce_sum3A_2102 = vector.extract %reduce_sum3A_2101[15] : f32 from vector<16xf32>
    %eq3A_2103 = arith.constant 0 : i32
    %eq3A_2104 = vector.broadcast %eq3A_2103 : i32 to vector<16xi32>
    %eq3A_2105 = arith.cmpi eq, %iota3A, %eq3A_2104 : vector<16xi32>
    %eq3A_2106 = arith.constant 1 : i32
    %eq3A_2107 = vector.broadcast %eq3A_2106 : i32 to vector<16xi32>
    %eq3A_2108 = arith.cmpi eq, %iota3A, %eq3A_2107 : vector<16xi32>
    %jit3A_2109 = arith.constant 1.000000e+00 : f32
    %jit3A_2110 = arith.constant 0.000000e+00 : f32
    %broadcast_in_dim3A_2111 = vector.broadcast %jit3A_2109 : f32 to vector<16xf32>
    %broadcast_in_dim3A_2112 = vector.broadcast %jit3A_2110 : f32 to vector<16xf32>
    %select_n3A_2113 = arith.select %eq3A_2108, %broadcast_in_dim3A_2111, %broadcast_in_dim3A_2112 : vector<16xi1>, vector<16xf32>
    %broadcast_in_dim3A_2114 = vector.broadcast %reduce_sum3A_2102 : f32 to vector<16xf32>
    %select_n3A_2115 = arith.select %eq3A_2105, %broadcast_in_dim3A_2114, %select_n3A_2113 : vector<16xi1>, vector<16xf32>
    %add3A_2116 = arith.constant 0 : i32
    %add3A_2117 = vector.broadcast %add3A_2116 : i32 to vector<16xi32>
    %add3A_2118 = arith.addi %add3A_2117, %iota3A : vector<16xi32>
    tpu.vector_store_idx %arg7[%gather3A_2075, %add3A_2118], %get3A_2079 {add = true} : memref<128x80xf32, #tpu.memory_space<vmem>>[vector<16xi32>, vector<16xi32>], vector<16xf32>,
    %add3A_2119 = arith.constant 16 : i32
    %add3A_2120 = vector.broadcast %add3A_2119 : i32 to vector<16xi32>
    %add3A_2121 = arith.addi %add3A_2120, %iota3A : vector<16xi32>
    tpu.vector_store_idx %arg7[%gather3A_2075, %add3A_2121], %get3A_2083 {add = true} : memref<128x80xf32, #tpu.memory_space<vmem>>[vector<16xi32>, vector<16xi32>], vector<16xf32>,
    %add3A_2122 = arith.constant 32 : i32
    %add3A_2123 = vector.broadcast %add3A_2122 : i32 to vector<16xi32>
    %add3A_2124 = arith.addi %add3A_2123, %iota3A : vector<16xi32>
    tpu.vector_store_idx %arg7[%gather3A_2075, %add3A_2124], %get3A_2087 {add = true} : memref<128x80xf32, #tpu.memory_space<vmem>>[vector<16xi32>, vector<16xi32>], vector<16xf32>,
    %add3A_2125 = arith.constant 48 : i32
    %add3A_2126 = vector.broadcast %add3A_2125 : i32 to vector<16xi32>
    %add3A_2127 = arith.addi %add3A_2126, %iota3A : vector<16xi32>
    tpu.vector_store_idx %arg7[%gather3A_2075, %add3A_2127], %get3A_2091 {add = true} : memref<128x80xf32, #tpu.memory_space<vmem>>[vector<16xi32>, vector<16xi32>], vector<16xf32>,
    %add3A_2128 = arith.constant 64 : i32
    %add3A_2129 = vector.broadcast %add3A_2128 : i32 to vector<16xi32>
    %add3A_2130 = arith.addi %add3A_2129, %iota3A : vector<16xi32>
    tpu.vector_store_idx %arg7[%gather3A_2075, %add3A_2130], %select_n3A_2115 {add = true} : memref<128x80xf32, #tpu.memory_space<vmem>>[vector<16xi32>, vector<16xi32>], vector<16xf32>,
    %broadcast_in_dim3A_2131 = arith.constant 4 : i32
    %broadcast_in_dim3A_2132 = vector.broadcast %broadcast_in_dim3A_2131 : i32 to vector<16x1xi32>
    %gather3A_2133 = vector.shape_cast %broadcast_in_dim3A_2132 : vector<16x1xi32> to vector<16xi32>
    %gather3A_2134 = tpu.dynamic_gather %get3A_1894[%gather3A_2133] in [0] : vector<16xi32>, vector<16xi32> -> vector<16xi32>
    %get3A_2135 = arith.constant 36 : i32
    %get3A_2136 = arith.index_cast %get3A_2135 : i32 to index
    %get3A_2137 = arith.constant 0 : index
    %get3A_2138 = tpu.vector_load %arg5[%get3A_2136, %get3A_2137] {strides = array<i32>} : memref<64x64xf32, #tpu.memory_space<vmem>>, vector<16xf32>,
    %get3A_2139 = arith.constant 36 : i32
    %get3A_2140 = arith.index_cast %get3A_2139 : i32 to index
    %get3A_2141 = arith.constant 16 : index
    %get3A_2142 = tpu.vector_load %arg5[%get3A_2140, %get3A_2141] {strides = array<i32>} : memref<64x64xf32, #tpu.memory_space<vmem>>, vector<16xf32>,
    %get3A_2143 = arith.constant 36 : i32
    %get3A_2144 = arith.index_cast %get3A_2143 : i32 to index
    %get3A_2145 = arith.constant 32 : index
    %get3A_2146 = tpu.vector_load %arg5[%get3A_2144, %get3A_2145] {strides = array<i32>} : memref<64x64xf32, #tpu.memory_space<vmem>>, vector<16xf32>,
    %get3A_2147 = arith.constant 36 : i32
    %get3A_2148 = arith.index_cast %get3A_2147 : i32 to index
    %get3A_2149 = arith.constant 48 : index
    %get3A_2150 = tpu.vector_load %arg5[%get3A_2148, %get3A_2149] {strides = array<i32>} : memref<64x64xf32, #tpu.memory_space<vmem>>, vector<16xf32>,
    %mul3A_2151 = arith.mulf %get3A_2138, %get3A_2138 : vector<16xf32>
    %mul3A_2152 = arith.mulf %get3A_2142, %get3A_2142 : vector<16xf32>
    %add3A_2153 = arith.addf %mul3A_2151, %mul3A_2152 : vector<16xf32>
    %mul3A_2154 = arith.mulf %get3A_2146, %get3A_2146 : vector<16xf32>
    %add3A_2155 = arith.addf %add3A_2153, %mul3A_2154 : vector<16xf32>
    %mul3A_2156 = arith.mulf %get3A_2150, %get3A_2150 : vector<16xf32>
    %add3A_2157 = arith.addf %add3A_2155, %mul3A_2156 : vector<16xf32>
    %reduce_sum3A_2158 = arith.constant true
    %reduce_sum3A_2159 = vector.broadcast %reduce_sum3A_2158 : i1 to vector<16xi1>
    %reduce_sum3A_2160 = tpu.scan <sum>, %add3A_2157 masked %reduce_sum3A_2159 : vector<16xf32>, vector<16xi1> -> vector<16xf32>
    %reduce_sum3A_2161 = vector.extract %reduce_sum3A_2160[15] : f32 from vector<16xf32>
    %eq3A_2162 = arith.constant 0 : i32
    %eq3A_2163 = vector.broadcast %eq3A_2162 : i32 to vector<16xi32>
    %eq3A_2164 = arith.cmpi eq, %iota3A, %eq3A_2163 : vector<16xi32>
    %eq3A_2165 = arith.constant 1 : i32
    %eq3A_2166 = vector.broadcast %eq3A_2165 : i32 to vector<16xi32>
    %eq3A_2167 = arith.cmpi eq, %iota3A, %eq3A_2166 : vector<16xi32>
    %jit3A_2168 = arith.constant 1.000000e+00 : f32
    %jit3A_2169 = arith.constant 0.000000e+00 : f32
    %broadcast_in_dim3A_2170 = vector.broadcast %jit3A_2168 : f32 to vector<16xf32>
    %broadcast_in_dim3A_2171 = vector.broadcast %jit3A_2169 : f32 to vector<16xf32>
    %select_n3A_2172 = arith.select %eq3A_2167, %broadcast_in_dim3A_2170, %broadcast_in_dim3A_2171 : vector<16xi1>, vector<16xf32>
    %broadcast_in_dim3A_2173 = vector.broadcast %reduce_sum3A_2161 : f32 to vector<16xf32>
    %select_n3A_2174 = arith.select %eq3A_2164, %broadcast_in_dim3A_2173, %select_n3A_2172 : vector<16xi1>, vector<16xf32>
    %add3A_2175 = arith.constant 0 : i32
    %add3A_2176 = vector.broadcast %add3A_2175 : i32 to vector<16xi32>
    %add3A_2177 = arith.addi %add3A_2176, %iota3A : vector<16xi32>
    tpu.vector_store_idx %arg7[%gather3A_2134, %add3A_2177], %get3A_2138 {add = true} : memref<128x80xf32, #tpu.memory_space<vmem>>[vector<16xi32>, vector<16xi32>], vector<16xf32>,
    %add3A_2178 = arith.constant 16 : i32
    %add3A_2179 = vector.broadcast %add3A_2178 : i32 to vector<16xi32>
    %add3A_2180 = arith.addi %add3A_2179, %iota3A : vector<16xi32>
    tpu.vector_store_idx %arg7[%gather3A_2134, %add3A_2180], %get3A_2142 {add = true} : memref<128x80xf32, #tpu.memory_space<vmem>>[vector<16xi32>, vector<16xi32>], vector<16xf32>,
    %add3A_2181 = arith.constant 32 : i32
    %add3A_2182 = vector.broadcast %add3A_2181 : i32 to vector<16xi32>
    %add3A_2183 = arith.addi %add3A_2182, %iota3A : vector<16xi32>
    tpu.vector_store_idx %arg7[%gather3A_2134, %add3A_2183], %get3A_2146 {add = true} : memref<128x80xf32, #tpu.memory_space<vmem>>[vector<16xi32>, vector<16xi32>], vector<16xf32>,
    %add3A_2184 = arith.constant 48 : i32
    %add3A_2185 = vector.broadcast %add3A_2184 : i32 to vector<16xi32>
    %add3A_2186 = arith.addi %add3A_2185, %iota3A : vector<16xi32>
    tpu.vector_store_idx %arg7[%gather3A_2134, %add3A_2186], %get3A_2150 {add = true} : memref<128x80xf32, #tpu.memory_space<vmem>>[vector<16xi32>, vector<16xi32>], vector<16xf32>,
    %add3A_2187 = arith.constant 64 : i32
    %add3A_2188 = vector.broadcast %add3A_2187 : i32 to vector<16xi32>
    %add3A_2189 = arith.addi %add3A_2188, %iota3A : vector<16xi32>
    tpu.vector_store_idx %arg7[%gather3A_2134, %add3A_2189], %select_n3A_2174 {add = true} : memref<128x80xf32, #tpu.memory_space<vmem>>[vector<16xi32>, vector<16xi32>], vector<16xf32>,
    %broadcast_in_dim3A_2190 = arith.constant 5 : i32
    %broadcast_in_dim3A_2191 = vector.broadcast %broadcast_in_dim3A_2190 : i32 to vector<16x1xi32>
    %gather3A_2192 = vector.shape_cast %broadcast_in_dim3A_2191 : vector<16x1xi32> to vector<16xi32>
    %gather3A_2193 = tpu.dynamic_gather %get3A_1894[%gather3A_2192] in [0] : vector<16xi32>, vector<16xi32> -> vector<16xi32>
    %get3A_2194 = arith.constant 37 : i32
    %get3A_2195 = arith.index_cast %get3A_2194 : i32 to index
    %get3A_2196 = arith.constant 0 : index
    %get3A_2197 = tpu.vector_load %arg5[%get3A_2195, %get3A_2196] {strides = array<i32>} : memref<64x64xf32, #tpu.memory_space<vmem>>, vector<16xf32>,
    %get3A_2198 = arith.constant 37 : i32
    %get3A_2199 = arith.index_cast %get3A_2198 : i32 to index
    %get3A_2200 = arith.constant 16 : index
    %get3A_2201 = tpu.vector_load %arg5[%get3A_2199, %get3A_2200] {strides = array<i32>} : memref<64x64xf32, #tpu.memory_space<vmem>>, vector<16xf32>,
    %get3A_2202 = arith.constant 37 : i32
    %get3A_2203 = arith.index_cast %get3A_2202 : i32 to index
    %get3A_2204 = arith.constant 32 : index
    %get3A_2205 = tpu.vector_load %arg5[%get3A_2203, %get3A_2204] {strides = array<i32>} : memref<64x64xf32, #tpu.memory_space<vmem>>, vector<16xf32>,
    %get3A_2206 = arith.constant 37 : i32
    %get3A_2207 = arith.index_cast %get3A_2206 : i32 to index
    %get3A_2208 = arith.constant 48 : index
    %get3A_2209 = tpu.vector_load %arg5[%get3A_2207, %get3A_2208] {strides = array<i32>} : memref<64x64xf32, #tpu.memory_space<vmem>>, vector<16xf32>,
    %mul3A_2210 = arith.mulf %get3A_2197, %get3A_2197 : vector<16xf32>
    %mul3A_2211 = arith.mulf %get3A_2201, %get3A_2201 : vector<16xf32>
    %add3A_2212 = arith.addf %mul3A_2210, %mul3A_2211 : vector<16xf32>
    %mul3A_2213 = arith.mulf %get3A_2205, %get3A_2205 : vector<16xf32>
    %add3A_2214 = arith.addf %add3A_2212, %mul3A_2213 : vector<16xf32>
    %mul3A_2215 = arith.mulf %get3A_2209, %get3A_2209 : vector<16xf32>
    %add3A_2216 = arith.addf %add3A_2214, %mul3A_2215 : vector<16xf32>
    %reduce_sum3A_2217 = arith.constant true
    %reduce_sum3A_2218 = vector.broadcast %reduce_sum3A_2217 : i1 to vector<16xi1>
    %reduce_sum3A_2219 = tpu.scan <sum>, %add3A_2216 masked %reduce_sum3A_2218 : vector<16xf32>, vector<16xi1> -> vector<16xf32>
    %reduce_sum3A_2220 = vector.extract %reduce_sum3A_2219[15] : f32 from vector<16xf32>
    %eq3A_2221 = arith.constant 0 : i32
    %eq3A_2222 = vector.broadcast %eq3A_2221 : i32 to vector<16xi32>
    %eq3A_2223 = arith.cmpi eq, %iota3A, %eq3A_2222 : vector<16xi32>
    %eq3A_2224 = arith.constant 1 : i32
    %eq3A_2225 = vector.broadcast %eq3A_2224 : i32 to vector<16xi32>
    %eq3A_2226 = arith.cmpi eq, %iota3A, %eq3A_2225 : vector<16xi32>
    %jit3A_2227 = arith.constant 1.000000e+00 : f32
    %jit3A_2228 = arith.constant 0.000000e+00 : f32
    %broadcast_in_dim3A_2229 = vector.broadcast %jit3A_2227 : f32 to vector<16xf32>
    %broadcast_in_dim3A_2230 = vector.broadcast %jit3A_2228 : f32 to vector<16xf32>
    %select_n3A_2231 = arith.select %eq3A_2226, %broadcast_in_dim3A_2229, %broadcast_in_dim3A_2230 : vector<16xi1>, vector<16xf32>
    %broadcast_in_dim3A_2232 = vector.broadcast %reduce_sum3A_2220 : f32 to vector<16xf32>
    %select_n3A_2233 = arith.select %eq3A_2223, %broadcast_in_dim3A_2232, %select_n3A_2231 : vector<16xi1>, vector<16xf32>
    %add3A_2234 = arith.constant 0 : i32
    %add3A_2235 = vector.broadcast %add3A_2234 : i32 to vector<16xi32>
    %add3A_2236 = arith.addi %add3A_2235, %iota3A : vector<16xi32>
    tpu.vector_store_idx %arg7[%gather3A_2193, %add3A_2236], %get3A_2197 {add = true} : memref<128x80xf32, #tpu.memory_space<vmem>>[vector<16xi32>, vector<16xi32>], vector<16xf32>,
    %add3A_2237 = arith.constant 16 : i32
    %add3A_2238 = vector.broadcast %add3A_2237 : i32 to vector<16xi32>
    %add3A_2239 = arith.addi %add3A_2238, %iota3A : vector<16xi32>
    tpu.vector_store_idx %arg7[%gather3A_2193, %add3A_2239], %get3A_2201 {add = true} : memref<128x80xf32, #tpu.memory_space<vmem>>[vector<16xi32>, vector<16xi32>], vector<16xf32>,
    %add3A_2240 = arith.constant 32 : i32
    %add3A_2241 = vector.broadcast %add3A_2240 : i32 to vector<16xi32>
    %add3A_2242 = arith.addi %add3A_2241, %iota3A : vector<16xi32>
    tpu.vector_store_idx %arg7[%gather3A_2193, %add3A_2242], %get3A_2205 {add = true} : memref<128x80xf32, #tpu.memory_space<vmem>>[vector<16xi32>, vector<16xi32>], vector<16xf32>,
    %add3A_2243 = arith.constant 48 : i32
    %add3A_2244 = vector.broadcast %add3A_2243 : i32 to vector<16xi32>
    %add3A_2245 = arith.addi %add3A_2244, %iota3A : vector<16xi32>
    tpu.vector_store_idx %arg7[%gather3A_2193, %add3A_2245], %get3A_2209 {add = true} : memref<128x80xf32, #tpu.memory_space<vmem>>[vector<16xi32>, vector<16xi32>], vector<16xf32>,
    %add3A_2246 = arith.constant 64 : i32
    %add3A_2247 = vector.broadcast %add3A_2246 : i32 to vector<16xi32>
    %add3A_2248 = arith.addi %add3A_2247, %iota3A : vector<16xi32>
    tpu.vector_store_idx %arg7[%gather3A_2193, %add3A_2248], %select_n3A_2233 {add = true} : memref<128x80xf32, #tpu.memory_space<vmem>>[vector<16xi32>, vector<16xi32>], vector<16xf32>,
    %broadcast_in_dim3A_2249 = arith.constant 6 : i32
    %broadcast_in_dim3A_2250 = vector.broadcast %broadcast_in_dim3A_2249 : i32 to vector<16x1xi32>
    %gather3A_2251 = vector.shape_cast %broadcast_in_dim3A_2250 : vector<16x1xi32> to vector<16xi32>
    %gather3A_2252 = tpu.dynamic_gather %get3A_1894[%gather3A_2251] in [0] : vector<16xi32>, vector<16xi32> -> vector<16xi32>
    %get3A_2253 = arith.constant 38 : i32
    %get3A_2254 = arith.index_cast %get3A_2253 : i32 to index
    %get3A_2255 = arith.constant 0 : index
    %get3A_2256 = tpu.vector_load %arg5[%get3A_2254, %get3A_2255] {strides = array<i32>} : memref<64x64xf32, #tpu.memory_space<vmem>>, vector<16xf32>,
    %get3A_2257 = arith.constant 38 : i32
    %get3A_2258 = arith.index_cast %get3A_2257 : i32 to index
    %get3A_2259 = arith.constant 16 : index
    %get3A_2260 = tpu.vector_load %arg5[%get3A_2258, %get3A_2259] {strides = array<i32>} : memref<64x64xf32, #tpu.memory_space<vmem>>, vector<16xf32>,
    %get3A_2261 = arith.constant 38 : i32
    %get3A_2262 = arith.index_cast %get3A_2261 : i32 to index
    %get3A_2263 = arith.constant 32 : index
    %get3A_2264 = tpu.vector_load %arg5[%get3A_2262, %get3A_2263] {strides = array<i32>} : memref<64x64xf32, #tpu.memory_space<vmem>>, vector<16xf32>,
    %get3A_2265 = arith.constant 38 : i32
    %get3A_2266 = arith.index_cast %get3A_2265 : i32 to index
    %get3A_2267 = arith.constant 48 : index
    %get3A_2268 = tpu.vector_load %arg5[%get3A_2266, %get3A_2267] {strides = array<i32>} : memref<64x64xf32, #tpu.memory_space<vmem>>, vector<16xf32>,
    %mul3A_2269 = arith.mulf %get3A_2256, %get3A_2256 : vector<16xf32>
    %mul3A_2270 = arith.mulf %get3A_2260, %get3A_2260 : vector<16xf32>
    %add3A_2271 = arith.addf %mul3A_2269, %mul3A_2270 : vector<16xf32>
    %mul3A_2272 = arith.mulf %get3A_2264, %get3A_2264 : vector<16xf32>
    %add3A_2273 = arith.addf %add3A_2271, %mul3A_2272 : vector<16xf32>
    %mul3A_2274 = arith.mulf %get3A_2268, %get3A_2268 : vector<16xf32>
    %add3A_2275 = arith.addf %add3A_2273, %mul3A_2274 : vector<16xf32>
    %reduce_sum3A_2276 = arith.constant true
    %reduce_sum3A_2277 = vector.broadcast %reduce_sum3A_2276 : i1 to vector<16xi1>
    %reduce_sum3A_2278 = tpu.scan <sum>, %add3A_2275 masked %reduce_sum3A_2277 : vector<16xf32>, vector<16xi1> -> vector<16xf32>
    %reduce_sum3A_2279 = vector.extract %reduce_sum3A_2278[15] : f32 from vector<16xf32>
    %eq3A_2280 = arith.constant 0 : i32
    %eq3A_2281 = vector.broadcast %eq3A_2280 : i32 to vector<16xi32>
    %eq3A_2282 = arith.cmpi eq, %iota3A, %eq3A_2281 : vector<16xi32>
    %eq3A_2283 = arith.constant 1 : i32
    %eq3A_2284 = vector.broadcast %eq3A_2283 : i32 to vector<16xi32>
    %eq3A_2285 = arith.cmpi eq, %iota3A, %eq3A_2284 : vector<16xi32>
    %jit3A_2286 = arith.constant 1.000000e+00 : f32
    %jit3A_2287 = arith.constant 0.000000e+00 : f32
    %broadcast_in_dim3A_2288 = vector.broadcast %jit3A_2286 : f32 to vector<16xf32>
    %broadcast_in_dim3A_2289 = vector.broadcast %jit3A_2287 : f32 to vector<16xf32>
    %select_n3A_2290 = arith.select %eq3A_2285, %broadcast_in_dim3A_2288, %broadcast_in_dim3A_2289 : vector<16xi1>, vector<16xf32>
    %broadcast_in_dim3A_2291 = vector.broadcast %reduce_sum3A_2279 : f32 to vector<16xf32>
    %select_n3A_2292 = arith.select %eq3A_2282, %broadcast_in_dim3A_2291, %select_n3A_2290 : vector<16xi1>, vector<16xf32>
    %add3A_2293 = arith.constant 0 : i32
    %add3A_2294 = vector.broadcast %add3A_2293 : i32 to vector<16xi32>
    %add3A_2295 = arith.addi %add3A_2294, %iota3A : vector<16xi32>
    tpu.vector_store_idx %arg7[%gather3A_2252, %add3A_2295], %get3A_2256 {add = true} : memref<128x80xf32, #tpu.memory_space<vmem>>[vector<16xi32>, vector<16xi32>], vector<16xf32>,
    %add3A_2296 = arith.constant 16 : i32
    %add3A_2297 = vector.broadcast %add3A_2296 : i32 to vector<16xi32>
    %add3A_2298 = arith.addi %add3A_2297, %iota3A : vector<16xi32>
    tpu.vector_store_idx %arg7[%gather3A_2252, %add3A_2298], %get3A_2260 {add = true} : memref<128x80xf32, #tpu.memory_space<vmem>>[vector<16xi32>, vector<16xi32>], vector<16xf32>,
    %add3A_2299 = arith.constant 32 : i32
    %add3A_2300 = vector.broadcast %add3A_2299 : i32 to vector<16xi32>
    %add3A_2301 = arith.addi %add3A_2300, %iota3A : vector<16xi32>
    tpu.vector_store_idx %arg7[%gather3A_2252, %add3A_2301], %get3A_2264 {add = true} : memref<128x80xf32, #tpu.memory_space<vmem>>[vector<16xi32>, vector<16xi32>], vector<16xf32>,
    %add3A_2302 = arith.constant 48 : i32
    %add3A_2303 = vector.broadcast %add3A_2302 : i32 to vector<16xi32>
    %add3A_2304 = arith.addi %add3A_2303, %iota3A : vector<16xi32>
    tpu.vector_store_idx %arg7[%gather3A_2252, %add3A_2304], %get3A_2268 {add = true} : memref<128x80xf32, #tpu.memory_space<vmem>>[vector<16xi32>, vector<16xi32>], vector<16xf32>,
    %add3A_2305 = arith.constant 64 : i32
    %add3A_2306 = vector.broadcast %add3A_2305 : i32 to vector<16xi32>
    %add3A_2307 = arith.addi %add3A_2306, %iota3A : vector<16xi32>
    tpu.vector_store_idx %arg7[%gather3A_2252, %add3A_2307], %select_n3A_2292 {add = true} : memref<128x80xf32, #tpu.memory_space<vmem>>[vector<16xi32>, vector<16xi32>], vector<16xf32>,
    %broadcast_in_dim3A_2308 = arith.constant 7 : i32
    %broadcast_in_dim3A_2309 = vector.broadcast %broadcast_in_dim3A_2308 : i32 to vector<16x1xi32>
    %gather3A_2310 = vector.shape_cast %broadcast_in_dim3A_2309 : vector<16x1xi32> to vector<16xi32>
    %gather3A_2311 = tpu.dynamic_gather %get3A_1894[%gather3A_2310] in [0] : vector<16xi32>, vector<16xi32> -> vector<16xi32>
    %get3A_2312 = arith.constant 39 : i32
    %get3A_2313 = arith.index_cast %get3A_2312 : i32 to index
    %get3A_2314 = arith.constant 0 : index
    %get3A_2315 = tpu.vector_load %arg5[%get3A_2313, %get3A_2314] {strides = array<i32>} : memref<64x64xf32, #tpu.memory_space<vmem>>, vector<16xf32>,
    %get3A_2316 = arith.constant 39 : i32
    %get3A_2317 = arith.index_cast %get3A_2316 : i32 to index
    %get3A_2318 = arith.constant 16 : index
    %get3A_2319 = tpu.vector_load %arg5[%get3A_2317, %get3A_2318] {strides = array<i32>} : memref<64x64xf32, #tpu.memory_space<vmem>>, vector<16xf32>,
    %get3A_2320 = arith.constant 39 : i32
    %get3A_2321 = arith.index_cast %get3A_2320 : i32 to index
    %get3A_2322 = arith.constant 32 : index
    %get3A_2323 = tpu.vector_load %arg5[%get3A_2321, %get3A_2322] {strides = array<i32>} : memref<64x64xf32, #tpu.memory_space<vmem>>, vector<16xf32>,
    %get3A_2324 = arith.constant 39 : i32
    %get3A_2325 = arith.index_cast %get3A_2324 : i32 to index
    %get3A_2326 = arith.constant 48 : index
    %get3A_2327 = tpu.vector_load %arg5[%get3A_2325, %get3A_2326] {strides = array<i32>} : memref<64x64xf32, #tpu.memory_space<vmem>>, vector<16xf32>,
    %mul3A_2328 = arith.mulf %get3A_2315, %get3A_2315 : vector<16xf32>
    %mul3A_2329 = arith.mulf %get3A_2319, %get3A_2319 : vector<16xf32>
    %add3A_2330 = arith.addf %mul3A_2328, %mul3A_2329 : vector<16xf32>
    %mul3A_2331 = arith.mulf %get3A_2323, %get3A_2323 : vector<16xf32>
    %add3A_2332 = arith.addf %add3A_2330, %mul3A_2331 : vector<16xf32>
    %mul3A_2333 = arith.mulf %get3A_2327, %get3A_2327 : vector<16xf32>
    %add3A_2334 = arith.addf %add3A_2332, %mul3A_2333 : vector<16xf32>
    %reduce_sum3A_2335 = arith.constant true
    %reduce_sum3A_2336 = vector.broadcast %reduce_sum3A_2335 : i1 to vector<16xi1>
    %reduce_sum3A_2337 = tpu.scan <sum>, %add3A_2334 masked %reduce_sum3A_2336 : vector<16xf32>, vector<16xi1> -> vector<16xf32>
    %reduce_sum3A_2338 = vector.extract %reduce_sum3A_2337[15] : f32 from vector<16xf32>
    %eq3A_2339 = arith.constant 0 : i32
    %eq3A_2340 = vector.broadcast %eq3A_2339 : i32 to vector<16xi32>
    %eq3A_2341 = arith.cmpi eq, %iota3A, %eq3A_2340 : vector<16xi32>
    %eq3A_2342 = arith.constant 1 : i32
    %eq3A_2343 = vector.broadcast %eq3A_2342 : i32 to vector<16xi32>
    %eq3A_2344 = arith.cmpi eq, %iota3A, %eq3A_2343 : vector<16xi32>
    %jit3A_2345 = arith.constant 1.000000e+00 : f32
    %jit3A_2346 = arith.constant 0.000000e+00 : f32
    %broadcast_in_dim3A_2347 = vector.broadcast %jit3A_2345 : f32 to vector<16xf32>
    %broadcast_in_dim3A_2348 = vector.broadcast %jit3A_2346 : f32 to vector<16xf32>
    %select_n3A_2349 = arith.select %eq3A_2344, %broadcast_in_dim3A_2347, %broadcast_in_dim3A_2348 : vector<16xi1>, vector<16xf32>
    %broadcast_in_dim3A_2350 = vector.broadcast %reduce_sum3A_2338 : f32 to vector<16xf32>
    %select_n3A_2351 = arith.select %eq3A_2341, %broadcast_in_dim3A_2350, %select_n3A_2349 : vector<16xi1>, vector<16xf32>
    %add3A_2352 = arith.constant 0 : i32
    %add3A_2353 = vector.broadcast %add3A_2352 : i32 to vector<16xi32>
    %add3A_2354 = arith.addi %add3A_2353, %iota3A : vector<16xi32>
    tpu.vector_store_idx %arg7[%gather3A_2311, %add3A_2354], %get3A_2315 {add = true} : memref<128x80xf32, #tpu.memory_space<vmem>>[vector<16xi32>, vector<16xi32>], vector<16xf32>,
    %add3A_2355 = arith.constant 16 : i32
    %add3A_2356 = vector.broadcast %add3A_2355 : i32 to vector<16xi32>
    %add3A_2357 = arith.addi %add3A_2356, %iota3A : vector<16xi32>
    tpu.vector_store_idx %arg7[%gather3A_2311, %add3A_2357], %get3A_2319 {add = true} : memref<128x80xf32, #tpu.memory_space<vmem>>[vector<16xi32>, vector<16xi32>], vector<16xf32>,
    %add3A_2358 = arith.constant 32 : i32
    %add3A_2359 = vector.broadcast %add3A_2358 : i32 to vector<16xi32>
    %add3A_2360 = arith.addi %add3A_2359, %iota3A : vector<16xi32>
    tpu.vector_store_idx %arg7[%gather3A_2311, %add3A_2360], %get3A_2323 {add = true} : memref<128x80xf32, #tpu.memory_space<vmem>>[vector<16xi32>, vector<16xi32>], vector<16xf32>,
    %add3A_2361 = arith.constant 48 : i32
    %add3A_2362 = vector.broadcast %add3A_2361 : i32 to vector<16xi32>
    %add3A_2363 = arith.addi %add3A_2362, %iota3A : vector<16xi32>
    tpu.vector_store_idx %arg7[%gather3A_2311, %add3A_2363], %get3A_2327 {add = true} : memref<128x80xf32, #tpu.memory_space<vmem>>[vector<16xi32>, vector<16xi32>], vector<16xf32>,
    %add3A_2364 = arith.constant 64 : i32
    %add3A_2365 = vector.broadcast %add3A_2364 : i32 to vector<16xi32>
    %add3A_2366 = arith.addi %add3A_2365, %iota3A : vector<16xi32>
    tpu.vector_store_idx %arg7[%gather3A_2311, %add3A_2366], %select_n3A_2351 {add = true} : memref<128x80xf32, #tpu.memory_space<vmem>>[vector<16xi32>, vector<16xi32>], vector<16xf32>,
    %broadcast_in_dim3A_2367 = arith.constant 8 : i32
    %broadcast_in_dim3A_2368 = vector.broadcast %broadcast_in_dim3A_2367 : i32 to vector<16x1xi32>
    %gather3A_2369 = vector.shape_cast %broadcast_in_dim3A_2368 : vector<16x1xi32> to vector<16xi32>
    %gather3A_2370 = tpu.dynamic_gather %get3A_1894[%gather3A_2369] in [0] : vector<16xi32>, vector<16xi32> -> vector<16xi32>
    %get3A_2371 = arith.constant 40 : i32
    %get3A_2372 = arith.index_cast %get3A_2371 : i32 to index
    %get3A_2373 = arith.constant 0 : index
    %get3A_2374 = tpu.vector_load %arg5[%get3A_2372, %get3A_2373] {strides = array<i32>} : memref<64x64xf32, #tpu.memory_space<vmem>>, vector<16xf32>,
    %get3A_2375 = arith.constant 40 : i32
    %get3A_2376 = arith.index_cast %get3A_2375 : i32 to index
    %get3A_2377 = arith.constant 16 : index
    %get3A_2378 = tpu.vector_load %arg5[%get3A_2376, %get3A_2377] {strides = array<i32>} : memref<64x64xf32, #tpu.memory_space<vmem>>, vector<16xf32>,
    %get3A_2379 = arith.constant 40 : i32
    %get3A_2380 = arith.index_cast %get3A_2379 : i32 to index
    %get3A_2381 = arith.constant 32 : index
    %get3A_2382 = tpu.vector_load %arg5[%get3A_2380, %get3A_2381] {strides = array<i32>} : memref<64x64xf32, #tpu.memory_space<vmem>>, vector<16xf32>,
    %get3A_2383 = arith.constant 40 : i32
    %get3A_2384 = arith.index_cast %get3A_2383 : i32 to index
    %get3A_2385 = arith.constant 48 : index
    %get3A_2386 = tpu.vector_load %arg5[%get3A_2384, %get3A_2385] {strides = array<i32>} : memref<64x64xf32, #tpu.memory_space<vmem>>, vector<16xf32>,
    %mul3A_2387 = arith.mulf %get3A_2374, %get3A_2374 : vector<16xf32>
    %mul3A_2388 = arith.mulf %get3A_2378, %get3A_2378 : vector<16xf32>
    %add3A_2389 = arith.addf %mul3A_2387, %mul3A_2388 : vector<16xf32>
    %mul3A_2390 = arith.mulf %get3A_2382, %get3A_2382 : vector<16xf32>
    %add3A_2391 = arith.addf %add3A_2389, %mul3A_2390 : vector<16xf32>
    %mul3A_2392 = arith.mulf %get3A_2386, %get3A_2386 : vector<16xf32>
    %add3A_2393 = arith.addf %add3A_2391, %mul3A_2392 : vector<16xf32>
    %reduce_sum3A_2394 = arith.constant true
    %reduce_sum3A_2395 = vector.broadcast %reduce_sum3A_2394 : i1 to vector<16xi1>
    %reduce_sum3A_2396 = tpu.scan <sum>, %add3A_2393 masked %reduce_sum3A_2395 : vector<16xf32>, vector<16xi1> -> vector<16xf32>
    %reduce_sum3A_2397 = vector.extract %reduce_sum3A_2396[15] : f32 from vector<16xf32>
    %eq3A_2398 = arith.constant 0 : i32
    %eq3A_2399 = vector.broadcast %eq3A_2398 : i32 to vector<16xi32>
    %eq3A_2400 = arith.cmpi eq, %iota3A, %eq3A_2399 : vector<16xi32>
    %eq3A_2401 = arith.constant 1 : i32
    %eq3A_2402 = vector.broadcast %eq3A_2401 : i32 to vector<16xi32>
    %eq3A_2403 = arith.cmpi eq, %iota3A, %eq3A_2402 : vector<16xi32>
    %jit3A_2404 = arith.constant 1.000000e+00 : f32
    %jit3A_2405 = arith.constant 0.000000e+00 : f32
    %broadcast_in_dim3A_2406 = vector.broadcast %jit3A_2404 : f32 to vector<16xf32>
    %broadcast_in_dim3A_2407 = vector.broadcast %jit3A_2405 : f32 to vector<16xf32>
    %select_n3A_2408 = arith.select %eq3A_2403, %broadcast_in_dim3A_2406, %broadcast_in_dim3A_2407 : vector<16xi1>, vector<16xf32>
    %broadcast_in_dim3A_2409 = vector.broadcast %reduce_sum3A_2397 : f32 to vector<16xf32>
    %select_n3A_2410 = arith.select %eq3A_2400, %broadcast_in_dim3A_2409, %select_n3A_2408 : vector<16xi1>, vector<16xf32>
    %add3A_2411 = arith.constant 0 : i32
    %add3A_2412 = vector.broadcast %add3A_2411 : i32 to vector<16xi32>
    %add3A_2413 = arith.addi %add3A_2412, %iota3A : vector<16xi32>
    tpu.vector_store_idx %arg7[%gather3A_2370, %add3A_2413], %get3A_2374 {add = true} : memref<128x80xf32, #tpu.memory_space<vmem>>[vector<16xi32>, vector<16xi32>], vector<16xf32>,
    %add3A_2414 = arith.constant 16 : i32
    %add3A_2415 = vector.broadcast %add3A_2414 : i32 to vector<16xi32>
    %add3A_2416 = arith.addi %add3A_2415, %iota3A : vector<16xi32>
    tpu.vector_store_idx %arg7[%gather3A_2370, %add3A_2416], %get3A_2378 {add = true} : memref<128x80xf32, #tpu.memory_space<vmem>>[vector<16xi32>, vector<16xi32>], vector<16xf32>,
    %add3A_2417 = arith.constant 32 : i32
    %add3A_2418 = vector.broadcast %add3A_2417 : i32 to vector<16xi32>
    %add3A_2419 = arith.addi %add3A_2418, %iota3A : vector<16xi32>
    tpu.vector_store_idx %arg7[%gather3A_2370, %add3A_2419], %get3A_2382 {add = true} : memref<128x80xf32, #tpu.memory_space<vmem>>[vector<16xi32>, vector<16xi32>], vector<16xf32>,
    %add3A_2420 = arith.constant 48 : i32
    %add3A_2421 = vector.broadcast %add3A_2420 : i32 to vector<16xi32>
    %add3A_2422 = arith.addi %add3A_2421, %iota3A : vector<16xi32>
    tpu.vector_store_idx %arg7[%gather3A_2370, %add3A_2422], %get3A_2386 {add = true} : memref<128x80xf32, #tpu.memory_space<vmem>>[vector<16xi32>, vector<16xi32>], vector<16xf32>,
    %add3A_2423 = arith.constant 64 : i32
    %add3A_2424 = vector.broadcast %add3A_2423 : i32 to vector<16xi32>
    %add3A_2425 = arith.addi %add3A_2424, %iota3A : vector<16xi32>
    tpu.vector_store_idx %arg7[%gather3A_2370, %add3A_2425], %select_n3A_2410 {add = true} : memref<128x80xf32, #tpu.memory_space<vmem>>[vector<16xi32>, vector<16xi32>], vector<16xf32>,
    %broadcast_in_dim3A_2426 = arith.constant 9 : i32
    %broadcast_in_dim3A_2427 = vector.broadcast %broadcast_in_dim3A_2426 : i32 to vector<16x1xi32>
    %gather3A_2428 = vector.shape_cast %broadcast_in_dim3A_2427 : vector<16x1xi32> to vector<16xi32>
    %gather3A_2429 = tpu.dynamic_gather %get3A_1894[%gather3A_2428] in [0] : vector<16xi32>, vector<16xi32> -> vector<16xi32>
    %get3A_2430 = arith.constant 41 : i32
    %get3A_2431 = arith.index_cast %get3A_2430 : i32 to index
    %get3A_2432 = arith.constant 0 : index
    %get3A_2433 = tpu.vector_load %arg5[%get3A_2431, %get3A_2432] {strides = array<i32>} : memref<64x64xf32, #tpu.memory_space<vmem>>, vector<16xf32>,
    %get3A_2434 = arith.constant 41 : i32
    %get3A_2435 = arith.index_cast %get3A_2434 : i32 to index
    %get3A_2436 = arith.constant 16 : index
    %get3A_2437 = tpu.vector_load %arg5[%get3A_2435, %get3A_2436] {strides = array<i32>} : memref<64x64xf32, #tpu.memory_space<vmem>>, vector<16xf32>,
    %get3A_2438 = arith.constant 41 : i32
    %get3A_2439 = arith.index_cast %get3A_2438 : i32 to index
    %get3A_2440 = arith.constant 32 : index
    %get3A_2441 = tpu.vector_load %arg5[%get3A_2439, %get3A_2440] {strides = array<i32>} : memref<64x64xf32, #tpu.memory_space<vmem>>, vector<16xf32>,
    %get3A_2442 = arith.constant 41 : i32
    %get3A_2443 = arith.index_cast %get3A_2442 : i32 to index
    %get3A_2444 = arith.constant 48 : index
    %get3A_2445 = tpu.vector_load %arg5[%get3A_2443, %get3A_2444] {strides = array<i32>} : memref<64x64xf32, #tpu.memory_space<vmem>>, vector<16xf32>,
    %mul3A_2446 = arith.mulf %get3A_2433, %get3A_2433 : vector<16xf32>
    %mul3A_2447 = arith.mulf %get3A_2437, %get3A_2437 : vector<16xf32>
    %add3A_2448 = arith.addf %mul3A_2446, %mul3A_2447 : vector<16xf32>
    %mul3A_2449 = arith.mulf %get3A_2441, %get3A_2441 : vector<16xf32>
    %add3A_2450 = arith.addf %add3A_2448, %mul3A_2449 : vector<16xf32>
    %mul3A_2451 = arith.mulf %get3A_2445, %get3A_2445 : vector<16xf32>
    %add3A_2452 = arith.addf %add3A_2450, %mul3A_2451 : vector<16xf32>
    %reduce_sum3A_2453 = arith.constant true
    %reduce_sum3A_2454 = vector.broadcast %reduce_sum3A_2453 : i1 to vector<16xi1>
    %reduce_sum3A_2455 = tpu.scan <sum>, %add3A_2452 masked %reduce_sum3A_2454 : vector<16xf32>, vector<16xi1> -> vector<16xf32>
    %reduce_sum3A_2456 = vector.extract %reduce_sum3A_2455[15] : f32 from vector<16xf32>
    %eq3A_2457 = arith.constant 0 : i32
    %eq3A_2458 = vector.broadcast %eq3A_2457 : i32 to vector<16xi32>
    %eq3A_2459 = arith.cmpi eq, %iota3A, %eq3A_2458 : vector<16xi32>
    %eq3A_2460 = arith.constant 1 : i32
    %eq3A_2461 = vector.broadcast %eq3A_2460 : i32 to vector<16xi32>
    %eq3A_2462 = arith.cmpi eq, %iota3A, %eq3A_2461 : vector<16xi32>
    %jit3A_2463 = arith.constant 1.000000e+00 : f32
    %jit3A_2464 = arith.constant 0.000000e+00 : f32
    %broadcast_in_dim3A_2465 = vector.broadcast %jit3A_2463 : f32 to vector<16xf32>
    %broadcast_in_dim3A_2466 = vector.broadcast %jit3A_2464 : f32 to vector<16xf32>
    %select_n3A_2467 = arith.select %eq3A_2462, %broadcast_in_dim3A_2465, %broadcast_in_dim3A_2466 : vector<16xi1>, vector<16xf32>
    %broadcast_in_dim3A_2468 = vector.broadcast %reduce_sum3A_2456 : f32 to vector<16xf32>
    %select_n3A_2469 = arith.select %eq3A_2459, %broadcast_in_dim3A_2468, %select_n3A_2467 : vector<16xi1>, vector<16xf32>
    %add3A_2470 = arith.constant 0 : i32
    %add3A_2471 = vector.broadcast %add3A_2470 : i32 to vector<16xi32>
    %add3A_2472 = arith.addi %add3A_2471, %iota3A : vector<16xi32>
    tpu.vector_store_idx %arg7[%gather3A_2429, %add3A_2472], %get3A_2433 {add = true} : memref<128x80xf32, #tpu.memory_space<vmem>>[vector<16xi32>, vector<16xi32>], vector<16xf32>,
    %add3A_2473 = arith.constant 16 : i32
    %add3A_2474 = vector.broadcast %add3A_2473 : i32 to vector<16xi32>
    %add3A_2475 = arith.addi %add3A_2474, %iota3A : vector<16xi32>
    tpu.vector_store_idx %arg7[%gather3A_2429, %add3A_2475], %get3A_2437 {add = true} : memref<128x80xf32, #tpu.memory_space<vmem>>[vector<16xi32>, vector<16xi32>], vector<16xf32>,
    %add3A_2476 = arith.constant 32 : i32
    %add3A_2477 = vector.broadcast %add3A_2476 : i32 to vector<16xi32>
    %add3A_2478 = arith.addi %add3A_2477, %iota3A : vector<16xi32>
    tpu.vector_store_idx %arg7[%gather3A_2429, %add3A_2478], %get3A_2441 {add = true} : memref<128x80xf32, #tpu.memory_space<vmem>>[vector<16xi32>, vector<16xi32>], vector<16xf32>,
    %add3A_2479 = arith.constant 48 : i32
    %add3A_2480 = vector.broadcast %add3A_2479 : i32 to vector<16xi32>
    %add3A_2481 = arith.addi %add3A_2480, %iota3A : vector<16xi32>
    tpu.vector_store_idx %arg7[%gather3A_2429, %add3A_2481], %get3A_2445 {add = true} : memref<128x80xf32, #tpu.memory_space<vmem>>[vector<16xi32>, vector<16xi32>], vector<16xf32>,
    %add3A_2482 = arith.constant 64 : i32
    %add3A_2483 = vector.broadcast %add3A_2482 : i32 to vector<16xi32>
    %add3A_2484 = arith.addi %add3A_2483, %iota3A : vector<16xi32>
    tpu.vector_store_idx %arg7[%gather3A_2429, %add3A_2484], %select_n3A_2469 {add = true} : memref<128x80xf32, #tpu.memory_space<vmem>>[vector<16xi32>, vector<16xi32>], vector<16xf32>,
    %broadcast_in_dim3A_2485 = arith.constant 10 : i32
    %broadcast_in_dim3A_2486 = vector.broadcast %broadcast_in_dim3A_2485 : i32 to vector<16x1xi32>
    %gather3A_2487 = vector.shape_cast %broadcast_in_dim3A_2486 : vector<16x1xi32> to vector<16xi32>
    %gather3A_2488 = tpu.dynamic_gather %get3A_1894[%gather3A_2487] in [0] : vector<16xi32>, vector<16xi32> -> vector<16xi32>
    %get3A_2489 = arith.constant 42 : i32
    %get3A_2490 = arith.index_cast %get3A_2489 : i32 to index
    %get3A_2491 = arith.constant 0 : index
    %get3A_2492 = tpu.vector_load %arg5[%get3A_2490, %get3A_2491] {strides = array<i32>} : memref<64x64xf32, #tpu.memory_space<vmem>>, vector<16xf32>,
    %get3A_2493 = arith.constant 42 : i32
    %get3A_2494 = arith.index_cast %get3A_2493 : i32 to index
    %get3A_2495 = arith.constant 16 : index
    %get3A_2496 = tpu.vector_load %arg5[%get3A_2494, %get3A_2495] {strides = array<i32>} : memref<64x64xf32, #tpu.memory_space<vmem>>, vector<16xf32>,
    %get3A_2497 = arith.constant 42 : i32
    %get3A_2498 = arith.index_cast %get3A_2497 : i32 to index
    %get3A_2499 = arith.constant 32 : index
    %get3A_2500 = tpu.vector_load %arg5[%get3A_2498, %get3A_2499] {strides = array<i32>} : memref<64x64xf32, #tpu.memory_space<vmem>>, vector<16xf32>,
    %get3A_2501 = arith.constant 42 : i32
    %get3A_2502 = arith.index_cast %get3A_2501 : i32 to index
    %get3A_2503 = arith.constant 48 : index
    %get3A_2504 = tpu.vector_load %arg5[%get3A_2502, %get3A_2503] {strides = array<i32>} : memref<64x64xf32, #tpu.memory_space<vmem>>, vector<16xf32>,
    %mul3A_2505 = arith.mulf %get3A_2492, %get3A_2492 : vector<16xf32>
    %mul3A_2506 = arith.mulf %get3A_2496, %get3A_2496 : vector<16xf32>
    %add3A_2507 = arith.addf %mul3A_2505, %mul3A_2506 : vector<16xf32>
    %mul3A_2508 = arith.mulf %get3A_2500, %get3A_2500 : vector<16xf32>
    %add3A_2509 = arith.addf %add3A_2507, %mul3A_2508 : vector<16xf32>
    %mul3A_2510 = arith.mulf %get3A_2504, %get3A_2504 : vector<16xf32>
    %add3A_2511 = arith.addf %add3A_2509, %mul3A_2510 : vector<16xf32>
    %reduce_sum3A_2512 = arith.constant true
    %reduce_sum3A_2513 = vector.broadcast %reduce_sum3A_2512 : i1 to vector<16xi1>
    %reduce_sum3A_2514 = tpu.scan <sum>, %add3A_2511 masked %reduce_sum3A_2513 : vector<16xf32>, vector<16xi1> -> vector<16xf32>
    %reduce_sum3A_2515 = vector.extract %reduce_sum3A_2514[15] : f32 from vector<16xf32>
    %eq3A_2516 = arith.constant 0 : i32
    %eq3A_2517 = vector.broadcast %eq3A_2516 : i32 to vector<16xi32>
    %eq3A_2518 = arith.cmpi eq, %iota3A, %eq3A_2517 : vector<16xi32>
    %eq3A_2519 = arith.constant 1 : i32
    %eq3A_2520 = vector.broadcast %eq3A_2519 : i32 to vector<16xi32>
    %eq3A_2521 = arith.cmpi eq, %iota3A, %eq3A_2520 : vector<16xi32>
    %jit3A_2522 = arith.constant 1.000000e+00 : f32
    %jit3A_2523 = arith.constant 0.000000e+00 : f32
    %broadcast_in_dim3A_2524 = vector.broadcast %jit3A_2522 : f32 to vector<16xf32>
    %broadcast_in_dim3A_2525 = vector.broadcast %jit3A_2523 : f32 to vector<16xf32>
    %select_n3A_2526 = arith.select %eq3A_2521, %broadcast_in_dim3A_2524, %broadcast_in_dim3A_2525 : vector<16xi1>, vector<16xf32>
    %broadcast_in_dim3A_2527 = vector.broadcast %reduce_sum3A_2515 : f32 to vector<16xf32>
    %select_n3A_2528 = arith.select %eq3A_2518, %broadcast_in_dim3A_2527, %select_n3A_2526 : vector<16xi1>, vector<16xf32>
    %add3A_2529 = arith.constant 0 : i32
    %add3A_2530 = vector.broadcast %add3A_2529 : i32 to vector<16xi32>
    %add3A_2531 = arith.addi %add3A_2530, %iota3A : vector<16xi32>
    tpu.vector_store_idx %arg7[%gather3A_2488, %add3A_2531], %get3A_2492 {add = true} : memref<128x80xf32, #tpu.memory_space<vmem>>[vector<16xi32>, vector<16xi32>], vector<16xf32>,
    %add3A_2532 = arith.constant 16 : i32
    %add3A_2533 = vector.broadcast %add3A_2532 : i32 to vector<16xi32>
    %add3A_2534 = arith.addi %add3A_2533, %iota3A : vector<16xi32>
    tpu.vector_store_idx %arg7[%gather3A_2488, %add3A_2534], %get3A_2496 {add = true} : memref<128x80xf32, #tpu.memory_space<vmem>>[vector<16xi32>, vector<16xi32>], vector<16xf32>,
    %add3A_2535 = arith.constant 32 : i32
    %add3A_2536 = vector.broadcast %add3A_2535 : i32 to vector<16xi32>
    %add3A_2537 = arith.addi %add3A_2536, %iota3A : vector<16xi32>
    tpu.vector_store_idx %arg7[%gather3A_2488, %add3A_2537], %get3A_2500 {add = true} : memref<128x80xf32, #tpu.memory_space<vmem>>[vector<16xi32>, vector<16xi32>], vector<16xf32>,
    %add3A_2538 = arith.constant 48 : i32
    %add3A_2539 = vector.broadcast %add3A_2538 : i32 to vector<16xi32>
    %add3A_2540 = arith.addi %add3A_2539, %iota3A : vector<16xi32>
    tpu.vector_store_idx %arg7[%gather3A_2488, %add3A_2540], %get3A_2504 {add = true} : memref<128x80xf32, #tpu.memory_space<vmem>>[vector<16xi32>, vector<16xi32>], vector<16xf32>,
    %add3A_2541 = arith.constant 64 : i32
    %add3A_2542 = vector.broadcast %add3A_2541 : i32 to vector<16xi32>
    %add3A_2543 = arith.addi %add3A_2542, %iota3A : vector<16xi32>
    tpu.vector_store_idx %arg7[%gather3A_2488, %add3A_2543], %select_n3A_2528 {add = true} : memref<128x80xf32, #tpu.memory_space<vmem>>[vector<16xi32>, vector<16xi32>], vector<16xf32>,
    %broadcast_in_dim3A_2544 = arith.constant 11 : i32
    %broadcast_in_dim3A_2545 = vector.broadcast %broadcast_in_dim3A_2544 : i32 to vector<16x1xi32>
    %gather3A_2546 = vector.shape_cast %broadcast_in_dim3A_2545 : vector<16x1xi32> to vector<16xi32>
    %gather3A_2547 = tpu.dynamic_gather %get3A_1894[%gather3A_2546] in [0] : vector<16xi32>, vector<16xi32> -> vector<16xi32>
    %get3A_2548 = arith.constant 43 : i32
    %get3A_2549 = arith.index_cast %get3A_2548 : i32 to index
    %get3A_2550 = arith.constant 0 : index
    %get3A_2551 = tpu.vector_load %arg5[%get3A_2549, %get3A_2550] {strides = array<i32>} : memref<64x64xf32, #tpu.memory_space<vmem>>, vector<16xf32>,
    %get3A_2552 = arith.constant 43 : i32
    %get3A_2553 = arith.index_cast %get3A_2552 : i32 to index
    %get3A_2554 = arith.constant 16 : index
    %get3A_2555 = tpu.vector_load %arg5[%get3A_2553, %get3A_2554] {strides = array<i32>} : memref<64x64xf32, #tpu.memory_space<vmem>>, vector<16xf32>,
    %get3A_2556 = arith.constant 43 : i32
    %get3A_2557 = arith.index_cast %get3A_2556 : i32 to index
    %get3A_2558 = arith.constant 32 : index
    %get3A_2559 = tpu.vector_load %arg5[%get3A_2557, %get3A_2558] {strides = array<i32>} : memref<64x64xf32, #tpu.memory_space<vmem>>, vector<16xf32>,
    %get3A_2560 = arith.constant 43 : i32
    %get3A_2561 = arith.index_cast %get3A_2560 : i32 to index
    %get3A_2562 = arith.constant 48 : index
    %get3A_2563 = tpu.vector_load %arg5[%get3A_2561, %get3A_2562] {strides = array<i32>} : memref<64x64xf32, #tpu.memory_space<vmem>>, vector<16xf32>,
    %mul3A_2564 = arith.mulf %get3A_2551, %get3A_2551 : vector<16xf32>
    %mul3A_2565 = arith.mulf %get3A_2555, %get3A_2555 : vector<16xf32>
    %add3A_2566 = arith.addf %mul3A_2564, %mul3A_2565 : vector<16xf32>
    %mul3A_2567 = arith.mulf %get3A_2559, %get3A_2559 : vector<16xf32>
    %add3A_2568 = arith.addf %add3A_2566, %mul3A_2567 : vector<16xf32>
    %mul3A_2569 = arith.mulf %get3A_2563, %get3A_2563 : vector<16xf32>
    %add3A_2570 = arith.addf %add3A_2568, %mul3A_2569 : vector<16xf32>
    %reduce_sum3A_2571 = arith.constant true
    %reduce_sum3A_2572 = vector.broadcast %reduce_sum3A_2571 : i1 to vector<16xi1>
    %reduce_sum3A_2573 = tpu.scan <sum>, %add3A_2570 masked %reduce_sum3A_2572 : vector<16xf32>, vector<16xi1> -> vector<16xf32>
    %reduce_sum3A_2574 = vector.extract %reduce_sum3A_2573[15] : f32 from vector<16xf32>
    %eq3A_2575 = arith.constant 0 : i32
    %eq3A_2576 = vector.broadcast %eq3A_2575 : i32 to vector<16xi32>
    %eq3A_2577 = arith.cmpi eq, %iota3A, %eq3A_2576 : vector<16xi32>
    %eq3A_2578 = arith.constant 1 : i32
    %eq3A_2579 = vector.broadcast %eq3A_2578 : i32 to vector<16xi32>
    %eq3A_2580 = arith.cmpi eq, %iota3A, %eq3A_2579 : vector<16xi32>
    %jit3A_2581 = arith.constant 1.000000e+00 : f32
    %jit3A_2582 = arith.constant 0.000000e+00 : f32
    %broadcast_in_dim3A_2583 = vector.broadcast %jit3A_2581 : f32 to vector<16xf32>
    %broadcast_in_dim3A_2584 = vector.broadcast %jit3A_2582 : f32 to vector<16xf32>
    %select_n3A_2585 = arith.select %eq3A_2580, %broadcast_in_dim3A_2583, %broadcast_in_dim3A_2584 : vector<16xi1>, vector<16xf32>
    %broadcast_in_dim3A_2586 = vector.broadcast %reduce_sum3A_2574 : f32 to vector<16xf32>
    %select_n3A_2587 = arith.select %eq3A_2577, %broadcast_in_dim3A_2586, %select_n3A_2585 : vector<16xi1>, vector<16xf32>
    %add3A_2588 = arith.constant 0 : i32
    %add3A_2589 = vector.broadcast %add3A_2588 : i32 to vector<16xi32>
    %add3A_2590 = arith.addi %add3A_2589, %iota3A : vector<16xi32>
    tpu.vector_store_idx %arg7[%gather3A_2547, %add3A_2590], %get3A_2551 {add = true} : memref<128x80xf32, #tpu.memory_space<vmem>>[vector<16xi32>, vector<16xi32>], vector<16xf32>,
    %add3A_2591 = arith.constant 16 : i32
    %add3A_2592 = vector.broadcast %add3A_2591 : i32 to vector<16xi32>
    %add3A_2593 = arith.addi %add3A_2592, %iota3A : vector<16xi32>
    tpu.vector_store_idx %arg7[%gather3A_2547, %add3A_2593], %get3A_2555 {add = true} : memref<128x80xf32, #tpu.memory_space<vmem>>[vector<16xi32>, vector<16xi32>], vector<16xf32>,
    %add3A_2594 = arith.constant 32 : i32
    %add3A_2595 = vector.broadcast %add3A_2594 : i32 to vector<16xi32>
    %add3A_2596 = arith.addi %add3A_2595, %iota3A : vector<16xi32>
    tpu.vector_store_idx %arg7[%gather3A_2547, %add3A_2596], %get3A_2559 {add = true} : memref<128x80xf32, #tpu.memory_space<vmem>>[vector<16xi32>, vector<16xi32>], vector<16xf32>,
    %add3A_2597 = arith.constant 48 : i32
    %add3A_2598 = vector.broadcast %add3A_2597 : i32 to vector<16xi32>
    %add3A_2599 = arith.addi %add3A_2598, %iota3A : vector<16xi32>
    tpu.vector_store_idx %arg7[%gather3A_2547, %add3A_2599], %get3A_2563 {add = true} : memref<128x80xf32, #tpu.memory_space<vmem>>[vector<16xi32>, vector<16xi32>], vector<16xf32>,
    %add3A_2600 = arith.constant 64 : i32
    %add3A_2601 = vector.broadcast %add3A_2600 : i32 to vector<16xi32>
    %add3A_2602 = arith.addi %add3A_2601, %iota3A : vector<16xi32>
    tpu.vector_store_idx %arg7[%gather3A_2547, %add3A_2602], %select_n3A_2587 {add = true} : memref<128x80xf32, #tpu.memory_space<vmem>>[vector<16xi32>, vector<16xi32>], vector<16xf32>,
    %broadcast_in_dim3A_2603 = arith.constant 12 : i32
    %broadcast_in_dim3A_2604 = vector.broadcast %broadcast_in_dim3A_2603 : i32 to vector<16x1xi32>
    %gather3A_2605 = vector.shape_cast %broadcast_in_dim3A_2604 : vector<16x1xi32> to vector<16xi32>
    %gather3A_2606 = tpu.dynamic_gather %get3A_1894[%gather3A_2605] in [0] : vector<16xi32>, vector<16xi32> -> vector<16xi32>
    %get3A_2607 = arith.constant 44 : i32
    %get3A_2608 = arith.index_cast %get3A_2607 : i32 to index
    %get3A_2609 = arith.constant 0 : index
    %get3A_2610 = tpu.vector_load %arg5[%get3A_2608, %get3A_2609] {strides = array<i32>} : memref<64x64xf32, #tpu.memory_space<vmem>>, vector<16xf32>,
    %get3A_2611 = arith.constant 44 : i32
    %get3A_2612 = arith.index_cast %get3A_2611 : i32 to index
    %get3A_2613 = arith.constant 16 : index
    %get3A_2614 = tpu.vector_load %arg5[%get3A_2612, %get3A_2613] {strides = array<i32>} : memref<64x64xf32, #tpu.memory_space<vmem>>, vector<16xf32>,
    %get3A_2615 = arith.constant 44 : i32
    %get3A_2616 = arith.index_cast %get3A_2615 : i32 to index
    %get3A_2617 = arith.constant 32 : index
    %get3A_2618 = tpu.vector_load %arg5[%get3A_2616, %get3A_2617] {strides = array<i32>} : memref<64x64xf32, #tpu.memory_space<vmem>>, vector<16xf32>,
    %get3A_2619 = arith.constant 44 : i32
    %get3A_2620 = arith.index_cast %get3A_2619 : i32 to index
    %get3A_2621 = arith.constant 48 : index
    %get3A_2622 = tpu.vector_load %arg5[%get3A_2620, %get3A_2621] {strides = array<i32>} : memref<64x64xf32, #tpu.memory_space<vmem>>, vector<16xf32>,
    %mul3A_2623 = arith.mulf %get3A_2610, %get3A_2610 : vector<16xf32>
    %mul3A_2624 = arith.mulf %get3A_2614, %get3A_2614 : vector<16xf32>
    %add3A_2625 = arith.addf %mul3A_2623, %mul3A_2624 : vector<16xf32>
    %mul3A_2626 = arith.mulf %get3A_2618, %get3A_2618 : vector<16xf32>
    %add3A_2627 = arith.addf %add3A_2625, %mul3A_2626 : vector<16xf32>
    %mul3A_2628 = arith.mulf %get3A_2622, %get3A_2622 : vector<16xf32>
    %add3A_2629 = arith.addf %add3A_2627, %mul3A_2628 : vector<16xf32>
    %reduce_sum3A_2630 = arith.constant true
    %reduce_sum3A_2631 = vector.broadcast %reduce_sum3A_2630 : i1 to vector<16xi1>
    %reduce_sum3A_2632 = tpu.scan <sum>, %add3A_2629 masked %reduce_sum3A_2631 : vector<16xf32>, vector<16xi1> -> vector<16xf32>
    %reduce_sum3A_2633 = vector.extract %reduce_sum3A_2632[15] : f32 from vector<16xf32>
    %eq3A_2634 = arith.constant 0 : i32
    %eq3A_2635 = vector.broadcast %eq3A_2634 : i32 to vector<16xi32>
    %eq3A_2636 = arith.cmpi eq, %iota3A, %eq3A_2635 : vector<16xi32>
    %eq3A_2637 = arith.constant 1 : i32
    %eq3A_2638 = vector.broadcast %eq3A_2637 : i32 to vector<16xi32>
    %eq3A_2639 = arith.cmpi eq, %iota3A, %eq3A_2638 : vector<16xi32>
    %jit3A_2640 = arith.constant 1.000000e+00 : f32
    %jit3A_2641 = arith.constant 0.000000e+00 : f32
    %broadcast_in_dim3A_2642 = vector.broadcast %jit3A_2640 : f32 to vector<16xf32>
    %broadcast_in_dim3A_2643 = vector.broadcast %jit3A_2641 : f32 to vector<16xf32>
    %select_n3A_2644 = arith.select %eq3A_2639, %broadcast_in_dim3A_2642, %broadcast_in_dim3A_2643 : vector<16xi1>, vector<16xf32>
    %broadcast_in_dim3A_2645 = vector.broadcast %reduce_sum3A_2633 : f32 to vector<16xf32>
    %select_n3A_2646 = arith.select %eq3A_2636, %broadcast_in_dim3A_2645, %select_n3A_2644 : vector<16xi1>, vector<16xf32>
    %add3A_2647 = arith.constant 0 : i32
    %add3A_2648 = vector.broadcast %add3A_2647 : i32 to vector<16xi32>
    %add3A_2649 = arith.addi %add3A_2648, %iota3A : vector<16xi32>
    tpu.vector_store_idx %arg7[%gather3A_2606, %add3A_2649], %get3A_2610 {add = true} : memref<128x80xf32, #tpu.memory_space<vmem>>[vector<16xi32>, vector<16xi32>], vector<16xf32>,
    %add3A_2650 = arith.constant 16 : i32
    %add3A_2651 = vector.broadcast %add3A_2650 : i32 to vector<16xi32>
    %add3A_2652 = arith.addi %add3A_2651, %iota3A : vector<16xi32>
    tpu.vector_store_idx %arg7[%gather3A_2606, %add3A_2652], %get3A_2614 {add = true} : memref<128x80xf32, #tpu.memory_space<vmem>>[vector<16xi32>, vector<16xi32>], vector<16xf32>,
    %add3A_2653 = arith.constant 32 : i32
    %add3A_2654 = vector.broadcast %add3A_2653 : i32 to vector<16xi32>
    %add3A_2655 = arith.addi %add3A_2654, %iota3A : vector<16xi32>
    tpu.vector_store_idx %arg7[%gather3A_2606, %add3A_2655], %get3A_2618 {add = true} : memref<128x80xf32, #tpu.memory_space<vmem>>[vector<16xi32>, vector<16xi32>], vector<16xf32>,
    %add3A_2656 = arith.constant 48 : i32
    %add3A_2657 = vector.broadcast %add3A_2656 : i32 to vector<16xi32>
    %add3A_2658 = arith.addi %add3A_2657, %iota3A : vector<16xi32>
    tpu.vector_store_idx %arg7[%gather3A_2606, %add3A_2658], %get3A_2622 {add = true} : memref<128x80xf32, #tpu.memory_space<vmem>>[vector<16xi32>, vector<16xi32>], vector<16xf32>,
    %add3A_2659 = arith.constant 64 : i32
    %add3A_2660 = vector.broadcast %add3A_2659 : i32 to vector<16xi32>
    %add3A_2661 = arith.addi %add3A_2660, %iota3A : vector<16xi32>
    tpu.vector_store_idx %arg7[%gather3A_2606, %add3A_2661], %select_n3A_2646 {add = true} : memref<128x80xf32, #tpu.memory_space<vmem>>[vector<16xi32>, vector<16xi32>], vector<16xf32>,
    %broadcast_in_dim3A_2662 = arith.constant 13 : i32
    %broadcast_in_dim3A_2663 = vector.broadcast %broadcast_in_dim3A_2662 : i32 to vector<16x1xi32>
    %gather3A_2664 = vector.shape_cast %broadcast_in_dim3A_2663 : vector<16x1xi32> to vector<16xi32>
    %gather3A_2665 = tpu.dynamic_gather %get3A_1894[%gather3A_2664] in [0] : vector<16xi32>, vector<16xi32> -> vector<16xi32>
    %get3A_2666 = arith.constant 45 : i32
    %get3A_2667 = arith.index_cast %get3A_2666 : i32 to index
    %get3A_2668 = arith.constant 0 : index
    %get3A_2669 = tpu.vector_load %arg5[%get3A_2667, %get3A_2668] {strides = array<i32>} : memref<64x64xf32, #tpu.memory_space<vmem>>, vector<16xf32>,
    %get3A_2670 = arith.constant 45 : i32
    %get3A_2671 = arith.index_cast %get3A_2670 : i32 to index
    %get3A_2672 = arith.constant 16 : index
    %get3A_2673 = tpu.vector_load %arg5[%get3A_2671, %get3A_2672] {strides = array<i32>} : memref<64x64xf32, #tpu.memory_space<vmem>>, vector<16xf32>,
    %get3A_2674 = arith.constant 45 : i32
    %get3A_2675 = arith.index_cast %get3A_2674 : i32 to index
    %get3A_2676 = arith.constant 32 : index
    %get3A_2677 = tpu.vector_load %arg5[%get3A_2675, %get3A_2676] {strides = array<i32>} : memref<64x64xf32, #tpu.memory_space<vmem>>, vector<16xf32>,
    %get3A_2678 = arith.constant 45 : i32
    %get3A_2679 = arith.index_cast %get3A_2678 : i32 to index
    %get3A_2680 = arith.constant 48 : index
    %get3A_2681 = tpu.vector_load %arg5[%get3A_2679, %get3A_2680] {strides = array<i32>} : memref<64x64xf32, #tpu.memory_space<vmem>>, vector<16xf32>,
    %mul3A_2682 = arith.mulf %get3A_2669, %get3A_2669 : vector<16xf32>
    %mul3A_2683 = arith.mulf %get3A_2673, %get3A_2673 : vector<16xf32>
    %add3A_2684 = arith.addf %mul3A_2682, %mul3A_2683 : vector<16xf32>
    %mul3A_2685 = arith.mulf %get3A_2677, %get3A_2677 : vector<16xf32>
    %add3A_2686 = arith.addf %add3A_2684, %mul3A_2685 : vector<16xf32>
    %mul3A_2687 = arith.mulf %get3A_2681, %get3A_2681 : vector<16xf32>
    %add3A_2688 = arith.addf %add3A_2686, %mul3A_2687 : vector<16xf32>
    %reduce_sum3A_2689 = arith.constant true
    %reduce_sum3A_2690 = vector.broadcast %reduce_sum3A_2689 : i1 to vector<16xi1>
    %reduce_sum3A_2691 = tpu.scan <sum>, %add3A_2688 masked %reduce_sum3A_2690 : vector<16xf32>, vector<16xi1> -> vector<16xf32>
    %reduce_sum3A_2692 = vector.extract %reduce_sum3A_2691[15] : f32 from vector<16xf32>
    %eq3A_2693 = arith.constant 0 : i32
    %eq3A_2694 = vector.broadcast %eq3A_2693 : i32 to vector<16xi32>
    %eq3A_2695 = arith.cmpi eq, %iota3A, %eq3A_2694 : vector<16xi32>
    %eq3A_2696 = arith.constant 1 : i32
    %eq3A_2697 = vector.broadcast %eq3A_2696 : i32 to vector<16xi32>
    %eq3A_2698 = arith.cmpi eq, %iota3A, %eq3A_2697 : vector<16xi32>
    %jit3A_2699 = arith.constant 1.000000e+00 : f32
    %jit3A_2700 = arith.constant 0.000000e+00 : f32
    %broadcast_in_dim3A_2701 = vector.broadcast %jit3A_2699 : f32 to vector<16xf32>
    %broadcast_in_dim3A_2702 = vector.broadcast %jit3A_2700 : f32 to vector<16xf32>
    %select_n3A_2703 = arith.select %eq3A_2698, %broadcast_in_dim3A_2701, %broadcast_in_dim3A_2702 : vector<16xi1>, vector<16xf32>
    %broadcast_in_dim3A_2704 = vector.broadcast %reduce_sum3A_2692 : f32 to vector<16xf32>
    %select_n3A_2705 = arith.select %eq3A_2695, %broadcast_in_dim3A_2704, %select_n3A_2703 : vector<16xi1>, vector<16xf32>
    %add3A_2706 = arith.constant 0 : i32
    %add3A_2707 = vector.broadcast %add3A_2706 : i32 to vector<16xi32>
    %add3A_2708 = arith.addi %add3A_2707, %iota3A : vector<16xi32>
    tpu.vector_store_idx %arg7[%gather3A_2665, %add3A_2708], %get3A_2669 {add = true} : memref<128x80xf32, #tpu.memory_space<vmem>>[vector<16xi32>, vector<16xi32>], vector<16xf32>,
    %add3A_2709 = arith.constant 16 : i32
    %add3A_2710 = vector.broadcast %add3A_2709 : i32 to vector<16xi32>
    %add3A_2711 = arith.addi %add3A_2710, %iota3A : vector<16xi32>
    tpu.vector_store_idx %arg7[%gather3A_2665, %add3A_2711], %get3A_2673 {add = true} : memref<128x80xf32, #tpu.memory_space<vmem>>[vector<16xi32>, vector<16xi32>], vector<16xf32>,
    %add3A_2712 = arith.constant 32 : i32
    %add3A_2713 = vector.broadcast %add3A_2712 : i32 to vector<16xi32>
    %add3A_2714 = arith.addi %add3A_2713, %iota3A : vector<16xi32>
    tpu.vector_store_idx %arg7[%gather3A_2665, %add3A_2714], %get3A_2677 {add = true} : memref<128x80xf32, #tpu.memory_space<vmem>>[vector<16xi32>, vector<16xi32>], vector<16xf32>,
    %add3A_2715 = arith.constant 48 : i32
    %add3A_2716 = vector.broadcast %add3A_2715 : i32 to vector<16xi32>
    %add3A_2717 = arith.addi %add3A_2716, %iota3A : vector<16xi32>
    tpu.vector_store_idx %arg7[%gather3A_2665, %add3A_2717], %get3A_2681 {add = true} : memref<128x80xf32, #tpu.memory_space<vmem>>[vector<16xi32>, vector<16xi32>], vector<16xf32>,
    %add3A_2718 = arith.constant 64 : i32
    %add3A_2719 = vector.broadcast %add3A_2718 : i32 to vector<16xi32>
    %add3A_2720 = arith.addi %add3A_2719, %iota3A : vector<16xi32>
    tpu.vector_store_idx %arg7[%gather3A_2665, %add3A_2720], %select_n3A_2705 {add = true} : memref<128x80xf32, #tpu.memory_space<vmem>>[vector<16xi32>, vector<16xi32>], vector<16xf32>,
    %broadcast_in_dim3A_2721 = arith.constant 14 : i32
    %broadcast_in_dim3A_2722 = vector.broadcast %broadcast_in_dim3A_2721 : i32 to vector<16x1xi32>
    %gather3A_2723 = vector.shape_cast %broadcast_in_dim3A_2722 : vector<16x1xi32> to vector<16xi32>
    %gather3A_2724 = tpu.dynamic_gather %get3A_1894[%gather3A_2723] in [0] : vector<16xi32>, vector<16xi32> -> vector<16xi32>
    %get3A_2725 = arith.constant 46 : i32
    %get3A_2726 = arith.index_cast %get3A_2725 : i32 to index
    %get3A_2727 = arith.constant 0 : index
    %get3A_2728 = tpu.vector_load %arg5[%get3A_2726, %get3A_2727] {strides = array<i32>} : memref<64x64xf32, #tpu.memory_space<vmem>>, vector<16xf32>,
    %get3A_2729 = arith.constant 46 : i32
    %get3A_2730 = arith.index_cast %get3A_2729 : i32 to index
    %get3A_2731 = arith.constant 16 : index
    %get3A_2732 = tpu.vector_load %arg5[%get3A_2730, %get3A_2731] {strides = array<i32>} : memref<64x64xf32, #tpu.memory_space<vmem>>, vector<16xf32>,
    %get3A_2733 = arith.constant 46 : i32
    %get3A_2734 = arith.index_cast %get3A_2733 : i32 to index
    %get3A_2735 = arith.constant 32 : index
    %get3A_2736 = tpu.vector_load %arg5[%get3A_2734, %get3A_2735] {strides = array<i32>} : memref<64x64xf32, #tpu.memory_space<vmem>>, vector<16xf32>,
    %get3A_2737 = arith.constant 46 : i32
    %get3A_2738 = arith.index_cast %get3A_2737 : i32 to index
    %get3A_2739 = arith.constant 48 : index
    %get3A_2740 = tpu.vector_load %arg5[%get3A_2738, %get3A_2739] {strides = array<i32>} : memref<64x64xf32, #tpu.memory_space<vmem>>, vector<16xf32>,
    %mul3A_2741 = arith.mulf %get3A_2728, %get3A_2728 : vector<16xf32>
    %mul3A_2742 = arith.mulf %get3A_2732, %get3A_2732 : vector<16xf32>
    %add3A_2743 = arith.addf %mul3A_2741, %mul3A_2742 : vector<16xf32>
    %mul3A_2744 = arith.mulf %get3A_2736, %get3A_2736 : vector<16xf32>
    %add3A_2745 = arith.addf %add3A_2743, %mul3A_2744 : vector<16xf32>
    %mul3A_2746 = arith.mulf %get3A_2740, %get3A_2740 : vector<16xf32>
    %add3A_2747 = arith.addf %add3A_2745, %mul3A_2746 : vector<16xf32>
    %reduce_sum3A_2748 = arith.constant true
    %reduce_sum3A_2749 = vector.broadcast %reduce_sum3A_2748 : i1 to vector<16xi1>
    %reduce_sum3A_2750 = tpu.scan <sum>, %add3A_2747 masked %reduce_sum3A_2749 : vector<16xf32>, vector<16xi1> -> vector<16xf32>
    %reduce_sum3A_2751 = vector.extract %reduce_sum3A_2750[15] : f32 from vector<16xf32>
    %eq3A_2752 = arith.constant 0 : i32
    %eq3A_2753 = vector.broadcast %eq3A_2752 : i32 to vector<16xi32>
    %eq3A_2754 = arith.cmpi eq, %iota3A, %eq3A_2753 : vector<16xi32>
    %eq3A_2755 = arith.constant 1 : i32
    %eq3A_2756 = vector.broadcast %eq3A_2755 : i32 to vector<16xi32>
    %eq3A_2757 = arith.cmpi eq, %iota3A, %eq3A_2756 : vector<16xi32>
    %jit3A_2758 = arith.constant 1.000000e+00 : f32
    %jit3A_2759 = arith.constant 0.000000e+00 : f32
    %broadcast_in_dim3A_2760 = vector.broadcast %jit3A_2758 : f32 to vector<16xf32>
    %broadcast_in_dim3A_2761 = vector.broadcast %jit3A_2759 : f32 to vector<16xf32>
    %select_n3A_2762 = arith.select %eq3A_2757, %broadcast_in_dim3A_2760, %broadcast_in_dim3A_2761 : vector<16xi1>, vector<16xf32>
    %broadcast_in_dim3A_2763 = vector.broadcast %reduce_sum3A_2751 : f32 to vector<16xf32>
    %select_n3A_2764 = arith.select %eq3A_2754, %broadcast_in_dim3A_2763, %select_n3A_2762 : vector<16xi1>, vector<16xf32>
    %add3A_2765 = arith.constant 0 : i32
    %add3A_2766 = vector.broadcast %add3A_2765 : i32 to vector<16xi32>
    %add3A_2767 = arith.addi %add3A_2766, %iota3A : vector<16xi32>
    tpu.vector_store_idx %arg7[%gather3A_2724, %add3A_2767], %get3A_2728 {add = true} : memref<128x80xf32, #tpu.memory_space<vmem>>[vector<16xi32>, vector<16xi32>], vector<16xf32>,
    %add3A_2768 = arith.constant 16 : i32
    %add3A_2769 = vector.broadcast %add3A_2768 : i32 to vector<16xi32>
    %add3A_2770 = arith.addi %add3A_2769, %iota3A : vector<16xi32>
    tpu.vector_store_idx %arg7[%gather3A_2724, %add3A_2770], %get3A_2732 {add = true} : memref<128x80xf32, #tpu.memory_space<vmem>>[vector<16xi32>, vector<16xi32>], vector<16xf32>,
    %add3A_2771 = arith.constant 32 : i32
    %add3A_2772 = vector.broadcast %add3A_2771 : i32 to vector<16xi32>
    %add3A_2773 = arith.addi %add3A_2772, %iota3A : vector<16xi32>
    tpu.vector_store_idx %arg7[%gather3A_2724, %add3A_2773], %get3A_2736 {add = true} : memref<128x80xf32, #tpu.memory_space<vmem>>[vector<16xi32>, vector<16xi32>], vector<16xf32>,
    %add3A_2774 = arith.constant 48 : i32
    %add3A_2775 = vector.broadcast %add3A_2774 : i32 to vector<16xi32>
    %add3A_2776 = arith.addi %add3A_2775, %iota3A : vector<16xi32>
    tpu.vector_store_idx %arg7[%gather3A_2724, %add3A_2776], %get3A_2740 {add = true} : memref<128x80xf32, #tpu.memory_space<vmem>>[vector<16xi32>, vector<16xi32>], vector<16xf32>,
    %add3A_2777 = arith.constant 64 : i32
    %add3A_2778 = vector.broadcast %add3A_2777 : i32 to vector<16xi32>
    %add3A_2779 = arith.addi %add3A_2778, %iota3A : vector<16xi32>
    tpu.vector_store_idx %arg7[%gather3A_2724, %add3A_2779], %select_n3A_2764 {add = true} : memref<128x80xf32, #tpu.memory_space<vmem>>[vector<16xi32>, vector<16xi32>], vector<16xf32>,
    %broadcast_in_dim3A_2780 = arith.constant 15 : i32
    %broadcast_in_dim3A_2781 = vector.broadcast %broadcast_in_dim3A_2780 : i32 to vector<16x1xi32>
    %gather3A_2782 = vector.shape_cast %broadcast_in_dim3A_2781 : vector<16x1xi32> to vector<16xi32>
    %gather3A_2783 = tpu.dynamic_gather %get3A_1894[%gather3A_2782] in [0] : vector<16xi32>, vector<16xi32> -> vector<16xi32>
    %get3A_2784 = arith.constant 47 : i32
    %get3A_2785 = arith.index_cast %get3A_2784 : i32 to index
    %get3A_2786 = arith.constant 0 : index
    %get3A_2787 = tpu.vector_load %arg5[%get3A_2785, %get3A_2786] {strides = array<i32>} : memref<64x64xf32, #tpu.memory_space<vmem>>, vector<16xf32>,
    %get3A_2788 = arith.constant 47 : i32
    %get3A_2789 = arith.index_cast %get3A_2788 : i32 to index
    %get3A_2790 = arith.constant 16 : index
    %get3A_2791 = tpu.vector_load %arg5[%get3A_2789, %get3A_2790] {strides = array<i32>} : memref<64x64xf32, #tpu.memory_space<vmem>>, vector<16xf32>,
    %get3A_2792 = arith.constant 47 : i32
    %get3A_2793 = arith.index_cast %get3A_2792 : i32 to index
    %get3A_2794 = arith.constant 32 : index
    %get3A_2795 = tpu.vector_load %arg5[%get3A_2793, %get3A_2794] {strides = array<i32>} : memref<64x64xf32, #tpu.memory_space<vmem>>, vector<16xf32>,
    %get3A_2796 = arith.constant 47 : i32
    %get3A_2797 = arith.index_cast %get3A_2796 : i32 to index
    %get3A_2798 = arith.constant 48 : index
    %get3A_2799 = tpu.vector_load %arg5[%get3A_2797, %get3A_2798] {strides = array<i32>} : memref<64x64xf32, #tpu.memory_space<vmem>>, vector<16xf32>,
    %mul3A_2800 = arith.mulf %get3A_2787, %get3A_2787 : vector<16xf32>
    %mul3A_2801 = arith.mulf %get3A_2791, %get3A_2791 : vector<16xf32>
    %add3A_2802 = arith.addf %mul3A_2800, %mul3A_2801 : vector<16xf32>
    %mul3A_2803 = arith.mulf %get3A_2795, %get3A_2795 : vector<16xf32>
    %add3A_2804 = arith.addf %add3A_2802, %mul3A_2803 : vector<16xf32>
    %mul3A_2805 = arith.mulf %get3A_2799, %get3A_2799 : vector<16xf32>
    %add3A_2806 = arith.addf %add3A_2804, %mul3A_2805 : vector<16xf32>
    %reduce_sum3A_2807 = arith.constant true
    %reduce_sum3A_2808 = vector.broadcast %reduce_sum3A_2807 : i1 to vector<16xi1>
    %reduce_sum3A_2809 = tpu.scan <sum>, %add3A_2806 masked %reduce_sum3A_2808 : vector<16xf32>, vector<16xi1> -> vector<16xf32>
    %reduce_sum3A_2810 = vector.extract %reduce_sum3A_2809[15] : f32 from vector<16xf32>
    %eq3A_2811 = arith.constant 0 : i32
    %eq3A_2812 = vector.broadcast %eq3A_2811 : i32 to vector<16xi32>
    %eq3A_2813 = arith.cmpi eq, %iota3A, %eq3A_2812 : vector<16xi32>
    %eq3A_2814 = arith.constant 1 : i32
    %eq3A_2815 = vector.broadcast %eq3A_2814 : i32 to vector<16xi32>
    %eq3A_2816 = arith.cmpi eq, %iota3A, %eq3A_2815 : vector<16xi32>
    %jit3A_2817 = arith.constant 1.000000e+00 : f32
    %jit3A_2818 = arith.constant 0.000000e+00 : f32
    %broadcast_in_dim3A_2819 = vector.broadcast %jit3A_2817 : f32 to vector<16xf32>
    %broadcast_in_dim3A_2820 = vector.broadcast %jit3A_2818 : f32 to vector<16xf32>
    %select_n3A_2821 = arith.select %eq3A_2816, %broadcast_in_dim3A_2819, %broadcast_in_dim3A_2820 : vector<16xi1>, vector<16xf32>
    %broadcast_in_dim3A_2822 = vector.broadcast %reduce_sum3A_2810 : f32 to vector<16xf32>
    %select_n3A_2823 = arith.select %eq3A_2813, %broadcast_in_dim3A_2822, %select_n3A_2821 : vector<16xi1>, vector<16xf32>
    %add3A_2824 = arith.constant 0 : i32
    %add3A_2825 = vector.broadcast %add3A_2824 : i32 to vector<16xi32>
    %add3A_2826 = arith.addi %add3A_2825, %iota3A : vector<16xi32>
    tpu.vector_store_idx %arg7[%gather3A_2783, %add3A_2826], %get3A_2787 {add = true} : memref<128x80xf32, #tpu.memory_space<vmem>>[vector<16xi32>, vector<16xi32>], vector<16xf32>,
    %add3A_2827 = arith.constant 16 : i32
    %add3A_2828 = vector.broadcast %add3A_2827 : i32 to vector<16xi32>
    %add3A_2829 = arith.addi %add3A_2828, %iota3A : vector<16xi32>
    tpu.vector_store_idx %arg7[%gather3A_2783, %add3A_2829], %get3A_2791 {add = true} : memref<128x80xf32, #tpu.memory_space<vmem>>[vector<16xi32>, vector<16xi32>], vector<16xf32>,
    %add3A_2830 = arith.constant 32 : i32
    %add3A_2831 = vector.broadcast %add3A_2830 : i32 to vector<16xi32>
    %add3A_2832 = arith.addi %add3A_2831, %iota3A : vector<16xi32>
    tpu.vector_store_idx %arg7[%gather3A_2783, %add3A_2832], %get3A_2795 {add = true} : memref<128x80xf32, #tpu.memory_space<vmem>>[vector<16xi32>, vector<16xi32>], vector<16xf32>,
    %add3A_2833 = arith.constant 48 : i32
    %add3A_2834 = vector.broadcast %add3A_2833 : i32 to vector<16xi32>
    %add3A_2835 = arith.addi %add3A_2834, %iota3A : vector<16xi32>
    tpu.vector_store_idx %arg7[%gather3A_2783, %add3A_2835], %get3A_2799 {add = true} : memref<128x80xf32, #tpu.memory_space<vmem>>[vector<16xi32>, vector<16xi32>], vector<16xf32>,
    %add3A_2836 = arith.constant 64 : i32
    %add3A_2837 = vector.broadcast %add3A_2836 : i32 to vector<16xi32>
    %add3A_2838 = arith.addi %add3A_2837, %iota3A : vector<16xi32>
    tpu.vector_store_idx %arg7[%gather3A_2783, %add3A_2838], %select_n3A_2823 {add = true} : memref<128x80xf32, #tpu.memory_space<vmem>>[vector<16xi32>, vector<16xi32>], vector<16xf32>,
    %get3A_2839 = arith.constant 48 : index
    %get3A_2840 = tpu.vector_load %arg6[%get3A_2839] {strides = array<i32>} : memref<64xi32, #tpu.memory_space<vmem>>, vector<16xi32>,
    %broadcast_in_dim3A_2841 = arith.constant 0 : i32
    %broadcast_in_dim3A_2842 = vector.broadcast %broadcast_in_dim3A_2841 : i32 to vector<16x1xi32>
    %gather3A_2843 = vector.shape_cast %broadcast_in_dim3A_2842 : vector<16x1xi32> to vector<16xi32>
    %gather3A_2844 = tpu.dynamic_gather %get3A_2840[%gather3A_2843] in [0] : vector<16xi32>, vector<16xi32> -> vector<16xi32>
    %get3A_2845 = arith.constant 48 : i32
    %get3A_2846 = arith.index_cast %get3A_2845 : i32 to index
    %get3A_2847 = arith.constant 0 : index
    %get3A_2848 = tpu.vector_load %arg5[%get3A_2846, %get3A_2847] {strides = array<i32>} : memref<64x64xf32, #tpu.memory_space<vmem>>, vector<16xf32>,
    %get3A_2849 = arith.constant 48 : i32
    %get3A_2850 = arith.index_cast %get3A_2849 : i32 to index
    %get3A_2851 = arith.constant 16 : index
    %get3A_2852 = tpu.vector_load %arg5[%get3A_2850, %get3A_2851] {strides = array<i32>} : memref<64x64xf32, #tpu.memory_space<vmem>>, vector<16xf32>,
    %get3A_2853 = arith.constant 48 : i32
    %get3A_2854 = arith.index_cast %get3A_2853 : i32 to index
    %get3A_2855 = arith.constant 32 : index
    %get3A_2856 = tpu.vector_load %arg5[%get3A_2854, %get3A_2855] {strides = array<i32>} : memref<64x64xf32, #tpu.memory_space<vmem>>, vector<16xf32>,
    %get3A_2857 = arith.constant 48 : i32
    %get3A_2858 = arith.index_cast %get3A_2857 : i32 to index
    %get3A_2859 = arith.constant 48 : index
    %get3A_2860 = tpu.vector_load %arg5[%get3A_2858, %get3A_2859] {strides = array<i32>} : memref<64x64xf32, #tpu.memory_space<vmem>>, vector<16xf32>,
    %mul3A_2861 = arith.mulf %get3A_2848, %get3A_2848 : vector<16xf32>
    %mul3A_2862 = arith.mulf %get3A_2852, %get3A_2852 : vector<16xf32>
    %add3A_2863 = arith.addf %mul3A_2861, %mul3A_2862 : vector<16xf32>
    %mul3A_2864 = arith.mulf %get3A_2856, %get3A_2856 : vector<16xf32>
    %add3A_2865 = arith.addf %add3A_2863, %mul3A_2864 : vector<16xf32>
    %mul3A_2866 = arith.mulf %get3A_2860, %get3A_2860 : vector<16xf32>
    %add3A_2867 = arith.addf %add3A_2865, %mul3A_2866 : vector<16xf32>
    %reduce_sum3A_2868 = arith.constant true
    %reduce_sum3A_2869 = vector.broadcast %reduce_sum3A_2868 : i1 to vector<16xi1>
    %reduce_sum3A_2870 = tpu.scan <sum>, %add3A_2867 masked %reduce_sum3A_2869 : vector<16xf32>, vector<16xi1> -> vector<16xf32>
    %reduce_sum3A_2871 = vector.extract %reduce_sum3A_2870[15] : f32 from vector<16xf32>
    %eq3A_2872 = arith.constant 0 : i32
    %eq3A_2873 = vector.broadcast %eq3A_2872 : i32 to vector<16xi32>
    %eq3A_2874 = arith.cmpi eq, %iota3A, %eq3A_2873 : vector<16xi32>
    %eq3A_2875 = arith.constant 1 : i32
    %eq3A_2876 = vector.broadcast %eq3A_2875 : i32 to vector<16xi32>
    %eq3A_2877 = arith.cmpi eq, %iota3A, %eq3A_2876 : vector<16xi32>
    %jit3A_2878 = arith.constant 1.000000e+00 : f32
    %jit3A_2879 = arith.constant 0.000000e+00 : f32
    %broadcast_in_dim3A_2880 = vector.broadcast %jit3A_2878 : f32 to vector<16xf32>
    %broadcast_in_dim3A_2881 = vector.broadcast %jit3A_2879 : f32 to vector<16xf32>
    %select_n3A_2882 = arith.select %eq3A_2877, %broadcast_in_dim3A_2880, %broadcast_in_dim3A_2881 : vector<16xi1>, vector<16xf32>
    %broadcast_in_dim3A_2883 = vector.broadcast %reduce_sum3A_2871 : f32 to vector<16xf32>
    %select_n3A_2884 = arith.select %eq3A_2874, %broadcast_in_dim3A_2883, %select_n3A_2882 : vector<16xi1>, vector<16xf32>
    %add3A_2885 = arith.constant 0 : i32
    %add3A_2886 = vector.broadcast %add3A_2885 : i32 to vector<16xi32>
    %add3A_2887 = arith.addi %add3A_2886, %iota3A : vector<16xi32>
    tpu.vector_store_idx %arg7[%gather3A_2844, %add3A_2887], %get3A_2848 {add = true} : memref<128x80xf32, #tpu.memory_space<vmem>>[vector<16xi32>, vector<16xi32>], vector<16xf32>,
    %add3A_2888 = arith.constant 16 : i32
    %add3A_2889 = vector.broadcast %add3A_2888 : i32 to vector<16xi32>
    %add3A_2890 = arith.addi %add3A_2889, %iota3A : vector<16xi32>
    tpu.vector_store_idx %arg7[%gather3A_2844, %add3A_2890], %get3A_2852 {add = true} : memref<128x80xf32, #tpu.memory_space<vmem>>[vector<16xi32>, vector<16xi32>], vector<16xf32>,
    %add3A_2891 = arith.constant 32 : i32
    %add3A_2892 = vector.broadcast %add3A_2891 : i32 to vector<16xi32>
    %add3A_2893 = arith.addi %add3A_2892, %iota3A : vector<16xi32>
    tpu.vector_store_idx %arg7[%gather3A_2844, %add3A_2893], %get3A_2856 {add = true} : memref<128x80xf32, #tpu.memory_space<vmem>>[vector<16xi32>, vector<16xi32>], vector<16xf32>,
    %add3A_2894 = arith.constant 48 : i32
    %add3A_2895 = vector.broadcast %add3A_2894 : i32 to vector<16xi32>
    %add3A_2896 = arith.addi %add3A_2895, %iota3A : vector<16xi32>
    tpu.vector_store_idx %arg7[%gather3A_2844, %add3A_2896], %get3A_2860 {add = true} : memref<128x80xf32, #tpu.memory_space<vmem>>[vector<16xi32>, vector<16xi32>], vector<16xf32>,
    %add3A_2897 = arith.constant 64 : i32
    %add3A_2898 = vector.broadcast %add3A_2897 : i32 to vector<16xi32>
    %add3A_2899 = arith.addi %add3A_2898, %iota3A : vector<16xi32>
    tpu.vector_store_idx %arg7[%gather3A_2844, %add3A_2899], %select_n3A_2884 {add = true} : memref<128x80xf32, #tpu.memory_space<vmem>>[vector<16xi32>, vector<16xi32>], vector<16xf32>,
    %broadcast_in_dim3A_2900 = arith.constant 1 : i32
    %broadcast_in_dim3A_2901 = vector.broadcast %broadcast_in_dim3A_2900 : i32 to vector<16x1xi32>
    %gather3A_2902 = vector.shape_cast %broadcast_in_dim3A_2901 : vector<16x1xi32> to vector<16xi32>
    %gather3A_2903 = tpu.dynamic_gather %get3A_2840[%gather3A_2902] in [0] : vector<16xi32>, vector<16xi32> -> vector<16xi32>
    %get3A_2904 = arith.constant 49 : i32
    %get3A_2905 = arith.index_cast %get3A_2904 : i32 to index
    %get3A_2906 = arith.constant 0 : index
    %get3A_2907 = tpu.vector_load %arg5[%get3A_2905, %get3A_2906] {strides = array<i32>} : memref<64x64xf32, #tpu.memory_space<vmem>>, vector<16xf32>,
    %get3A_2908 = arith.constant 49 : i32
    %get3A_2909 = arith.index_cast %get3A_2908 : i32 to index
    %get3A_2910 = arith.constant 16 : index
    %get3A_2911 = tpu.vector_load %arg5[%get3A_2909, %get3A_2910] {strides = array<i32>} : memref<64x64xf32, #tpu.memory_space<vmem>>, vector<16xf32>,
    %get3A_2912 = arith.constant 49 : i32
    %get3A_2913 = arith.index_cast %get3A_2912 : i32 to index
    %get3A_2914 = arith.constant 32 : index
    %get3A_2915 = tpu.vector_load %arg5[%get3A_2913, %get3A_2914] {strides = array<i32>} : memref<64x64xf32, #tpu.memory_space<vmem>>, vector<16xf32>,
    %get3A_2916 = arith.constant 49 : i32
    %get3A_2917 = arith.index_cast %get3A_2916 : i32 to index
    %get3A_2918 = arith.constant 48 : index
    %get3A_2919 = tpu.vector_load %arg5[%get3A_2917, %get3A_2918] {strides = array<i32>} : memref<64x64xf32, #tpu.memory_space<vmem>>, vector<16xf32>,
    %mul3A_2920 = arith.mulf %get3A_2907, %get3A_2907 : vector<16xf32>
    %mul3A_2921 = arith.mulf %get3A_2911, %get3A_2911 : vector<16xf32>
    %add3A_2922 = arith.addf %mul3A_2920, %mul3A_2921 : vector<16xf32>
    %mul3A_2923 = arith.mulf %get3A_2915, %get3A_2915 : vector<16xf32>
    %add3A_2924 = arith.addf %add3A_2922, %mul3A_2923 : vector<16xf32>
    %mul3A_2925 = arith.mulf %get3A_2919, %get3A_2919 : vector<16xf32>
    %add3A_2926 = arith.addf %add3A_2924, %mul3A_2925 : vector<16xf32>
    %reduce_sum3A_2927 = arith.constant true
    %reduce_sum3A_2928 = vector.broadcast %reduce_sum3A_2927 : i1 to vector<16xi1>
    %reduce_sum3A_2929 = tpu.scan <sum>, %add3A_2926 masked %reduce_sum3A_2928 : vector<16xf32>, vector<16xi1> -> vector<16xf32>
    %reduce_sum3A_2930 = vector.extract %reduce_sum3A_2929[15] : f32 from vector<16xf32>
    %eq3A_2931 = arith.constant 0 : i32
    %eq3A_2932 = vector.broadcast %eq3A_2931 : i32 to vector<16xi32>
    %eq3A_2933 = arith.cmpi eq, %iota3A, %eq3A_2932 : vector<16xi32>
    %eq3A_2934 = arith.constant 1 : i32
    %eq3A_2935 = vector.broadcast %eq3A_2934 : i32 to vector<16xi32>
    %eq3A_2936 = arith.cmpi eq, %iota3A, %eq3A_2935 : vector<16xi32>
    %jit3A_2937 = arith.constant 1.000000e+00 : f32
    %jit3A_2938 = arith.constant 0.000000e+00 : f32
    %broadcast_in_dim3A_2939 = vector.broadcast %jit3A_2937 : f32 to vector<16xf32>
    %broadcast_in_dim3A_2940 = vector.broadcast %jit3A_2938 : f32 to vector<16xf32>
    %select_n3A_2941 = arith.select %eq3A_2936, %broadcast_in_dim3A_2939, %broadcast_in_dim3A_2940 : vector<16xi1>, vector<16xf32>
    %broadcast_in_dim3A_2942 = vector.broadcast %reduce_sum3A_2930 : f32 to vector<16xf32>
    %select_n3A_2943 = arith.select %eq3A_2933, %broadcast_in_dim3A_2942, %select_n3A_2941 : vector<16xi1>, vector<16xf32>
    %add3A_2944 = arith.constant 0 : i32
    %add3A_2945 = vector.broadcast %add3A_2944 : i32 to vector<16xi32>
    %add3A_2946 = arith.addi %add3A_2945, %iota3A : vector<16xi32>
    tpu.vector_store_idx %arg7[%gather3A_2903, %add3A_2946], %get3A_2907 {add = true} : memref<128x80xf32, #tpu.memory_space<vmem>>[vector<16xi32>, vector<16xi32>], vector<16xf32>,
    %add3A_2947 = arith.constant 16 : i32
    %add3A_2948 = vector.broadcast %add3A_2947 : i32 to vector<16xi32>
    %add3A_2949 = arith.addi %add3A_2948, %iota3A : vector<16xi32>
    tpu.vector_store_idx %arg7[%gather3A_2903, %add3A_2949], %get3A_2911 {add = true} : memref<128x80xf32, #tpu.memory_space<vmem>>[vector<16xi32>, vector<16xi32>], vector<16xf32>,
    %add3A_2950 = arith.constant 32 : i32
    %add3A_2951 = vector.broadcast %add3A_2950 : i32 to vector<16xi32>
    %add3A_2952 = arith.addi %add3A_2951, %iota3A : vector<16xi32>
    tpu.vector_store_idx %arg7[%gather3A_2903, %add3A_2952], %get3A_2915 {add = true} : memref<128x80xf32, #tpu.memory_space<vmem>>[vector<16xi32>, vector<16xi32>], vector<16xf32>,
    %add3A_2953 = arith.constant 48 : i32
    %add3A_2954 = vector.broadcast %add3A_2953 : i32 to vector<16xi32>
    %add3A_2955 = arith.addi %add3A_2954, %iota3A : vector<16xi32>
    tpu.vector_store_idx %arg7[%gather3A_2903, %add3A_2955], %get3A_2919 {add = true} : memref<128x80xf32, #tpu.memory_space<vmem>>[vector<16xi32>, vector<16xi32>], vector<16xf32>,
    %add3A_2956 = arith.constant 64 : i32
    %add3A_2957 = vector.broadcast %add3A_2956 : i32 to vector<16xi32>
    %add3A_2958 = arith.addi %add3A_2957, %iota3A : vector<16xi32>
    tpu.vector_store_idx %arg7[%gather3A_2903, %add3A_2958], %select_n3A_2943 {add = true} : memref<128x80xf32, #tpu.memory_space<vmem>>[vector<16xi32>, vector<16xi32>], vector<16xf32>,
    %broadcast_in_dim3A_2959 = arith.constant 2 : i32
    %broadcast_in_dim3A_2960 = vector.broadcast %broadcast_in_dim3A_2959 : i32 to vector<16x1xi32>
    %gather3A_2961 = vector.shape_cast %broadcast_in_dim3A_2960 : vector<16x1xi32> to vector<16xi32>
    %gather3A_2962 = tpu.dynamic_gather %get3A_2840[%gather3A_2961] in [0] : vector<16xi32>, vector<16xi32> -> vector<16xi32>
    %get3A_2963 = arith.constant 50 : i32
    %get3A_2964 = arith.index_cast %get3A_2963 : i32 to index
    %get3A_2965 = arith.constant 0 : index
    %get3A_2966 = tpu.vector_load %arg5[%get3A_2964, %get3A_2965] {strides = array<i32>} : memref<64x64xf32, #tpu.memory_space<vmem>>, vector<16xf32>,
    %get3A_2967 = arith.constant 50 : i32
    %get3A_2968 = arith.index_cast %get3A_2967 : i32 to index
    %get3A_2969 = arith.constant 16 : index
    %get3A_2970 = tpu.vector_load %arg5[%get3A_2968, %get3A_2969] {strides = array<i32>} : memref<64x64xf32, #tpu.memory_space<vmem>>, vector<16xf32>,
    %get3A_2971 = arith.constant 50 : i32
    %get3A_2972 = arith.index_cast %get3A_2971 : i32 to index
    %get3A_2973 = arith.constant 32 : index
    %get3A_2974 = tpu.vector_load %arg5[%get3A_2972, %get3A_2973] {strides = array<i32>} : memref<64x64xf32, #tpu.memory_space<vmem>>, vector<16xf32>,
    %get3A_2975 = arith.constant 50 : i32
    %get3A_2976 = arith.index_cast %get3A_2975 : i32 to index
    %get3A_2977 = arith.constant 48 : index
    %get3A_2978 = tpu.vector_load %arg5[%get3A_2976, %get3A_2977] {strides = array<i32>} : memref<64x64xf32, #tpu.memory_space<vmem>>, vector<16xf32>,
    %mul3A_2979 = arith.mulf %get3A_2966, %get3A_2966 : vector<16xf32>
    %mul3A_2980 = arith.mulf %get3A_2970, %get3A_2970 : vector<16xf32>
    %add3A_2981 = arith.addf %mul3A_2979, %mul3A_2980 : vector<16xf32>
    %mul3A_2982 = arith.mulf %get3A_2974, %get3A_2974 : vector<16xf32>
    %add3A_2983 = arith.addf %add3A_2981, %mul3A_2982 : vector<16xf32>
    %mul3A_2984 = arith.mulf %get3A_2978, %get3A_2978 : vector<16xf32>
    %add3A_2985 = arith.addf %add3A_2983, %mul3A_2984 : vector<16xf32>
    %reduce_sum3A_2986 = arith.constant true
    %reduce_sum3A_2987 = vector.broadcast %reduce_sum3A_2986 : i1 to vector<16xi1>
    %reduce_sum3A_2988 = tpu.scan <sum>, %add3A_2985 masked %reduce_sum3A_2987 : vector<16xf32>, vector<16xi1> -> vector<16xf32>
    %reduce_sum3A_2989 = vector.extract %reduce_sum3A_2988[15] : f32 from vector<16xf32>
    %eq3A_2990 = arith.constant 0 : i32
    %eq3A_2991 = vector.broadcast %eq3A_2990 : i32 to vector<16xi32>
    %eq3A_2992 = arith.cmpi eq, %iota3A, %eq3A_2991 : vector<16xi32>
    %eq3A_2993 = arith.constant 1 : i32
    %eq3A_2994 = vector.broadcast %eq3A_2993 : i32 to vector<16xi32>
    %eq3A_2995 = arith.cmpi eq, %iota3A, %eq3A_2994 : vector<16xi32>
    %jit3A_2996 = arith.constant 1.000000e+00 : f32
    %jit3A_2997 = arith.constant 0.000000e+00 : f32
    %broadcast_in_dim3A_2998 = vector.broadcast %jit3A_2996 : f32 to vector<16xf32>
    %broadcast_in_dim3A_2999 = vector.broadcast %jit3A_2997 : f32 to vector<16xf32>
    %select_n3A_3000 = arith.select %eq3A_2995, %broadcast_in_dim3A_2998, %broadcast_in_dim3A_2999 : vector<16xi1>, vector<16xf32>
    %broadcast_in_dim3A_3001 = vector.broadcast %reduce_sum3A_2989 : f32 to vector<16xf32>
    %select_n3A_3002 = arith.select %eq3A_2992, %broadcast_in_dim3A_3001, %select_n3A_3000 : vector<16xi1>, vector<16xf32>
    %add3A_3003 = arith.constant 0 : i32
    %add3A_3004 = vector.broadcast %add3A_3003 : i32 to vector<16xi32>
    %add3A_3005 = arith.addi %add3A_3004, %iota3A : vector<16xi32>
    tpu.vector_store_idx %arg7[%gather3A_2962, %add3A_3005], %get3A_2966 {add = true} : memref<128x80xf32, #tpu.memory_space<vmem>>[vector<16xi32>, vector<16xi32>], vector<16xf32>,
    %add3A_3006 = arith.constant 16 : i32
    %add3A_3007 = vector.broadcast %add3A_3006 : i32 to vector<16xi32>
    %add3A_3008 = arith.addi %add3A_3007, %iota3A : vector<16xi32>
    tpu.vector_store_idx %arg7[%gather3A_2962, %add3A_3008], %get3A_2970 {add = true} : memref<128x80xf32, #tpu.memory_space<vmem>>[vector<16xi32>, vector<16xi32>], vector<16xf32>,
    %add3A_3009 = arith.constant 32 : i32
    %add3A_3010 = vector.broadcast %add3A_3009 : i32 to vector<16xi32>
    %add3A_3011 = arith.addi %add3A_3010, %iota3A : vector<16xi32>
    tpu.vector_store_idx %arg7[%gather3A_2962, %add3A_3011], %get3A_2974 {add = true} : memref<128x80xf32, #tpu.memory_space<vmem>>[vector<16xi32>, vector<16xi32>], vector<16xf32>,
    %add3A_3012 = arith.constant 48 : i32
    %add3A_3013 = vector.broadcast %add3A_3012 : i32 to vector<16xi32>
    %add3A_3014 = arith.addi %add3A_3013, %iota3A : vector<16xi32>
    tpu.vector_store_idx %arg7[%gather3A_2962, %add3A_3014], %get3A_2978 {add = true} : memref<128x80xf32, #tpu.memory_space<vmem>>[vector<16xi32>, vector<16xi32>], vector<16xf32>,
    %add3A_3015 = arith.constant 64 : i32
    %add3A_3016 = vector.broadcast %add3A_3015 : i32 to vector<16xi32>
    %add3A_3017 = arith.addi %add3A_3016, %iota3A : vector<16xi32>
    tpu.vector_store_idx %arg7[%gather3A_2962, %add3A_3017], %select_n3A_3002 {add = true} : memref<128x80xf32, #tpu.memory_space<vmem>>[vector<16xi32>, vector<16xi32>], vector<16xf32>,
    %broadcast_in_dim3A_3018 = arith.constant 3 : i32
    %broadcast_in_dim3A_3019 = vector.broadcast %broadcast_in_dim3A_3018 : i32 to vector<16x1xi32>
    %gather3A_3020 = vector.shape_cast %broadcast_in_dim3A_3019 : vector<16x1xi32> to vector<16xi32>
    %gather3A_3021 = tpu.dynamic_gather %get3A_2840[%gather3A_3020] in [0] : vector<16xi32>, vector<16xi32> -> vector<16xi32>
    %get3A_3022 = arith.constant 51 : i32
    %get3A_3023 = arith.index_cast %get3A_3022 : i32 to index
    %get3A_3024 = arith.constant 0 : index
    %get3A_3025 = tpu.vector_load %arg5[%get3A_3023, %get3A_3024] {strides = array<i32>} : memref<64x64xf32, #tpu.memory_space<vmem>>, vector<16xf32>,
    %get3A_3026 = arith.constant 51 : i32
    %get3A_3027 = arith.index_cast %get3A_3026 : i32 to index
    %get3A_3028 = arith.constant 16 : index
    %get3A_3029 = tpu.vector_load %arg5[%get3A_3027, %get3A_3028] {strides = array<i32>} : memref<64x64xf32, #tpu.memory_space<vmem>>, vector<16xf32>,
    %get3A_3030 = arith.constant 51 : i32
    %get3A_3031 = arith.index_cast %get3A_3030 : i32 to index
    %get3A_3032 = arith.constant 32 : index
    %get3A_3033 = tpu.vector_load %arg5[%get3A_3031, %get3A_3032] {strides = array<i32>} : memref<64x64xf32, #tpu.memory_space<vmem>>, vector<16xf32>,
    %get3A_3034 = arith.constant 51 : i32
    %get3A_3035 = arith.index_cast %get3A_3034 : i32 to index
    %get3A_3036 = arith.constant 48 : index
    %get3A_3037 = tpu.vector_load %arg5[%get3A_3035, %get3A_3036] {strides = array<i32>} : memref<64x64xf32, #tpu.memory_space<vmem>>, vector<16xf32>,
    %mul3A_3038 = arith.mulf %get3A_3025, %get3A_3025 : vector<16xf32>
    %mul3A_3039 = arith.mulf %get3A_3029, %get3A_3029 : vector<16xf32>
    %add3A_3040 = arith.addf %mul3A_3038, %mul3A_3039 : vector<16xf32>
    %mul3A_3041 = arith.mulf %get3A_3033, %get3A_3033 : vector<16xf32>
    %add3A_3042 = arith.addf %add3A_3040, %mul3A_3041 : vector<16xf32>
    %mul3A_3043 = arith.mulf %get3A_3037, %get3A_3037 : vector<16xf32>
    %add3A_3044 = arith.addf %add3A_3042, %mul3A_3043 : vector<16xf32>
    %reduce_sum3A_3045 = arith.constant true
    %reduce_sum3A_3046 = vector.broadcast %reduce_sum3A_3045 : i1 to vector<16xi1>
    %reduce_sum3A_3047 = tpu.scan <sum>, %add3A_3044 masked %reduce_sum3A_3046 : vector<16xf32>, vector<16xi1> -> vector<16xf32>
    %reduce_sum3A_3048 = vector.extract %reduce_sum3A_3047[15] : f32 from vector<16xf32>
    %eq3A_3049 = arith.constant 0 : i32
    %eq3A_3050 = vector.broadcast %eq3A_3049 : i32 to vector<16xi32>
    %eq3A_3051 = arith.cmpi eq, %iota3A, %eq3A_3050 : vector<16xi32>
    %eq3A_3052 = arith.constant 1 : i32
    %eq3A_3053 = vector.broadcast %eq3A_3052 : i32 to vector<16xi32>
    %eq3A_3054 = arith.cmpi eq, %iota3A, %eq3A_3053 : vector<16xi32>
    %jit3A_3055 = arith.constant 1.000000e+00 : f32
    %jit3A_3056 = arith.constant 0.000000e+00 : f32
    %broadcast_in_dim3A_3057 = vector.broadcast %jit3A_3055 : f32 to vector<16xf32>
    %broadcast_in_dim3A_3058 = vector.broadcast %jit3A_3056 : f32 to vector<16xf32>
    %select_n3A_3059 = arith.select %eq3A_3054, %broadcast_in_dim3A_3057, %broadcast_in_dim3A_3058 : vector<16xi1>, vector<16xf32>
    %broadcast_in_dim3A_3060 = vector.broadcast %reduce_sum3A_3048 : f32 to vector<16xf32>
    %select_n3A_3061 = arith.select %eq3A_3051, %broadcast_in_dim3A_3060, %select_n3A_3059 : vector<16xi1>, vector<16xf32>
    %add3A_3062 = arith.constant 0 : i32
    %add3A_3063 = vector.broadcast %add3A_3062 : i32 to vector<16xi32>
    %add3A_3064 = arith.addi %add3A_3063, %iota3A : vector<16xi32>
    tpu.vector_store_idx %arg7[%gather3A_3021, %add3A_3064], %get3A_3025 {add = true} : memref<128x80xf32, #tpu.memory_space<vmem>>[vector<16xi32>, vector<16xi32>], vector<16xf32>,
    %add3A_3065 = arith.constant 16 : i32
    %add3A_3066 = vector.broadcast %add3A_3065 : i32 to vector<16xi32>
    %add3A_3067 = arith.addi %add3A_3066, %iota3A : vector<16xi32>
    tpu.vector_store_idx %arg7[%gather3A_3021, %add3A_3067], %get3A_3029 {add = true} : memref<128x80xf32, #tpu.memory_space<vmem>>[vector<16xi32>, vector<16xi32>], vector<16xf32>,
    %add3A_3068 = arith.constant 32 : i32
    %add3A_3069 = vector.broadcast %add3A_3068 : i32 to vector<16xi32>
    %add3A_3070 = arith.addi %add3A_3069, %iota3A : vector<16xi32>
    tpu.vector_store_idx %arg7[%gather3A_3021, %add3A_3070], %get3A_3033 {add = true} : memref<128x80xf32, #tpu.memory_space<vmem>>[vector<16xi32>, vector<16xi32>], vector<16xf32>,
    %add3A_3071 = arith.constant 48 : i32
    %add3A_3072 = vector.broadcast %add3A_3071 : i32 to vector<16xi32>
    %add3A_3073 = arith.addi %add3A_3072, %iota3A : vector<16xi32>
    tpu.vector_store_idx %arg7[%gather3A_3021, %add3A_3073], %get3A_3037 {add = true} : memref<128x80xf32, #tpu.memory_space<vmem>>[vector<16xi32>, vector<16xi32>], vector<16xf32>,
    %add3A_3074 = arith.constant 64 : i32
    %add3A_3075 = vector.broadcast %add3A_3074 : i32 to vector<16xi32>
    %add3A_3076 = arith.addi %add3A_3075, %iota3A : vector<16xi32>
    tpu.vector_store_idx %arg7[%gather3A_3021, %add3A_3076], %select_n3A_3061 {add = true} : memref<128x80xf32, #tpu.memory_space<vmem>>[vector<16xi32>, vector<16xi32>], vector<16xf32>,
    %broadcast_in_dim3A_3077 = arith.constant 4 : i32
    %broadcast_in_dim3A_3078 = vector.broadcast %broadcast_in_dim3A_3077 : i32 to vector<16x1xi32>
    %gather3A_3079 = vector.shape_cast %broadcast_in_dim3A_3078 : vector<16x1xi32> to vector<16xi32>
    %gather3A_3080 = tpu.dynamic_gather %get3A_2840[%gather3A_3079] in [0] : vector<16xi32>, vector<16xi32> -> vector<16xi32>
    %get3A_3081 = arith.constant 52 : i32
    %get3A_3082 = arith.index_cast %get3A_3081 : i32 to index
    %get3A_3083 = arith.constant 0 : index
    %get3A_3084 = tpu.vector_load %arg5[%get3A_3082, %get3A_3083] {strides = array<i32>} : memref<64x64xf32, #tpu.memory_space<vmem>>, vector<16xf32>,
    %get3A_3085 = arith.constant 52 : i32
    %get3A_3086 = arith.index_cast %get3A_3085 : i32 to index
    %get3A_3087 = arith.constant 16 : index
    %get3A_3088 = tpu.vector_load %arg5[%get3A_3086, %get3A_3087] {strides = array<i32>} : memref<64x64xf32, #tpu.memory_space<vmem>>, vector<16xf32>,
    %get3A_3089 = arith.constant 52 : i32
    %get3A_3090 = arith.index_cast %get3A_3089 : i32 to index
    %get3A_3091 = arith.constant 32 : index
    %get3A_3092 = tpu.vector_load %arg5[%get3A_3090, %get3A_3091] {strides = array<i32>} : memref<64x64xf32, #tpu.memory_space<vmem>>, vector<16xf32>,
    %get3A_3093 = arith.constant 52 : i32
    %get3A_3094 = arith.index_cast %get3A_3093 : i32 to index
    %get3A_3095 = arith.constant 48 : index
    %get3A_3096 = tpu.vector_load %arg5[%get3A_3094, %get3A_3095] {strides = array<i32>} : memref<64x64xf32, #tpu.memory_space<vmem>>, vector<16xf32>,
    %mul3A_3097 = arith.mulf %get3A_3084, %get3A_3084 : vector<16xf32>
    %mul3A_3098 = arith.mulf %get3A_3088, %get3A_3088 : vector<16xf32>
    %add3A_3099 = arith.addf %mul3A_3097, %mul3A_3098 : vector<16xf32>
    %mul3A_3100 = arith.mulf %get3A_3092, %get3A_3092 : vector<16xf32>
    %add3A_3101 = arith.addf %add3A_3099, %mul3A_3100 : vector<16xf32>
    %mul3A_3102 = arith.mulf %get3A_3096, %get3A_3096 : vector<16xf32>
    %add3A_3103 = arith.addf %add3A_3101, %mul3A_3102 : vector<16xf32>
    %reduce_sum3A_3104 = arith.constant true
    %reduce_sum3A_3105 = vector.broadcast %reduce_sum3A_3104 : i1 to vector<16xi1>
    %reduce_sum3A_3106 = tpu.scan <sum>, %add3A_3103 masked %reduce_sum3A_3105 : vector<16xf32>, vector<16xi1> -> vector<16xf32>
    %reduce_sum3A_3107 = vector.extract %reduce_sum3A_3106[15] : f32 from vector<16xf32>
    %eq3A_3108 = arith.constant 0 : i32
    %eq3A_3109 = vector.broadcast %eq3A_3108 : i32 to vector<16xi32>
    %eq3A_3110 = arith.cmpi eq, %iota3A, %eq3A_3109 : vector<16xi32>
    %eq3A_3111 = arith.constant 1 : i32
    %eq3A_3112 = vector.broadcast %eq3A_3111 : i32 to vector<16xi32>
    %eq3A_3113 = arith.cmpi eq, %iota3A, %eq3A_3112 : vector<16xi32>
    %jit3A_3114 = arith.constant 1.000000e+00 : f32
    %jit3A_3115 = arith.constant 0.000000e+00 : f32
    %broadcast_in_dim3A_3116 = vector.broadcast %jit3A_3114 : f32 to vector<16xf32>
    %broadcast_in_dim3A_3117 = vector.broadcast %jit3A_3115 : f32 to vector<16xf32>
    %select_n3A_3118 = arith.select %eq3A_3113, %broadcast_in_dim3A_3116, %broadcast_in_dim3A_3117 : vector<16xi1>, vector<16xf32>
    %broadcast_in_dim3A_3119 = vector.broadcast %reduce_sum3A_3107 : f32 to vector<16xf32>
    %select_n3A_3120 = arith.select %eq3A_3110, %broadcast_in_dim3A_3119, %select_n3A_3118 : vector<16xi1>, vector<16xf32>
    %add3A_3121 = arith.constant 0 : i32
    %add3A_3122 = vector.broadcast %add3A_3121 : i32 to vector<16xi32>
    %add3A_3123 = arith.addi %add3A_3122, %iota3A : vector<16xi32>
    tpu.vector_store_idx %arg7[%gather3A_3080, %add3A_3123], %get3A_3084 {add = true} : memref<128x80xf32, #tpu.memory_space<vmem>>[vector<16xi32>, vector<16xi32>], vector<16xf32>,
    %add3A_3124 = arith.constant 16 : i32
    %add3A_3125 = vector.broadcast %add3A_3124 : i32 to vector<16xi32>
    %add3A_3126 = arith.addi %add3A_3125, %iota3A : vector<16xi32>
    tpu.vector_store_idx %arg7[%gather3A_3080, %add3A_3126], %get3A_3088 {add = true} : memref<128x80xf32, #tpu.memory_space<vmem>>[vector<16xi32>, vector<16xi32>], vector<16xf32>,
    %add3A_3127 = arith.constant 32 : i32
    %add3A_3128 = vector.broadcast %add3A_3127 : i32 to vector<16xi32>
    %add3A_3129 = arith.addi %add3A_3128, %iota3A : vector<16xi32>
    tpu.vector_store_idx %arg7[%gather3A_3080, %add3A_3129], %get3A_3092 {add = true} : memref<128x80xf32, #tpu.memory_space<vmem>>[vector<16xi32>, vector<16xi32>], vector<16xf32>,
    %add3A_3130 = arith.constant 48 : i32
    %add3A_3131 = vector.broadcast %add3A_3130 : i32 to vector<16xi32>
    %add3A_3132 = arith.addi %add3A_3131, %iota3A : vector<16xi32>
    tpu.vector_store_idx %arg7[%gather3A_3080, %add3A_3132], %get3A_3096 {add = true} : memref<128x80xf32, #tpu.memory_space<vmem>>[vector<16xi32>, vector<16xi32>], vector<16xf32>,
    %add3A_3133 = arith.constant 64 : i32
    %add3A_3134 = vector.broadcast %add3A_3133 : i32 to vector<16xi32>
    %add3A_3135 = arith.addi %add3A_3134, %iota3A : vector<16xi32>
    tpu.vector_store_idx %arg7[%gather3A_3080, %add3A_3135], %select_n3A_3120 {add = true} : memref<128x80xf32, #tpu.memory_space<vmem>>[vector<16xi32>, vector<16xi32>], vector<16xf32>,
    %broadcast_in_dim3A_3136 = arith.constant 5 : i32
    %broadcast_in_dim3A_3137 = vector.broadcast %broadcast_in_dim3A_3136 : i32 to vector<16x1xi32>
    %gather3A_3138 = vector.shape_cast %broadcast_in_dim3A_3137 : vector<16x1xi32> to vector<16xi32>
    %gather3A_3139 = tpu.dynamic_gather %get3A_2840[%gather3A_3138] in [0] : vector<16xi32>, vector<16xi32> -> vector<16xi32>
    %get3A_3140 = arith.constant 53 : i32
    %get3A_3141 = arith.index_cast %get3A_3140 : i32 to index
    %get3A_3142 = arith.constant 0 : index
    %get3A_3143 = tpu.vector_load %arg5[%get3A_3141, %get3A_3142] {strides = array<i32>} : memref<64x64xf32, #tpu.memory_space<vmem>>, vector<16xf32>,
    %get3A_3144 = arith.constant 53 : i32
    %get3A_3145 = arith.index_cast %get3A_3144 : i32 to index
    %get3A_3146 = arith.constant 16 : index
    %get3A_3147 = tpu.vector_load %arg5[%get3A_3145, %get3A_3146] {strides = array<i32>} : memref<64x64xf32, #tpu.memory_space<vmem>>, vector<16xf32>,
    %get3A_3148 = arith.constant 53 : i32
    %get3A_3149 = arith.index_cast %get3A_3148 : i32 to index
    %get3A_3150 = arith.constant 32 : index
    %get3A_3151 = tpu.vector_load %arg5[%get3A_3149, %get3A_3150] {strides = array<i32>} : memref<64x64xf32, #tpu.memory_space<vmem>>, vector<16xf32>,
    %get3A_3152 = arith.constant 53 : i32
    %get3A_3153 = arith.index_cast %get3A_3152 : i32 to index
    %get3A_3154 = arith.constant 48 : index
    %get3A_3155 = tpu.vector_load %arg5[%get3A_3153, %get3A_3154] {strides = array<i32>} : memref<64x64xf32, #tpu.memory_space<vmem>>, vector<16xf32>,
    %mul3A_3156 = arith.mulf %get3A_3143, %get3A_3143 : vector<16xf32>
    %mul3A_3157 = arith.mulf %get3A_3147, %get3A_3147 : vector<16xf32>
    %add3A_3158 = arith.addf %mul3A_3156, %mul3A_3157 : vector<16xf32>
    %mul3A_3159 = arith.mulf %get3A_3151, %get3A_3151 : vector<16xf32>
    %add3A_3160 = arith.addf %add3A_3158, %mul3A_3159 : vector<16xf32>
    %mul3A_3161 = arith.mulf %get3A_3155, %get3A_3155 : vector<16xf32>
    %add3A_3162 = arith.addf %add3A_3160, %mul3A_3161 : vector<16xf32>
    %reduce_sum3A_3163 = arith.constant true
    %reduce_sum3A_3164 = vector.broadcast %reduce_sum3A_3163 : i1 to vector<16xi1>
    %reduce_sum3A_3165 = tpu.scan <sum>, %add3A_3162 masked %reduce_sum3A_3164 : vector<16xf32>, vector<16xi1> -> vector<16xf32>
    %reduce_sum3A_3166 = vector.extract %reduce_sum3A_3165[15] : f32 from vector<16xf32>
    %eq3A_3167 = arith.constant 0 : i32
    %eq3A_3168 = vector.broadcast %eq3A_3167 : i32 to vector<16xi32>
    %eq3A_3169 = arith.cmpi eq, %iota3A, %eq3A_3168 : vector<16xi32>
    %eq3A_3170 = arith.constant 1 : i32
    %eq3A_3171 = vector.broadcast %eq3A_3170 : i32 to vector<16xi32>
    %eq3A_3172 = arith.cmpi eq, %iota3A, %eq3A_3171 : vector<16xi32>
    %jit3A_3173 = arith.constant 1.000000e+00 : f32
    %jit3A_3174 = arith.constant 0.000000e+00 : f32
    %broadcast_in_dim3A_3175 = vector.broadcast %jit3A_3173 : f32 to vector<16xf32>
    %broadcast_in_dim3A_3176 = vector.broadcast %jit3A_3174 : f32 to vector<16xf32>
    %select_n3A_3177 = arith.select %eq3A_3172, %broadcast_in_dim3A_3175, %broadcast_in_dim3A_3176 : vector<16xi1>, vector<16xf32>
    %broadcast_in_dim3A_3178 = vector.broadcast %reduce_sum3A_3166 : f32 to vector<16xf32>
    %select_n3A_3179 = arith.select %eq3A_3169, %broadcast_in_dim3A_3178, %select_n3A_3177 : vector<16xi1>, vector<16xf32>
    %add3A_3180 = arith.constant 0 : i32
    %add3A_3181 = vector.broadcast %add3A_3180 : i32 to vector<16xi32>
    %add3A_3182 = arith.addi %add3A_3181, %iota3A : vector<16xi32>
    tpu.vector_store_idx %arg7[%gather3A_3139, %add3A_3182], %get3A_3143 {add = true} : memref<128x80xf32, #tpu.memory_space<vmem>>[vector<16xi32>, vector<16xi32>], vector<16xf32>,
    %add3A_3183 = arith.constant 16 : i32
    %add3A_3184 = vector.broadcast %add3A_3183 : i32 to vector<16xi32>
    %add3A_3185 = arith.addi %add3A_3184, %iota3A : vector<16xi32>
    tpu.vector_store_idx %arg7[%gather3A_3139, %add3A_3185], %get3A_3147 {add = true} : memref<128x80xf32, #tpu.memory_space<vmem>>[vector<16xi32>, vector<16xi32>], vector<16xf32>,
    %add3A_3186 = arith.constant 32 : i32
    %add3A_3187 = vector.broadcast %add3A_3186 : i32 to vector<16xi32>
    %add3A_3188 = arith.addi %add3A_3187, %iota3A : vector<16xi32>
    tpu.vector_store_idx %arg7[%gather3A_3139, %add3A_3188], %get3A_3151 {add = true} : memref<128x80xf32, #tpu.memory_space<vmem>>[vector<16xi32>, vector<16xi32>], vector<16xf32>,
    %add3A_3189 = arith.constant 48 : i32
    %add3A_3190 = vector.broadcast %add3A_3189 : i32 to vector<16xi32>
    %add3A_3191 = arith.addi %add3A_3190, %iota3A : vector<16xi32>
    tpu.vector_store_idx %arg7[%gather3A_3139, %add3A_3191], %get3A_3155 {add = true} : memref<128x80xf32, #tpu.memory_space<vmem>>[vector<16xi32>, vector<16xi32>], vector<16xf32>,
    %add3A_3192 = arith.constant 64 : i32
    %add3A_3193 = vector.broadcast %add3A_3192 : i32 to vector<16xi32>
    %add3A_3194 = arith.addi %add3A_3193, %iota3A : vector<16xi32>
    tpu.vector_store_idx %arg7[%gather3A_3139, %add3A_3194], %select_n3A_3179 {add = true} : memref<128x80xf32, #tpu.memory_space<vmem>>[vector<16xi32>, vector<16xi32>], vector<16xf32>,
    %broadcast_in_dim3A_3195 = arith.constant 6 : i32
    %broadcast_in_dim3A_3196 = vector.broadcast %broadcast_in_dim3A_3195 : i32 to vector<16x1xi32>
    %gather3A_3197 = vector.shape_cast %broadcast_in_dim3A_3196 : vector<16x1xi32> to vector<16xi32>
    %gather3A_3198 = tpu.dynamic_gather %get3A_2840[%gather3A_3197] in [0] : vector<16xi32>, vector<16xi32> -> vector<16xi32>
    %get3A_3199 = arith.constant 54 : i32
    %get3A_3200 = arith.index_cast %get3A_3199 : i32 to index
    %get3A_3201 = arith.constant 0 : index
    %get3A_3202 = tpu.vector_load %arg5[%get3A_3200, %get3A_3201] {strides = array<i32>} : memref<64x64xf32, #tpu.memory_space<vmem>>, vector<16xf32>,
    %get3A_3203 = arith.constant 54 : i32
    %get3A_3204 = arith.index_cast %get3A_3203 : i32 to index
    %get3A_3205 = arith.constant 16 : index
    %get3A_3206 = tpu.vector_load %arg5[%get3A_3204, %get3A_3205] {strides = array<i32>} : memref<64x64xf32, #tpu.memory_space<vmem>>, vector<16xf32>,
    %get3A_3207 = arith.constant 54 : i32
    %get3A_3208 = arith.index_cast %get3A_3207 : i32 to index
    %get3A_3209 = arith.constant 32 : index
    %get3A_3210 = tpu.vector_load %arg5[%get3A_3208, %get3A_3209] {strides = array<i32>} : memref<64x64xf32, #tpu.memory_space<vmem>>, vector<16xf32>,
    %get3A_3211 = arith.constant 54 : i32
    %get3A_3212 = arith.index_cast %get3A_3211 : i32 to index
    %get3A_3213 = arith.constant 48 : index
    %get3A_3214 = tpu.vector_load %arg5[%get3A_3212, %get3A_3213] {strides = array<i32>} : memref<64x64xf32, #tpu.memory_space<vmem>>, vector<16xf32>,
    %mul3A_3215 = arith.mulf %get3A_3202, %get3A_3202 : vector<16xf32>
    %mul3A_3216 = arith.mulf %get3A_3206, %get3A_3206 : vector<16xf32>
    %add3A_3217 = arith.addf %mul3A_3215, %mul3A_3216 : vector<16xf32>
    %mul3A_3218 = arith.mulf %get3A_3210, %get3A_3210 : vector<16xf32>
    %add3A_3219 = arith.addf %add3A_3217, %mul3A_3218 : vector<16xf32>
    %mul3A_3220 = arith.mulf %get3A_3214, %get3A_3214 : vector<16xf32>
    %add3A_3221 = arith.addf %add3A_3219, %mul3A_3220 : vector<16xf32>
    %reduce_sum3A_3222 = arith.constant true
    %reduce_sum3A_3223 = vector.broadcast %reduce_sum3A_3222 : i1 to vector<16xi1>
    %reduce_sum3A_3224 = tpu.scan <sum>, %add3A_3221 masked %reduce_sum3A_3223 : vector<16xf32>, vector<16xi1> -> vector<16xf32>
    %reduce_sum3A_3225 = vector.extract %reduce_sum3A_3224[15] : f32 from vector<16xf32>
    %eq3A_3226 = arith.constant 0 : i32
    %eq3A_3227 = vector.broadcast %eq3A_3226 : i32 to vector<16xi32>
    %eq3A_3228 = arith.cmpi eq, %iota3A, %eq3A_3227 : vector<16xi32>
    %eq3A_3229 = arith.constant 1 : i32
    %eq3A_3230 = vector.broadcast %eq3A_3229 : i32 to vector<16xi32>
    %eq3A_3231 = arith.cmpi eq, %iota3A, %eq3A_3230 : vector<16xi32>
    %jit3A_3232 = arith.constant 1.000000e+00 : f32
    %jit3A_3233 = arith.constant 0.000000e+00 : f32
    %broadcast_in_dim3A_3234 = vector.broadcast %jit3A_3232 : f32 to vector<16xf32>
    %broadcast_in_dim3A_3235 = vector.broadcast %jit3A_3233 : f32 to vector<16xf32>
    %select_n3A_3236 = arith.select %eq3A_3231, %broadcast_in_dim3A_3234, %broadcast_in_dim3A_3235 : vector<16xi1>, vector<16xf32>
    %broadcast_in_dim3A_3237 = vector.broadcast %reduce_sum3A_3225 : f32 to vector<16xf32>
    %select_n3A_3238 = arith.select %eq3A_3228, %broadcast_in_dim3A_3237, %select_n3A_3236 : vector<16xi1>, vector<16xf32>
    %add3A_3239 = arith.constant 0 : i32
    %add3A_3240 = vector.broadcast %add3A_3239 : i32 to vector<16xi32>
    %add3A_3241 = arith.addi %add3A_3240, %iota3A : vector<16xi32>
    tpu.vector_store_idx %arg7[%gather3A_3198, %add3A_3241], %get3A_3202 {add = true} : memref<128x80xf32, #tpu.memory_space<vmem>>[vector<16xi32>, vector<16xi32>], vector<16xf32>,
    %add3A_3242 = arith.constant 16 : i32
    %add3A_3243 = vector.broadcast %add3A_3242 : i32 to vector<16xi32>
    %add3A_3244 = arith.addi %add3A_3243, %iota3A : vector<16xi32>
    tpu.vector_store_idx %arg7[%gather3A_3198, %add3A_3244], %get3A_3206 {add = true} : memref<128x80xf32, #tpu.memory_space<vmem>>[vector<16xi32>, vector<16xi32>], vector<16xf32>,
    %add3A_3245 = arith.constant 32 : i32
    %add3A_3246 = vector.broadcast %add3A_3245 : i32 to vector<16xi32>
    %add3A_3247 = arith.addi %add3A_3246, %iota3A : vector<16xi32>
    tpu.vector_store_idx %arg7[%gather3A_3198, %add3A_3247], %get3A_3210 {add = true} : memref<128x80xf32, #tpu.memory_space<vmem>>[vector<16xi32>, vector<16xi32>], vector<16xf32>,
    %add3A_3248 = arith.constant 48 : i32
    %add3A_3249 = vector.broadcast %add3A_3248 : i32 to vector<16xi32>
    %add3A_3250 = arith.addi %add3A_3249, %iota3A : vector<16xi32>
    tpu.vector_store_idx %arg7[%gather3A_3198, %add3A_3250], %get3A_3214 {add = true} : memref<128x80xf32, #tpu.memory_space<vmem>>[vector<16xi32>, vector<16xi32>], vector<16xf32>,
    %add3A_3251 = arith.constant 64 : i32
    %add3A_3252 = vector.broadcast %add3A_3251 : i32 to vector<16xi32>
    %add3A_3253 = arith.addi %add3A_3252, %iota3A : vector<16xi32>
    tpu.vector_store_idx %arg7[%gather3A_3198, %add3A_3253], %select_n3A_3238 {add = true} : memref<128x80xf32, #tpu.memory_space<vmem>>[vector<16xi32>, vector<16xi32>], vector<16xf32>,
    %broadcast_in_dim3A_3254 = arith.constant 7 : i32
    %broadcast_in_dim3A_3255 = vector.broadcast %broadcast_in_dim3A_3254 : i32 to vector<16x1xi32>
    %gather3A_3256 = vector.shape_cast %broadcast_in_dim3A_3255 : vector<16x1xi32> to vector<16xi32>
    %gather3A_3257 = tpu.dynamic_gather %get3A_2840[%gather3A_3256] in [0] : vector<16xi32>, vector<16xi32> -> vector<16xi32>
    %get3A_3258 = arith.constant 55 : i32
    %get3A_3259 = arith.index_cast %get3A_3258 : i32 to index
    %get3A_3260 = arith.constant 0 : index
    %get3A_3261 = tpu.vector_load %arg5[%get3A_3259, %get3A_3260] {strides = array<i32>} : memref<64x64xf32, #tpu.memory_space<vmem>>, vector<16xf32>,
    %get3A_3262 = arith.constant 55 : i32
    %get3A_3263 = arith.index_cast %get3A_3262 : i32 to index
    %get3A_3264 = arith.constant 16 : index
    %get3A_3265 = tpu.vector_load %arg5[%get3A_3263, %get3A_3264] {strides = array<i32>} : memref<64x64xf32, #tpu.memory_space<vmem>>, vector<16xf32>,
    %get3A_3266 = arith.constant 55 : i32
    %get3A_3267 = arith.index_cast %get3A_3266 : i32 to index
    %get3A_3268 = arith.constant 32 : index
    %get3A_3269 = tpu.vector_load %arg5[%get3A_3267, %get3A_3268] {strides = array<i32>} : memref<64x64xf32, #tpu.memory_space<vmem>>, vector<16xf32>,
    %get3A_3270 = arith.constant 55 : i32
    %get3A_3271 = arith.index_cast %get3A_3270 : i32 to index
    %get3A_3272 = arith.constant 48 : index
    %get3A_3273 = tpu.vector_load %arg5[%get3A_3271, %get3A_3272] {strides = array<i32>} : memref<64x64xf32, #tpu.memory_space<vmem>>, vector<16xf32>,
    %mul3A_3274 = arith.mulf %get3A_3261, %get3A_3261 : vector<16xf32>
    %mul3A_3275 = arith.mulf %get3A_3265, %get3A_3265 : vector<16xf32>
    %add3A_3276 = arith.addf %mul3A_3274, %mul3A_3275 : vector<16xf32>
    %mul3A_3277 = arith.mulf %get3A_3269, %get3A_3269 : vector<16xf32>
    %add3A_3278 = arith.addf %add3A_3276, %mul3A_3277 : vector<16xf32>
    %mul3A_3279 = arith.mulf %get3A_3273, %get3A_3273 : vector<16xf32>
    %add3A_3280 = arith.addf %add3A_3278, %mul3A_3279 : vector<16xf32>
    %reduce_sum3A_3281 = arith.constant true
    %reduce_sum3A_3282 = vector.broadcast %reduce_sum3A_3281 : i1 to vector<16xi1>
    %reduce_sum3A_3283 = tpu.scan <sum>, %add3A_3280 masked %reduce_sum3A_3282 : vector<16xf32>, vector<16xi1> -> vector<16xf32>
    %reduce_sum3A_3284 = vector.extract %reduce_sum3A_3283[15] : f32 from vector<16xf32>
    %eq3A_3285 = arith.constant 0 : i32
    %eq3A_3286 = vector.broadcast %eq3A_3285 : i32 to vector<16xi32>
    %eq3A_3287 = arith.cmpi eq, %iota3A, %eq3A_3286 : vector<16xi32>
    %eq3A_3288 = arith.constant 1 : i32
    %eq3A_3289 = vector.broadcast %eq3A_3288 : i32 to vector<16xi32>
    %eq3A_3290 = arith.cmpi eq, %iota3A, %eq3A_3289 : vector<16xi32>
    %jit3A_3291 = arith.constant 1.000000e+00 : f32
    %jit3A_3292 = arith.constant 0.000000e+00 : f32
    %broadcast_in_dim3A_3293 = vector.broadcast %jit3A_3291 : f32 to vector<16xf32>
    %broadcast_in_dim3A_3294 = vector.broadcast %jit3A_3292 : f32 to vector<16xf32>
    %select_n3A_3295 = arith.select %eq3A_3290, %broadcast_in_dim3A_3293, %broadcast_in_dim3A_3294 : vector<16xi1>, vector<16xf32>
    %broadcast_in_dim3A_3296 = vector.broadcast %reduce_sum3A_3284 : f32 to vector<16xf32>
    %select_n3A_3297 = arith.select %eq3A_3287, %broadcast_in_dim3A_3296, %select_n3A_3295 : vector<16xi1>, vector<16xf32>
    %add3A_3298 = arith.constant 0 : i32
    %add3A_3299 = vector.broadcast %add3A_3298 : i32 to vector<16xi32>
    %add3A_3300 = arith.addi %add3A_3299, %iota3A : vector<16xi32>
    tpu.vector_store_idx %arg7[%gather3A_3257, %add3A_3300], %get3A_3261 {add = true} : memref<128x80xf32, #tpu.memory_space<vmem>>[vector<16xi32>, vector<16xi32>], vector<16xf32>,
    %add3A_3301 = arith.constant 16 : i32
    %add3A_3302 = vector.broadcast %add3A_3301 : i32 to vector<16xi32>
    %add3A_3303 = arith.addi %add3A_3302, %iota3A : vector<16xi32>
    tpu.vector_store_idx %arg7[%gather3A_3257, %add3A_3303], %get3A_3265 {add = true} : memref<128x80xf32, #tpu.memory_space<vmem>>[vector<16xi32>, vector<16xi32>], vector<16xf32>,
    %add3A_3304 = arith.constant 32 : i32
    %add3A_3305 = vector.broadcast %add3A_3304 : i32 to vector<16xi32>
    %add3A_3306 = arith.addi %add3A_3305, %iota3A : vector<16xi32>
    tpu.vector_store_idx %arg7[%gather3A_3257, %add3A_3306], %get3A_3269 {add = true} : memref<128x80xf32, #tpu.memory_space<vmem>>[vector<16xi32>, vector<16xi32>], vector<16xf32>,
    %add3A_3307 = arith.constant 48 : i32
    %add3A_3308 = vector.broadcast %add3A_3307 : i32 to vector<16xi32>
    %add3A_3309 = arith.addi %add3A_3308, %iota3A : vector<16xi32>
    tpu.vector_store_idx %arg7[%gather3A_3257, %add3A_3309], %get3A_3273 {add = true} : memref<128x80xf32, #tpu.memory_space<vmem>>[vector<16xi32>, vector<16xi32>], vector<16xf32>,
    %add3A_3310 = arith.constant 64 : i32
    %add3A_3311 = vector.broadcast %add3A_3310 : i32 to vector<16xi32>
    %add3A_3312 = arith.addi %add3A_3311, %iota3A : vector<16xi32>
    tpu.vector_store_idx %arg7[%gather3A_3257, %add3A_3312], %select_n3A_3297 {add = true} : memref<128x80xf32, #tpu.memory_space<vmem>>[vector<16xi32>, vector<16xi32>], vector<16xf32>,
    %broadcast_in_dim3A_3313 = arith.constant 8 : i32
    %broadcast_in_dim3A_3314 = vector.broadcast %broadcast_in_dim3A_3313 : i32 to vector<16x1xi32>
    %gather3A_3315 = vector.shape_cast %broadcast_in_dim3A_3314 : vector<16x1xi32> to vector<16xi32>
    %gather3A_3316 = tpu.dynamic_gather %get3A_2840[%gather3A_3315] in [0] : vector<16xi32>, vector<16xi32> -> vector<16xi32>
    %get3A_3317 = arith.constant 56 : i32
    %get3A_3318 = arith.index_cast %get3A_3317 : i32 to index
    %get3A_3319 = arith.constant 0 : index
    %get3A_3320 = tpu.vector_load %arg5[%get3A_3318, %get3A_3319] {strides = array<i32>} : memref<64x64xf32, #tpu.memory_space<vmem>>, vector<16xf32>,
    %get3A_3321 = arith.constant 56 : i32
    %get3A_3322 = arith.index_cast %get3A_3321 : i32 to index
    %get3A_3323 = arith.constant 16 : index
    %get3A_3324 = tpu.vector_load %arg5[%get3A_3322, %get3A_3323] {strides = array<i32>} : memref<64x64xf32, #tpu.memory_space<vmem>>, vector<16xf32>,
    %get3A_3325 = arith.constant 56 : i32
    %get3A_3326 = arith.index_cast %get3A_3325 : i32 to index
    %get3A_3327 = arith.constant 32 : index
    %get3A_3328 = tpu.vector_load %arg5[%get3A_3326, %get3A_3327] {strides = array<i32>} : memref<64x64xf32, #tpu.memory_space<vmem>>, vector<16xf32>,
    %get3A_3329 = arith.constant 56 : i32
    %get3A_3330 = arith.index_cast %get3A_3329 : i32 to index
    %get3A_3331 = arith.constant 48 : index
    %get3A_3332 = tpu.vector_load %arg5[%get3A_3330, %get3A_3331] {strides = array<i32>} : memref<64x64xf32, #tpu.memory_space<vmem>>, vector<16xf32>,
    %mul3A_3333 = arith.mulf %get3A_3320, %get3A_3320 : vector<16xf32>
    %mul3A_3334 = arith.mulf %get3A_3324, %get3A_3324 : vector<16xf32>
    %add3A_3335 = arith.addf %mul3A_3333, %mul3A_3334 : vector<16xf32>
    %mul3A_3336 = arith.mulf %get3A_3328, %get3A_3328 : vector<16xf32>
    %add3A_3337 = arith.addf %add3A_3335, %mul3A_3336 : vector<16xf32>
    %mul3A_3338 = arith.mulf %get3A_3332, %get3A_3332 : vector<16xf32>
    %add3A_3339 = arith.addf %add3A_3337, %mul3A_3338 : vector<16xf32>
    %reduce_sum3A_3340 = arith.constant true
    %reduce_sum3A_3341 = vector.broadcast %reduce_sum3A_3340 : i1 to vector<16xi1>
    %reduce_sum3A_3342 = tpu.scan <sum>, %add3A_3339 masked %reduce_sum3A_3341 : vector<16xf32>, vector<16xi1> -> vector<16xf32>
    %reduce_sum3A_3343 = vector.extract %reduce_sum3A_3342[15] : f32 from vector<16xf32>
    %eq3A_3344 = arith.constant 0 : i32
    %eq3A_3345 = vector.broadcast %eq3A_3344 : i32 to vector<16xi32>
    %eq3A_3346 = arith.cmpi eq, %iota3A, %eq3A_3345 : vector<16xi32>
    %eq3A_3347 = arith.constant 1 : i32
    %eq3A_3348 = vector.broadcast %eq3A_3347 : i32 to vector<16xi32>
    %eq3A_3349 = arith.cmpi eq, %iota3A, %eq3A_3348 : vector<16xi32>
    %jit3A_3350 = arith.constant 1.000000e+00 : f32
    %jit3A_3351 = arith.constant 0.000000e+00 : f32
    %broadcast_in_dim3A_3352 = vector.broadcast %jit3A_3350 : f32 to vector<16xf32>
    %broadcast_in_dim3A_3353 = vector.broadcast %jit3A_3351 : f32 to vector<16xf32>
    %select_n3A_3354 = arith.select %eq3A_3349, %broadcast_in_dim3A_3352, %broadcast_in_dim3A_3353 : vector<16xi1>, vector<16xf32>
    %broadcast_in_dim3A_3355 = vector.broadcast %reduce_sum3A_3343 : f32 to vector<16xf32>
    %select_n3A_3356 = arith.select %eq3A_3346, %broadcast_in_dim3A_3355, %select_n3A_3354 : vector<16xi1>, vector<16xf32>
    %add3A_3357 = arith.constant 0 : i32
    %add3A_3358 = vector.broadcast %add3A_3357 : i32 to vector<16xi32>
    %add3A_3359 = arith.addi %add3A_3358, %iota3A : vector<16xi32>
    tpu.vector_store_idx %arg7[%gather3A_3316, %add3A_3359], %get3A_3320 {add = true} : memref<128x80xf32, #tpu.memory_space<vmem>>[vector<16xi32>, vector<16xi32>], vector<16xf32>,
    %add3A_3360 = arith.constant 16 : i32
    %add3A_3361 = vector.broadcast %add3A_3360 : i32 to vector<16xi32>
    %add3A_3362 = arith.addi %add3A_3361, %iota3A : vector<16xi32>
    tpu.vector_store_idx %arg7[%gather3A_3316, %add3A_3362], %get3A_3324 {add = true} : memref<128x80xf32, #tpu.memory_space<vmem>>[vector<16xi32>, vector<16xi32>], vector<16xf32>,
    %add3A_3363 = arith.constant 32 : i32
    %add3A_3364 = vector.broadcast %add3A_3363 : i32 to vector<16xi32>
    %add3A_3365 = arith.addi %add3A_3364, %iota3A : vector<16xi32>
    tpu.vector_store_idx %arg7[%gather3A_3316, %add3A_3365], %get3A_3328 {add = true} : memref<128x80xf32, #tpu.memory_space<vmem>>[vector<16xi32>, vector<16xi32>], vector<16xf32>,
    %add3A_3366 = arith.constant 48 : i32
    %add3A_3367 = vector.broadcast %add3A_3366 : i32 to vector<16xi32>
    %add3A_3368 = arith.addi %add3A_3367, %iota3A : vector<16xi32>
    tpu.vector_store_idx %arg7[%gather3A_3316, %add3A_3368], %get3A_3332 {add = true} : memref<128x80xf32, #tpu.memory_space<vmem>>[vector<16xi32>, vector<16xi32>], vector<16xf32>,
    %add3A_3369 = arith.constant 64 : i32
    %add3A_3370 = vector.broadcast %add3A_3369 : i32 to vector<16xi32>
    %add3A_3371 = arith.addi %add3A_3370, %iota3A : vector<16xi32>
    tpu.vector_store_idx %arg7[%gather3A_3316, %add3A_3371], %select_n3A_3356 {add = true} : memref<128x80xf32, #tpu.memory_space<vmem>>[vector<16xi32>, vector<16xi32>], vector<16xf32>,
    %broadcast_in_dim3A_3372 = arith.constant 9 : i32
    %broadcast_in_dim3A_3373 = vector.broadcast %broadcast_in_dim3A_3372 : i32 to vector<16x1xi32>
    %gather3A_3374 = vector.shape_cast %broadcast_in_dim3A_3373 : vector<16x1xi32> to vector<16xi32>
    %gather3A_3375 = tpu.dynamic_gather %get3A_2840[%gather3A_3374] in [0] : vector<16xi32>, vector<16xi32> -> vector<16xi32>
    %get3A_3376 = arith.constant 57 : i32
    %get3A_3377 = arith.index_cast %get3A_3376 : i32 to index
    %get3A_3378 = arith.constant 0 : index
    %get3A_3379 = tpu.vector_load %arg5[%get3A_3377, %get3A_3378] {strides = array<i32>} : memref<64x64xf32, #tpu.memory_space<vmem>>, vector<16xf32>,
    %get3A_3380 = arith.constant 57 : i32
    %get3A_3381 = arith.index_cast %get3A_3380 : i32 to index
    %get3A_3382 = arith.constant 16 : index
    %get3A_3383 = tpu.vector_load %arg5[%get3A_3381, %get3A_3382] {strides = array<i32>} : memref<64x64xf32, #tpu.memory_space<vmem>>, vector<16xf32>,
    %get3A_3384 = arith.constant 57 : i32
    %get3A_3385 = arith.index_cast %get3A_3384 : i32 to index
    %get3A_3386 = arith.constant 32 : index
    %get3A_3387 = tpu.vector_load %arg5[%get3A_3385, %get3A_3386] {strides = array<i32>} : memref<64x64xf32, #tpu.memory_space<vmem>>, vector<16xf32>,
    %get3A_3388 = arith.constant 57 : i32
    %get3A_3389 = arith.index_cast %get3A_3388 : i32 to index
    %get3A_3390 = arith.constant 48 : index
    %get3A_3391 = tpu.vector_load %arg5[%get3A_3389, %get3A_3390] {strides = array<i32>} : memref<64x64xf32, #tpu.memory_space<vmem>>, vector<16xf32>,
    %mul3A_3392 = arith.mulf %get3A_3379, %get3A_3379 : vector<16xf32>
    %mul3A_3393 = arith.mulf %get3A_3383, %get3A_3383 : vector<16xf32>
    %add3A_3394 = arith.addf %mul3A_3392, %mul3A_3393 : vector<16xf32>
    %mul3A_3395 = arith.mulf %get3A_3387, %get3A_3387 : vector<16xf32>
    %add3A_3396 = arith.addf %add3A_3394, %mul3A_3395 : vector<16xf32>
    %mul3A_3397 = arith.mulf %get3A_3391, %get3A_3391 : vector<16xf32>
    %add3A_3398 = arith.addf %add3A_3396, %mul3A_3397 : vector<16xf32>
    %reduce_sum3A_3399 = arith.constant true
    %reduce_sum3A_3400 = vector.broadcast %reduce_sum3A_3399 : i1 to vector<16xi1>
    %reduce_sum3A_3401 = tpu.scan <sum>, %add3A_3398 masked %reduce_sum3A_3400 : vector<16xf32>, vector<16xi1> -> vector<16xf32>
    %reduce_sum3A_3402 = vector.extract %reduce_sum3A_3401[15] : f32 from vector<16xf32>
    %eq3A_3403 = arith.constant 0 : i32
    %eq3A_3404 = vector.broadcast %eq3A_3403 : i32 to vector<16xi32>
    %eq3A_3405 = arith.cmpi eq, %iota3A, %eq3A_3404 : vector<16xi32>
    %eq3A_3406 = arith.constant 1 : i32
    %eq3A_3407 = vector.broadcast %eq3A_3406 : i32 to vector<16xi32>
    %eq3A_3408 = arith.cmpi eq, %iota3A, %eq3A_3407 : vector<16xi32>
    %jit3A_3409 = arith.constant 1.000000e+00 : f32
    %jit3A_3410 = arith.constant 0.000000e+00 : f32
    %broadcast_in_dim3A_3411 = vector.broadcast %jit3A_3409 : f32 to vector<16xf32>
    %broadcast_in_dim3A_3412 = vector.broadcast %jit3A_3410 : f32 to vector<16xf32>
    %select_n3A_3413 = arith.select %eq3A_3408, %broadcast_in_dim3A_3411, %broadcast_in_dim3A_3412 : vector<16xi1>, vector<16xf32>
    %broadcast_in_dim3A_3414 = vector.broadcast %reduce_sum3A_3402 : f32 to vector<16xf32>
    %select_n3A_3415 = arith.select %eq3A_3405, %broadcast_in_dim3A_3414, %select_n3A_3413 : vector<16xi1>, vector<16xf32>
    %add3A_3416 = arith.constant 0 : i32
    %add3A_3417 = vector.broadcast %add3A_3416 : i32 to vector<16xi32>
    %add3A_3418 = arith.addi %add3A_3417, %iota3A : vector<16xi32>
    tpu.vector_store_idx %arg7[%gather3A_3375, %add3A_3418], %get3A_3379 {add = true} : memref<128x80xf32, #tpu.memory_space<vmem>>[vector<16xi32>, vector<16xi32>], vector<16xf32>,
    %add3A_3419 = arith.constant 16 : i32
    %add3A_3420 = vector.broadcast %add3A_3419 : i32 to vector<16xi32>
    %add3A_3421 = arith.addi %add3A_3420, %iota3A : vector<16xi32>
    tpu.vector_store_idx %arg7[%gather3A_3375, %add3A_3421], %get3A_3383 {add = true} : memref<128x80xf32, #tpu.memory_space<vmem>>[vector<16xi32>, vector<16xi32>], vector<16xf32>,
    %add3A_3422 = arith.constant 32 : i32
    %add3A_3423 = vector.broadcast %add3A_3422 : i32 to vector<16xi32>
    %add3A_3424 = arith.addi %add3A_3423, %iota3A : vector<16xi32>
    tpu.vector_store_idx %arg7[%gather3A_3375, %add3A_3424], %get3A_3387 {add = true} : memref<128x80xf32, #tpu.memory_space<vmem>>[vector<16xi32>, vector<16xi32>], vector<16xf32>,
    %add3A_3425 = arith.constant 48 : i32
    %add3A_3426 = vector.broadcast %add3A_3425 : i32 to vector<16xi32>
    %add3A_3427 = arith.addi %add3A_3426, %iota3A : vector<16xi32>
    tpu.vector_store_idx %arg7[%gather3A_3375, %add3A_3427], %get3A_3391 {add = true} : memref<128x80xf32, #tpu.memory_space<vmem>>[vector<16xi32>, vector<16xi32>], vector<16xf32>,
    %add3A_3428 = arith.constant 64 : i32
    %add3A_3429 = vector.broadcast %add3A_3428 : i32 to vector<16xi32>
    %add3A_3430 = arith.addi %add3A_3429, %iota3A : vector<16xi32>
    tpu.vector_store_idx %arg7[%gather3A_3375, %add3A_3430], %select_n3A_3415 {add = true} : memref<128x80xf32, #tpu.memory_space<vmem>>[vector<16xi32>, vector<16xi32>], vector<16xf32>,
    %broadcast_in_dim3A_3431 = arith.constant 10 : i32
    %broadcast_in_dim3A_3432 = vector.broadcast %broadcast_in_dim3A_3431 : i32 to vector<16x1xi32>
    %gather3A_3433 = vector.shape_cast %broadcast_in_dim3A_3432 : vector<16x1xi32> to vector<16xi32>
    %gather3A_3434 = tpu.dynamic_gather %get3A_2840[%gather3A_3433] in [0] : vector<16xi32>, vector<16xi32> -> vector<16xi32>
    %get3A_3435 = arith.constant 58 : i32
    %get3A_3436 = arith.index_cast %get3A_3435 : i32 to index
    %get3A_3437 = arith.constant 0 : index
    %get3A_3438 = tpu.vector_load %arg5[%get3A_3436, %get3A_3437] {strides = array<i32>} : memref<64x64xf32, #tpu.memory_space<vmem>>, vector<16xf32>,
    %get3A_3439 = arith.constant 58 : i32
    %get3A_3440 = arith.index_cast %get3A_3439 : i32 to index
    %get3A_3441 = arith.constant 16 : index
    %get3A_3442 = tpu.vector_load %arg5[%get3A_3440, %get3A_3441] {strides = array<i32>} : memref<64x64xf32, #tpu.memory_space<vmem>>, vector<16xf32>,
    %get3A_3443 = arith.constant 58 : i32
    %get3A_3444 = arith.index_cast %get3A_3443 : i32 to index
    %get3A_3445 = arith.constant 32 : index
    %get3A_3446 = tpu.vector_load %arg5[%get3A_3444, %get3A_3445] {strides = array<i32>} : memref<64x64xf32, #tpu.memory_space<vmem>>, vector<16xf32>,
    %get3A_3447 = arith.constant 58 : i32
    %get3A_3448 = arith.index_cast %get3A_3447 : i32 to index
    %get3A_3449 = arith.constant 48 : index
    %get3A_3450 = tpu.vector_load %arg5[%get3A_3448, %get3A_3449] {strides = array<i32>} : memref<64x64xf32, #tpu.memory_space<vmem>>, vector<16xf32>,
    %mul3A_3451 = arith.mulf %get3A_3438, %get3A_3438 : vector<16xf32>
    %mul3A_3452 = arith.mulf %get3A_3442, %get3A_3442 : vector<16xf32>
    %add3A_3453 = arith.addf %mul3A_3451, %mul3A_3452 : vector<16xf32>
    %mul3A_3454 = arith.mulf %get3A_3446, %get3A_3446 : vector<16xf32>
    %add3A_3455 = arith.addf %add3A_3453, %mul3A_3454 : vector<16xf32>
    %mul3A_3456 = arith.mulf %get3A_3450, %get3A_3450 : vector<16xf32>
    %add3A_3457 = arith.addf %add3A_3455, %mul3A_3456 : vector<16xf32>
    %reduce_sum3A_3458 = arith.constant true
    %reduce_sum3A_3459 = vector.broadcast %reduce_sum3A_3458 : i1 to vector<16xi1>
    %reduce_sum3A_3460 = tpu.scan <sum>, %add3A_3457 masked %reduce_sum3A_3459 : vector<16xf32>, vector<16xi1> -> vector<16xf32>
    %reduce_sum3A_3461 = vector.extract %reduce_sum3A_3460[15] : f32 from vector<16xf32>
    %eq3A_3462 = arith.constant 0 : i32
    %eq3A_3463 = vector.broadcast %eq3A_3462 : i32 to vector<16xi32>
    %eq3A_3464 = arith.cmpi eq, %iota3A, %eq3A_3463 : vector<16xi32>
    %eq3A_3465 = arith.constant 1 : i32
    %eq3A_3466 = vector.broadcast %eq3A_3465 : i32 to vector<16xi32>
    %eq3A_3467 = arith.cmpi eq, %iota3A, %eq3A_3466 : vector<16xi32>
    %jit3A_3468 = arith.constant 1.000000e+00 : f32
    %jit3A_3469 = arith.constant 0.000000e+00 : f32
    %broadcast_in_dim3A_3470 = vector.broadcast %jit3A_3468 : f32 to vector<16xf32>
    %broadcast_in_dim3A_3471 = vector.broadcast %jit3A_3469 : f32 to vector<16xf32>
    %select_n3A_3472 = arith.select %eq3A_3467, %broadcast_in_dim3A_3470, %broadcast_in_dim3A_3471 : vector<16xi1>, vector<16xf32>
    %broadcast_in_dim3A_3473 = vector.broadcast %reduce_sum3A_3461 : f32 to vector<16xf32>
    %select_n3A_3474 = arith.select %eq3A_3464, %broadcast_in_dim3A_3473, %select_n3A_3472 : vector<16xi1>, vector<16xf32>
    %add3A_3475 = arith.constant 0 : i32
    %add3A_3476 = vector.broadcast %add3A_3475 : i32 to vector<16xi32>
    %add3A_3477 = arith.addi %add3A_3476, %iota3A : vector<16xi32>
    tpu.vector_store_idx %arg7[%gather3A_3434, %add3A_3477], %get3A_3438 {add = true} : memref<128x80xf32, #tpu.memory_space<vmem>>[vector<16xi32>, vector<16xi32>], vector<16xf32>,
    %add3A_3478 = arith.constant 16 : i32
    %add3A_3479 = vector.broadcast %add3A_3478 : i32 to vector<16xi32>
    %add3A_3480 = arith.addi %add3A_3479, %iota3A : vector<16xi32>
    tpu.vector_store_idx %arg7[%gather3A_3434, %add3A_3480], %get3A_3442 {add = true} : memref<128x80xf32, #tpu.memory_space<vmem>>[vector<16xi32>, vector<16xi32>], vector<16xf32>,
    %add3A_3481 = arith.constant 32 : i32
    %add3A_3482 = vector.broadcast %add3A_3481 : i32 to vector<16xi32>
    %add3A_3483 = arith.addi %add3A_3482, %iota3A : vector<16xi32>
    tpu.vector_store_idx %arg7[%gather3A_3434, %add3A_3483], %get3A_3446 {add = true} : memref<128x80xf32, #tpu.memory_space<vmem>>[vector<16xi32>, vector<16xi32>], vector<16xf32>,
    %add3A_3484 = arith.constant 48 : i32
    %add3A_3485 = vector.broadcast %add3A_3484 : i32 to vector<16xi32>
    %add3A_3486 = arith.addi %add3A_3485, %iota3A : vector<16xi32>
    tpu.vector_store_idx %arg7[%gather3A_3434, %add3A_3486], %get3A_3450 {add = true} : memref<128x80xf32, #tpu.memory_space<vmem>>[vector<16xi32>, vector<16xi32>], vector<16xf32>,
    %add3A_3487 = arith.constant 64 : i32
    %add3A_3488 = vector.broadcast %add3A_3487 : i32 to vector<16xi32>
    %add3A_3489 = arith.addi %add3A_3488, %iota3A : vector<16xi32>
    tpu.vector_store_idx %arg7[%gather3A_3434, %add3A_3489], %select_n3A_3474 {add = true} : memref<128x80xf32, #tpu.memory_space<vmem>>[vector<16xi32>, vector<16xi32>], vector<16xf32>,
    %broadcast_in_dim3A_3490 = arith.constant 11 : i32
    %broadcast_in_dim3A_3491 = vector.broadcast %broadcast_in_dim3A_3490 : i32 to vector<16x1xi32>
    %gather3A_3492 = vector.shape_cast %broadcast_in_dim3A_3491 : vector<16x1xi32> to vector<16xi32>
    %gather3A_3493 = tpu.dynamic_gather %get3A_2840[%gather3A_3492] in [0] : vector<16xi32>, vector<16xi32> -> vector<16xi32>
    %get3A_3494 = arith.constant 59 : i32
    %get3A_3495 = arith.index_cast %get3A_3494 : i32 to index
    %get3A_3496 = arith.constant 0 : index
    %get3A_3497 = tpu.vector_load %arg5[%get3A_3495, %get3A_3496] {strides = array<i32>} : memref<64x64xf32, #tpu.memory_space<vmem>>, vector<16xf32>,
    %get3A_3498 = arith.constant 59 : i32
    %get3A_3499 = arith.index_cast %get3A_3498 : i32 to index
    %get3A_3500 = arith.constant 16 : index
    %get3A_3501 = tpu.vector_load %arg5[%get3A_3499, %get3A_3500] {strides = array<i32>} : memref<64x64xf32, #tpu.memory_space<vmem>>, vector<16xf32>,
    %get3A_3502 = arith.constant 59 : i32
    %get3A_3503 = arith.index_cast %get3A_3502 : i32 to index
    %get3A_3504 = arith.constant 32 : index
    %get3A_3505 = tpu.vector_load %arg5[%get3A_3503, %get3A_3504] {strides = array<i32>} : memref<64x64xf32, #tpu.memory_space<vmem>>, vector<16xf32>,
    %get3A_3506 = arith.constant 59 : i32
    %get3A_3507 = arith.index_cast %get3A_3506 : i32 to index
    %get3A_3508 = arith.constant 48 : index
    %get3A_3509 = tpu.vector_load %arg5[%get3A_3507, %get3A_3508] {strides = array<i32>} : memref<64x64xf32, #tpu.memory_space<vmem>>, vector<16xf32>,
    %mul3A_3510 = arith.mulf %get3A_3497, %get3A_3497 : vector<16xf32>
    %mul3A_3511 = arith.mulf %get3A_3501, %get3A_3501 : vector<16xf32>
    %add3A_3512 = arith.addf %mul3A_3510, %mul3A_3511 : vector<16xf32>
    %mul3A_3513 = arith.mulf %get3A_3505, %get3A_3505 : vector<16xf32>
    %add3A_3514 = arith.addf %add3A_3512, %mul3A_3513 : vector<16xf32>
    %mul3A_3515 = arith.mulf %get3A_3509, %get3A_3509 : vector<16xf32>
    %add3A_3516 = arith.addf %add3A_3514, %mul3A_3515 : vector<16xf32>
    %reduce_sum3A_3517 = arith.constant true
    %reduce_sum3A_3518 = vector.broadcast %reduce_sum3A_3517 : i1 to vector<16xi1>
    %reduce_sum3A_3519 = tpu.scan <sum>, %add3A_3516 masked %reduce_sum3A_3518 : vector<16xf32>, vector<16xi1> -> vector<16xf32>
    %reduce_sum3A_3520 = vector.extract %reduce_sum3A_3519[15] : f32 from vector<16xf32>
    %eq3A_3521 = arith.constant 0 : i32
    %eq3A_3522 = vector.broadcast %eq3A_3521 : i32 to vector<16xi32>
    %eq3A_3523 = arith.cmpi eq, %iota3A, %eq3A_3522 : vector<16xi32>
    %eq3A_3524 = arith.constant 1 : i32
    %eq3A_3525 = vector.broadcast %eq3A_3524 : i32 to vector<16xi32>
    %eq3A_3526 = arith.cmpi eq, %iota3A, %eq3A_3525 : vector<16xi32>
    %jit3A_3527 = arith.constant 1.000000e+00 : f32
    %jit3A_3528 = arith.constant 0.000000e+00 : f32
    %broadcast_in_dim3A_3529 = vector.broadcast %jit3A_3527 : f32 to vector<16xf32>
    %broadcast_in_dim3A_3530 = vector.broadcast %jit3A_3528 : f32 to vector<16xf32>
    %select_n3A_3531 = arith.select %eq3A_3526, %broadcast_in_dim3A_3529, %broadcast_in_dim3A_3530 : vector<16xi1>, vector<16xf32>
    %broadcast_in_dim3A_3532 = vector.broadcast %reduce_sum3A_3520 : f32 to vector<16xf32>
    %select_n3A_3533 = arith.select %eq3A_3523, %broadcast_in_dim3A_3532, %select_n3A_3531 : vector<16xi1>, vector<16xf32>
    %add3A_3534 = arith.constant 0 : i32
    %add3A_3535 = vector.broadcast %add3A_3534 : i32 to vector<16xi32>
    %add3A_3536 = arith.addi %add3A_3535, %iota3A : vector<16xi32>
    tpu.vector_store_idx %arg7[%gather3A_3493, %add3A_3536], %get3A_3497 {add = true} : memref<128x80xf32, #tpu.memory_space<vmem>>[vector<16xi32>, vector<16xi32>], vector<16xf32>,
    %add3A_3537 = arith.constant 16 : i32
    %add3A_3538 = vector.broadcast %add3A_3537 : i32 to vector<16xi32>
    %add3A_3539 = arith.addi %add3A_3538, %iota3A : vector<16xi32>
    tpu.vector_store_idx %arg7[%gather3A_3493, %add3A_3539], %get3A_3501 {add = true} : memref<128x80xf32, #tpu.memory_space<vmem>>[vector<16xi32>, vector<16xi32>], vector<16xf32>,
    %add3A_3540 = arith.constant 32 : i32
    %add3A_3541 = vector.broadcast %add3A_3540 : i32 to vector<16xi32>
    %add3A_3542 = arith.addi %add3A_3541, %iota3A : vector<16xi32>
    tpu.vector_store_idx %arg7[%gather3A_3493, %add3A_3542], %get3A_3505 {add = true} : memref<128x80xf32, #tpu.memory_space<vmem>>[vector<16xi32>, vector<16xi32>], vector<16xf32>,
    %add3A_3543 = arith.constant 48 : i32
    %add3A_3544 = vector.broadcast %add3A_3543 : i32 to vector<16xi32>
    %add3A_3545 = arith.addi %add3A_3544, %iota3A : vector<16xi32>
    tpu.vector_store_idx %arg7[%gather3A_3493, %add3A_3545], %get3A_3509 {add = true} : memref<128x80xf32, #tpu.memory_space<vmem>>[vector<16xi32>, vector<16xi32>], vector<16xf32>,
    %add3A_3546 = arith.constant 64 : i32
    %add3A_3547 = vector.broadcast %add3A_3546 : i32 to vector<16xi32>
    %add3A_3548 = arith.addi %add3A_3547, %iota3A : vector<16xi32>
    tpu.vector_store_idx %arg7[%gather3A_3493, %add3A_3548], %select_n3A_3533 {add = true} : memref<128x80xf32, #tpu.memory_space<vmem>>[vector<16xi32>, vector<16xi32>], vector<16xf32>,
    %broadcast_in_dim3A_3549 = arith.constant 12 : i32
    %broadcast_in_dim3A_3550 = vector.broadcast %broadcast_in_dim3A_3549 : i32 to vector<16x1xi32>
    %gather3A_3551 = vector.shape_cast %broadcast_in_dim3A_3550 : vector<16x1xi32> to vector<16xi32>
    %gather3A_3552 = tpu.dynamic_gather %get3A_2840[%gather3A_3551] in [0] : vector<16xi32>, vector<16xi32> -> vector<16xi32>
    %get3A_3553 = arith.constant 60 : i32
    %get3A_3554 = arith.index_cast %get3A_3553 : i32 to index
    %get3A_3555 = arith.constant 0 : index
    %get3A_3556 = tpu.vector_load %arg5[%get3A_3554, %get3A_3555] {strides = array<i32>} : memref<64x64xf32, #tpu.memory_space<vmem>>, vector<16xf32>,
    %get3A_3557 = arith.constant 60 : i32
    %get3A_3558 = arith.index_cast %get3A_3557 : i32 to index
    %get3A_3559 = arith.constant 16 : index
    %get3A_3560 = tpu.vector_load %arg5[%get3A_3558, %get3A_3559] {strides = array<i32>} : memref<64x64xf32, #tpu.memory_space<vmem>>, vector<16xf32>,
    %get3A_3561 = arith.constant 60 : i32
    %get3A_3562 = arith.index_cast %get3A_3561 : i32 to index
    %get3A_3563 = arith.constant 32 : index
    %get3A_3564 = tpu.vector_load %arg5[%get3A_3562, %get3A_3563] {strides = array<i32>} : memref<64x64xf32, #tpu.memory_space<vmem>>, vector<16xf32>,
    %get3A_3565 = arith.constant 60 : i32
    %get3A_3566 = arith.index_cast %get3A_3565 : i32 to index
    %get3A_3567 = arith.constant 48 : index
    %get3A_3568 = tpu.vector_load %arg5[%get3A_3566, %get3A_3567] {strides = array<i32>} : memref<64x64xf32, #tpu.memory_space<vmem>>, vector<16xf32>,
    %mul3A_3569 = arith.mulf %get3A_3556, %get3A_3556 : vector<16xf32>
    %mul3A_3570 = arith.mulf %get3A_3560, %get3A_3560 : vector<16xf32>
    %add3A_3571 = arith.addf %mul3A_3569, %mul3A_3570 : vector<16xf32>
    %mul3A_3572 = arith.mulf %get3A_3564, %get3A_3564 : vector<16xf32>
    %add3A_3573 = arith.addf %add3A_3571, %mul3A_3572 : vector<16xf32>
    %mul3A_3574 = arith.mulf %get3A_3568, %get3A_3568 : vector<16xf32>
    %add3A_3575 = arith.addf %add3A_3573, %mul3A_3574 : vector<16xf32>
    %reduce_sum3A_3576 = arith.constant true
    %reduce_sum3A_3577 = vector.broadcast %reduce_sum3A_3576 : i1 to vector<16xi1>
    %reduce_sum3A_3578 = tpu.scan <sum>, %add3A_3575 masked %reduce_sum3A_3577 : vector<16xf32>, vector<16xi1> -> vector<16xf32>
    %reduce_sum3A_3579 = vector.extract %reduce_sum3A_3578[15] : f32 from vector<16xf32>
    %eq3A_3580 = arith.constant 0 : i32
    %eq3A_3581 = vector.broadcast %eq3A_3580 : i32 to vector<16xi32>
    %eq3A_3582 = arith.cmpi eq, %iota3A, %eq3A_3581 : vector<16xi32>
    %eq3A_3583 = arith.constant 1 : i32
    %eq3A_3584 = vector.broadcast %eq3A_3583 : i32 to vector<16xi32>
    %eq3A_3585 = arith.cmpi eq, %iota3A, %eq3A_3584 : vector<16xi32>
    %jit3A_3586 = arith.constant 1.000000e+00 : f32
    %jit3A_3587 = arith.constant 0.000000e+00 : f32
    %broadcast_in_dim3A_3588 = vector.broadcast %jit3A_3586 : f32 to vector<16xf32>
    %broadcast_in_dim3A_3589 = vector.broadcast %jit3A_3587 : f32 to vector<16xf32>
    %select_n3A_3590 = arith.select %eq3A_3585, %broadcast_in_dim3A_3588, %broadcast_in_dim3A_3589 : vector<16xi1>, vector<16xf32>
    %broadcast_in_dim3A_3591 = vector.broadcast %reduce_sum3A_3579 : f32 to vector<16xf32>
    %select_n3A_3592 = arith.select %eq3A_3582, %broadcast_in_dim3A_3591, %select_n3A_3590 : vector<16xi1>, vector<16xf32>
    %add3A_3593 = arith.constant 0 : i32
    %add3A_3594 = vector.broadcast %add3A_3593 : i32 to vector<16xi32>
    %add3A_3595 = arith.addi %add3A_3594, %iota3A : vector<16xi32>
    tpu.vector_store_idx %arg7[%gather3A_3552, %add3A_3595], %get3A_3556 {add = true} : memref<128x80xf32, #tpu.memory_space<vmem>>[vector<16xi32>, vector<16xi32>], vector<16xf32>,
    %add3A_3596 = arith.constant 16 : i32
    %add3A_3597 = vector.broadcast %add3A_3596 : i32 to vector<16xi32>
    %add3A_3598 = arith.addi %add3A_3597, %iota3A : vector<16xi32>
    tpu.vector_store_idx %arg7[%gather3A_3552, %add3A_3598], %get3A_3560 {add = true} : memref<128x80xf32, #tpu.memory_space<vmem>>[vector<16xi32>, vector<16xi32>], vector<16xf32>,
    %add3A_3599 = arith.constant 32 : i32
    %add3A_3600 = vector.broadcast %add3A_3599 : i32 to vector<16xi32>
    %add3A_3601 = arith.addi %add3A_3600, %iota3A : vector<16xi32>
    tpu.vector_store_idx %arg7[%gather3A_3552, %add3A_3601], %get3A_3564 {add = true} : memref<128x80xf32, #tpu.memory_space<vmem>>[vector<16xi32>, vector<16xi32>], vector<16xf32>,
    %add3A_3602 = arith.constant 48 : i32
    %add3A_3603 = vector.broadcast %add3A_3602 : i32 to vector<16xi32>
    %add3A_3604 = arith.addi %add3A_3603, %iota3A : vector<16xi32>
    tpu.vector_store_idx %arg7[%gather3A_3552, %add3A_3604], %get3A_3568 {add = true} : memref<128x80xf32, #tpu.memory_space<vmem>>[vector<16xi32>, vector<16xi32>], vector<16xf32>,
    %add3A_3605 = arith.constant 64 : i32
    %add3A_3606 = vector.broadcast %add3A_3605 : i32 to vector<16xi32>
    %add3A_3607 = arith.addi %add3A_3606, %iota3A : vector<16xi32>
    tpu.vector_store_idx %arg7[%gather3A_3552, %add3A_3607], %select_n3A_3592 {add = true} : memref<128x80xf32, #tpu.memory_space<vmem>>[vector<16xi32>, vector<16xi32>], vector<16xf32>,
    %broadcast_in_dim3A_3608 = arith.constant 13 : i32
    %broadcast_in_dim3A_3609 = vector.broadcast %broadcast_in_dim3A_3608 : i32 to vector<16x1xi32>
    %gather3A_3610 = vector.shape_cast %broadcast_in_dim3A_3609 : vector<16x1xi32> to vector<16xi32>
    %gather3A_3611 = tpu.dynamic_gather %get3A_2840[%gather3A_3610] in [0] : vector<16xi32>, vector<16xi32> -> vector<16xi32>
    %get3A_3612 = arith.constant 61 : i32
    %get3A_3613 = arith.index_cast %get3A_3612 : i32 to index
    %get3A_3614 = arith.constant 0 : index
    %get3A_3615 = tpu.vector_load %arg5[%get3A_3613, %get3A_3614] {strides = array<i32>} : memref<64x64xf32, #tpu.memory_space<vmem>>, vector<16xf32>,
    %get3A_3616 = arith.constant 61 : i32
    %get3A_3617 = arith.index_cast %get3A_3616 : i32 to index
    %get3A_3618 = arith.constant 16 : index
    %get3A_3619 = tpu.vector_load %arg5[%get3A_3617, %get3A_3618] {strides = array<i32>} : memref<64x64xf32, #tpu.memory_space<vmem>>, vector<16xf32>,
    %get3A_3620 = arith.constant 61 : i32
    %get3A_3621 = arith.index_cast %get3A_3620 : i32 to index
    %get3A_3622 = arith.constant 32 : index
    %get3A_3623 = tpu.vector_load %arg5[%get3A_3621, %get3A_3622] {strides = array<i32>} : memref<64x64xf32, #tpu.memory_space<vmem>>, vector<16xf32>,
    %get3A_3624 = arith.constant 61 : i32
    %get3A_3625 = arith.index_cast %get3A_3624 : i32 to index
    %get3A_3626 = arith.constant 48 : index
    %get3A_3627 = tpu.vector_load %arg5[%get3A_3625, %get3A_3626] {strides = array<i32>} : memref<64x64xf32, #tpu.memory_space<vmem>>, vector<16xf32>,
    %mul3A_3628 = arith.mulf %get3A_3615, %get3A_3615 : vector<16xf32>
    %mul3A_3629 = arith.mulf %get3A_3619, %get3A_3619 : vector<16xf32>
    %add3A_3630 = arith.addf %mul3A_3628, %mul3A_3629 : vector<16xf32>
    %mul3A_3631 = arith.mulf %get3A_3623, %get3A_3623 : vector<16xf32>
    %add3A_3632 = arith.addf %add3A_3630, %mul3A_3631 : vector<16xf32>
    %mul3A_3633 = arith.mulf %get3A_3627, %get3A_3627 : vector<16xf32>
    %add3A_3634 = arith.addf %add3A_3632, %mul3A_3633 : vector<16xf32>
    %reduce_sum3A_3635 = arith.constant true
    %reduce_sum3A_3636 = vector.broadcast %reduce_sum3A_3635 : i1 to vector<16xi1>
    %reduce_sum3A_3637 = tpu.scan <sum>, %add3A_3634 masked %reduce_sum3A_3636 : vector<16xf32>, vector<16xi1> -> vector<16xf32>
    %reduce_sum3A_3638 = vector.extract %reduce_sum3A_3637[15] : f32 from vector<16xf32>
    %eq3A_3639 = arith.constant 0 : i32
    %eq3A_3640 = vector.broadcast %eq3A_3639 : i32 to vector<16xi32>
    %eq3A_3641 = arith.cmpi eq, %iota3A, %eq3A_3640 : vector<16xi32>
    %eq3A_3642 = arith.constant 1 : i32
    %eq3A_3643 = vector.broadcast %eq3A_3642 : i32 to vector<16xi32>
    %eq3A_3644 = arith.cmpi eq, %iota3A, %eq3A_3643 : vector<16xi32>
    %jit3A_3645 = arith.constant 1.000000e+00 : f32
    %jit3A_3646 = arith.constant 0.000000e+00 : f32
    %broadcast_in_dim3A_3647 = vector.broadcast %jit3A_3645 : f32 to vector<16xf32>
    %broadcast_in_dim3A_3648 = vector.broadcast %jit3A_3646 : f32 to vector<16xf32>
    %select_n3A_3649 = arith.select %eq3A_3644, %broadcast_in_dim3A_3647, %broadcast_in_dim3A_3648 : vector<16xi1>, vector<16xf32>
    %broadcast_in_dim3A_3650 = vector.broadcast %reduce_sum3A_3638 : f32 to vector<16xf32>
    %select_n3A_3651 = arith.select %eq3A_3641, %broadcast_in_dim3A_3650, %select_n3A_3649 : vector<16xi1>, vector<16xf32>
    %add3A_3652 = arith.constant 0 : i32
    %add3A_3653 = vector.broadcast %add3A_3652 : i32 to vector<16xi32>
    %add3A_3654 = arith.addi %add3A_3653, %iota3A : vector<16xi32>
    tpu.vector_store_idx %arg7[%gather3A_3611, %add3A_3654], %get3A_3615 {add = true} : memref<128x80xf32, #tpu.memory_space<vmem>>[vector<16xi32>, vector<16xi32>], vector<16xf32>,
    %add3A_3655 = arith.constant 16 : i32
    %add3A_3656 = vector.broadcast %add3A_3655 : i32 to vector<16xi32>
    %add3A_3657 = arith.addi %add3A_3656, %iota3A : vector<16xi32>
    tpu.vector_store_idx %arg7[%gather3A_3611, %add3A_3657], %get3A_3619 {add = true} : memref<128x80xf32, #tpu.memory_space<vmem>>[vector<16xi32>, vector<16xi32>], vector<16xf32>,
    %add3A_3658 = arith.constant 32 : i32
    %add3A_3659 = vector.broadcast %add3A_3658 : i32 to vector<16xi32>
    %add3A_3660 = arith.addi %add3A_3659, %iota3A : vector<16xi32>
    tpu.vector_store_idx %arg7[%gather3A_3611, %add3A_3660], %get3A_3623 {add = true} : memref<128x80xf32, #tpu.memory_space<vmem>>[vector<16xi32>, vector<16xi32>], vector<16xf32>,
    %add3A_3661 = arith.constant 48 : i32
    %add3A_3662 = vector.broadcast %add3A_3661 : i32 to vector<16xi32>
    %add3A_3663 = arith.addi %add3A_3662, %iota3A : vector<16xi32>
    tpu.vector_store_idx %arg7[%gather3A_3611, %add3A_3663], %get3A_3627 {add = true} : memref<128x80xf32, #tpu.memory_space<vmem>>[vector<16xi32>, vector<16xi32>], vector<16xf32>,
    %add3A_3664 = arith.constant 64 : i32
    %add3A_3665 = vector.broadcast %add3A_3664 : i32 to vector<16xi32>
    %add3A_3666 = arith.addi %add3A_3665, %iota3A : vector<16xi32>
    tpu.vector_store_idx %arg7[%gather3A_3611, %add3A_3666], %select_n3A_3651 {add = true} : memref<128x80xf32, #tpu.memory_space<vmem>>[vector<16xi32>, vector<16xi32>], vector<16xf32>,
    %broadcast_in_dim3A_3667 = arith.constant 14 : i32
    %broadcast_in_dim3A_3668 = vector.broadcast %broadcast_in_dim3A_3667 : i32 to vector<16x1xi32>
    %gather3A_3669 = vector.shape_cast %broadcast_in_dim3A_3668 : vector<16x1xi32> to vector<16xi32>
    %gather3A_3670 = tpu.dynamic_gather %get3A_2840[%gather3A_3669] in [0] : vector<16xi32>, vector<16xi32> -> vector<16xi32>
    %get3A_3671 = arith.constant 62 : i32
    %get3A_3672 = arith.index_cast %get3A_3671 : i32 to index
    %get3A_3673 = arith.constant 0 : index
    %get3A_3674 = tpu.vector_load %arg5[%get3A_3672, %get3A_3673] {strides = array<i32>} : memref<64x64xf32, #tpu.memory_space<vmem>>, vector<16xf32>,
    %get3A_3675 = arith.constant 62 : i32
    %get3A_3676 = arith.index_cast %get3A_3675 : i32 to index
    %get3A_3677 = arith.constant 16 : index
    %get3A_3678 = tpu.vector_load %arg5[%get3A_3676, %get3A_3677] {strides = array<i32>} : memref<64x64xf32, #tpu.memory_space<vmem>>, vector<16xf32>,
    %get3A_3679 = arith.constant 62 : i32
    %get3A_3680 = arith.index_cast %get3A_3679 : i32 to index
    %get3A_3681 = arith.constant 32 : index
    %get3A_3682 = tpu.vector_load %arg5[%get3A_3680, %get3A_3681] {strides = array<i32>} : memref<64x64xf32, #tpu.memory_space<vmem>>, vector<16xf32>,
    %get3A_3683 = arith.constant 62 : i32
    %get3A_3684 = arith.index_cast %get3A_3683 : i32 to index
    %get3A_3685 = arith.constant 48 : index
    %get3A_3686 = tpu.vector_load %arg5[%get3A_3684, %get3A_3685] {strides = array<i32>} : memref<64x64xf32, #tpu.memory_space<vmem>>, vector<16xf32>,
    %mul3A_3687 = arith.mulf %get3A_3674, %get3A_3674 : vector<16xf32>
    %mul3A_3688 = arith.mulf %get3A_3678, %get3A_3678 : vector<16xf32>
    %add3A_3689 = arith.addf %mul3A_3687, %mul3A_3688 : vector<16xf32>
    %mul3A_3690 = arith.mulf %get3A_3682, %get3A_3682 : vector<16xf32>
    %add3A_3691 = arith.addf %add3A_3689, %mul3A_3690 : vector<16xf32>
    %mul3A_3692 = arith.mulf %get3A_3686, %get3A_3686 : vector<16xf32>
    %add3A_3693 = arith.addf %add3A_3691, %mul3A_3692 : vector<16xf32>
    %reduce_sum3A_3694 = arith.constant true
    %reduce_sum3A_3695 = vector.broadcast %reduce_sum3A_3694 : i1 to vector<16xi1>
    %reduce_sum3A_3696 = tpu.scan <sum>, %add3A_3693 masked %reduce_sum3A_3695 : vector<16xf32>, vector<16xi1> -> vector<16xf32>
    %reduce_sum3A_3697 = vector.extract %reduce_sum3A_3696[15] : f32 from vector<16xf32>
    %eq3A_3698 = arith.constant 0 : i32
    %eq3A_3699 = vector.broadcast %eq3A_3698 : i32 to vector<16xi32>
    %eq3A_3700 = arith.cmpi eq, %iota3A, %eq3A_3699 : vector<16xi32>
    %eq3A_3701 = arith.constant 1 : i32
    %eq3A_3702 = vector.broadcast %eq3A_3701 : i32 to vector<16xi32>
    %eq3A_3703 = arith.cmpi eq, %iota3A, %eq3A_3702 : vector<16xi32>
    %jit3A_3704 = arith.constant 1.000000e+00 : f32
    %jit3A_3705 = arith.constant 0.000000e+00 : f32
    %broadcast_in_dim3A_3706 = vector.broadcast %jit3A_3704 : f32 to vector<16xf32>
    %broadcast_in_dim3A_3707 = vector.broadcast %jit3A_3705 : f32 to vector<16xf32>
    %select_n3A_3708 = arith.select %eq3A_3703, %broadcast_in_dim3A_3706, %broadcast_in_dim3A_3707 : vector<16xi1>, vector<16xf32>
    %broadcast_in_dim3A_3709 = vector.broadcast %reduce_sum3A_3697 : f32 to vector<16xf32>
    %select_n3A_3710 = arith.select %eq3A_3700, %broadcast_in_dim3A_3709, %select_n3A_3708 : vector<16xi1>, vector<16xf32>
    %add3A_3711 = arith.constant 0 : i32
    %add3A_3712 = vector.broadcast %add3A_3711 : i32 to vector<16xi32>
    %add3A_3713 = arith.addi %add3A_3712, %iota3A : vector<16xi32>
    tpu.vector_store_idx %arg7[%gather3A_3670, %add3A_3713], %get3A_3674 {add = true} : memref<128x80xf32, #tpu.memory_space<vmem>>[vector<16xi32>, vector<16xi32>], vector<16xf32>,
    %add3A_3714 = arith.constant 16 : i32
    %add3A_3715 = vector.broadcast %add3A_3714 : i32 to vector<16xi32>
    %add3A_3716 = arith.addi %add3A_3715, %iota3A : vector<16xi32>
    tpu.vector_store_idx %arg7[%gather3A_3670, %add3A_3716], %get3A_3678 {add = true} : memref<128x80xf32, #tpu.memory_space<vmem>>[vector<16xi32>, vector<16xi32>], vector<16xf32>,
    %add3A_3717 = arith.constant 32 : i32
    %add3A_3718 = vector.broadcast %add3A_3717 : i32 to vector<16xi32>
    %add3A_3719 = arith.addi %add3A_3718, %iota3A : vector<16xi32>
    tpu.vector_store_idx %arg7[%gather3A_3670, %add3A_3719], %get3A_3682 {add = true} : memref<128x80xf32, #tpu.memory_space<vmem>>[vector<16xi32>, vector<16xi32>], vector<16xf32>,
    %add3A_3720 = arith.constant 48 : i32
    %add3A_3721 = vector.broadcast %add3A_3720 : i32 to vector<16xi32>
    %add3A_3722 = arith.addi %add3A_3721, %iota3A : vector<16xi32>
    tpu.vector_store_idx %arg7[%gather3A_3670, %add3A_3722], %get3A_3686 {add = true} : memref<128x80xf32, #tpu.memory_space<vmem>>[vector<16xi32>, vector<16xi32>], vector<16xf32>,
    %add3A_3723 = arith.constant 64 : i32
    %add3A_3724 = vector.broadcast %add3A_3723 : i32 to vector<16xi32>
    %add3A_3725 = arith.addi %add3A_3724, %iota3A : vector<16xi32>
    tpu.vector_store_idx %arg7[%gather3A_3670, %add3A_3725], %select_n3A_3710 {add = true} : memref<128x80xf32, #tpu.memory_space<vmem>>[vector<16xi32>, vector<16xi32>], vector<16xf32>,
    %broadcast_in_dim3A_3726 = arith.constant 15 : i32
    %broadcast_in_dim3A_3727 = vector.broadcast %broadcast_in_dim3A_3726 : i32 to vector<16x1xi32>
    %gather3A_3728 = vector.shape_cast %broadcast_in_dim3A_3727 : vector<16x1xi32> to vector<16xi32>
    %gather3A_3729 = tpu.dynamic_gather %get3A_2840[%gather3A_3728] in [0] : vector<16xi32>, vector<16xi32> -> vector<16xi32>
    %get3A_3730 = arith.constant 63 : i32
    %get3A_3731 = arith.index_cast %get3A_3730 : i32 to index
    %get3A_3732 = arith.constant 0 : index
    %get3A_3733 = tpu.vector_load %arg5[%get3A_3731, %get3A_3732] {strides = array<i32>} : memref<64x64xf32, #tpu.memory_space<vmem>>, vector<16xf32>,
    %get3A_3734 = arith.constant 63 : i32
    %get3A_3735 = arith.index_cast %get3A_3734 : i32 to index
    %get3A_3736 = arith.constant 16 : index
    %get3A_3737 = tpu.vector_load %arg5[%get3A_3735, %get3A_3736] {strides = array<i32>} : memref<64x64xf32, #tpu.memory_space<vmem>>, vector<16xf32>,
    %get3A_3738 = arith.constant 63 : i32
    %get3A_3739 = arith.index_cast %get3A_3738 : i32 to index
    %get3A_3740 = arith.constant 32 : index
    %get3A_3741 = tpu.vector_load %arg5[%get3A_3739, %get3A_3740] {strides = array<i32>} : memref<64x64xf32, #tpu.memory_space<vmem>>, vector<16xf32>,
    %get3A_3742 = arith.constant 63 : i32
    %get3A_3743 = arith.index_cast %get3A_3742 : i32 to index
    %get3A_3744 = arith.constant 48 : index
    %get3A_3745 = tpu.vector_load %arg5[%get3A_3743, %get3A_3744] {strides = array<i32>} : memref<64x64xf32, #tpu.memory_space<vmem>>, vector<16xf32>,
    %mul3A_3746 = arith.mulf %get3A_3733, %get3A_3733 : vector<16xf32>
    %mul3A_3747 = arith.mulf %get3A_3737, %get3A_3737 : vector<16xf32>
    %add3A_3748 = arith.addf %mul3A_3746, %mul3A_3747 : vector<16xf32>
    %mul3A_3749 = arith.mulf %get3A_3741, %get3A_3741 : vector<16xf32>
    %add3A_3750 = arith.addf %add3A_3748, %mul3A_3749 : vector<16xf32>
    %mul3A_3751 = arith.mulf %get3A_3745, %get3A_3745 : vector<16xf32>
    %add3A_3752 = arith.addf %add3A_3750, %mul3A_3751 : vector<16xf32>
    %reduce_sum3A_3753 = arith.constant true
    %reduce_sum3A_3754 = vector.broadcast %reduce_sum3A_3753 : i1 to vector<16xi1>
    %reduce_sum3A_3755 = tpu.scan <sum>, %add3A_3752 masked %reduce_sum3A_3754 : vector<16xf32>, vector<16xi1> -> vector<16xf32>
    %reduce_sum3A_3756 = vector.extract %reduce_sum3A_3755[15] : f32 from vector<16xf32>
    %eq3A_3757 = arith.constant 0 : i32
    %eq3A_3758 = vector.broadcast %eq3A_3757 : i32 to vector<16xi32>
    %eq3A_3759 = arith.cmpi eq, %iota3A, %eq3A_3758 : vector<16xi32>
    %eq3A_3760 = arith.constant 1 : i32
    %eq3A_3761 = vector.broadcast %eq3A_3760 : i32 to vector<16xi32>
    %eq3A_3762 = arith.cmpi eq, %iota3A, %eq3A_3761 : vector<16xi32>
    %jit3A_3763 = arith.constant 1.000000e+00 : f32
    %jit3A_3764 = arith.constant 0.000000e+00 : f32
    %broadcast_in_dim3A_3765 = vector.broadcast %jit3A_3763 : f32 to vector<16xf32>
    %broadcast_in_dim3A_3766 = vector.broadcast %jit3A_3764 : f32 to vector<16xf32>
    %select_n3A_3767 = arith.select %eq3A_3762, %broadcast_in_dim3A_3765, %broadcast_in_dim3A_3766 : vector<16xi1>, vector<16xf32>
    %broadcast_in_dim3A_3768 = vector.broadcast %reduce_sum3A_3756 : f32 to vector<16xf32>
    %select_n3A_3769 = arith.select %eq3A_3759, %broadcast_in_dim3A_3768, %select_n3A_3767 : vector<16xi1>, vector<16xf32>
    %add3A_3770 = arith.constant 0 : i32
    %add3A_3771 = vector.broadcast %add3A_3770 : i32 to vector<16xi32>
    %add3A_3772 = arith.addi %add3A_3771, %iota3A : vector<16xi32>
    tpu.vector_store_idx %arg7[%gather3A_3729, %add3A_3772], %get3A_3733 {add = true} : memref<128x80xf32, #tpu.memory_space<vmem>>[vector<16xi32>, vector<16xi32>], vector<16xf32>,
    %add3A_3773 = arith.constant 16 : i32
    %add3A_3774 = vector.broadcast %add3A_3773 : i32 to vector<16xi32>
    %add3A_3775 = arith.addi %add3A_3774, %iota3A : vector<16xi32>
    tpu.vector_store_idx %arg7[%gather3A_3729, %add3A_3775], %get3A_3737 {add = true} : memref<128x80xf32, #tpu.memory_space<vmem>>[vector<16xi32>, vector<16xi32>], vector<16xf32>,
    %add3A_3776 = arith.constant 32 : i32
    %add3A_3777 = vector.broadcast %add3A_3776 : i32 to vector<16xi32>
    %add3A_3778 = arith.addi %add3A_3777, %iota3A : vector<16xi32>
    tpu.vector_store_idx %arg7[%gather3A_3729, %add3A_3778], %get3A_3741 {add = true} : memref<128x80xf32, #tpu.memory_space<vmem>>[vector<16xi32>, vector<16xi32>], vector<16xf32>,
    %add3A_3779 = arith.constant 48 : i32
    %add3A_3780 = vector.broadcast %add3A_3779 : i32 to vector<16xi32>
    %add3A_3781 = arith.addi %add3A_3780, %iota3A : vector<16xi32>
    tpu.vector_store_idx %arg7[%gather3A_3729, %add3A_3781], %get3A_3745 {add = true} : memref<128x80xf32, #tpu.memory_space<vmem>>[vector<16xi32>, vector<16xi32>], vector<16xf32>,
    %add3A_3782 = arith.constant 64 : i32
    %add3A_3783 = vector.broadcast %add3A_3782 : i32 to vector<16xi32>
    %add3A_3784 = arith.addi %add3A_3783, %iota3A : vector<16xi32>
    tpu.vector_store_idx %arg7[%gather3A_3729, %add3A_3784], %select_n3A_3769 {add = true} : memref<128x80xf32, #tpu.memory_space<vmem>>[vector<16xi32>, vector<16xi32>], vector<16xf32>,
    %eq3A_3785 = arith.constant 0 : i32
    %eq3A_3786 = arith.cmpi eq, %arg1, %eq3A_3785 : i32
    %convert_element_type3A = arith.extui %eq3A_3786 : i1 to i32
    %cond3A = arith.constant 0 : i32
    %cond3A_3787 = arith.cmpi ne, %convert_element_type3A, %cond3A : i32
    scf.if %cond3A_3787 {
      %run_scoped3A = arith.constant 0 : i32
      "tpu.region"() ({
        %run_scoped3A_3863 = tpu.sem_alloc : memref<!tpu.dma_semaphore, #tpu.memory_space<semaphore_mem>>
        %dma_start3A = arith.constant 0 : i32
        %dma_start3A_3864 = arith.constant 0 : i32
        %dma_start3A_3865 = tpu.memref_slice %arg4[%run_scoped3A, %dma_start3A, %dma_start3A_3864] : memref<16x128x80xf32, #tpu.memory_space<hbm>> -> memref<1x128x80xf32, #tpu.memory_space<hbm>>
        %dma_start3A_3866 = tpu.memref_squeeze %dma_start3A_3865 : memref<1x128x80xf32, #tpu.memory_space<hbm>> -> memref<128x80xf32, #tpu.memory_space<hbm>>
        %dma_start3A_3867 = arith.constant 0 : i32
        %dma_start3A_3868 = arith.constant 0 : i32
        %dma_start3A_3869 = tpu.memref_slice %arg4[%run_scoped3A, %dma_start3A_3867, %dma_start3A_3868] : memref<16x128x80xf32, #tpu.memory_space<hbm>> -> memref<1x128x80xf32, #tpu.memory_space<hbm>>
        %dma_start3A_3870 = tpu.memref_squeeze %dma_start3A_3869 : memref<1x128x80xf32, #tpu.memory_space<hbm>> -> memref<128x80xf32, #tpu.memory_space<hbm>>
        tpu.enqueue_dma source(%arg7 : memref<128x80xf32, #tpu.memory_space<vmem>>) target(%dma_start3A_3870 : memref<128x80xf32, #tpu.memory_space<hbm>>) target_semaphore(%run_scoped3A_3863 : memref<!tpu.dma_semaphore, #tpu.memory_space<semaphore_mem>>)
        %dma_wait3A = arith.constant 0 : i32
        %dma_wait3A_3871 = arith.constant 0 : i32
        %dma_wait3A_3872 = tpu.memref_slice %arg4[%run_scoped3A, %dma_wait3A, %dma_wait3A_3871] : memref<16x128x80xf32, #tpu.memory_space<hbm>> -> memref<1x128x80xf32, #tpu.memory_space<hbm>>
        %dma_wait3A_3873 = tpu.memref_squeeze %dma_wait3A_3872 : memref<1x128x80xf32, #tpu.memory_space<hbm>> -> memref<128x80xf32, #tpu.memory_space<hbm>>
        %dma_wait3A_3874 = arith.constant 0 : i32
        %dma_wait3A_3875 = arith.constant 0 : i32
        %dma_wait3A_3876 = tpu.memref_slice %arg4[%run_scoped3A, %dma_wait3A_3874, %dma_wait3A_3875] : memref<16x128x80xf32, #tpu.memory_space<hbm>> -> memref<1x128x80xf32, #tpu.memory_space<hbm>>
        %dma_wait3A_3877 = tpu.memref_squeeze %dma_wait3A_3876 : memref<1x128x80xf32, #tpu.memory_space<hbm>> -> memref<128x80xf32, #tpu.memory_space<hbm>>
        tpu.wait_dma2 semaphore(%run_scoped3A_3863 : memref<!tpu.dma_semaphore, #tpu.memory_space<semaphore_mem>>) src(%arg7 : memref<128x80xf32, #tpu.memory_space<vmem>>) dst(%dma_wait3A_3877 : memref<128x80xf32, #tpu.memory_space<hbm>>)
        tpu.yield
      }) : () -> ()
    } else {
    }
    %eq3A_3788 = arith.constant 1 : i32
    %eq3A_3789 = arith.cmpi eq, %arg1, %eq3A_3788 : i32
    %convert_element_type3A_3790 = arith.extui %eq3A_3789 : i1 to i32
    %cond3A_3791 = arith.constant 0 : i32
    %cond3A_3792 = arith.cmpi ne, %convert_element_type3A_3790, %cond3A_3791 : i32
    scf.if %cond3A_3792 {
      %run_scoped3A = arith.constant 1 : i32
      "tpu.region"() ({
        %run_scoped3A_3863 = tpu.sem_alloc : memref<!tpu.dma_semaphore, #tpu.memory_space<semaphore_mem>>
        %dma_start3A = arith.constant 0 : i32
        %dma_start3A_3864 = arith.constant 0 : i32
        %dma_start3A_3865 = tpu.memref_slice %arg4[%run_scoped3A, %dma_start3A, %dma_start3A_3864] : memref<16x128x80xf32, #tpu.memory_space<hbm>> -> memref<1x128x80xf32, #tpu.memory_space<hbm>>
        %dma_start3A_3866 = tpu.memref_squeeze %dma_start3A_3865 : memref<1x128x80xf32, #tpu.memory_space<hbm>> -> memref<128x80xf32, #tpu.memory_space<hbm>>
        %dma_start3A_3867 = arith.constant 0 : i32
        %dma_start3A_3868 = arith.constant 0 : i32
        %dma_start3A_3869 = tpu.memref_slice %arg4[%run_scoped3A, %dma_start3A_3867, %dma_start3A_3868] : memref<16x128x80xf32, #tpu.memory_space<hbm>> -> memref<1x128x80xf32, #tpu.memory_space<hbm>>
        %dma_start3A_3870 = tpu.memref_squeeze %dma_start3A_3869 : memref<1x128x80xf32, #tpu.memory_space<hbm>> -> memref<128x80xf32, #tpu.memory_space<hbm>>
        tpu.enqueue_dma source(%arg7 : memref<128x80xf32, #tpu.memory_space<vmem>>) target(%dma_start3A_3870 : memref<128x80xf32, #tpu.memory_space<hbm>>) target_semaphore(%run_scoped3A_3863 : memref<!tpu.dma_semaphore, #tpu.memory_space<semaphore_mem>>)
        %dma_wait3A = arith.constant 0 : i32
        %dma_wait3A_3871 = arith.constant 0 : i32
        %dma_wait3A_3872 = tpu.memref_slice %arg4[%run_scoped3A, %dma_wait3A, %dma_wait3A_3871] : memref<16x128x80xf32, #tpu.memory_space<hbm>> -> memref<1x128x80xf32, #tpu.memory_space<hbm>>
        %dma_wait3A_3873 = tpu.memref_squeeze %dma_wait3A_3872 : memref<1x128x80xf32, #tpu.memory_space<hbm>> -> memref<128x80xf32, #tpu.memory_space<hbm>>
        %dma_wait3A_3874 = arith.constant 0 : i32
        %dma_wait3A_3875 = arith.constant 0 : i32
        %dma_wait3A_3876 = tpu.memref_slice %arg4[%run_scoped3A, %dma_wait3A_3874, %dma_wait3A_3875] : memref<16x128x80xf32, #tpu.memory_space<hbm>> -> memref<1x128x80xf32, #tpu.memory_space<hbm>>
        %dma_wait3A_3877 = tpu.memref_squeeze %dma_wait3A_3876 : memref<1x128x80xf32, #tpu.memory_space<hbm>> -> memref<128x80xf32, #tpu.memory_space<hbm>>
        tpu.wait_dma2 semaphore(%run_scoped3A_3863 : memref<!tpu.dma_semaphore, #tpu.memory_space<semaphore_mem>>) src(%arg7 : memref<128x80xf32, #tpu.memory_space<vmem>>) dst(%dma_wait3A_3877 : memref<128x80xf32, #tpu.memory_space<hbm>>)
        tpu.yield
      }) : () -> ()
    } else {
    }
    %eq3A_3793 = arith.constant 2 : i32
    %eq3A_3794 = arith.cmpi eq, %arg1, %eq3A_3793 : i32
    %convert_element_type3A_3795 = arith.extui %eq3A_3794 : i1 to i32
    %cond3A_3796 = arith.constant 0 : i32
    %cond3A_3797 = arith.cmpi ne, %convert_element_type3A_3795, %cond3A_3796 : i32
    scf.if %cond3A_3797 {
      %run_scoped3A = arith.constant 2 : i32
      "tpu.region"() ({
        %run_scoped3A_3863 = tpu.sem_alloc : memref<!tpu.dma_semaphore, #tpu.memory_space<semaphore_mem>>
        %dma_start3A = arith.constant 0 : i32
        %dma_start3A_3864 = arith.constant 0 : i32
        %dma_start3A_3865 = tpu.memref_slice %arg4[%run_scoped3A, %dma_start3A, %dma_start3A_3864] : memref<16x128x80xf32, #tpu.memory_space<hbm>> -> memref<1x128x80xf32, #tpu.memory_space<hbm>>
        %dma_start3A_3866 = tpu.memref_squeeze %dma_start3A_3865 : memref<1x128x80xf32, #tpu.memory_space<hbm>> -> memref<128x80xf32, #tpu.memory_space<hbm>>
        %dma_start3A_3867 = arith.constant 0 : i32
        %dma_start3A_3868 = arith.constant 0 : i32
        %dma_start3A_3869 = tpu.memref_slice %arg4[%run_scoped3A, %dma_start3A_3867, %dma_start3A_3868] : memref<16x128x80xf32, #tpu.memory_space<hbm>> -> memref<1x128x80xf32, #tpu.memory_space<hbm>>
        %dma_start3A_3870 = tpu.memref_squeeze %dma_start3A_3869 : memref<1x128x80xf32, #tpu.memory_space<hbm>> -> memref<128x80xf32, #tpu.memory_space<hbm>>
        tpu.enqueue_dma source(%arg7 : memref<128x80xf32, #tpu.memory_space<vmem>>) target(%dma_start3A_3870 : memref<128x80xf32, #tpu.memory_space<hbm>>) target_semaphore(%run_scoped3A_3863 : memref<!tpu.dma_semaphore, #tpu.memory_space<semaphore_mem>>)
        %dma_wait3A = arith.constant 0 : i32
        %dma_wait3A_3871 = arith.constant 0 : i32
        %dma_wait3A_3872 = tpu.memref_slice %arg4[%run_scoped3A, %dma_wait3A, %dma_wait3A_3871] : memref<16x128x80xf32, #tpu.memory_space<hbm>> -> memref<1x128x80xf32, #tpu.memory_space<hbm>>
        %dma_wait3A_3873 = tpu.memref_squeeze %dma_wait3A_3872 : memref<1x128x80xf32, #tpu.memory_space<hbm>> -> memref<128x80xf32, #tpu.memory_space<hbm>>
        %dma_wait3A_3874 = arith.constant 0 : i32
        %dma_wait3A_3875 = arith.constant 0 : i32
        %dma_wait3A_3876 = tpu.memref_slice %arg4[%run_scoped3A, %dma_wait3A_3874, %dma_wait3A_3875] : memref<16x128x80xf32, #tpu.memory_space<hbm>> -> memref<1x128x80xf32, #tpu.memory_space<hbm>>
        %dma_wait3A_3877 = tpu.memref_squeeze %dma_wait3A_3876 : memref<1x128x80xf32, #tpu.memory_space<hbm>> -> memref<128x80xf32, #tpu.memory_space<hbm>>
        tpu.wait_dma2 semaphore(%run_scoped3A_3863 : memref<!tpu.dma_semaphore, #tpu.memory_space<semaphore_mem>>) src(%arg7 : memref<128x80xf32, #tpu.memory_space<vmem>>) dst(%dma_wait3A_3877 : memref<128x80xf32, #tpu.memory_space<hbm>>)
        tpu.yield
      }) : () -> ()
    } else {
    }
    %eq3A_3798 = arith.constant 3 : i32
    %eq3A_3799 = arith.cmpi eq, %arg1, %eq3A_3798 : i32
    %convert_element_type3A_3800 = arith.extui %eq3A_3799 : i1 to i32
    %cond3A_3801 = arith.constant 0 : i32
    %cond3A_3802 = arith.cmpi ne, %convert_element_type3A_3800, %cond3A_3801 : i32
    scf.if %cond3A_3802 {
      %run_scoped3A = arith.constant 3 : i32
      "tpu.region"() ({
        %run_scoped3A_3863 = tpu.sem_alloc : memref<!tpu.dma_semaphore, #tpu.memory_space<semaphore_mem>>
        %dma_start3A = arith.constant 0 : i32
        %dma_start3A_3864 = arith.constant 0 : i32
        %dma_start3A_3865 = tpu.memref_slice %arg4[%run_scoped3A, %dma_start3A, %dma_start3A_3864] : memref<16x128x80xf32, #tpu.memory_space<hbm>> -> memref<1x128x80xf32, #tpu.memory_space<hbm>>
        %dma_start3A_3866 = tpu.memref_squeeze %dma_start3A_3865 : memref<1x128x80xf32, #tpu.memory_space<hbm>> -> memref<128x80xf32, #tpu.memory_space<hbm>>
        %dma_start3A_3867 = arith.constant 0 : i32
        %dma_start3A_3868 = arith.constant 0 : i32
        %dma_start3A_3869 = tpu.memref_slice %arg4[%run_scoped3A, %dma_start3A_3867, %dma_start3A_3868] : memref<16x128x80xf32, #tpu.memory_space<hbm>> -> memref<1x128x80xf32, #tpu.memory_space<hbm>>
        %dma_start3A_3870 = tpu.memref_squeeze %dma_start3A_3869 : memref<1x128x80xf32, #tpu.memory_space<hbm>> -> memref<128x80xf32, #tpu.memory_space<hbm>>
        tpu.enqueue_dma source(%arg7 : memref<128x80xf32, #tpu.memory_space<vmem>>) target(%dma_start3A_3870 : memref<128x80xf32, #tpu.memory_space<hbm>>) target_semaphore(%run_scoped3A_3863 : memref<!tpu.dma_semaphore, #tpu.memory_space<semaphore_mem>>)
        %dma_wait3A = arith.constant 0 : i32
        %dma_wait3A_3871 = arith.constant 0 : i32
        %dma_wait3A_3872 = tpu.memref_slice %arg4[%run_scoped3A, %dma_wait3A, %dma_wait3A_3871] : memref<16x128x80xf32, #tpu.memory_space<hbm>> -> memref<1x128x80xf32, #tpu.memory_space<hbm>>
        %dma_wait3A_3873 = tpu.memref_squeeze %dma_wait3A_3872 : memref<1x128x80xf32, #tpu.memory_space<hbm>> -> memref<128x80xf32, #tpu.memory_space<hbm>>
        %dma_wait3A_3874 = arith.constant 0 : i32
        %dma_wait3A_3875 = arith.constant 0 : i32
        %dma_wait3A_3876 = tpu.memref_slice %arg4[%run_scoped3A, %dma_wait3A_3874, %dma_wait3A_3875] : memref<16x128x80xf32, #tpu.memory_space<hbm>> -> memref<1x128x80xf32, #tpu.memory_space<hbm>>
        %dma_wait3A_3877 = tpu.memref_squeeze %dma_wait3A_3876 : memref<1x128x80xf32, #tpu.memory_space<hbm>> -> memref<128x80xf32, #tpu.memory_space<hbm>>
        tpu.wait_dma2 semaphore(%run_scoped3A_3863 : memref<!tpu.dma_semaphore, #tpu.memory_space<semaphore_mem>>) src(%arg7 : memref<128x80xf32, #tpu.memory_space<vmem>>) dst(%dma_wait3A_3877 : memref<128x80xf32, #tpu.memory_space<hbm>>)
        tpu.yield
      }) : () -> ()
    } else {
    }
    %eq3A_3803 = arith.constant 4 : i32
    %eq3A_3804 = arith.cmpi eq, %arg1, %eq3A_3803 : i32
    %convert_element_type3A_3805 = arith.extui %eq3A_3804 : i1 to i32
    %cond3A_3806 = arith.constant 0 : i32
    %cond3A_3807 = arith.cmpi ne, %convert_element_type3A_3805, %cond3A_3806 : i32
    scf.if %cond3A_3807 {
      %run_scoped3A = arith.constant 4 : i32
      "tpu.region"() ({
        %run_scoped3A_3863 = tpu.sem_alloc : memref<!tpu.dma_semaphore, #tpu.memory_space<semaphore_mem>>
        %dma_start3A = arith.constant 0 : i32
        %dma_start3A_3864 = arith.constant 0 : i32
        %dma_start3A_3865 = tpu.memref_slice %arg4[%run_scoped3A, %dma_start3A, %dma_start3A_3864] : memref<16x128x80xf32, #tpu.memory_space<hbm>> -> memref<1x128x80xf32, #tpu.memory_space<hbm>>
        %dma_start3A_3866 = tpu.memref_squeeze %dma_start3A_3865 : memref<1x128x80xf32, #tpu.memory_space<hbm>> -> memref<128x80xf32, #tpu.memory_space<hbm>>
        %dma_start3A_3867 = arith.constant 0 : i32
        %dma_start3A_3868 = arith.constant 0 : i32
        %dma_start3A_3869 = tpu.memref_slice %arg4[%run_scoped3A, %dma_start3A_3867, %dma_start3A_3868] : memref<16x128x80xf32, #tpu.memory_space<hbm>> -> memref<1x128x80xf32, #tpu.memory_space<hbm>>
        %dma_start3A_3870 = tpu.memref_squeeze %dma_start3A_3869 : memref<1x128x80xf32, #tpu.memory_space<hbm>> -> memref<128x80xf32, #tpu.memory_space<hbm>>
        tpu.enqueue_dma source(%arg7 : memref<128x80xf32, #tpu.memory_space<vmem>>) target(%dma_start3A_3870 : memref<128x80xf32, #tpu.memory_space<hbm>>) target_semaphore(%run_scoped3A_3863 : memref<!tpu.dma_semaphore, #tpu.memory_space<semaphore_mem>>)
        %dma_wait3A = arith.constant 0 : i32
        %dma_wait3A_3871 = arith.constant 0 : i32
        %dma_wait3A_3872 = tpu.memref_slice %arg4[%run_scoped3A, %dma_wait3A, %dma_wait3A_3871] : memref<16x128x80xf32, #tpu.memory_space<hbm>> -> memref<1x128x80xf32, #tpu.memory_space<hbm>>
        %dma_wait3A_3873 = tpu.memref_squeeze %dma_wait3A_3872 : memref<1x128x80xf32, #tpu.memory_space<hbm>> -> memref<128x80xf32, #tpu.memory_space<hbm>>
        %dma_wait3A_3874 = arith.constant 0 : i32
        %dma_wait3A_3875 = arith.constant 0 : i32
        %dma_wait3A_3876 = tpu.memref_slice %arg4[%run_scoped3A, %dma_wait3A_3874, %dma_wait3A_3875] : memref<16x128x80xf32, #tpu.memory_space<hbm>> -> memref<1x128x80xf32, #tpu.memory_space<hbm>>
        %dma_wait3A_3877 = tpu.memref_squeeze %dma_wait3A_3876 : memref<1x128x80xf32, #tpu.memory_space<hbm>> -> memref<128x80xf32, #tpu.memory_space<hbm>>
        tpu.wait_dma2 semaphore(%run_scoped3A_3863 : memref<!tpu.dma_semaphore, #tpu.memory_space<semaphore_mem>>) src(%arg7 : memref<128x80xf32, #tpu.memory_space<vmem>>) dst(%dma_wait3A_3877 : memref<128x80xf32, #tpu.memory_space<hbm>>)
        tpu.yield
      }) : () -> ()
    } else {
    }
    %eq3A_3808 = arith.constant 5 : i32
    %eq3A_3809 = arith.cmpi eq, %arg1, %eq3A_3808 : i32
    %convert_element_type3A_3810 = arith.extui %eq3A_3809 : i1 to i32
    %cond3A_3811 = arith.constant 0 : i32
    %cond3A_3812 = arith.cmpi ne, %convert_element_type3A_3810, %cond3A_3811 : i32
    scf.if %cond3A_3812 {
      %run_scoped3A = arith.constant 5 : i32
      "tpu.region"() ({
        %run_scoped3A_3863 = tpu.sem_alloc : memref<!tpu.dma_semaphore, #tpu.memory_space<semaphore_mem>>
        %dma_start3A = arith.constant 0 : i32
        %dma_start3A_3864 = arith.constant 0 : i32
        %dma_start3A_3865 = tpu.memref_slice %arg4[%run_scoped3A, %dma_start3A, %dma_start3A_3864] : memref<16x128x80xf32, #tpu.memory_space<hbm>> -> memref<1x128x80xf32, #tpu.memory_space<hbm>>
        %dma_start3A_3866 = tpu.memref_squeeze %dma_start3A_3865 : memref<1x128x80xf32, #tpu.memory_space<hbm>> -> memref<128x80xf32, #tpu.memory_space<hbm>>
        %dma_start3A_3867 = arith.constant 0 : i32
        %dma_start3A_3868 = arith.constant 0 : i32
        %dma_start3A_3869 = tpu.memref_slice %arg4[%run_scoped3A, %dma_start3A_3867, %dma_start3A_3868] : memref<16x128x80xf32, #tpu.memory_space<hbm>> -> memref<1x128x80xf32, #tpu.memory_space<hbm>>
        %dma_start3A_3870 = tpu.memref_squeeze %dma_start3A_3869 : memref<1x128x80xf32, #tpu.memory_space<hbm>> -> memref<128x80xf32, #tpu.memory_space<hbm>>
        tpu.enqueue_dma source(%arg7 : memref<128x80xf32, #tpu.memory_space<vmem>>) target(%dma_start3A_3870 : memref<128x80xf32, #tpu.memory_space<hbm>>) target_semaphore(%run_scoped3A_3863 : memref<!tpu.dma_semaphore, #tpu.memory_space<semaphore_mem>>)
        %dma_wait3A = arith.constant 0 : i32
        %dma_wait3A_3871 = arith.constant 0 : i32
        %dma_wait3A_3872 = tpu.memref_slice %arg4[%run_scoped3A, %dma_wait3A, %dma_wait3A_3871] : memref<16x128x80xf32, #tpu.memory_space<hbm>> -> memref<1x128x80xf32, #tpu.memory_space<hbm>>
        %dma_wait3A_3873 = tpu.memref_squeeze %dma_wait3A_3872 : memref<1x128x80xf32, #tpu.memory_space<hbm>> -> memref<128x80xf32, #tpu.memory_space<hbm>>
        %dma_wait3A_3874 = arith.constant 0 : i32
        %dma_wait3A_3875 = arith.constant 0 : i32
        %dma_wait3A_3876 = tpu.memref_slice %arg4[%run_scoped3A, %dma_wait3A_3874, %dma_wait3A_3875] : memref<16x128x80xf32, #tpu.memory_space<hbm>> -> memref<1x128x80xf32, #tpu.memory_space<hbm>>
        %dma_wait3A_3877 = tpu.memref_squeeze %dma_wait3A_3876 : memref<1x128x80xf32, #tpu.memory_space<hbm>> -> memref<128x80xf32, #tpu.memory_space<hbm>>
        tpu.wait_dma2 semaphore(%run_scoped3A_3863 : memref<!tpu.dma_semaphore, #tpu.memory_space<semaphore_mem>>) src(%arg7 : memref<128x80xf32, #tpu.memory_space<vmem>>) dst(%dma_wait3A_3877 : memref<128x80xf32, #tpu.memory_space<hbm>>)
        tpu.yield
      }) : () -> ()
    } else {
    }
    %eq3A_3813 = arith.constant 6 : i32
    %eq3A_3814 = arith.cmpi eq, %arg1, %eq3A_3813 : i32
    %convert_element_type3A_3815 = arith.extui %eq3A_3814 : i1 to i32
    %cond3A_3816 = arith.constant 0 : i32
    %cond3A_3817 = arith.cmpi ne, %convert_element_type3A_3815, %cond3A_3816 : i32
    scf.if %cond3A_3817 {
      %run_scoped3A = arith.constant 6 : i32
      "tpu.region"() ({
        %run_scoped3A_3863 = tpu.sem_alloc : memref<!tpu.dma_semaphore, #tpu.memory_space<semaphore_mem>>
        %dma_start3A = arith.constant 0 : i32
        %dma_start3A_3864 = arith.constant 0 : i32
        %dma_start3A_3865 = tpu.memref_slice %arg4[%run_scoped3A, %dma_start3A, %dma_start3A_3864] : memref<16x128x80xf32, #tpu.memory_space<hbm>> -> memref<1x128x80xf32, #tpu.memory_space<hbm>>
        %dma_start3A_3866 = tpu.memref_squeeze %dma_start3A_3865 : memref<1x128x80xf32, #tpu.memory_space<hbm>> -> memref<128x80xf32, #tpu.memory_space<hbm>>
        %dma_start3A_3867 = arith.constant 0 : i32
        %dma_start3A_3868 = arith.constant 0 : i32
        %dma_start3A_3869 = tpu.memref_slice %arg4[%run_scoped3A, %dma_start3A_3867, %dma_start3A_3868] : memref<16x128x80xf32, #tpu.memory_space<hbm>> -> memref<1x128x80xf32, #tpu.memory_space<hbm>>
        %dma_start3A_3870 = tpu.memref_squeeze %dma_start3A_3869 : memref<1x128x80xf32, #tpu.memory_space<hbm>> -> memref<128x80xf32, #tpu.memory_space<hbm>>
        tpu.enqueue_dma source(%arg7 : memref<128x80xf32, #tpu.memory_space<vmem>>) target(%dma_start3A_3870 : memref<128x80xf32, #tpu.memory_space<hbm>>) target_semaphore(%run_scoped3A_3863 : memref<!tpu.dma_semaphore, #tpu.memory_space<semaphore_mem>>)
        %dma_wait3A = arith.constant 0 : i32
        %dma_wait3A_3871 = arith.constant 0 : i32
        %dma_wait3A_3872 = tpu.memref_slice %arg4[%run_scoped3A, %dma_wait3A, %dma_wait3A_3871] : memref<16x128x80xf32, #tpu.memory_space<hbm>> -> memref<1x128x80xf32, #tpu.memory_space<hbm>>
        %dma_wait3A_3873 = tpu.memref_squeeze %dma_wait3A_3872 : memref<1x128x80xf32, #tpu.memory_space<hbm>> -> memref<128x80xf32, #tpu.memory_space<hbm>>
        %dma_wait3A_3874 = arith.constant 0 : i32
        %dma_wait3A_3875 = arith.constant 0 : i32
        %dma_wait3A_3876 = tpu.memref_slice %arg4[%run_scoped3A, %dma_wait3A_3874, %dma_wait3A_3875] : memref<16x128x80xf32, #tpu.memory_space<hbm>> -> memref<1x128x80xf32, #tpu.memory_space<hbm>>
        %dma_wait3A_3877 = tpu.memref_squeeze %dma_wait3A_3876 : memref<1x128x80xf32, #tpu.memory_space<hbm>> -> memref<128x80xf32, #tpu.memory_space<hbm>>
        tpu.wait_dma2 semaphore(%run_scoped3A_3863 : memref<!tpu.dma_semaphore, #tpu.memory_space<semaphore_mem>>) src(%arg7 : memref<128x80xf32, #tpu.memory_space<vmem>>) dst(%dma_wait3A_3877 : memref<128x80xf32, #tpu.memory_space<hbm>>)
        tpu.yield
      }) : () -> ()
    } else {
    }
    %eq3A_3818 = arith.constant 7 : i32
    %eq3A_3819 = arith.cmpi eq, %arg1, %eq3A_3818 : i32
    %convert_element_type3A_3820 = arith.extui %eq3A_3819 : i1 to i32
    %cond3A_3821 = arith.constant 0 : i32
    %cond3A_3822 = arith.cmpi ne, %convert_element_type3A_3820, %cond3A_3821 : i32
    scf.if %cond3A_3822 {
      %run_scoped3A = arith.constant 7 : i32
      "tpu.region"() ({
        %run_scoped3A_3863 = tpu.sem_alloc : memref<!tpu.dma_semaphore, #tpu.memory_space<semaphore_mem>>
        %dma_start3A = arith.constant 0 : i32
        %dma_start3A_3864 = arith.constant 0 : i32
        %dma_start3A_3865 = tpu.memref_slice %arg4[%run_scoped3A, %dma_start3A, %dma_start3A_3864] : memref<16x128x80xf32, #tpu.memory_space<hbm>> -> memref<1x128x80xf32, #tpu.memory_space<hbm>>
        %dma_start3A_3866 = tpu.memref_squeeze %dma_start3A_3865 : memref<1x128x80xf32, #tpu.memory_space<hbm>> -> memref<128x80xf32, #tpu.memory_space<hbm>>
        %dma_start3A_3867 = arith.constant 0 : i32
        %dma_start3A_3868 = arith.constant 0 : i32
        %dma_start3A_3869 = tpu.memref_slice %arg4[%run_scoped3A, %dma_start3A_3867, %dma_start3A_3868] : memref<16x128x80xf32, #tpu.memory_space<hbm>> -> memref<1x128x80xf32, #tpu.memory_space<hbm>>
        %dma_start3A_3870 = tpu.memref_squeeze %dma_start3A_3869 : memref<1x128x80xf32, #tpu.memory_space<hbm>> -> memref<128x80xf32, #tpu.memory_space<hbm>>
        tpu.enqueue_dma source(%arg7 : memref<128x80xf32, #tpu.memory_space<vmem>>) target(%dma_start3A_3870 : memref<128x80xf32, #tpu.memory_space<hbm>>) target_semaphore(%run_scoped3A_3863 : memref<!tpu.dma_semaphore, #tpu.memory_space<semaphore_mem>>)
        %dma_wait3A = arith.constant 0 : i32
        %dma_wait3A_3871 = arith.constant 0 : i32
        %dma_wait3A_3872 = tpu.memref_slice %arg4[%run_scoped3A, %dma_wait3A, %dma_wait3A_3871] : memref<16x128x80xf32, #tpu.memory_space<hbm>> -> memref<1x128x80xf32, #tpu.memory_space<hbm>>
        %dma_wait3A_3873 = tpu.memref_squeeze %dma_wait3A_3872 : memref<1x128x80xf32, #tpu.memory_space<hbm>> -> memref<128x80xf32, #tpu.memory_space<hbm>>
        %dma_wait3A_3874 = arith.constant 0 : i32
        %dma_wait3A_3875 = arith.constant 0 : i32
        %dma_wait3A_3876 = tpu.memref_slice %arg4[%run_scoped3A, %dma_wait3A_3874, %dma_wait3A_3875] : memref<16x128x80xf32, #tpu.memory_space<hbm>> -> memref<1x128x80xf32, #tpu.memory_space<hbm>>
        %dma_wait3A_3877 = tpu.memref_squeeze %dma_wait3A_3876 : memref<1x128x80xf32, #tpu.memory_space<hbm>> -> memref<128x80xf32, #tpu.memory_space<hbm>>
        tpu.wait_dma2 semaphore(%run_scoped3A_3863 : memref<!tpu.dma_semaphore, #tpu.memory_space<semaphore_mem>>) src(%arg7 : memref<128x80xf32, #tpu.memory_space<vmem>>) dst(%dma_wait3A_3877 : memref<128x80xf32, #tpu.memory_space<hbm>>)
        tpu.yield
      }) : () -> ()
    } else {
    }
    %eq3A_3823 = arith.constant 8 : i32
    %eq3A_3824 = arith.cmpi eq, %arg1, %eq3A_3823 : i32
    %convert_element_type3A_3825 = arith.extui %eq3A_3824 : i1 to i32
    %cond3A_3826 = arith.constant 0 : i32
    %cond3A_3827 = arith.cmpi ne, %convert_element_type3A_3825, %cond3A_3826 : i32
    scf.if %cond3A_3827 {
      %run_scoped3A = arith.constant 8 : i32
      "tpu.region"() ({
        %run_scoped3A_3863 = tpu.sem_alloc : memref<!tpu.dma_semaphore, #tpu.memory_space<semaphore_mem>>
        %dma_start3A = arith.constant 0 : i32
        %dma_start3A_3864 = arith.constant 0 : i32
        %dma_start3A_3865 = tpu.memref_slice %arg4[%run_scoped3A, %dma_start3A, %dma_start3A_3864] : memref<16x128x80xf32, #tpu.memory_space<hbm>> -> memref<1x128x80xf32, #tpu.memory_space<hbm>>
        %dma_start3A_3866 = tpu.memref_squeeze %dma_start3A_3865 : memref<1x128x80xf32, #tpu.memory_space<hbm>> -> memref<128x80xf32, #tpu.memory_space<hbm>>
        %dma_start3A_3867 = arith.constant 0 : i32
        %dma_start3A_3868 = arith.constant 0 : i32
        %dma_start3A_3869 = tpu.memref_slice %arg4[%run_scoped3A, %dma_start3A_3867, %dma_start3A_3868] : memref<16x128x80xf32, #tpu.memory_space<hbm>> -> memref<1x128x80xf32, #tpu.memory_space<hbm>>
        %dma_start3A_3870 = tpu.memref_squeeze %dma_start3A_3869 : memref<1x128x80xf32, #tpu.memory_space<hbm>> -> memref<128x80xf32, #tpu.memory_space<hbm>>
        tpu.enqueue_dma source(%arg7 : memref<128x80xf32, #tpu.memory_space<vmem>>) target(%dma_start3A_3870 : memref<128x80xf32, #tpu.memory_space<hbm>>) target_semaphore(%run_scoped3A_3863 : memref<!tpu.dma_semaphore, #tpu.memory_space<semaphore_mem>>)
        %dma_wait3A = arith.constant 0 : i32
        %dma_wait3A_3871 = arith.constant 0 : i32
        %dma_wait3A_3872 = tpu.memref_slice %arg4[%run_scoped3A, %dma_wait3A, %dma_wait3A_3871] : memref<16x128x80xf32, #tpu.memory_space<hbm>> -> memref<1x128x80xf32, #tpu.memory_space<hbm>>
        %dma_wait3A_3873 = tpu.memref_squeeze %dma_wait3A_3872 : memref<1x128x80xf32, #tpu.memory_space<hbm>> -> memref<128x80xf32, #tpu.memory_space<hbm>>
        %dma_wait3A_3874 = arith.constant 0 : i32
        %dma_wait3A_3875 = arith.constant 0 : i32
        %dma_wait3A_3876 = tpu.memref_slice %arg4[%run_scoped3A, %dma_wait3A_3874, %dma_wait3A_3875] : memref<16x128x80xf32, #tpu.memory_space<hbm>> -> memref<1x128x80xf32, #tpu.memory_space<hbm>>
        %dma_wait3A_3877 = tpu.memref_squeeze %dma_wait3A_3876 : memref<1x128x80xf32, #tpu.memory_space<hbm>> -> memref<128x80xf32, #tpu.memory_space<hbm>>
        tpu.wait_dma2 semaphore(%run_scoped3A_3863 : memref<!tpu.dma_semaphore, #tpu.memory_space<semaphore_mem>>) src(%arg7 : memref<128x80xf32, #tpu.memory_space<vmem>>) dst(%dma_wait3A_3877 : memref<128x80xf32, #tpu.memory_space<hbm>>)
        tpu.yield
      }) : () -> ()
    } else {
    }
    %eq3A_3828 = arith.constant 9 : i32
    %eq3A_3829 = arith.cmpi eq, %arg1, %eq3A_3828 : i32
    %convert_element_type3A_3830 = arith.extui %eq3A_3829 : i1 to i32
    %cond3A_3831 = arith.constant 0 : i32
    %cond3A_3832 = arith.cmpi ne, %convert_element_type3A_3830, %cond3A_3831 : i32
    scf.if %cond3A_3832 {
      %run_scoped3A = arith.constant 9 : i32
      "tpu.region"() ({
        %run_scoped3A_3863 = tpu.sem_alloc : memref<!tpu.dma_semaphore, #tpu.memory_space<semaphore_mem>>
        %dma_start3A = arith.constant 0 : i32
        %dma_start3A_3864 = arith.constant 0 : i32
        %dma_start3A_3865 = tpu.memref_slice %arg4[%run_scoped3A, %dma_start3A, %dma_start3A_3864] : memref<16x128x80xf32, #tpu.memory_space<hbm>> -> memref<1x128x80xf32, #tpu.memory_space<hbm>>
        %dma_start3A_3866 = tpu.memref_squeeze %dma_start3A_3865 : memref<1x128x80xf32, #tpu.memory_space<hbm>> -> memref<128x80xf32, #tpu.memory_space<hbm>>
        %dma_start3A_3867 = arith.constant 0 : i32
        %dma_start3A_3868 = arith.constant 0 : i32
        %dma_start3A_3869 = tpu.memref_slice %arg4[%run_scoped3A, %dma_start3A_3867, %dma_start3A_3868] : memref<16x128x80xf32, #tpu.memory_space<hbm>> -> memref<1x128x80xf32, #tpu.memory_space<hbm>>
        %dma_start3A_3870 = tpu.memref_squeeze %dma_start3A_3869 : memref<1x128x80xf32, #tpu.memory_space<hbm>> -> memref<128x80xf32, #tpu.memory_space<hbm>>
        tpu.enqueue_dma source(%arg7 : memref<128x80xf32, #tpu.memory_space<vmem>>) target(%dma_start3A_3870 : memref<128x80xf32, #tpu.memory_space<hbm>>) target_semaphore(%run_scoped3A_3863 : memref<!tpu.dma_semaphore, #tpu.memory_space<semaphore_mem>>)
        %dma_wait3A = arith.constant 0 : i32
        %dma_wait3A_3871 = arith.constant 0 : i32
        %dma_wait3A_3872 = tpu.memref_slice %arg4[%run_scoped3A, %dma_wait3A, %dma_wait3A_3871] : memref<16x128x80xf32, #tpu.memory_space<hbm>> -> memref<1x128x80xf32, #tpu.memory_space<hbm>>
        %dma_wait3A_3873 = tpu.memref_squeeze %dma_wait3A_3872 : memref<1x128x80xf32, #tpu.memory_space<hbm>> -> memref<128x80xf32, #tpu.memory_space<hbm>>
        %dma_wait3A_3874 = arith.constant 0 : i32
        %dma_wait3A_3875 = arith.constant 0 : i32
        %dma_wait3A_3876 = tpu.memref_slice %arg4[%run_scoped3A, %dma_wait3A_3874, %dma_wait3A_3875] : memref<16x128x80xf32, #tpu.memory_space<hbm>> -> memref<1x128x80xf32, #tpu.memory_space<hbm>>
        %dma_wait3A_3877 = tpu.memref_squeeze %dma_wait3A_3876 : memref<1x128x80xf32, #tpu.memory_space<hbm>> -> memref<128x80xf32, #tpu.memory_space<hbm>>
        tpu.wait_dma2 semaphore(%run_scoped3A_3863 : memref<!tpu.dma_semaphore, #tpu.memory_space<semaphore_mem>>) src(%arg7 : memref<128x80xf32, #tpu.memory_space<vmem>>) dst(%dma_wait3A_3877 : memref<128x80xf32, #tpu.memory_space<hbm>>)
        tpu.yield
      }) : () -> ()
    } else {
    }
    %eq3A_3833 = arith.constant 10 : i32
    %eq3A_3834 = arith.cmpi eq, %arg1, %eq3A_3833 : i32
    %convert_element_type3A_3835 = arith.extui %eq3A_3834 : i1 to i32
    %cond3A_3836 = arith.constant 0 : i32
    %cond3A_3837 = arith.cmpi ne, %convert_element_type3A_3835, %cond3A_3836 : i32
    scf.if %cond3A_3837 {
      %run_scoped3A = arith.constant 10 : i32
      "tpu.region"() ({
        %run_scoped3A_3863 = tpu.sem_alloc : memref<!tpu.dma_semaphore, #tpu.memory_space<semaphore_mem>>
        %dma_start3A = arith.constant 0 : i32
        %dma_start3A_3864 = arith.constant 0 : i32
        %dma_start3A_3865 = tpu.memref_slice %arg4[%run_scoped3A, %dma_start3A, %dma_start3A_3864] : memref<16x128x80xf32, #tpu.memory_space<hbm>> -> memref<1x128x80xf32, #tpu.memory_space<hbm>>
        %dma_start3A_3866 = tpu.memref_squeeze %dma_start3A_3865 : memref<1x128x80xf32, #tpu.memory_space<hbm>> -> memref<128x80xf32, #tpu.memory_space<hbm>>
        %dma_start3A_3867 = arith.constant 0 : i32
        %dma_start3A_3868 = arith.constant 0 : i32
        %dma_start3A_3869 = tpu.memref_slice %arg4[%run_scoped3A, %dma_start3A_3867, %dma_start3A_3868] : memref<16x128x80xf32, #tpu.memory_space<hbm>> -> memref<1x128x80xf32, #tpu.memory_space<hbm>>
        %dma_start3A_3870 = tpu.memref_squeeze %dma_start3A_3869 : memref<1x128x80xf32, #tpu.memory_space<hbm>> -> memref<128x80xf32, #tpu.memory_space<hbm>>
        tpu.enqueue_dma source(%arg7 : memref<128x80xf32, #tpu.memory_space<vmem>>) target(%dma_start3A_3870 : memref<128x80xf32, #tpu.memory_space<hbm>>) target_semaphore(%run_scoped3A_3863 : memref<!tpu.dma_semaphore, #tpu.memory_space<semaphore_mem>>)
        %dma_wait3A = arith.constant 0 : i32
        %dma_wait3A_3871 = arith.constant 0 : i32
        %dma_wait3A_3872 = tpu.memref_slice %arg4[%run_scoped3A, %dma_wait3A, %dma_wait3A_3871] : memref<16x128x80xf32, #tpu.memory_space<hbm>> -> memref<1x128x80xf32, #tpu.memory_space<hbm>>
        %dma_wait3A_3873 = tpu.memref_squeeze %dma_wait3A_3872 : memref<1x128x80xf32, #tpu.memory_space<hbm>> -> memref<128x80xf32, #tpu.memory_space<hbm>>
        %dma_wait3A_3874 = arith.constant 0 : i32
        %dma_wait3A_3875 = arith.constant 0 : i32
        %dma_wait3A_3876 = tpu.memref_slice %arg4[%run_scoped3A, %dma_wait3A_3874, %dma_wait3A_3875] : memref<16x128x80xf32, #tpu.memory_space<hbm>> -> memref<1x128x80xf32, #tpu.memory_space<hbm>>
        %dma_wait3A_3877 = tpu.memref_squeeze %dma_wait3A_3876 : memref<1x128x80xf32, #tpu.memory_space<hbm>> -> memref<128x80xf32, #tpu.memory_space<hbm>>
        tpu.wait_dma2 semaphore(%run_scoped3A_3863 : memref<!tpu.dma_semaphore, #tpu.memory_space<semaphore_mem>>) src(%arg7 : memref<128x80xf32, #tpu.memory_space<vmem>>) dst(%dma_wait3A_3877 : memref<128x80xf32, #tpu.memory_space<hbm>>)
        tpu.yield
      }) : () -> ()
    } else {
    }
    %eq3A_3838 = arith.constant 11 : i32
    %eq3A_3839 = arith.cmpi eq, %arg1, %eq3A_3838 : i32
    %convert_element_type3A_3840 = arith.extui %eq3A_3839 : i1 to i32
    %cond3A_3841 = arith.constant 0 : i32
    %cond3A_3842 = arith.cmpi ne, %convert_element_type3A_3840, %cond3A_3841 : i32
    scf.if %cond3A_3842 {
      %run_scoped3A = arith.constant 11 : i32
      "tpu.region"() ({
        %run_scoped3A_3863 = tpu.sem_alloc : memref<!tpu.dma_semaphore, #tpu.memory_space<semaphore_mem>>
        %dma_start3A = arith.constant 0 : i32
        %dma_start3A_3864 = arith.constant 0 : i32
        %dma_start3A_3865 = tpu.memref_slice %arg4[%run_scoped3A, %dma_start3A, %dma_start3A_3864] : memref<16x128x80xf32, #tpu.memory_space<hbm>> -> memref<1x128x80xf32, #tpu.memory_space<hbm>>
        %dma_start3A_3866 = tpu.memref_squeeze %dma_start3A_3865 : memref<1x128x80xf32, #tpu.memory_space<hbm>> -> memref<128x80xf32, #tpu.memory_space<hbm>>
        %dma_start3A_3867 = arith.constant 0 : i32
        %dma_start3A_3868 = arith.constant 0 : i32
        %dma_start3A_3869 = tpu.memref_slice %arg4[%run_scoped3A, %dma_start3A_3867, %dma_start3A_3868] : memref<16x128x80xf32, #tpu.memory_space<hbm>> -> memref<1x128x80xf32, #tpu.memory_space<hbm>>
        %dma_start3A_3870 = tpu.memref_squeeze %dma_start3A_3869 : memref<1x128x80xf32, #tpu.memory_space<hbm>> -> memref<128x80xf32, #tpu.memory_space<hbm>>
        tpu.enqueue_dma source(%arg7 : memref<128x80xf32, #tpu.memory_space<vmem>>) target(%dma_start3A_3870 : memref<128x80xf32, #tpu.memory_space<hbm>>) target_semaphore(%run_scoped3A_3863 : memref<!tpu.dma_semaphore, #tpu.memory_space<semaphore_mem>>)
        %dma_wait3A = arith.constant 0 : i32
        %dma_wait3A_3871 = arith.constant 0 : i32
        %dma_wait3A_3872 = tpu.memref_slice %arg4[%run_scoped3A, %dma_wait3A, %dma_wait3A_3871] : memref<16x128x80xf32, #tpu.memory_space<hbm>> -> memref<1x128x80xf32, #tpu.memory_space<hbm>>
        %dma_wait3A_3873 = tpu.memref_squeeze %dma_wait3A_3872 : memref<1x128x80xf32, #tpu.memory_space<hbm>> -> memref<128x80xf32, #tpu.memory_space<hbm>>
        %dma_wait3A_3874 = arith.constant 0 : i32
        %dma_wait3A_3875 = arith.constant 0 : i32
        %dma_wait3A_3876 = tpu.memref_slice %arg4[%run_scoped3A, %dma_wait3A_3874, %dma_wait3A_3875] : memref<16x128x80xf32, #tpu.memory_space<hbm>> -> memref<1x128x80xf32, #tpu.memory_space<hbm>>
        %dma_wait3A_3877 = tpu.memref_squeeze %dma_wait3A_3876 : memref<1x128x80xf32, #tpu.memory_space<hbm>> -> memref<128x80xf32, #tpu.memory_space<hbm>>
        tpu.wait_dma2 semaphore(%run_scoped3A_3863 : memref<!tpu.dma_semaphore, #tpu.memory_space<semaphore_mem>>) src(%arg7 : memref<128x80xf32, #tpu.memory_space<vmem>>) dst(%dma_wait3A_3877 : memref<128x80xf32, #tpu.memory_space<hbm>>)
        tpu.yield
      }) : () -> ()
    } else {
    }
    %eq3A_3843 = arith.constant 12 : i32
    %eq3A_3844 = arith.cmpi eq, %arg1, %eq3A_3843 : i32
    %convert_element_type3A_3845 = arith.extui %eq3A_3844 : i1 to i32
    %cond3A_3846 = arith.constant 0 : i32
    %cond3A_3847 = arith.cmpi ne, %convert_element_type3A_3845, %cond3A_3846 : i32
    scf.if %cond3A_3847 {
      %run_scoped3A = arith.constant 12 : i32
      "tpu.region"() ({
        %run_scoped3A_3863 = tpu.sem_alloc : memref<!tpu.dma_semaphore, #tpu.memory_space<semaphore_mem>>
        %dma_start3A = arith.constant 0 : i32
        %dma_start3A_3864 = arith.constant 0 : i32
        %dma_start3A_3865 = tpu.memref_slice %arg4[%run_scoped3A, %dma_start3A, %dma_start3A_3864] : memref<16x128x80xf32, #tpu.memory_space<hbm>> -> memref<1x128x80xf32, #tpu.memory_space<hbm>>
        %dma_start3A_3866 = tpu.memref_squeeze %dma_start3A_3865 : memref<1x128x80xf32, #tpu.memory_space<hbm>> -> memref<128x80xf32, #tpu.memory_space<hbm>>
        %dma_start3A_3867 = arith.constant 0 : i32
        %dma_start3A_3868 = arith.constant 0 : i32
        %dma_start3A_3869 = tpu.memref_slice %arg4[%run_scoped3A, %dma_start3A_3867, %dma_start3A_3868] : memref<16x128x80xf32, #tpu.memory_space<hbm>> -> memref<1x128x80xf32, #tpu.memory_space<hbm>>
        %dma_start3A_3870 = tpu.memref_squeeze %dma_start3A_3869 : memref<1x128x80xf32, #tpu.memory_space<hbm>> -> memref<128x80xf32, #tpu.memory_space<hbm>>
        tpu.enqueue_dma source(%arg7 : memref<128x80xf32, #tpu.memory_space<vmem>>) target(%dma_start3A_3870 : memref<128x80xf32, #tpu.memory_space<hbm>>) target_semaphore(%run_scoped3A_3863 : memref<!tpu.dma_semaphore, #tpu.memory_space<semaphore_mem>>)
        %dma_wait3A = arith.constant 0 : i32
        %dma_wait3A_3871 = arith.constant 0 : i32
        %dma_wait3A_3872 = tpu.memref_slice %arg4[%run_scoped3A, %dma_wait3A, %dma_wait3A_3871] : memref<16x128x80xf32, #tpu.memory_space<hbm>> -> memref<1x128x80xf32, #tpu.memory_space<hbm>>
        %dma_wait3A_3873 = tpu.memref_squeeze %dma_wait3A_3872 : memref<1x128x80xf32, #tpu.memory_space<hbm>> -> memref<128x80xf32, #tpu.memory_space<hbm>>
        %dma_wait3A_3874 = arith.constant 0 : i32
        %dma_wait3A_3875 = arith.constant 0 : i32
        %dma_wait3A_3876 = tpu.memref_slice %arg4[%run_scoped3A, %dma_wait3A_3874, %dma_wait3A_3875] : memref<16x128x80xf32, #tpu.memory_space<hbm>> -> memref<1x128x80xf32, #tpu.memory_space<hbm>>
        %dma_wait3A_3877 = tpu.memref_squeeze %dma_wait3A_3876 : memref<1x128x80xf32, #tpu.memory_space<hbm>> -> memref<128x80xf32, #tpu.memory_space<hbm>>
        tpu.wait_dma2 semaphore(%run_scoped3A_3863 : memref<!tpu.dma_semaphore, #tpu.memory_space<semaphore_mem>>) src(%arg7 : memref<128x80xf32, #tpu.memory_space<vmem>>) dst(%dma_wait3A_3877 : memref<128x80xf32, #tpu.memory_space<hbm>>)
        tpu.yield
      }) : () -> ()
    } else {
    }
    %eq3A_3848 = arith.constant 13 : i32
    %eq3A_3849 = arith.cmpi eq, %arg1, %eq3A_3848 : i32
    %convert_element_type3A_3850 = arith.extui %eq3A_3849 : i1 to i32
    %cond3A_3851 = arith.constant 0 : i32
    %cond3A_3852 = arith.cmpi ne, %convert_element_type3A_3850, %cond3A_3851 : i32
    scf.if %cond3A_3852 {
      %run_scoped3A = arith.constant 13 : i32
      "tpu.region"() ({
        %run_scoped3A_3863 = tpu.sem_alloc : memref<!tpu.dma_semaphore, #tpu.memory_space<semaphore_mem>>
        %dma_start3A = arith.constant 0 : i32
        %dma_start3A_3864 = arith.constant 0 : i32
        %dma_start3A_3865 = tpu.memref_slice %arg4[%run_scoped3A, %dma_start3A, %dma_start3A_3864] : memref<16x128x80xf32, #tpu.memory_space<hbm>> -> memref<1x128x80xf32, #tpu.memory_space<hbm>>
        %dma_start3A_3866 = tpu.memref_squeeze %dma_start3A_3865 : memref<1x128x80xf32, #tpu.memory_space<hbm>> -> memref<128x80xf32, #tpu.memory_space<hbm>>
        %dma_start3A_3867 = arith.constant 0 : i32
        %dma_start3A_3868 = arith.constant 0 : i32
        %dma_start3A_3869 = tpu.memref_slice %arg4[%run_scoped3A, %dma_start3A_3867, %dma_start3A_3868] : memref<16x128x80xf32, #tpu.memory_space<hbm>> -> memref<1x128x80xf32, #tpu.memory_space<hbm>>
        %dma_start3A_3870 = tpu.memref_squeeze %dma_start3A_3869 : memref<1x128x80xf32, #tpu.memory_space<hbm>> -> memref<128x80xf32, #tpu.memory_space<hbm>>
        tpu.enqueue_dma source(%arg7 : memref<128x80xf32, #tpu.memory_space<vmem>>) target(%dma_start3A_3870 : memref<128x80xf32, #tpu.memory_space<hbm>>) target_semaphore(%run_scoped3A_3863 : memref<!tpu.dma_semaphore, #tpu.memory_space<semaphore_mem>>)
        %dma_wait3A = arith.constant 0 : i32
        %dma_wait3A_3871 = arith.constant 0 : i32
        %dma_wait3A_3872 = tpu.memref_slice %arg4[%run_scoped3A, %dma_wait3A, %dma_wait3A_3871] : memref<16x128x80xf32, #tpu.memory_space<hbm>> -> memref<1x128x80xf32, #tpu.memory_space<hbm>>
        %dma_wait3A_3873 = tpu.memref_squeeze %dma_wait3A_3872 : memref<1x128x80xf32, #tpu.memory_space<hbm>> -> memref<128x80xf32, #tpu.memory_space<hbm>>
        %dma_wait3A_3874 = arith.constant 0 : i32
        %dma_wait3A_3875 = arith.constant 0 : i32
        %dma_wait3A_3876 = tpu.memref_slice %arg4[%run_scoped3A, %dma_wait3A_3874, %dma_wait3A_3875] : memref<16x128x80xf32, #tpu.memory_space<hbm>> -> memref<1x128x80xf32, #tpu.memory_space<hbm>>
        %dma_wait3A_3877 = tpu.memref_squeeze %dma_wait3A_3876 : memref<1x128x80xf32, #tpu.memory_space<hbm>> -> memref<128x80xf32, #tpu.memory_space<hbm>>
        tpu.wait_dma2 semaphore(%run_scoped3A_3863 : memref<!tpu.dma_semaphore, #tpu.memory_space<semaphore_mem>>) src(%arg7 : memref<128x80xf32, #tpu.memory_space<vmem>>) dst(%dma_wait3A_3877 : memref<128x80xf32, #tpu.memory_space<hbm>>)
        tpu.yield
      }) : () -> ()
    } else {
    }
    %eq3A_3853 = arith.constant 14 : i32
    %eq3A_3854 = arith.cmpi eq, %arg1, %eq3A_3853 : i32
    %convert_element_type3A_3855 = arith.extui %eq3A_3854 : i1 to i32
    %cond3A_3856 = arith.constant 0 : i32
    %cond3A_3857 = arith.cmpi ne, %convert_element_type3A_3855, %cond3A_3856 : i32
    scf.if %cond3A_3857 {
      %run_scoped3A = arith.constant 14 : i32
      "tpu.region"() ({
        %run_scoped3A_3863 = tpu.sem_alloc : memref<!tpu.dma_semaphore, #tpu.memory_space<semaphore_mem>>
        %dma_start3A = arith.constant 0 : i32
        %dma_start3A_3864 = arith.constant 0 : i32
        %dma_start3A_3865 = tpu.memref_slice %arg4[%run_scoped3A, %dma_start3A, %dma_start3A_3864] : memref<16x128x80xf32, #tpu.memory_space<hbm>> -> memref<1x128x80xf32, #tpu.memory_space<hbm>>
        %dma_start3A_3866 = tpu.memref_squeeze %dma_start3A_3865 : memref<1x128x80xf32, #tpu.memory_space<hbm>> -> memref<128x80xf32, #tpu.memory_space<hbm>>
        %dma_start3A_3867 = arith.constant 0 : i32
        %dma_start3A_3868 = arith.constant 0 : i32
        %dma_start3A_3869 = tpu.memref_slice %arg4[%run_scoped3A, %dma_start3A_3867, %dma_start3A_3868] : memref<16x128x80xf32, #tpu.memory_space<hbm>> -> memref<1x128x80xf32, #tpu.memory_space<hbm>>
        %dma_start3A_3870 = tpu.memref_squeeze %dma_start3A_3869 : memref<1x128x80xf32, #tpu.memory_space<hbm>> -> memref<128x80xf32, #tpu.memory_space<hbm>>
        tpu.enqueue_dma source(%arg7 : memref<128x80xf32, #tpu.memory_space<vmem>>) target(%dma_start3A_3870 : memref<128x80xf32, #tpu.memory_space<hbm>>) target_semaphore(%run_scoped3A_3863 : memref<!tpu.dma_semaphore, #tpu.memory_space<semaphore_mem>>)
        %dma_wait3A = arith.constant 0 : i32
        %dma_wait3A_3871 = arith.constant 0 : i32
        %dma_wait3A_3872 = tpu.memref_slice %arg4[%run_scoped3A, %dma_wait3A, %dma_wait3A_3871] : memref<16x128x80xf32, #tpu.memory_space<hbm>> -> memref<1x128x80xf32, #tpu.memory_space<hbm>>
        %dma_wait3A_3873 = tpu.memref_squeeze %dma_wait3A_3872 : memref<1x128x80xf32, #tpu.memory_space<hbm>> -> memref<128x80xf32, #tpu.memory_space<hbm>>
        %dma_wait3A_3874 = arith.constant 0 : i32
        %dma_wait3A_3875 = arith.constant 0 : i32
        %dma_wait3A_3876 = tpu.memref_slice %arg4[%run_scoped3A, %dma_wait3A_3874, %dma_wait3A_3875] : memref<16x128x80xf32, #tpu.memory_space<hbm>> -> memref<1x128x80xf32, #tpu.memory_space<hbm>>
        %dma_wait3A_3877 = tpu.memref_squeeze %dma_wait3A_3876 : memref<1x128x80xf32, #tpu.memory_space<hbm>> -> memref<128x80xf32, #tpu.memory_space<hbm>>
        tpu.wait_dma2 semaphore(%run_scoped3A_3863 : memref<!tpu.dma_semaphore, #tpu.memory_space<semaphore_mem>>) src(%arg7 : memref<128x80xf32, #tpu.memory_space<vmem>>) dst(%dma_wait3A_3877 : memref<128x80xf32, #tpu.memory_space<hbm>>)
        tpu.yield
      }) : () -> ()
    } else {
    }
    %eq3A_3858 = arith.constant 15 : i32
    %eq3A_3859 = arith.cmpi eq, %arg1, %eq3A_3858 : i32
    %convert_element_type3A_3860 = arith.extui %eq3A_3859 : i1 to i32
    %cond3A_3861 = arith.constant 0 : i32
    %cond3A_3862 = arith.cmpi ne, %convert_element_type3A_3860, %cond3A_3861 : i32
    scf.if %cond3A_3862 {
      %run_scoped3A = arith.constant 15 : i32
      "tpu.region"() ({
        %run_scoped3A_3863 = tpu.sem_alloc : memref<!tpu.dma_semaphore, #tpu.memory_space<semaphore_mem>>
        %dma_start3A = arith.constant 0 : i32
        %dma_start3A_3864 = arith.constant 0 : i32
        %dma_start3A_3865 = tpu.memref_slice %arg4[%run_scoped3A, %dma_start3A, %dma_start3A_3864] : memref<16x128x80xf32, #tpu.memory_space<hbm>> -> memref<1x128x80xf32, #tpu.memory_space<hbm>>
        %dma_start3A_3866 = tpu.memref_squeeze %dma_start3A_3865 : memref<1x128x80xf32, #tpu.memory_space<hbm>> -> memref<128x80xf32, #tpu.memory_space<hbm>>
        %dma_start3A_3867 = arith.constant 0 : i32
        %dma_start3A_3868 = arith.constant 0 : i32
        %dma_start3A_3869 = tpu.memref_slice %arg4[%run_scoped3A, %dma_start3A_3867, %dma_start3A_3868] : memref<16x128x80xf32, #tpu.memory_space<hbm>> -> memref<1x128x80xf32, #tpu.memory_space<hbm>>
        %dma_start3A_3870 = tpu.memref_squeeze %dma_start3A_3869 : memref<1x128x80xf32, #tpu.memory_space<hbm>> -> memref<128x80xf32, #tpu.memory_space<hbm>>
        tpu.enqueue_dma source(%arg7 : memref<128x80xf32, #tpu.memory_space<vmem>>) target(%dma_start3A_3870 : memref<128x80xf32, #tpu.memory_space<hbm>>) target_semaphore(%run_scoped3A_3863 : memref<!tpu.dma_semaphore, #tpu.memory_space<semaphore_mem>>)
        %dma_wait3A = arith.constant 0 : i32
        %dma_wait3A_3871 = arith.constant 0 : i32
        %dma_wait3A_3872 = tpu.memref_slice %arg4[%run_scoped3A, %dma_wait3A, %dma_wait3A_3871] : memref<16x128x80xf32, #tpu.memory_space<hbm>> -> memref<1x128x80xf32, #tpu.memory_space<hbm>>
        %dma_wait3A_3873 = tpu.memref_squeeze %dma_wait3A_3872 : memref<1x128x80xf32, #tpu.memory_space<hbm>> -> memref<128x80xf32, #tpu.memory_space<hbm>>
        %dma_wait3A_3874 = arith.constant 0 : i32
        %dma_wait3A_3875 = arith.constant 0 : i32
        %dma_wait3A_3876 = tpu.memref_slice %arg4[%run_scoped3A, %dma_wait3A_3874, %dma_wait3A_3875] : memref<16x128x80xf32, #tpu.memory_space<hbm>> -> memref<1x128x80xf32, #tpu.memory_space<hbm>>
        %dma_wait3A_3877 = tpu.memref_squeeze %dma_wait3A_3876 : memref<1x128x80xf32, #tpu.memory_space<hbm>> -> memref<128x80xf32, #tpu.memory_space<hbm>>
        tpu.wait_dma2 semaphore(%run_scoped3A_3863 : memref<!tpu.dma_semaphore, #tpu.memory_space<semaphore_mem>>) src(%arg7 : memref<128x80xf32, #tpu.memory_space<vmem>>) dst(%dma_wait3A_3877 : memref<128x80xf32, #tpu.memory_space<hbm>>)
        tpu.yield
      }) : () -> ()
    } else {
    }
    return
  }
}

module attributes {stable_mosaic.version = 14 : i64} {
  func.func @_tc_kernel(%arg0: memref<1024x64xf32, #tpu.memory_space<vmem>>, %arg1: memref<1024x1xi32, #tpu.memory_space<vmem>>, %arg2: memref<16x128x80xf32, #tpu.memory_space<vmem>>, %arg3: memref<1x1xf32, #tpu.memory_space<vmem>>) attributes {dimension_semantics = [], scalar_prefetch = 0 : i64, scratch_operands = 0 : i64, tpu.core_type = #tpu.core_type<tc>} {
    %get3A = arith.constant 0 : index
    %get3A_0 = arith.constant 0 : index
    %get3A_1 = vector.load %arg0[%get3A, %get3A_0] : memref<1024x64xf32, #tpu.memory_space<vmem>>, vector<1024x64xf32>
    %get3A_2 = arith.constant 0 : index
    %get3A_3 = arith.constant 0 : index
    %get3A_4 = vector.load %arg1[%get3A_2, %get3A_3] : memref<1024x1xi32, #tpu.memory_space<vmem>>, vector<1024x1xi32>
    %dot_general3A = arith.constant dense<0.000000e+00> : vector<1024x1024xf32>
    %dot_general3A_5 = tpu.matmul %get3A_1, %get3A_1, %dot_general3A {dimension_numbers = #tpu.dot_dimension_numbers<[1], [1], [0], [0], [0, 0, 1, 0], [], []>, transpose_lhs_hint = false} : vector<1024x64xf32>, vector<1024x64xf32>, vector<1024x1024xf32> -> vector<1024x1024xf32>
    %mul3A = arith.mulf %get3A_1, %get3A_1 : vector<1024x64xf32>
    %reduce_sum3A = arith.constant dense<0.000000e+00> : vector<1024xf32>
    %reduce_sum3A_6 = vector.multi_reduction <add>, %mul3A, %reduce_sum3A [1] : vector<1024x64xf32> to vector<1024xf32>
    %broadcast_in_dim3A = vector.shape_cast %reduce_sum3A_6 : vector<1024xf32> to vector<1024x1xf32>
    %transpose3A = tpu.transpose %broadcast_in_dim3A, [1, 0] : vector<1024x1xf32> -> vector<1x1024xf32>
    %add3A = vector.broadcast %broadcast_in_dim3A : vector<1024x1xf32> to vector<1024x1024xf32>
    %add3A_7 = vector.broadcast %transpose3A : vector<1x1024xf32> to vector<1024x1024xf32>
    %add3A_8 = arith.addf %add3A, %add3A_7 : vector<1024x1024xf32>
    %mul3A_9 = arith.constant 2.000000e+00 : f32
    %mul3A_10 = vector.broadcast %mul3A_9 : f32 to vector<1024x1024xf32>
    %mul3A_11 = arith.mulf %mul3A_10, %dot_general3A_5 : vector<1024x1024xf32>
    %sub3A = arith.subf %add3A_8, %mul3A_11 : vector<1024x1024xf32>
    %max3A = arith.constant 0.000000e+00 : f32
    %max3A_12 = vector.broadcast %max3A : f32 to vector<1024x1024xf32>
    %max3A_13 = arith.maximumf %sub3A, %max3A_12 : vector<1024x1024xf32>
    %add3A_14 = arith.constant 9.99999997E-7 : f32
    %add3A_15 = vector.broadcast %add3A_14 : f32 to vector<1024x1024xf32>
    %add3A_16 = arith.addf %max3A_13, %add3A_15 : vector<1024x1024xf32>
    %sqrt3A = math.sqrt %add3A_16 : vector<1024x1024xf32>
    %sub3A_17 = arith.constant 1.000000e+00 : f32
    %sub3A_18 = vector.broadcast %sub3A_17 : f32 to vector<1024x1024xf32>
    %sub3A_19 = arith.subf %sub3A_18, %sqrt3A : vector<1024x1024xf32>
    %max3A_20 = arith.constant 0.000000e+00 : f32
    %max3A_21 = vector.broadcast %max3A_20 : f32 to vector<1024x1024xf32>
    %max3A_22 = arith.maximumf %sub3A_19, %max3A_21 : vector<1024x1024xf32>
    %reshape3A = vector.shape_cast %get3A_4 : vector<1024x1xi32> to vector<1x1024xi32>
    %ne3A = vector.broadcast %get3A_4 : vector<1024x1xi32> to vector<1024x1024xi32>
    %ne3A_23 = vector.broadcast %reshape3A : vector<1x1024xi32> to vector<1024x1024xi32>
    %ne3A_24 = arith.cmpi ne, %ne3A, %ne3A_23 : vector<1024x1024xi32>
    %mul3A_25 = arith.mulf %max3A_22, %max3A_22 : vector<1024x1024xf32>
    %jit3A = arith.constant 0.000000e+00 : f32
    %broadcast_in_dim3A_26 = vector.broadcast %jit3A : f32 to vector<1024x1024xf32>
    %select_n3A = arith.select %ne3A_24, %mul3A_25, %broadcast_in_dim3A_26 : vector<1024x1024xi1>, vector<1024x1024xf32>
    %reduce_sum3A_27 = vector.shape_cast %select_n3A : vector<1024x1024xf32> to vector<1x1024x1024xf32>
    %reduce_sum3A_28 = arith.constant dense<0.000000e+00> : vector<1xf32>
    %reduce_sum3A_29 = vector.multi_reduction <add>, %reduce_sum3A_27, %reduce_sum3A_28 [1, 2] : vector<1x1024x1024xf32> to vector<1xf32>
    %reduce_sum3A_30 = vector.shape_cast %reduce_sum3A_29 : vector<1xf32> to vector<1x1x1xf32>
    %reduce_sum3A_31 = vector.extract %reduce_sum3A_30[0, 0, 0] : f32 from vector<1x1x1xf32>
    %mul3A_32 = arith.constant 5.000000e-01 : f32
    %mul3A_33 = arith.mulf %mul3A_32, %reduce_sum3A_31 : f32
    %get3A_34 = arith.constant 0 : index
    %get3A_35 = arith.constant 0 : index
    %get3A_36 = arith.constant 0 : index
    %get3A_37 = vector.load %arg2[%get3A_34, %get3A_35, %get3A_36] : memref<16x128x80xf32, #tpu.memory_space<vmem>>, vector<16x128x80xf32>
    %reduce_sum3A_38 = arith.constant dense<0.000000e+00> : vector<128x80xf32>
    %reduce_sum3A_39 = vector.multi_reduction <add>, %get3A_37, %reduce_sum3A_38 [0] : vector<16x128x80xf32> to vector<128x80xf32>
    %slice3A = vector.extract_strided_slice %reduce_sum3A_39 {offsets = [0, 0], sizes = [128, 64], strides = [1, 1]} : vector<128x80xf32> to vector<128x64xf32>
    %slice3A_40 = vector.extract_strided_slice %reduce_sum3A_39 {offsets = [0, 0], sizes = [128, 64], strides = [1, 1]} : vector<128x80xf32> to vector<128x64xf32>
    %mul3A_41 = arith.mulf %slice3A, %slice3A_40 : vector<128x64xf32>
    %reduce_sum3A_42 = arith.constant dense<0.000000e+00> : vector<128xf32>
    %reduce_sum3A_43 = vector.multi_reduction <add>, %mul3A_41, %reduce_sum3A_42 [1] : vector<128x64xf32> to vector<128xf32>
    %slice3A_44 = vector.extract_strided_slice %reduce_sum3A_39 {offsets = [0, 64], sizes = [128, 1], strides = [1, 1]} : vector<128x80xf32> to vector<128x1xf32>
    %squeeze3A = vector.shape_cast %slice3A_44 : vector<128x1xf32> to vector<128xf32>
    %slice3A_45 = vector.extract_strided_slice %reduce_sum3A_39 {offsets = [0, 65], sizes = [128, 1], strides = [1, 1]} : vector<128x80xf32> to vector<128x1xf32>
    %squeeze3A_46 = vector.shape_cast %slice3A_45 : vector<128x1xf32> to vector<128xf32>
    %mul3A_47 = arith.mulf %squeeze3A_46, %squeeze3A : vector<128xf32>
    %sub3A_48 = arith.subf %mul3A_47, %reduce_sum3A_43 : vector<128xf32>
    %reduce_sum3A_49 = vector.shape_cast %sub3A_48 : vector<128xf32> to vector<1x128xf32>
    %reduce_sum3A_50 = arith.constant dense<0.000000e+00> : vector<1xf32>
    %reduce_sum3A_51 = vector.multi_reduction <add>, %reduce_sum3A_49, %reduce_sum3A_50 [1] : vector<1x128xf32> to vector<1xf32>
    %reduce_sum3A_52 = vector.shape_cast %reduce_sum3A_51 : vector<1xf32> to vector<1x1xf32>
    %reduce_sum3A_53 = vector.extract %reduce_sum3A_52[0, 0] : f32 from vector<1x1xf32>
    %add3A_54 = arith.addf %mul3A_33, %reduce_sum3A_53 : f32
    %div3A = arith.constant 5.237760e+05 : f32
    %div3A_55 = arith.divf %add3A_54, %div3A : f32
    %reshape3A_56 = vector.broadcast %div3A_55 : f32 to vector<1x1xf32>
    %swap3A = arith.constant 0 : index
    %swap3A_57 = arith.constant 0 : index
    %swap3A_58 = vector.load %arg3[%swap3A, %swap3A_57] : memref<1x1xf32, #tpu.memory_space<vmem>>, vector<1x1xf32>
    tpu.vector_store %arg3[%swap3A, %swap3A_57], %reshape3A_56 {strides = array<i32>} : memref<1x1xf32, #tpu.memory_space<vmem>>, vector<1x1xf32>,
    return
  }
}

</mosaic_0001>

<sc_bundles>
// kernel: kernel.4.cloned.1.call-start
scs
__scs_entry_jumppad:
0x0: {  	(pc) =	sbr.rel $0x88, $3  }
0x1: {  	(tag) =	ssettag $0x0;
	lr =	simm.s32 $0x1  }
0x2: {  	[smem:$0x3F9F] =	sst lr;
	_ =	strace $0xD0000000  }
0x3: {  	_ = 	snop  }
0x4: {  	_ = 	snop  }
0x5: {  	_ = 	snop  }
0x6: {  	_ = 	snop  }
0x7: {  	_ = 	snop  }
__scs_overlays_trampoline_lowered:
0x8: {  	[smem:$0x3FAE] =	sst s0  }
0x9: {  	[smem:$0x3FAF] =	sst s1  }
0xa: {  	[smem:$0x3FB0] =	sst s2  }
0xb: {  	[smem:$0x3FB1] =	sst s3  }
0xc: {  	[smem:$0x3FB2] =	sst s4  }
0xd: {  	[smem:$0x3FB3] =	sst s5  }
0xe: {  	[smem:$0x3FB4] =	sst s6  }
0xf: {  	[smem:$0x3FB5] =	sst s7  }
0x10: {  	[smem:$0x3FB6] =	sst s8  }
0x11: {  	[smem:$0x3FB7] =	sst s9;
	s0 =	simm.s32 @!p0 $0x0  }
0x12: {  	s1 =	sld [smem:$0x3F9D];
	s0 =	simm.s32 @p0 $0x1  }
0x13: {  	[smem:$0x3FB8] =	sst s0;
	s0 =	simm.s32 @!p1 $0x0  }
0x14: {  	s2 =	sld [smem:$0x3F9C];
	s0 =	simm.s32 @p1 $0x1  }
0x15: {  	[smem:$0x3FB9] =	sst s0;
	s0 =	simm.s32 @!p2 $0x0  }
0x16: {  	s3 =	sld [smem:$0x3FDB];
	s0 =	simm.s32 @p2 $0x1  }
0x17: {  	s4 =	simm.s32 $0x1BF5;
	[smem:$0x3FBB] =	sst s0  }
0x18: {  	s0 =	sld [smem:$0x3F9E];
	_ =	swait.ge [sflag:s4], $0x0  }
0x19: {  	s7 =	sld [smem:$0x3F9F]  }
0x1a: {  	s8 =	sadd.s32 $0xFFFFE003, lr  }
0x1b: {  	s9 =	sadd.s32 $0xFFFFFEF7, lr;
	s5 =	simm.s32 $0xFFFFFFFF;
	p2 =	slt.u32 s8, $0xFFFFF086  }
0x1c: {  	p1 =	slt.u32 s9, $0xF7A;
	s5 =	simm.s32 @!p2 $0x0  }
0x1d: {  	s5 =	simm.s32 @p1 $0x1;
	p0 =	seq.s32 s7, s2  }
0x1e: {  	s7 =	smul.u32 @!p0 $0xF7A, s2;
	p2 =	seq.s32 @!p0 s5, $0x0  }
0x1f: {  	s9 =	smul.u32 $0xF7A, s1;
	s8 =	simm.s32 @!p0 $0x1BF5;
	p2 =	por !p2, p0  }
0x20: {  	[sflag:s8] =	ssyncset.s32 @!p0 $0xFFFFF086;
	s6 =	sadd.s32 @!p0 s3, s7;
	s7 =	simm.s32 @!p0 $0x108  }
0x21: {  	s3 =	sadd.s32 s3, s9;
	s6 =	sadd.s32 @!p0 $0x88, s6;
	s7 =	simm.s32 @p2 $0x1082  }
0x22: {  	[simem:s7], [sflag:s8] =	dma.local @!p0 [hbm:s6], $0xF7A  }
0x23: {  	s9 =	sor.u32 $0xD0000000, s2;
	s6 =	simm.s32 $0x108;
	_ =	swait.ge @!p0 [sflag:s8], $0x0  }
0x24: {  	s3 =	sadd.s32 $0x88, s3;
	s6 =	simm.s32 @!p1 $0x1082;
	[sflag:s4] =	ssyncset.s32 $0xFFFFF086  }
0x25: {  	[simem:s6], [sflag:s4] =	dma.local [hbm:s3], $0xF7A  }
0x26: {  	[smem:$0x3F9F] =	sst s1;
	(tag) =	ssettag s2;
	_ =	strace s9  }
0x27: {  	s1 =	sld [smem:$0x3FAF]  }
0x28: {  	s2 =	sld [smem:$0x3FB0]  }
0x29: {  	s4 =	sld [smem:$0x3FB2]  }
0x2a: {  	p0 =	seq.s32 s5, $0x0;
	s5 =	sld [smem:$0x3FB3]  }
0x2b: {  	s6 =	sld [smem:$0x3FB4]  }
0x2c: {  	s7 =	sld [smem:$0x3FB5]  }
0x2d: {  	s3 =	simm.s32 $0x108;
	s8 =	sld [smem:$0x3FB6]  }
0x2e: {  	s3 =	simm.s32 @!p0 $0x1082;
	s9 =	sld [smem:$0x3FB7]  }
0x2f: {  	lr =	sadd.s32 s0, s3;
	s0 =	sld [smem:$0x3FAE]  }
0x30: {  	s3 =	sld [smem:$0x3FB1]  }
0x31: {  	[smem:$0x3FBA] =	sst s10  }
0x32: {  	s10 =	sld [smem:$0x3FB8];
	_ =	sdelay $0x3  }
0x33: {  	p0 =	seq.s32 s10, $0x1;
	s10 =	sld [smem:$0x3FBA];
	_ =	sdelay $0x3  }
0x34: {  	[smem:$0x3FBA] =	sst s10  }
0x35: {  	s10 =	sld [smem:$0x3FB9];
	_ =	sdelay $0x3  }
0x36: {  	p1 =	seq.s32 s10, $0x1;
	s10 =	sld [smem:$0x3FBA];
	_ =	sdelay $0x3  }
0x37: {  	[smem:$0x3FBA] =	sst s10  }
0x38: {  	s10 =	sld [smem:$0x3FBB]  }
0x39: {  	_ = 	snop;
	(pc) =	sbr.ind lr, $3  }
0x3a: {  	_ = 	snop  }
0x3b: {  	_ = 	snop  }
0x3c: {  	p2 =	seq.s32 s10, $0x1;
	s10 =	sld [smem:$0x3FBA]  }
0x3d: {  	_ =	shalt  }
0x3e: {  	_ =	shalt  }
0x3f: {  	_ =	shalt  }
0x40: {  	_ =	shalt  }
0x41: {  	_ =	shalt  }
0x42: {  	_ =	shalt  }
0x43: {  	_ =	shalt  }
0x44: {  	_ =	shalt  }
0x45: {  	_ =	shalt  }
0x46: {  	_ =	shalt  }
0x47: {  	_ =	shalt  }
0x48: {  	_ =	shalt  }
0x49: {  	_ =	shalt  }
0x4a: {  	_ =	shalt  }
0x4b: {  	_ =	shalt  }
0x4c: {  	_ =	shalt  }
0x4d: {  	_ =	shalt  }
0x4e: {  	_ =	shalt  }
0x4f: {  	_ =	shalt  }
0x50: {  	_ =	shalt  }
0x51: {  	_ =	shalt  }
0x52: {  	_ =	shalt  }
0x53: {  	_ =	shalt  }
0x54: {  	_ =	shalt  }
0x55: {  	_ =	shalt  }
0x56: {  	_ =	shalt  }
0x57: {  	_ =	shalt  }
0x58: {  	_ =	shalt  }
0x59: {  	_ =	shalt  }
0x5a: {  	_ =	shalt  }
0x5b: {  	_ =	shalt  }
0x5c: {  	_ =	shalt  }
0x5d: {  	_ =	shalt  }
0x5e: {  	_ =	shalt  }
0x5f: {  	_ =	shalt  }
0x60: {  	_ =	shalt  }
0x61: {  	_ =	shalt  }
0x62: {  	_ =	shalt  }
0x63: {  	_ =	shalt  }
0x64: {  	_ =	shalt  }
0x65: {  	_ =	shalt  }
0x66: {  	_ =	shalt  }
0x67: {  	_ =	shalt  }
0x68: {  	_ =	shalt  }
0x69: {  	_ =	shalt  }
0x6a: {  	_ =	shalt  }
0x6b: {  	_ =	shalt  }
0x6c: {  	_ =	shalt  }
0x6d: {  	_ =	shalt  }
0x6e: {  	_ =	shalt  }
0x6f: {  	_ =	shalt  }
0x70: {  	_ =	shalt  }
0x71: {  	_ =	shalt  }
0x72: {  	_ =	shalt  }
0x73: {  	_ =	shalt  }
0x74: {  	_ =	shalt  }
0x75: {  	_ =	shalt  }
0x76: {  	_ =	shalt  }
0x77: {  	_ =	shalt  }
0x78: {  	_ =	shalt  }
0x79: {  	_ =	shalt  }
0x7a: {  	_ =	shalt  }
0x7b: {  	_ =	shalt  }
0x7c: {  	_ =	shalt  }
0x7d: {  	_ =	shalt  }
0x7e: {  	_ =	shalt  }
0x7f: {  	_ =	shalt  }
0x80: {  	_ =	shalt  }
0x81: {  	_ =	shalt  }
0x82: {  	_ =	shalt  }
0x83: {  	_ =	shalt  }
0x84: {  	_ =	shalt  }
0x85: {  	_ =	shalt  }
0x86: {  	_ =	shalt  }
0x87: {  	_ =	shalt  }
.Lfunc_end0:
.L_simem_size_0:
called_computation_lowered:
.L_overlay_start_0:
0x88: {  	s0 =	sld [smem:$0x3FD9]  }
0x89: {  	s1 =	sld [smem:$0x3FFE];
	_ =	sdelay $0x3  }
0x8a: {  	s0 =	sadd.s32 s1, s0  }
0x8b: {  	[smem:$0x3FC6] =	sst s0  }
0x8c: {  	_ = 	snop  }
0x8d: {  	s0 =	sld [smem:$0x3FC8];
	(tm) =	ssettm $0x1  }
0x8e: {  	s16 =	sld [smem:$0x3FFB];
	_ =	sdelay $0x3  }
0x8f: {  	_ =	strace s16  }
0x90: {  	s1 =	sld [smem:$0x3FFC];
	_ =	sdelay $0x3  }
0x91: {  	_ =	strace s1  }
0x92: {  	s1 =	sld [smem:$0x3FFD];
	_ =	sdelay $0x3  }
0x93: {  	_ =	strace s1  }
0x94: {  	_ =	strace $0x8FFFFFFF  }
0x95: {  	s17 =	sld [smem:$0x3FDB];
	_ =	sdelay $0x1  }
0x96: {  	s2 =	simm.s32 $_scs_section_size  }
0x97: {  	s3 =	simm.s32 $_size__tile_overlayer_lowered;
	s4 =	simm.s32 $_tile_overlayer_lowered  }
0x98: {  	s20 =	simm.s32 $0x1BFF;
	s19 =	sshll.u32 s4, $0x1;
	s1 =	sadd.s32 s2, s17  }
0x99: {  	s5 =	simm.s32 $0x0;
	s18 =	sshll.u32 s3, $0x1;
	s3 =	sadd.s32 s19, s1  }
0x9a: {  	[timem:s5], [sflag:s20] =	dma.local [hbm:s3], s18  }
0x9b: {  	_ =	swait.ge [sflag:s20], s18  }
0x9c: {  	s2 =	ssub.s32 $0x0, s18;
	[sflag:s20] =	ssyncset.done $0x0  }
0x9d: {  	[sflag:s20] =	ssyncadd.s32 s2;
	_ =	sdelay $0x1  }
0x9e: {  	s21 =	simm.s32 $0x1B8B  }
0x9f: {  	_ =	swait.ge [sflag:s21], $0x1  }
0xa0: {  	[sflag:s21] =	ssyncset.done $0x0  }
0xa1: {  	s23 =	simm.s32 $0x1B8E;
	s22 =	sld [smem:$0x3FFE];
	[sflag:s21] =	ssyncadd.s32 $0xFFFFFFFF  }
0xa2: {  	s24 =	simm.s32 $execute0_lowered;
	[smem:$0x3FD2] =	sst s23  }
0xa3: {  	s3 =	sshll.u32 s24, $0x1;
	_ =	strace $0x80000046;
	[dreg:$0x1] =	wrdreg $0xFFFFFFFF  }
0xa4: {  	s25 =	simm.s32 $_size_execute0_lowered;
	s1 =	sadd.s32 s1, s3;
	[dreg:$0x0] =	wrdreg $0x0  }
0xa5: {  	s3 =	sshll.u32 s25, $0x1;
	[dreg:$0x2] =	wrdreg s1  }
0xa6: {  	[dreg:$0x3] =	wrdreg s3  }
0xa7: {  	[dreg:$0x4] =	wrdreg $0xC0  }
0xa8: {  	_ =	task [dreg:s5], $0x5FFFF  }
0xa9: {  	[dreg:$0x1] =	wrdreg $0xFFFFFFFF  }
0xaa: {  	[dreg:$0x0] =	wrdreg $0x60  }
0xab: {  	[dreg:$0x2] =	wrdreg s22  }
0xac: {  	[dreg:$0x3] =	wrdreg s0  }
0xad: {  	[dreg:$0x4] =	wrdreg $0x9  }
0xae: {  	_ =	task.clear_ibuf [dreg:s5], $0x5FFFF;
	_ =	strace $0x90000046  }
0xaf: {  	s26 =	simm.s32 $0x9;
	_ =	strace $0x80000048  }
0xb0: {  	_ =	swait.ge [sflag:s26], $0x1  }
0xb1: {  	[sflag:s26] =	ssyncadd.s32 $0xFFFFFFFF  }
0xb2: {  	_ =	strace $0x90000048  }
0xb3: {  	_ =	sfence  }
0xb4: {  	s28 =	sld [smem:$0x0];
	_ =	sdelay $0x1  }
0xb5: {  	s29 =	srdreg.scid  }
0xb6: {  	s30 =	sshll.u32 s29, $0xD;
	s31 =	sshrl.u32 s29, $0x2  }
0xb7: {  	s2 =	sand.u32 $0x4000, s30;
	s1 =	sand.u32 $0x1, s29;
	s0 =	sadd.s32 s31, s28  }
0xb8: {  	s1 =	sor.u32 s2, s1;
	s0 =	sshll.u32 s0, $0x11  }
0xb9: {  	s0 =	sor.u32 s0, s1  }
0xba: {  	s0 =	sadd.s32 $0x8F2B, s0  }
0xbb: {  	[sflag:s0] =	ssyncadd.remote.s32 $0x1  }
0xbc: {  	_ =	sfence.sel $0xFFFF  }
0xbd: {  	[dreg:$0x0] =	wrdreg $0xFFFFFFFF;
	(pc) =	sbr.abs _section_cstart, $3  }
0xbe: {  	[dreg:$0x1] =	wrdreg $0xFFFFFFFF  }
0xbf: {  	_ =	task.clear_ibuf [dreg:s5], $0x2FFFF;
	_ =	strace $0x9FFFFFFF  }
0xc0: {  	(tm) =	ssettm $0x7FFFFFFF  }
0xc1: {  	_ =	shalt  }
tec
execute0_lowered:
.L_overlay_start_1:
0x0: {  	(tag) =	ssettag $0x1  }
0x1: {  	s2 =	rddreg [dreg:$0x0]  }
0x2: {  	s3 =	rddreg [dreg:$0x1];
	s1 =	stileid.u32  }
0x3: {  	s0 =	rddreg [dreg:$0x2];
	s4 =	simm.s32 $0x0;
	s5 =	sshll.u32 s1, $0xA  }
0x4: {  	[smem:$0x7FF] =	sst s4;
	s5 =	sadd.s32 s5, s2  }
0x5: {  	s30 =	simm.s32 $0x1;
	_ =	strace $0x80000047;
	s5 =	sadd.s32 $0xA00, s5  }
0x6: {  	[tilespmem:s4], [sflag:$0x1] =	stream.linear.gather [hbm4b:s5+s4], $0x2000, $0x38;
	[tilespmem:$0x6080] =	vst v63  }
0x7: {  	_ =	swait.ge [sflag:s30], $0x2000  }
0x8: {  	s6 =	sshll.u32 s1, $0x3;
	[sflag:s30] =	ssyncset.done $0x0  }
0x9: {  	s31 =	simm.s32 $0x2000;
	s3 =	sadd.s32 s3, s6;
	[sflag:s30] =	ssyncadd.s32 $0xFFFFE000  }
0xa: {  	[tilespmem:s31], [sflag:$0x1] =	stream.linear.gather [hbm4b:s3+s4], $0x40, $0x38;
	[tilespmem:$0x6080] =	vst v63  }
0xb: {  	_ =	swait.ge [sflag:s30], $0x40  }
0xc: {  	s2 =	sadd.s32 $0x4A00, s2;
	[sflag:s30] =	ssyncset.done $0x0  }
0xd: {  	v0 =	vimm.f32 $0.0e+00;
	s4 =	simm.s32 $0x200;
	s3 =	simm.s32 $0x0;
	[sflag:s30] =	ssyncadd.s32 $0xFFFFFFC0  }
.LBB2_1:
0xe: {  	p0 =	sne.s32 s4, $0xFE00;
	[tilespmem:s3+$0x20C0] =	vst v0;
	s5 =	smov.u32 s4;
	s4 =	sadd.s32 $0x200, s4  }
.Ltmp0:
0xf: {  	[tilespmem:s3+$0x20B0] =	vst v0;
	(pc) =	sbr.rel @p0 .LBB2_1-.Ltmp0, $4  }
0x10: {  	[tilespmem:s3+$0x20A0] =	vst v0  }
0x11: {  	[tilespmem:s3+$0x2080] =	vst v0  }
0x12: {  	[tilespmem:s3+$0x2090] =	vst v0  }
0x13: {  	s3 =	sshra.s32 s5, $0x2  }
0x14: {  	[tilespmem:s3+$0x20C0] =	vst v0  }
0x15: {  	[tilespmem:s3+$0x20B0] =	vst v0  }
0x16: {  	[tilespmem:s3+$0x20A0] =	vst v0  }
0x17: {  	[tilespmem:s3+$0x2080] =	vst v0  }
0x18: {  	[tilespmem:s3+$0x2090] =	vst v0  }
0x19: {  	v5 =	vld [tilespmem:$0x0]  }
0x1a: {  	v7 =	vld [tilespmem:$0x10];
	_ =	sdelay $0x1  }
0x1b: {  	v8 =	vld [tilespmem:$0x20];
	_ =	sdelay $0x1  }
0x1c: {  	v9 =	vld [tilespmem:$0x30]  }
0x1d: {  	v40 =	vmul.f32 v5, v5;
	v1 =	vmul.f32 v7, v7;
	_ =	sdelay $0x1  }
0x1e: {  	v41 =	vmul.f32 v8, v8;
	v0 =	vadd.f32 v1, v40;
	_ =	sdelay $0x1  }
0x1f: {  	v42 =	vmul.f32 v9, v9;
	v0 =	vadd.f32 v41, v0  }
0x20: {  	v22 =	vld [tilespmem:$0x2000]  }
0x21: {  	v0 =	vadd.f32 v42, v0;
	_ =	sdelay $0x1  }
0x22: {  	(xrf2) =	vadd.scan.msk.f32 $0xffff, v0  }
0x23: {  	v6 =	vimm.s32 $0x0  }
0x24: {  	v43 =	vperm.xlane v22, v6;
	_ =	sdelay $0x1  }
0x25: {  	v10 =	vshll.u32 v43, $0x7;
	v0 =	vlaneseq.u32  }
0x26: {  	v11 =	vor.u32 v0, v10;
	v1 =	vor.u32 $0x10, v0  }
0x27: {  	v2 =	vor.u32 $0x20, v0;
	v12 =	vor.u32 v1, v10  }
0x28: {  	v3 =	vor.u32 $0x30, v0;
	v13 =	vor.u32 v2, v10  }
0x29: {  	v4 =	vor.u32 $0x40, v0;
	v14 =	vor.u32 v3, v10  }
0x2a: {  	s31 =	simm.s32 $0x2080;
	v10 =	vor.u32 v4, v10  }
0x2b: {  	[tilespmem:v11+s31+$0x0] =	vst.idx.add.f32.msk $0xffff, v5;
	v15, _, _ =	vpop (xrf2)  }
0x2c: {  	v45 =	vimm.f32 $0.0e+00;
	vm0 =	vcmask $0x704;
	[tilespmem:v12+s31+$0x0] =	vst.idx.add.f32.msk $0xffff, v7;
	v44 =	vbroadcast v15, $0xF  }
0x2d: {  	vm15 =	vmmov $0x1;
	v5 =	vsel vm0, $0x3F800000, v45;
	[tilespmem:v13+s31+$0x0] =	vst.idx.add.f32.msk $0xffff, v8  }
0x2e: {  	[tilespmem:v14+s31+$0x0] =	vst.idx.add.f32.msk $0xffff, v9;
	v46 =	vsel vm15, v44, v5  }
0x2f: {  	[tilespmem:v10+s31+$0x0] =	vst.idx.add.f32.msk $0xffff, v46  }
0x30: {  	v8 =	vld [tilespmem:$0x80]  }
0x31: {  	v9 =	vld [tilespmem:$0x90];
	_ =	sdelay $0x1  }
0x32: {  	v10 =	vld [tilespmem:$0xA0];
	_ =	sdelay $0x1  }
0x33: {  	v47 =	vld [tilespmem:$0xB0]  }
0x34: {  	v48 =	vmul.f32 v8, v8;
	v49 =	vmul.f32 v9, v9;
	_ =	sdelay $0x1  }
0x35: {  	v50 =	vmul.f32 v10, v10;
	v7 =	vadd.f32 v49, v48;
	_ =	sdelay $0x1  }
0x36: {  	v51 =	vmul.f32 v47, v47;
	v7 =	vadd.f32 v50, v7;
	_ =	sdelay $0x1  }
0x37: {  	v7 =	vadd.f32 v51, v7;
	_ =	sdelay $0x1  }
0x38: {  	(xrf2) =	vadd.scan.msk.f32 $0xffff, v7  }
0x39: {  	v7 =	vimm.s32 $0x1  }
0x3a: {  	v52 =	vperm.xlane v22, v7;
	_ =	sdelay $0x1  }
0x3b: {  	v12 =	vshll.u32 v52, $0x7  }
0x3c: {  	v53 =	vor.u32 v0, v12  }
0x3d: {  	v54 =	vor.u32 v1, v12  }
0x3e: {  	v55 =	vor.u32 v2, v12  }
0x3f: {  	v16 =	vor.u32 v3, v12  }
0x40: {  	v12 =	vor.u32 v4, v12  }
0x41: {  	[tilespmem:v53+s31+$0x0] =	vst.idx.add.f32.msk $0xffff, v8;
	v17, _, _ =	vpop (xrf2)  }
0x42: {  	[tilespmem:v54+s31+$0x0] =	vst.idx.add.f32.msk $0xffff, v9;
	v56 =	vbroadcast v17, $0xF  }
0x43: {  	[tilespmem:v55+s31+$0x0] =	vst.idx.add.f32.msk $0xffff, v10  }
0x44: {  	[tilespmem:v16+s31+$0x0] =	vst.idx.add.f32.msk $0xffff, v47;
	v8 =	vsel vm15, v56, v5  }
0x45: {  	[tilespmem:v12+s31+$0x0] =	vst.idx.add.f32.msk $0xffff, v8  }
0x46: {  	v9 =	vld [tilespmem:$0x100]  }
0x47: {  	v10 =	vld [tilespmem:$0x110];
	_ =	sdelay $0x1  }
0x48: {  	v11 =	vld [tilespmem:$0x120];
	_ =	sdelay $0x1  }
0x49: {  	v12 =	vld [tilespmem:$0x130]  }
0x4a: {  	v57 =	vmul.f32 v9, v9;
	v58 =	vmul.f32 v10, v10;
	_ =	sdelay $0x1  }
0x4b: {  	v59 =	vmul.f32 v11, v11;
	v8 =	vadd.f32 v58, v57;
	_ =	sdelay $0x1  }
0x4c: {  	v60 =	vmul.f32 v12, v12;
	v8 =	vadd.f32 v59, v8;
	_ =	sdelay $0x1  }
0x4d: {  	v8 =	vadd.f32 v60, v8;
	_ =	sdelay $0x1  }
0x4e: {  	(xrf2) =	vadd.scan.msk.f32 $0xffff, v8  }
0x4f: {  	v8 =	vimm.s32 $0x2  }
0x50: {  	v61 =	vperm.xlane v22, v8;
	_ =	sdelay $0x1  }
0x51: {  	v13 =	vshll.u32 v61, $0x7  }
0x52: {  	v62 =	vor.u32 v0, v13  }
0x53: {  	v63 =	vor.u32 v1, v13  }
0x54: {  	v21 =	vor.u32 v2, v13  }
0x55: {  	v23 =	vor.u32 v3, v13  }
0x56: {  	v13 =	vor.u32 v4, v13  }
0x57: {  	[tilespmem:v62+s31+$0x0] =	vst.idx.add.f32.msk $0xffff, v9;
	v18, _, _ =	vpop (xrf2)  }
0x58: {  	[tilespmem:v63+s31+$0x0] =	vst.idx.add.f32.msk $0xffff, v10;
	v24 =	vbroadcast v18, $0xF  }
0x59: {  	[tilespmem:v21+s31+$0x0] =	vst.idx.add.f32.msk $0xffff, v11  }
0x5a: {  	[tilespmem:v23+s31+$0x0] =	vst.idx.add.f32.msk $0xffff, v12;
	v9 =	vsel vm15, v24, v5  }
0x5b: {  	[tilespmem:v13+s31+$0x0] =	vst.idx.add.f32.msk $0xffff, v9  }
0x5c: {  	v10 =	vld [tilespmem:$0x180]  }
0x5d: {  	v11 =	vld [tilespmem:$0x190];
	_ =	sdelay $0x1  }
0x5e: {  	v12 =	vld [tilespmem:$0x1A0];
	_ =	sdelay $0x1  }
0x5f: {  	v13 =	vld [tilespmem:$0x1B0]  }
0x60: {  	v25 =	vmul.f32 v10, v10;
	v26 =	vmul.f32 v11, v11;
	_ =	sdelay $0x1  }
0x61: {  	v27 =	vmul.f32 v12, v12;
	v9 =	vadd.f32 v26, v25;
	_ =	sdelay $0x1  }
0x62: {  	v28 =	vmul.f32 v13, v13;
	v9 =	vadd.f32 v27, v9;
	_ =	sdelay $0x1  }
0x63: {  	v9 =	vadd.f32 v28, v9;
	_ =	sdelay $0x1  }
0x64: {  	(xrf2) =	vadd.scan.msk.f32 $0xffff, v9  }
0x65: {  	v9 =	vimm.s32 $0x3  }
0x66: {  	v29 =	vperm.xlane v22, v9;
	_ =	sdelay $0x1  }
0x67: {  	v14 =	vshll.u32 v29, $0x7  }
0x68: {  	v30 =	vor.u32 v0, v14  }
0x69: {  	v31 =	vor.u32 v1, v14  }
0x6a: {  	v32 =	vor.u32 v2, v14  }
0x6b: {  	v33 =	vor.u32 v3, v14  }
0x6c: {  	v14 =	vor.u32 v4, v14  }
0x6d: {  	[tilespmem:v30+s31+$0x0] =	vst.idx.add.f32.msk $0xffff, v10;
	v19, _, _ =	vpop (xrf2)  }
0x6e: {  	[tilespmem:v31+s31+$0x0] =	vst.idx.add.f32.msk $0xffff, v11;
	v34 =	vbroadcast v19, $0xF  }
0x6f: {  	[tilespmem:v32+s31+$0x0] =	vst.idx.add.f32.msk $0xffff, v12  }
0x70: {  	[tilespmem:v33+s31+$0x0] =	vst.idx.add.f32.msk $0xffff, v13;
	v10 =	vsel vm15, v34, v5  }
0x71: {  	[tilespmem:v14+s31+$0x0] =	vst.idx.add.f32.msk $0xffff, v10  }
0x72: {  	v11 =	vld [tilespmem:$0x200]  }
0x73: {  	v12 =	vld [tilespmem:$0x210];
	_ =	sdelay $0x1  }
0x74: {  	v13 =	vld [tilespmem:$0x220];
	_ =	sdelay $0x1  }
0x75: {  	v14 =	vld [tilespmem:$0x230]  }
0x76: {  	v35 =	vmul.f32 v11, v11;
	v36 =	vmul.f32 v12, v12;
	_ =	sdelay $0x1  }
0x77: {  	v37 =	vmul.f32 v13, v13;
	v10 =	vadd.f32 v36, v35;
	_ =	sdelay $0x1  }
0x78: {  	v38 =	vmul.f32 v14, v14;
	v10 =	vadd.f32 v37, v10;
	_ =	sdelay $0x1  }
0x79: {  	v10 =	vadd.f32 v38, v10;
	_ =	sdelay $0x1  }
0x7a: {  	(xrf2) =	vadd.scan.msk.f32 $0xffff, v10  }
0x7b: {  	v10 =	vimm.s32 $0x4  }
0x7c: {  	v39 =	vperm.xlane v22, v10;
	_ =	sdelay $0x1  }
0x7d: {  	v15 =	vshll.u32 v39, $0x7  }
0x7e: {  	v40 =	vor.u32 v0, v15  }
0x7f: {  	v41 =	vor.u32 v1, v15  }
0x80: {  	v42 =	vor.u32 v2, v15  }
0x81: {  	v43 =	vor.u32 v3, v15  }
0x82: {  	v15 =	vor.u32 v4, v15  }
0x83: {  	[tilespmem:v40+s31+$0x0] =	vst.idx.add.f32.msk $0xffff, v11;
	v20, _, _ =	vpop (xrf2)  }
0x84: {  	[tilespmem:v41+s31+$0x0] =	vst.idx.add.f32.msk $0xffff, v12;
	v44 =	vbroadcast v20, $0xF  }
0x85: {  	[tilespmem:v42+s31+$0x0] =	vst.idx.add.f32.msk $0xffff, v13  }
0x86: {  	[tilespmem:v43+s31+$0x0] =	vst.idx.add.f32.msk $0xffff, v14;
	v11 =	vsel vm15, v44, v5  }
0x87: {  	[tilespmem:v15+s31+$0x0] =	vst.idx.add.f32.msk $0xffff, v11  }
0x88: {  	v12 =	vld [tilespmem:$0x280]  }
0x89: {  	v13 =	vld [tilespmem:$0x290];
	_ =	sdelay $0x1  }
0x8a: {  	v14 =	vld [tilespmem:$0x2A0];
	_ =	sdelay $0x1  }
0x8b: {  	v15 =	vld [tilespmem:$0x2B0]  }
0x8c: {  	v45 =	vmul.f32 v12, v12;
	v46 =	vmul.f32 v13, v13;
	_ =	sdelay $0x1  }
0x8d: {  	v47 =	vmul.f32 v14, v14;
	v11 =	vadd.f32 v46, v45;
	_ =	sdelay $0x1  }
0x8e: {  	v48 =	vmul.f32 v15, v15;
	v11 =	vadd.f32 v47, v11;
	_ =	sdelay $0x1  }
0x8f: {  	v11 =	vadd.f32 v48, v11;
	_ =	sdelay $0x1  }
0x90: {  	(xrf2) =	vadd.scan.msk.f32 $0xffff, v11  }
0x91: {  	v11 =	vimm.s32 $0x5  }
0x92: {  	v49 =	vperm.xlane v22, v11;
	_ =	sdelay $0x1  }
0x93: {  	v16 =	vshll.u32 v49, $0x7  }
0x94: {  	v50 =	vor.u32 v0, v16  }
0x95: {  	v51 =	vor.u32 v1, v16  }
0x96: {  	v52 =	vor.u32 v2, v16  }
0x97: {  	v53 =	vor.u32 v3, v16  }
0x98: {  	v16 =	vor.u32 v4, v16  }
0x99: {  	[tilespmem:v50+s31+$0x0] =	vst.idx.add.f32.msk $0xffff, v12;
	v21, _, _ =	vpop (xrf2)  }
0x9a: {  	[tilespmem:v51+s31+$0x0] =	vst.idx.add.f32.msk $0xffff, v13;
	v54 =	vbroadcast v21, $0xF  }
0x9b: {  	[tilespmem:v52+s31+$0x0] =	vst.idx.add.f32.msk $0xffff, v14  }
0x9c: {  	[tilespmem:v53+s31+$0x0] =	vst.idx.add.f32.msk $0xffff, v15;
	v12 =	vsel vm15, v54, v5  }
0x9d: {  	[tilespmem:v16+s31+$0x0] =	vst.idx.add.f32.msk $0xffff, v12  }
0x9e: {  	v13 =	vld [tilespmem:$0x300]  }
0x9f: {  	v14 =	vld [tilespmem:$0x310];
	_ =	sdelay $0x1  }
0xa0: {  	v15 =	vld [tilespmem:$0x320];
	_ =	sdelay $0x1  }
0xa1: {  	v16 =	vld [tilespmem:$0x330]  }
0xa2: {  	v55 =	vmul.f32 v13, v13;
	v56 =	vmul.f32 v14, v14;
	_ =	sdelay $0x1  }
0xa3: {  	v57 =	vmul.f32 v15, v15;
	v12 =	vadd.f32 v56, v55;
	_ =	sdelay $0x1  }
0xa4: {  	v58 =	vmul.f32 v16, v16;
	v12 =	vadd.f32 v57, v12;
	_ =	sdelay $0x1  }
0xa5: {  	v12 =	vadd.f32 v58, v12;
	_ =	sdelay $0x1  }
0xa6: {  	(xrf2) =	vadd.scan.msk.f32 $0xffff, v12  }
0xa7: {  	v12 =	vimm.s32 $0x6  }
0xa8: {  	v59 =	vperm.xlane v22, v12;
	_ =	sdelay $0x1  }
0xa9: {  	v17 =	vshll.u32 v59, $0x7  }
0xaa: {  	v60 =	vor.u32 v0, v17  }
0xab: {  	v61 =	vor.u32 v1, v17  }
0xac: {  	v62 =	vor.u32 v2, v17  }
0xad: {  	v63 =	vor.u32 v3, v17  }
0xae: {  	v17 =	vor.u32 v4, v17  }
0xaf: {  	[tilespmem:v60+s31+$0x0] =	vst.idx.add.f32.msk $0xffff, v13;
	v23, _, _ =	vpop (xrf2)  }
0xb0: {  	[tilespmem:v61+s31+$0x0] =	vst.idx.add.f32.msk $0xffff, v14;
	v24 =	vbroadcast v23, $0xF  }
0xb1: {  	[tilespmem:v62+s31+$0x0] =	vst.idx.add.f32.msk $0xffff, v15  }
0xb2: {  	[tilespmem:v63+s31+$0x0] =	vst.idx.add.f32.msk $0xffff, v16;
	v13 =	vsel vm15, v24, v5  }
0xb3: {  	[tilespmem:v17+s31+$0x0] =	vst.idx.add.f32.msk $0xffff, v13  }
0xb4: {  	v14 =	vld [tilespmem:$0x380]  }
0xb5: {  	v15 =	vld [tilespmem:$0x390];
	_ =	sdelay $0x1  }
0xb6: {  	v16 =	vld [tilespmem:$0x3A0];
	_ =	sdelay $0x1  }
0xb7: {  	v17 =	vld [tilespmem:$0x3B0]  }
0xb8: {  	v25 =	vmul.f32 v14, v14;
	v26 =	vmul.f32 v15, v15;
	_ =	sdelay $0x1  }
0xb9: {  	v27 =	vmul.f32 v16, v16;
	v13 =	vadd.f32 v26, v25;
	_ =	sdelay $0x1  }
0xba: {  	v28 =	vmul.f32 v17, v17;
	v13 =	vadd.f32 v27, v13;
	_ =	sdelay $0x1  }
0xbb: {  	v13 =	vadd.f32 v28, v13;
	_ =	sdelay $0x1  }
0xbc: {  	(xrf2) =	vadd.scan.msk.f32 $0xffff, v13  }
0xbd: {  	v13 =	vimm.s32 $0x7  }
0xbe: {  	v29 =	vperm.xlane v22, v13;
	_ =	sdelay $0x1  }
0xbf: {  	v18 =	vshll.u32 v29, $0x7  }
0xc0: {  	v30 =	vor.u32 v0, v18  }
0xc1: {  	v31 =	vor.u32 v1, v18  }
0xc2: {  	v32 =	vor.u32 v2, v18  }
0xc3: {  	v33 =	vor.u32 v3, v18  }
0xc4: {  	v18 =	vor.u32 v4, v18  }
0xc5: {  	[tilespmem:v30+s31+$0x0] =	vst.idx.add.f32.msk $0xffff, v14;
	v24, _, _ =	vpop (xrf2)  }
0xc6: {  	[tilespmem:v31+s31+$0x0] =	vst.idx.add.f32.msk $0xffff, v15;
	v34 =	vbroadcast v24, $0xF  }
0xc7: {  	[tilespmem:v32+s31+$0x0] =	vst.idx.add.f32.msk $0xffff, v16  }
0xc8: {  	[tilespmem:v33+s31+$0x0] =	vst.idx.add.f32.msk $0xffff, v17;
	v14 =	vsel vm15, v34, v5  }
0xc9: {  	[tilespmem:v18+s31+$0x0] =	vst.idx.add.f32.msk $0xffff, v14  }
0xca: {  	v15 =	vld [tilespmem:$0x400]  }
0xcb: {  	v16 =	vld [tilespmem:$0x410];
	_ =	sdelay $0x1  }
0xcc: {  	v17 =	vld [tilespmem:$0x420];
	_ =	sdelay $0x1  }
0xcd: {  	v18 =	vld [tilespmem:$0x430]  }
0xce: {  	v35 =	vmul.f32 v15, v15;
	v36 =	vmul.f32 v16, v16;
	_ =	sdelay $0x1  }
0xcf: {  	v37 =	vmul.f32 v17, v17;
	v14 =	vadd.f32 v36, v35;
	_ =	sdelay $0x1  }
0xd0: {  	v38 =	vmul.f32 v18, v18;
	v14 =	vadd.f32 v37, v14;
	_ =	sdelay $0x1  }
0xd1: {  	v14 =	vadd.f32 v38, v14;
	_ =	sdelay $0x1  }
0xd2: {  	(xrf2) =	vadd.scan.msk.f32 $0xffff, v14  }
0xd3: {  	v14 =	vimm.s32 $0x8  }
0xd4: {  	v39 =	vperm.xlane v22, v14;
	_ =	sdelay $0x1  }
0xd5: {  	v19 =	vshll.u32 v39, $0x7  }
0xd6: {  	v40 =	vor.u32 v0, v19  }
0xd7: {  	v41 =	vor.u32 v1, v19  }
0xd8: {  	v42 =	vor.u32 v2, v19  }
0xd9: {  	v43 =	vor.u32 v3, v19  }
0xda: {  	v19 =	vor.u32 v4, v19  }
0xdb: {  	[tilespmem:v40+s31+$0x0] =	vst.idx.add.f32.msk $0xffff, v15;
	v25, _, _ =	vpop (xrf2)  }
0xdc: {  	[tilespmem:v41+s31+$0x0] =	vst.idx.add.f32.msk $0xffff, v16;
	v44 =	vbroadcast v25, $0xF  }
0xdd: {  	[tilespmem:v42+s31+$0x0] =	vst.idx.add.f32.msk $0xffff, v17  }
0xde: {  	[tilespmem:v43+s31+$0x0] =	vst.idx.add.f32.msk $0xffff, v18;
	v15 =	vsel vm15, v44, v5  }
0xdf: {  	[tilespmem:v19+s31+$0x0] =	vst.idx.add.f32.msk $0xffff, v15  }
0xe0: {  	v16 =	vld [tilespmem:$0x480]  }
0xe1: {  	v17 =	vld [tilespmem:$0x490];
	_ =	sdelay $0x1  }
0xe2: {  	v18 =	vld [tilespmem:$0x4A0];
	_ =	sdelay $0x1  }
0xe3: {  	v19 =	vld [tilespmem:$0x4B0]  }
0xe4: {  	v45 =	vmul.f32 v16, v16;
	v46 =	vmul.f32 v17, v17;
	_ =	sdelay $0x1  }
0xe5: {  	v47 =	vmul.f32 v18, v18;
	v15 =	vadd.f32 v46, v45;
	_ =	sdelay $0x1  }
0xe6: {  	v48 =	vmul.f32 v19, v19;
	v15 =	vadd.f32 v47, v15;
	_ =	sdelay $0x1  }
0xe7: {  	v15 =	vadd.f32 v48, v15;
	_ =	sdelay $0x1  }
0xe8: {  	(xrf2) =	vadd.scan.msk.f32 $0xffff, v15  }
0xe9: {  	v15 =	vimm.s32 $0x9  }
0xea: {  	v49 =	vperm.xlane v22, v15;
	_ =	sdelay $0x1  }
0xeb: {  	v20 =	vshll.u32 v49, $0x7  }
0xec: {  	v50 =	vor.u32 v0, v20  }
0xed: {  	v51 =	vor.u32 v1, v20  }
0xee: {  	v52 =	vor.u32 v2, v20  }
0xef: {  	v53 =	vor.u32 v3, v20  }
0xf0: {  	v20 =	vor.u32 v4, v20  }
0xf1: {  	[tilespmem:v50+s31+$0x0] =	vst.idx.add.f32.msk $0xffff, v16;
	v26, _, _ =	vpop (xrf2)  }
0xf2: {  	[tilespmem:v51+s31+$0x0] =	vst.idx.add.f32.msk $0xffff, v17;
	v54 =	vbroadcast v26, $0xF  }
0xf3: {  	[tilespmem:v52+s31+$0x0] =	vst.idx.add.f32.msk $0xffff, v18  }
0xf4: {  	[tilespmem:v53+s31+$0x0] =	vst.idx.add.f32.msk $0xffff, v19;
	v16 =	vsel vm15, v54, v5  }
0xf5: {  	[tilespmem:v20+s31+$0x0] =	vst.idx.add.f32.msk $0xffff, v16  }
0xf6: {  	v17 =	vld [tilespmem:$0x500]  }
0xf7: {  	v18 =	vld [tilespmem:$0x510];
	_ =	sdelay $0x1  }
0xf8: {  	v19 =	vld [tilespmem:$0x520];
	_ =	sdelay $0x1  }
0xf9: {  	v20 =	vld [tilespmem:$0x530]  }
0xfa: {  	v55 =	vmul.f32 v17, v17;
	v56 =	vmul.f32 v18, v18;
	_ =	sdelay $0x1  }
0xfb: {  	v57 =	vmul.f32 v19, v19;
	v16 =	vadd.f32 v56, v55;
	_ =	sdelay $0x1  }
0xfc: {  	v58 =	vmul.f32 v20, v20;
	v16 =	vadd.f32 v57, v16;
	_ =	sdelay $0x1  }
0xfd: {  	v16 =	vadd.f32 v58, v16;
	_ =	sdelay $0x1  }
0xfe: {  	(xrf2) =	vadd.scan.msk.f32 $0xffff, v16  }
0xff: {  	v16 =	vimm.s32 $0xA  }
0x100: {  	v59 =	vperm.xlane v22, v16;
	_ =	sdelay $0x1  }
0x101: {  	v21 =	vshll.u32 v59, $0x7  }
0x102: {  	v60 =	vor.u32 v0, v21  }
0x103: {  	v61 =	vor.u32 v1, v21  }
0x104: {  	v62 =	vor.u32 v2, v21  }
0x105: {  	v63 =	vor.u32 v3, v21  }
0x106: {  	v21 =	vor.u32 v4, v21  }
0x107: {  	[tilespmem:v60+s31+$0x0] =	vst.idx.add.f32.msk $0xffff, v17;
	v27, _, _ =	vpop (xrf2)  }
0x108: {  	[tilespmem:v61+s31+$0x0] =	vst.idx.add.f32.msk $0xffff, v18;
	v23 =	vbroadcast v27, $0xF  }
0x109: {  	[tilespmem:v62+s31+$0x0] =	vst.idx.add.f32.msk $0xffff, v19  }
0x10a: {  	[tilespmem:v63+s31+$0x0] =	vst.idx.add.f32.msk $0xffff, v20;
	v17 =	vsel vm15, v23, v5  }
0x10b: {  	[tilespmem:v21+s31+$0x0] =	vst.idx.add.f32.msk $0xffff, v17  }
0x10c: {  	v18 =	vld [tilespmem:$0x580]  }
0x10d: {  	v19 =	vld [tilespmem:$0x590];
	_ =	sdelay $0x1  }
0x10e: {  	v20 =	vld [tilespmem:$0x5A0];
	_ =	sdelay $0x1  }
0x10f: {  	v21 =	vld [tilespmem:$0x5B0]  }
0x110: {  	v27 =	vmul.f32 v18, v18;
	v28 =	vmul.f32 v19, v19;
	_ =	sdelay $0x1  }
0x111: {  	v29 =	vmul.f32 v20, v20;
	v17 =	vadd.f32 v28, v27;
	_ =	sdelay $0x1  }
0x112: {  	v30 =	vmul.f32 v21, v21;
	v17 =	vadd.f32 v29, v17;
	_ =	sdelay $0x1  }
0x113: {  	v17 =	vadd.f32 v30, v17;
	_ =	sdelay $0x1  }
0x114: {  	(xrf2) =	vadd.scan.msk.f32 $0xffff, v17  }
0x115: {  	v17 =	vimm.s32 $0xB  }
0x116: {  	v31 =	vperm.xlane v22, v17;
	_ =	sdelay $0x1  }
0x117: {  	v23 =	vshll.u32 v31, $0x7  }
0x118: {  	v32 =	vor.u32 v0, v23  }
0x119: {  	v33 =	vor.u32 v1, v23  }
0x11a: {  	v34 =	vor.u32 v2, v23  }
0x11b: {  	v35 =	vor.u32 v3, v23  }
0x11c: {  	v23 =	vor.u32 v4, v23  }
0x11d: {  	[tilespmem:v32+s31+$0x0] =	vst.idx.add.f32.msk $0xffff, v18;
	v28, _, _ =	vpop (xrf2)  }
0x11e: {  	[tilespmem:v33+s31+$0x0] =	vst.idx.add.f32.msk $0xffff, v19;
	v36 =	vbroadcast v28, $0xF  }
0x11f: {  	[tilespmem:v34+s31+$0x0] =	vst.idx.add.f32.msk $0xffff, v20  }
0x120: {  	[tilespmem:v35+s31+$0x0] =	vst.idx.add.f32.msk $0xffff, v21;
	v18 =	vsel vm15, v36, v5  }
0x121: {  	[tilespmem:v23+s31+$0x0] =	vst.idx.add.f32.msk $0xffff, v18  }
0x122: {  	v19 =	vld [tilespmem:$0x600]  }
0x123: {  	v20 =	vld [tilespmem:$0x610];
	_ =	sdelay $0x1  }
0x124: {  	v21 =	vld [tilespmem:$0x620];
	_ =	sdelay $0x1  }
0x125: {  	v23 =	vld [tilespmem:$0x630]  }
0x126: {  	v37 =	vmul.f32 v19, v19;
	v38 =	vmul.f32 v20, v20;
	_ =	sdelay $0x1  }
0x127: {  	v39 =	vmul.f32 v21, v21;
	v18 =	vadd.f32 v38, v37;
	_ =	sdelay $0x1  }
0x128: {  	v40 =	vmul.f32 v23, v23;
	v18 =	vadd.f32 v39, v18;
	_ =	sdelay $0x1  }
0x129: {  	v18 =	vadd.f32 v40, v18;
	_ =	sdelay $0x1  }
0x12a: {  	(xrf2) =	vadd.scan.msk.f32 $0xffff, v18  }
0x12b: {  	v18 =	vimm.s32 $0xC  }
0x12c: {  	v41 =	vperm.xlane v22, v18;
	_ =	sdelay $0x1  }
0x12d: {  	v24 =	vshll.u32 v41, $0x7  }
0x12e: {  	v42 =	vor.u32 v0, v24  }
0x12f: {  	v43 =	vor.u32 v1, v24  }
0x130: {  	v44 =	vor.u32 v2, v24  }
0x131: {  	v45 =	vor.u32 v3, v24  }
0x132: {  	v24 =	vor.u32 v4, v24  }
0x133: {  	[tilespmem:v42+s31+$0x0] =	vst.idx.add.f32.msk $0xffff, v19;
	v29, _, _ =	vpop (xrf2)  }
0x134: {  	[tilespmem:v43+s31+$0x0] =	vst.idx.add.f32.msk $0xffff, v20;
	v46 =	vbroadcast v29, $0xF  }
0x135: {  	[tilespmem:v44+s31+$0x0] =	vst.idx.add.f32.msk $0xffff, v21  }
0x136: {  	[tilespmem:v45+s31+$0x0] =	vst.idx.add.f32.msk $0xffff, v23;
	v19 =	vsel vm15, v46, v5  }
0x137: {  	[tilespmem:v24+s31+$0x0] =	vst.idx.add.f32.msk $0xffff, v19  }
0x138: {  	v20 =	vld [tilespmem:$0x680]  }
0x139: {  	v21 =	vld [tilespmem:$0x690];
	_ =	sdelay $0x1  }
0x13a: {  	v23 =	vld [tilespmem:$0x6A0];
	_ =	sdelay $0x1  }
0x13b: {  	v24 =	vld [tilespmem:$0x6B0]  }
0x13c: {  	v47 =	vmul.f32 v20, v20;
	v48 =	vmul.f32 v21, v21;
	_ =	sdelay $0x1  }
0x13d: {  	v49 =	vmul.f32 v23, v23;
	v19 =	vadd.f32 v48, v47;
	_ =	sdelay $0x1  }
0x13e: {  	v50 =	vmul.f32 v24, v24;
	v19 =	vadd.f32 v49, v19;
	_ =	sdelay $0x1  }
0x13f: {  	v19 =	vadd.f32 v50, v19;
	_ =	sdelay $0x1  }
0x140: {  	(xrf2) =	vadd.scan.msk.f32 $0xffff, v19  }
0x141: {  	v19 =	vimm.s32 $0xD  }
0x142: {  	v51 =	vperm.xlane v22, v19;
	_ =	sdelay $0x1  }
0x143: {  	v25 =	vshll.u32 v51, $0x7  }
0x144: {  	v52 =	vor.u32 v0, v25  }
0x145: {  	v53 =	vor.u32 v1, v25  }
0x146: {  	v54 =	vor.u32 v2, v25  }
0x147: {  	v55 =	vor.u32 v3, v25  }
0x148: {  	v25 =	vor.u32 v4, v25  }
0x149: {  	[tilespmem:v52+s31+$0x0] =	vst.idx.add.f32.msk $0xffff, v20;
	v30, _, _ =	vpop (xrf2)  }
0x14a: {  	[tilespmem:v53+s31+$0x0] =	vst.idx.add.f32.msk $0xffff, v21;
	v56 =	vbroadcast v30, $0xF  }
0x14b: {  	[tilespmem:v54+s31+$0x0] =	vst.idx.add.f32.msk $0xffff, v23  }
0x14c: {  	[tilespmem:v55+s31+$0x0] =	vst.idx.add.f32.msk $0xffff, v24;
	v20 =	vsel vm15, v56, v5  }
0x14d: {  	[tilespmem:v25+s31+$0x0] =	vst.idx.add.f32.msk $0xffff, v20  }
0x14e: {  	v21 =	vld [tilespmem:$0x700]  }
0x14f: {  	v23 =	vld [tilespmem:$0x710];
	_ =	sdelay $0x1  }
0x150: {  	v24 =	vld [tilespmem:$0x720];
	_ =	sdelay $0x1  }
0x151: {  	v25 =	vld [tilespmem:$0x730]  }
0x152: {  	v57 =	vmul.f32 v21, v21;
	v58 =	vmul.f32 v23, v23;
	_ =	sdelay $0x1  }
0x153: {  	v59 =	vmul.f32 v24, v24;
	v20 =	vadd.f32 v58, v57;
	_ =	sdelay $0x1  }
0x154: {  	v60 =	vmul.f32 v25, v25;
	v20 =	vadd.f32 v59, v20;
	_ =	sdelay $0x1  }
0x155: {  	v20 =	vadd.f32 v60, v20;
	_ =	sdelay $0x1  }
0x156: {  	(xrf2) =	vadd.scan.msk.f32 $0xffff, v20  }
0x157: {  	v20 =	vimm.s32 $0xE  }
0x158: {  	v61 =	vperm.xlane v22, v20;
	_ =	sdelay $0x1  }
0x159: {  	v26 =	vshll.u32 v61, $0x7  }
0x15a: {  	v62 =	vor.u32 v0, v26  }
0x15b: {  	v63 =	vor.u32 v1, v26  }
0x15c: {  	v33 =	vor.u32 v2, v26  }
0x15d: {  	v34 =	vor.u32 v3, v26  }
0x15e: {  	v26 =	vor.u32 v4, v26  }
0x15f: {  	[tilespmem:v62+s31+$0x0] =	vst.idx.add.f32.msk $0xffff, v21;
	v31, _, _ =	vpop (xrf2)  }
0x160: {  	[tilespmem:v63+s31+$0x0] =	vst.idx.add.f32.msk $0xffff, v23;
	v35 =	vbroadcast v31, $0xF  }
0x161: {  	[tilespmem:v33+s31+$0x0] =	vst.idx.add.f32.msk $0xffff, v24  }
0x162: {  	[tilespmem:v34+s31+$0x0] =	vst.idx.add.f32.msk $0xffff, v25;
	v21 =	vsel vm15, v35, v5  }
0x163: {  	[tilespmem:v26+s31+$0x0] =	vst.idx.add.f32.msk $0xffff, v21  }
0x164: {  	v23 =	vld [tilespmem:$0x780]  }
0x165: {  	v24 =	vld [tilespmem:$0x790];
	_ =	sdelay $0x1  }
0x166: {  	v25 =	vld [tilespmem:$0x7A0];
	_ =	sdelay $0x1  }
0x167: {  	v26 =	vld [tilespmem:$0x7B0]  }
0x168: {  	v36 =	vmul.f32 v23, v23;
	v37 =	vmul.f32 v24, v24;
	_ =	sdelay $0x1  }
0x169: {  	v38 =	vmul.f32 v25, v25;
	v21 =	vadd.f32 v37, v36;
	_ =	sdelay $0x1  }
0x16a: {  	v39 =	vmul.f32 v26, v26;
	v21 =	vadd.f32 v38, v21;
	_ =	sdelay $0x1  }
0x16b: {  	v21 =	vadd.f32 v39, v21;
	_ =	sdelay $0x1  }
0x16c: {  	(xrf2) =	vadd.scan.msk.f32 $0xffff, v21  }
0x16d: {  	v21 =	vimm.s32 $0xF  }
0x16e: {  	v22 =	vperm.xlane v22, v21;
	_ =	sdelay $0x1  }
0x16f: {  	v22 =	vshll.u32 v22, $0x7  }
0x170: {  	v40 =	vor.u32 v0, v22  }
0x171: {  	v41 =	vor.u32 v1, v22  }
0x172: {  	v42 =	vor.u32 v2, v22  }
0x173: {  	v43 =	vor.u32 v3, v22  }
0x174: {  	v22 =	vor.u32 v4, v22  }
0x175: {  	[tilespmem:v40+s31+$0x0] =	vst.idx.add.f32.msk $0xffff, v23;
	v44, _, _ =	vpop (xrf2)  }
0x176: {  	[tilespmem:v41+s31+$0x0] =	vst.idx.add.f32.msk $0xffff, v24;
	v45 =	vbroadcast v44, $0xF  }
0x177: {  	[tilespmem:v42+s31+$0x0] =	vst.idx.add.f32.msk $0xffff, v25  }
0x178: {  	[tilespmem:v43+s31+$0x0] =	vst.idx.add.f32.msk $0xffff, v26;
	v23 =	vsel vm15, v45, v5  }
0x179: {  	[tilespmem:v22+s31+$0x0] =	vst.idx.add.f32.msk $0xffff, v23  }
0x17a: {  	v23 =	vld [tilespmem:$0x800]  }
0x17b: {  	v24 =	vld [tilespmem:$0x810];
	_ =	sdelay $0x1  }
0x17c: {  	v25 =	vld [tilespmem:$0x820];
	_ =	sdelay $0x1  }
0x17d: {  	v26 =	vld [tilespmem:$0x830]  }
0x17e: {  	v46 =	vmul.f32 v23, v23;
	v47 =	vmul.f32 v24, v24;
	_ =	sdelay $0x1  }
0x17f: {  	v48 =	vmul.f32 v25, v25;
	v22 =	vadd.f32 v47, v46;
	_ =	sdelay $0x1  }
0x180: {  	v49 =	vmul.f32 v26, v26;
	v27 =	vadd.f32 v48, v22  }
0x181: {  	v22 =	vld [tilespmem:$0x2010]  }
0x182: {  	v27 =	vadd.f32 v49, v27;
	_ =	sdelay $0x1  }
0x183: {  	(xrf2) =	vadd.scan.msk.f32 $0xffff, v27;
	_ =	sdelay $0x1  }
0x184: {  	v50 =	vperm.xlane v22, v6;
	_ =	sdelay $0x1  }
0x185: {  	v27 =	vshll.u32 v50, $0x7  }
0x186: {  	v51 =	vor.u32 v0, v27  }
0x187: {  	v52 =	vor.u32 v1, v27  }
0x188: {  	v53 =	vor.u32 v2, v27  }
0x189: {  	v54 =	vor.u32 v3, v27  }
0x18a: {  	v27 =	vor.u32 v4, v27  }
0x18b: {  	[tilespmem:v51+s31+$0x0] =	vst.idx.add.f32.msk $0xffff, v23;
	v55, _, _ =	vpop (xrf2)  }
0x18c: {  	[tilespmem:v52+s31+$0x0] =	vst.idx.add.f32.msk $0xffff, v24;
	v23 =	vbroadcast v55, $0xF  }
0x18d: {  	[tilespmem:v53+s31+$0x0] =	vst.idx.add.f32.msk $0xffff, v25  }
0x18e: {  	[tilespmem:v54+s31+$0x0] =	vst.idx.add.f32.msk $0xffff, v26;
	v23 =	vsel vm15, v23, v5  }
0x18f: {  	[tilespmem:v27+s31+$0x0] =	vst.idx.add.f32.msk $0xffff, v23  }
0x190: {  	v23 =	vld [tilespmem:$0x880]  }
0x191: {  	v24 =	vld [tilespmem:$0x890];
	_ =	sdelay $0x1  }
0x192: {  	v25 =	vld [tilespmem:$0x8A0];
	_ =	sdelay $0x1  }
0x193: {  	v26 =	vld [tilespmem:$0x8B0]  }
0x194: {  	v56 =	vmul.f32 v23, v23;
	v57 =	vmul.f32 v24, v24;
	_ =	sdelay $0x1  }
0x195: {  	v58 =	vmul.f32 v25, v25;
	v27 =	vadd.f32 v57, v56;
	_ =	sdelay $0x1  }
0x196: {  	v59 =	vmul.f32 v26, v26;
	v27 =	vadd.f32 v58, v27;
	_ =	sdelay $0x1  }
0x197: {  	v27 =	vadd.f32 v59, v27;
	_ =	sdelay $0x1  }
0x198: {  	(xrf2) =	vadd.scan.msk.f32 $0xffff, v27;
	_ =	sdelay $0x1  }
0x199: {  	v60 =	vperm.xlane v22, v7;
	_ =	sdelay $0x1  }
0x19a: {  	v27 =	vshll.u32 v60, $0x7  }
0x19b: {  	v61 =	vor.u32 v0, v27  }
0x19c: {  	v62 =	vor.u32 v1, v27  }
0x19d: {  	v63 =	vor.u32 v2, v27  }
0x19e: {  	v33 =	vor.u32 v3, v27  }
0x19f: {  	v27 =	vor.u32 v4, v27  }
0x1a0: {  	[tilespmem:v61+s31+$0x0] =	vst.idx.add.f32.msk $0xffff, v23;
	v34, _, _ =	vpop (xrf2)  }
0x1a1: {  	[tilespmem:v62+s31+$0x0] =	vst.idx.add.f32.msk $0xffff, v24;
	v23 =	vbroadcast v34, $0xF  }
0x1a2: {  	[tilespmem:v63+s31+$0x0] =	vst.idx.add.f32.msk $0xffff, v25  }
0x1a3: {  	[tilespmem:v33+s31+$0x0] =	vst.idx.add.f32.msk $0xffff, v26;
	v23 =	vsel vm15, v23, v5  }
0x1a4: {  	[tilespmem:v27+s31+$0x0] =	vst.idx.add.f32.msk $0xffff, v23  }
0x1a5: {  	v23 =	vld [tilespmem:$0x900]  }
0x1a6: {  	v24 =	vld [tilespmem:$0x910];
	_ =	sdelay $0x1  }
0x1a7: {  	v25 =	vld [tilespmem:$0x920];
	_ =	sdelay $0x1  }
0x1a8: {  	v26 =	vld [tilespmem:$0x930]  }
0x1a9: {  	v35 =	vmul.f32 v23, v23;
	v36 =	vmul.f32 v24, v24;
	_ =	sdelay $0x1  }
0x1aa: {  	v37 =	vmul.f32 v25, v25;
	v27 =	vadd.f32 v36, v35;
	_ =	sdelay $0x1  }
0x1ab: {  	v38 =	vmul.f32 v26, v26;
	v27 =	vadd.f32 v37, v27;
	_ =	sdelay $0x1  }
0x1ac: {  	v27 =	vadd.f32 v38, v27;
	_ =	sdelay $0x1  }
0x1ad: {  	(xrf2) =	vadd.scan.msk.f32 $0xffff, v27;
	_ =	sdelay $0x1  }
0x1ae: {  	v39 =	vperm.xlane v22, v8;
	_ =	sdelay $0x1  }
0x1af: {  	v27 =	vshll.u32 v39, $0x7  }
0x1b0: {  	v40 =	vor.u32 v0, v27  }
0x1b1: {  	v41 =	vor.u32 v1, v27  }
0x1b2: {  	v42 =	vor.u32 v2, v27  }
0x1b3: {  	v43 =	vor.u32 v3, v27  }
0x1b4: {  	v27 =	vor.u32 v4, v27  }
0x1b5: {  	[tilespmem:v40+s31+$0x0] =	vst.idx.add.f32.msk $0xffff, v23;
	v44, _, _ =	vpop (xrf2)  }
0x1b6: {  	[tilespmem:v41+s31+$0x0] =	vst.idx.add.f32.msk $0xffff, v24;
	v23 =	vbroadcast v44, $0xF  }
0x1b7: {  	[tilespmem:v42+s31+$0x0] =	vst.idx.add.f32.msk $0xffff, v25  }
0x1b8: {  	[tilespmem:v43+s31+$0x0] =	vst.idx.add.f32.msk $0xffff, v26;
	v23 =	vsel vm15, v23, v5  }
0x1b9: {  	[tilespmem:v27+s31+$0x0] =	vst.idx.add.f32.msk $0xffff, v23  }
0x1ba: {  	v23 =	vld [tilespmem:$0x980]  }
0x1bb: {  	v45 =	vld [tilespmem:$0x990];
	_ =	sdelay $0x1  }
0x1bc: {  	v25 =	vld [tilespmem:$0x9A0];
	_ =	sdelay $0x1  }
0x1bd: {  	v26 =	vld [tilespmem:$0x9B0]  }
0x1be: {  	v46 =	vmul.f32 v23, v23;
	v47 =	vmul.f32 v45, v45;
	_ =	sdelay $0x1  }
0x1bf: {  	v48 =	vmul.f32 v25, v25;
	v27 =	vadd.f32 v47, v46;
	_ =	sdelay $0x1  }
0x1c0: {  	v49 =	vmul.f32 v26, v26;
	v27 =	vadd.f32 v48, v27;
	_ =	sdelay $0x1  }
0x1c1: {  	v27 =	vadd.f32 v49, v27;
	_ =	sdelay $0x1  }
0x1c2: {  	(xrf2) =	vadd.scan.msk.f32 $0xffff, v27;
	_ =	sdelay $0x1  }
0x1c3: {  	v50 =	vperm.xlane v22, v9;
	_ =	sdelay $0x1  }
0x1c4: {  	v27 =	vshll.u32 v50, $0x7  }
0x1c5: {  	v51 =	vor.u32 v0, v27  }
0x1c6: {  	v52 =	vor.u32 v1, v27  }
0x1c7: {  	v53 =	vor.u32 v2, v27  }
0x1c8: {  	v54 =	vor.u32 v3, v27  }
0x1c9: {  	v27 =	vor.u32 v4, v27  }
0x1ca: {  	[tilespmem:v51+s31+$0x0] =	vst.idx.add.f32.msk $0xffff, v23;
	v55, _, _ =	vpop (xrf2)  }
0x1cb: {  	[tilespmem:v52+s31+$0x0] =	vst.idx.add.f32.msk $0xffff, v45;
	v23 =	vbroadcast v55, $0xF  }
0x1cc: {  	[tilespmem:v53+s31+$0x0] =	vst.idx.add.f32.msk $0xffff, v25  }
0x1cd: {  	[tilespmem:v54+s31+$0x0] =	vst.idx.add.f32.msk $0xffff, v26;
	v23 =	vsel vm15, v23, v5  }
0x1ce: {  	[tilespmem:v27+s31+$0x0] =	vst.idx.add.f32.msk $0xffff, v23  }
0x1cf: {  	v23 =	vld [tilespmem:$0xA00]  }
0x1d0: {  	v24 =	vld [tilespmem:$0xA10];
	_ =	sdelay $0x1  }
0x1d1: {  	v25 =	vld [tilespmem:$0xA20];
	_ =	sdelay $0x1  }
0x1d2: {  	v26 =	vld [tilespmem:$0xA30]  }
0x1d3: {  	v56 =	vmul.f32 v23, v23;
	v57 =	vmul.f32 v24, v24;
	_ =	sdelay $0x1  }
0x1d4: {  	v58 =	vmul.f32 v25, v25;
	v27 =	vadd.f32 v57, v56;
	_ =	sdelay $0x1  }
0x1d5: {  	v59 =	vmul.f32 v26, v26;
	v27 =	vadd.f32 v58, v27;
	_ =	sdelay $0x1  }
0x1d6: {  	v27 =	vadd.f32 v59, v27;
	_ =	sdelay $0x1  }
0x1d7: {  	(xrf2) =	vadd.scan.msk.f32 $0xffff, v27;
	_ =	sdelay $0x1  }
0x1d8: {  	v60 =	vperm.xlane v22, v10;
	_ =	sdelay $0x1  }
0x1d9: {  	v27 =	vshll.u32 v60, $0x7  }
0x1da: {  	v61 =	vor.u32 v0, v27  }
0x1db: {  	v62 =	vor.u32 v1, v27  }
0x1dc: {  	v63 =	vor.u32 v2, v27  }
0x1dd: {  	v33 =	vor.u32 v3, v27  }
0x1de: {  	v27 =	vor.u32 v4, v27  }
0x1df: {  	[tilespmem:v61+s31+$0x0] =	vst.idx.add.f32.msk $0xffff, v23;
	v34, _, _ =	vpop (xrf2)  }
0x1e0: {  	[tilespmem:v62+s31+$0x0] =	vst.idx.add.f32.msk $0xffff, v24;
	v23 =	vbroadcast v34, $0xF  }
0x1e1: {  	[tilespmem:v63+s31+$0x0] =	vst.idx.add.f32.msk $0xffff, v25  }
0x1e2: {  	[tilespmem:v33+s31+$0x0] =	vst.idx.add.f32.msk $0xffff, v26;
	v23 =	vsel vm15, v23, v5  }
0x1e3: {  	[tilespmem:v27+s31+$0x0] =	vst.idx.add.f32.msk $0xffff, v23  }
0x1e4: {  	v23 =	vld [tilespmem:$0xA80]  }
0x1e5: {  	v24 =	vld [tilespmem:$0xA90];
	_ =	sdelay $0x1  }
0x1e6: {  	v25 =	vld [tilespmem:$0xAA0];
	_ =	sdelay $0x1  }
0x1e7: {  	v26 =	vld [tilespmem:$0xAB0]  }
0x1e8: {  	v35 =	vmul.f32 v23, v23;
	v36 =	vmul.f32 v24, v24;
	_ =	sdelay $0x1  }
0x1e9: {  	v37 =	vmul.f32 v25, v25;
	v27 =	vadd.f32 v36, v35;
	_ =	sdelay $0x1  }
0x1ea: {  	v38 =	vmul.f32 v26, v26;
	v27 =	vadd.f32 v37, v27;
	_ =	sdelay $0x1  }
0x1eb: {  	v27 =	vadd.f32 v38, v27;
	_ =	sdelay $0x1  }
0x1ec: {  	(xrf2) =	vadd.scan.msk.f32 $0xffff, v27;
	_ =	sdelay $0x1  }
0x1ed: {  	v39 =	vperm.xlane v22, v11;
	_ =	sdelay $0x1  }
0x1ee: {  	v27 =	vshll.u32 v39, $0x7  }
0x1ef: {  	v40 =	vor.u32 v0, v27  }
0x1f0: {  	v41 =	vor.u32 v1, v27  }
0x1f1: {  	v42 =	vor.u32 v2, v27  }
0x1f2: {  	v43 =	vor.u32 v3, v27  }
0x1f3: {  	v27 =	vor.u32 v4, v27  }
0x1f4: {  	[tilespmem:v40+s31+$0x0] =	vst.idx.add.f32.msk $0xffff, v23;
	v44, _, _ =	vpop (xrf2)  }
0x1f5: {  	[tilespmem:v41+s31+$0x0] =	vst.idx.add.f32.msk $0xffff, v24;
	v23 =	vbroadcast v44, $0xF  }
0x1f6: {  	[tilespmem:v42+s31+$0x0] =	vst.idx.add.f32.msk $0xffff, v25  }
0x1f7: {  	[tilespmem:v43+s31+$0x0] =	vst.idx.add.f32.msk $0xffff, v26;
	v23 =	vsel vm15, v23, v5  }
0x1f8: {  	[tilespmem:v27+s31+$0x0] =	vst.idx.add.f32.msk $0xffff, v23  }
0x1f9: {  	v23 =	vld [tilespmem:$0xB00]  }
0x1fa: {  	v24 =	vld [tilespmem:$0xB10];
	_ =	sdelay $0x1  }
0x1fb: {  	v25 =	vld [tilespmem:$0xB20];
	_ =	sdelay $0x1  }
0x1fc: {  	v26 =	vld [tilespmem:$0xB30]  }
0x1fd: {  	v45 =	vmul.f32 v23, v23;
	v46 =	vmul.f32 v24, v24;
	_ =	sdelay $0x1  }
0x1fe: {  	v47 =	vmul.f32 v25, v25;
	v27 =	vadd.f32 v46, v45;
	_ =	sdelay $0x1  }
0x1ff: {  	v48 =	vmul.f32 v26, v26;
	v27 =	vadd.f32 v47, v27;
	_ =	sdelay $0x1  }
0x200: {  	v27 =	vadd.f32 v48, v27;
	_ =	sdelay $0x1  }
0x201: {  	(xrf2) =	vadd.scan.msk.f32 $0xffff, v27;
	_ =	sdelay $0x1  }
0x202: {  	v49 =	vperm.xlane v22, v12;
	_ =	sdelay $0x1  }
0x203: {  	v27 =	vshll.u32 v49, $0x7  }
0x204: {  	v50 =	vor.u32 v0, v27  }
0x205: {  	v51 =	vor.u32 v1, v27  }
0x206: {  	v52 =	vor.u32 v2, v27  }
0x207: {  	v53 =	vor.u32 v3, v27  }
0x208: {  	v27 =	vor.u32 v4, v27  }
0x209: {  	[tilespmem:v50+s31+$0x0] =	vst.idx.add.f32.msk $0xffff, v23;
	v54, _, _ =	vpop (xrf2)  }
0x20a: {  	[tilespmem:v51+s31+$0x0] =	vst.idx.add.f32.msk $0xffff, v24;
	v23 =	vbroadcast v54, $0xF  }
0x20b: {  	[tilespmem:v52+s31+$0x0] =	vst.idx.add.f32.msk $0xffff, v25  }
0x20c: {  	[tilespmem:v53+s31+$0x0] =	vst.idx.add.f32.msk $0xffff, v26;
	v23 =	vsel vm15, v23, v5  }
0x20d: {  	[tilespmem:v27+s31+$0x0] =	vst.idx.add.f32.msk $0xffff, v23  }
0x20e: {  	v23 =	vld [tilespmem:$0xB80]  }
0x20f: {  	v24 =	vld [tilespmem:$0xB90];
	_ =	sdelay $0x1  }
0x210: {  	v25 =	vld [tilespmem:$0xBA0];
	_ =	sdelay $0x1  }
0x211: {  	v26 =	vld [tilespmem:$0xBB0]  }
0x212: {  	v55 =	vmul.f32 v23, v23;
	v56 =	vmul.f32 v24, v24;
	_ =	sdelay $0x1  }
0x213: {  	v57 =	vmul.f32 v25, v25;
	v27 =	vadd.f32 v56, v55;
	_ =	sdelay $0x1  }
0x214: {  	v58 =	vmul.f32 v26, v26;
	v27 =	vadd.f32 v57, v27;
	_ =	sdelay $0x1  }
0x215: {  	v27 =	vadd.f32 v58, v27;
	_ =	sdelay $0x1  }
0x216: {  	(xrf2) =	vadd.scan.msk.f32 $0xffff, v27;
	_ =	sdelay $0x1  }
0x217: {  	v59 =	vperm.xlane v22, v13;
	_ =	sdelay $0x1  }
0x218: {  	v27 =	vshll.u32 v59, $0x7  }
0x219: {  	v60 =	vor.u32 v0, v27  }
0x21a: {  	v61 =	vor.u32 v1, v27  }
0x21b: {  	v62 =	vor.u32 v2, v27  }
0x21c: {  	v63 =	vor.u32 v3, v27  }
0x21d: {  	v27 =	vor.u32 v4, v27  }
0x21e: {  	[tilespmem:v60+s31+$0x0] =	vst.idx.add.f32.msk $0xffff, v23;
	v28, _, _ =	vpop (xrf2)  }
0x21f: {  	[tilespmem:v61+s31+$0x0] =	vst.idx.add.f32.msk $0xffff, v24;
	v23 =	vbroadcast v28, $0xF  }
0x220: {  	[tilespmem:v62+s31+$0x0] =	vst.idx.add.f32.msk $0xffff, v25  }
0x221: {  	[tilespmem:v63+s31+$0x0] =	vst.idx.add.f32.msk $0xffff, v26;
	v23 =	vsel vm15, v23, v5  }
0x222: {  	[tilespmem:v27+s31+$0x0] =	vst.idx.add.f32.msk $0xffff, v23  }
0x223: {  	v23 =	vld [tilespmem:$0xC00]  }
0x224: {  	v24 =	vld [tilespmem:$0xC10];
	_ =	sdelay $0x1  }
0x225: {  	v25 =	vld [tilespmem:$0xC20];
	_ =	sdelay $0x1  }
0x226: {  	v26 =	vld [tilespmem:$0xC30]  }
0x227: {  	v32 =	vmul.f32 v23, v23;
	v33 =	vmul.f32 v24, v24;
	_ =	sdelay $0x1  }
0x228: {  	v34 =	vmul.f32 v25, v25;
	v27 =	vadd.f32 v33, v32;
	_ =	sdelay $0x1  }
0x229: {  	v35 =	vmul.f32 v26, v26;
	v27 =	vadd.f32 v34, v27;
	_ =	sdelay $0x1  }
0x22a: {  	v27 =	vadd.f32 v35, v27;
	_ =	sdelay $0x1  }
0x22b: {  	(xrf2) =	vadd.scan.msk.f32 $0xffff, v27;
	_ =	sdelay $0x1  }
0x22c: {  	v36 =	vperm.xlane v22, v14;
	_ =	sdelay $0x1  }
0x22d: {  	v27 =	vshll.u32 v36, $0x7  }
0x22e: {  	v37 =	vor.u32 v0, v27  }
0x22f: {  	v38 =	vor.u32 v1, v27  }
0x230: {  	v39 =	vor.u32 v2, v27  }
0x231: {  	v40 =	vor.u32 v3, v27  }
0x232: {  	v27 =	vor.u32 v4, v27  }
0x233: {  	[tilespmem:v37+s31+$0x0] =	vst.idx.add.f32.msk $0xffff, v23;
	v41, _, _ =	vpop (xrf2)  }
0x234: {  	[tilespmem:v38+s31+$0x0] =	vst.idx.add.f32.msk $0xffff, v24;
	v23 =	vbroadcast v41, $0xF  }
0x235: {  	[tilespmem:v39+s31+$0x0] =	vst.idx.add.f32.msk $0xffff, v25  }
0x236: {  	[tilespmem:v40+s31+$0x0] =	vst.idx.add.f32.msk $0xffff, v26;
	v23 =	vsel vm15, v23, v5  }
0x237: {  	[tilespmem:v27+s31+$0x0] =	vst.idx.add.f32.msk $0xffff, v23  }
0x238: {  	v23 =	vld [tilespmem:$0xC80]  }
0x239: {  	v24 =	vld [tilespmem:$0xC90];
	_ =	sdelay $0x1  }
0x23a: {  	v25 =	vld [tilespmem:$0xCA0];
	_ =	sdelay $0x1  }
0x23b: {  	v26 =	vld [tilespmem:$0xCB0]  }
0x23c: {  	v42 =	vmul.f32 v23, v23;
	v43 =	vmul.f32 v24, v24;
	_ =	sdelay $0x1  }
0x23d: {  	v44 =	vmul.f32 v25, v25;
	v27 =	vadd.f32 v43, v42;
	_ =	sdelay $0x1  }
0x23e: {  	v45 =	vmul.f32 v26, v26;
	v27 =	vadd.f32 v44, v27;
	_ =	sdelay $0x1  }
0x23f: {  	v27 =	vadd.f32 v45, v27;
	_ =	sdelay $0x1  }
0x240: {  	(xrf2) =	vadd.scan.msk.f32 $0xffff, v27;
	_ =	sdelay $0x1  }
0x241: {  	v46 =	vperm.xlane v22, v15;
	_ =	sdelay $0x1  }
0x242: {  	v27 =	vshll.u32 v46, $0x7  }
0x243: {  	v47 =	vor.u32 v0, v27  }
0x244: {  	v48 =	vor.u32 v1, v27  }
0x245: {  	v49 =	vor.u32 v2, v27  }
0x246: {  	v50 =	vor.u32 v3, v27  }
0x247: {  	v27 =	vor.u32 v4, v27  }
0x248: {  	[tilespmem:v47+s31+$0x0] =	vst.idx.add.f32.msk $0xffff, v23;
	v51, _, _ =	vpop (xrf2)  }
0x249: {  	[tilespmem:v48+s31+$0x0] =	vst.idx.add.f32.msk $0xffff, v24;
	v23 =	vbroadcast v51, $0xF  }
0x24a: {  	[tilespmem:v49+s31+$0x0] =	vst.idx.add.f32.msk $0xffff, v25  }
0x24b: {  	[tilespmem:v50+s31+$0x0] =	vst.idx.add.f32.msk $0xffff, v26;
	v23 =	vsel vm15, v23, v5  }
0x24c: {  	[tilespmem:v27+s31+$0x0] =	vst.idx.add.f32.msk $0xffff, v23  }
0x24d: {  	v23 =	vld [tilespmem:$0xD00]  }
0x24e: {  	v24 =	vld [tilespmem:$0xD10];
	_ =	sdelay $0x1  }
0x24f: {  	v25 =	vld [tilespmem:$0xD20];
	_ =	sdelay $0x1  }
0x250: {  	v26 =	vld [tilespmem:$0xD30]  }
0x251: {  	v52 =	vmul.f32 v23, v23;
	v53 =	vmul.f32 v24, v24;
	_ =	sdelay $0x1  }
0x252: {  	v54 =	vmul.f32 v25, v25;
	v27 =	vadd.f32 v53, v52;
	_ =	sdelay $0x1  }
0x253: {  	v55 =	vmul.f32 v26, v26;
	v27 =	vadd.f32 v54, v27;
	_ =	sdelay $0x1  }
0x254: {  	v27 =	vadd.f32 v55, v27;
	_ =	sdelay $0x1  }
0x255: {  	(xrf2) =	vadd.scan.msk.f32 $0xffff, v27;
	_ =	sdelay $0x1  }
0x256: {  	v56 =	vperm.xlane v22, v16;
	_ =	sdelay $0x1  }
0x257: {  	v27 =	vshll.u32 v56, $0x7  }
0x258: {  	v57 =	vor.u32 v0, v27  }
0x259: {  	v58 =	vor.u32 v1, v27  }
0x25a: {  	v59 =	vor.u32 v2, v27  }
0x25b: {  	v60 =	vor.u32 v3, v27  }
0x25c: {  	v27 =	vor.u32 v4, v27  }
0x25d: {  	[tilespmem:v57+s31+$0x0] =	vst.idx.add.f32.msk $0xffff, v23;
	v61, _, _ =	vpop (xrf2)  }
0x25e: {  	[tilespmem:v58+s31+$0x0] =	vst.idx.add.f32.msk $0xffff, v24;
	v23 =	vbroadcast v61, $0xF  }
0x25f: {  	[tilespmem:v59+s31+$0x0] =	vst.idx.add.f32.msk $0xffff, v25  }
0x260: {  	[tilespmem:v60+s31+$0x0] =	vst.idx.add.f32.msk $0xffff, v26;
	v23 =	vsel vm15, v23, v5  }
0x261: {  	[tilespmem:v27+s31+$0x0] =	vst.idx.add.f32.msk $0xffff, v23  }
0x262: {  	v23 =	vld [tilespmem:$0xD80]  }
0x263: {  	v24 =	vld [tilespmem:$0xD90];
	_ =	sdelay $0x1  }
0x264: {  	v25 =	vld [tilespmem:$0xDA0];
	_ =	sdelay $0x1  }
0x265: {  	v26 =	vld [tilespmem:$0xDB0]  }
0x266: {  	v62 =	vmul.f32 v23, v23;
	v63 =	vmul.f32 v24, v24;
	_ =	sdelay $0x1  }
0x267: {  	v32 =	vmul.f32 v25, v25;
	v27 =	vadd.f32 v63, v62;
	_ =	sdelay $0x1  }
0x268: {  	v33 =	vmul.f32 v26, v26;
	v27 =	vadd.f32 v32, v27;
	_ =	sdelay $0x1  }
0x269: {  	v27 =	vadd.f32 v33, v27;
	_ =	sdelay $0x1  }
0x26a: {  	(xrf2) =	vadd.scan.msk.f32 $0xffff, v27;
	_ =	sdelay $0x1  }
0x26b: {  	v34 =	vperm.xlane v22, v17;
	_ =	sdelay $0x1  }
0x26c: {  	v27 =	vshll.u32 v34, $0x7  }
0x26d: {  	v35 =	vor.u32 v0, v27  }
0x26e: {  	v36 =	vor.u32 v1, v27  }
0x26f: {  	v37 =	vor.u32 v2, v27  }
0x270: {  	v38 =	vor.u32 v3, v27  }
0x271: {  	v27 =	vor.u32 v4, v27  }
0x272: {  	[tilespmem:v35+s31+$0x0] =	vst.idx.add.f32.msk $0xffff, v23;
	v39, _, _ =	vpop (xrf2)  }
0x273: {  	[tilespmem:v36+s31+$0x0] =	vst.idx.add.f32.msk $0xffff, v24;
	v23 =	vbroadcast v39, $0xF  }
0x274: {  	[tilespmem:v37+s31+$0x0] =	vst.idx.add.f32.msk $0xffff, v25  }
0x275: {  	[tilespmem:v38+s31+$0x0] =	vst.idx.add.f32.msk $0xffff, v26;
	v23 =	vsel vm15, v23, v5  }
0x276: {  	[tilespmem:v27+s31+$0x0] =	vst.idx.add.f32.msk $0xffff, v23  }
0x277: {  	v23 =	vld [tilespmem:$0xE00]  }
0x278: {  	v24 =	vld [tilespmem:$0xE10];
	_ =	sdelay $0x1  }
0x279: {  	v25 =	vld [tilespmem:$0xE20];
	_ =	sdelay $0x1  }
0x27a: {  	v26 =	vld [tilespmem:$0xE30]  }
0x27b: {  	v40 =	vmul.f32 v23, v23;
	v41 =	vmul.f32 v24, v24;
	_ =	sdelay $0x1  }
0x27c: {  	v42 =	vmul.f32 v25, v25;
	v27 =	vadd.f32 v41, v40;
	_ =	sdelay $0x1  }
0x27d: {  	v43 =	vmul.f32 v26, v26;
	v27 =	vadd.f32 v42, v27;
	_ =	sdelay $0x1  }
0x27e: {  	v27 =	vadd.f32 v43, v27;
	_ =	sdelay $0x1  }
0x27f: {  	(xrf2) =	vadd.scan.msk.f32 $0xffff, v27;
	_ =	sdelay $0x1  }
0x280: {  	v44 =	vperm.xlane v22, v18;
	_ =	sdelay $0x1  }
0x281: {  	v27 =	vshll.u32 v44, $0x7  }
0x282: {  	v45 =	vor.u32 v0, v27  }
0x283: {  	v46 =	vor.u32 v1, v27  }
0x284: {  	v47 =	vor.u32 v2, v27  }
0x285: {  	v48 =	vor.u32 v3, v27  }
0x286: {  	v27 =	vor.u32 v4, v27  }
0x287: {  	[tilespmem:v45+s31+$0x0] =	vst.idx.add.f32.msk $0xffff, v23;
	v49, _, _ =	vpop (xrf2)  }
0x288: {  	[tilespmem:v46+s31+$0x0] =	vst.idx.add.f32.msk $0xffff, v24;
	v23 =	vbroadcast v49, $0xF  }
0x289: {  	[tilespmem:v47+s31+$0x0] =	vst.idx.add.f32.msk $0xffff, v25  }
0x28a: {  	[tilespmem:v48+s31+$0x0] =	vst.idx.add.f32.msk $0xffff, v26;
	v23 =	vsel vm15, v23, v5  }
0x28b: {  	[tilespmem:v27+s31+$0x0] =	vst.idx.add.f32.msk $0xffff, v23  }
0x28c: {  	v23 =	vld [tilespmem:$0xE80]  }
0x28d: {  	v24 =	vld [tilespmem:$0xE90];
	_ =	sdelay $0x1  }
0x28e: {  	v25 =	vld [tilespmem:$0xEA0];
	_ =	sdelay $0x1  }
0x28f: {  	v26 =	vld [tilespmem:$0xEB0]  }
0x290: {  	v50 =	vmul.f32 v23, v23;
	v51 =	vmul.f32 v24, v24;
	_ =	sdelay $0x1  }
0x291: {  	v52 =	vmul.f32 v25, v25;
	v27 =	vadd.f32 v51, v50;
	_ =	sdelay $0x1  }
0x292: {  	v53 =	vmul.f32 v26, v26;
	v27 =	vadd.f32 v52, v27;
	_ =	sdelay $0x1  }
0x293: {  	v27 =	vadd.f32 v53, v27;
	_ =	sdelay $0x1  }
0x294: {  	(xrf2) =	vadd.scan.msk.f32 $0xffff, v27;
	_ =	sdelay $0x1  }
0x295: {  	v54 =	vperm.xlane v22, v19;
	_ =	sdelay $0x1  }
0x296: {  	v27 =	vshll.u32 v54, $0x7  }
0x297: {  	v55 =	vor.u32 v0, v27  }
0x298: {  	v56 =	vor.u32 v1, v27  }
0x299: {  	v57 =	vor.u32 v2, v27  }
0x29a: {  	v58 =	vor.u32 v3, v27  }
0x29b: {  	v27 =	vor.u32 v4, v27  }
0x29c: {  	[tilespmem:v55+s31+$0x0] =	vst.idx.add.f32.msk $0xffff, v23;
	v59, _, _ =	vpop (xrf2)  }
0x29d: {  	[tilespmem:v56+s31+$0x0] =	vst.idx.add.f32.msk $0xffff, v24;
	v23 =	vbroadcast v59, $0xF  }
0x29e: {  	[tilespmem:v57+s31+$0x0] =	vst.idx.add.f32.msk $0xffff, v25  }
0x29f: {  	[tilespmem:v58+s31+$0x0] =	vst.idx.add.f32.msk $0xffff, v26;
	v23 =	vsel vm15, v23, v5  }
0x2a0: {  	[tilespmem:v27+s31+$0x0] =	vst.idx.add.f32.msk $0xffff, v23  }
0x2a1: {  	v23 =	vld [tilespmem:$0xF00]  }
0x2a2: {  	v24 =	vld [tilespmem:$0xF10];
	_ =	sdelay $0x1  }
0x2a3: {  	v25 =	vld [tilespmem:$0xF20];
	_ =	sdelay $0x1  }
0x2a4: {  	v26 =	vld [tilespmem:$0xF30]  }
0x2a5: {  	v60 =	vmul.f32 v23, v23;
	v61 =	vmul.f32 v24, v24;
	_ =	sdelay $0x1  }
0x2a6: {  	v62 =	vmul.f32 v25, v25;
	v27 =	vadd.f32 v61, v60;
	_ =	sdelay $0x1  }
0x2a7: {  	v63 =	vmul.f32 v26, v26;
	v27 =	vadd.f32 v62, v27;
	_ =	sdelay $0x1  }
0x2a8: {  	v27 =	vadd.f32 v63, v27;
	_ =	sdelay $0x1  }
0x2a9: {  	(xrf2) =	vadd.scan.msk.f32 $0xffff, v27;
	_ =	sdelay $0x1  }
0x2aa: {  	v32 =	vperm.xlane v22, v20;
	_ =	sdelay $0x1  }
0x2ab: {  	v27 =	vshll.u32 v32, $0x7  }
0x2ac: {  	v33 =	vor.u32 v0, v27  }
0x2ad: {  	v34 =	vor.u32 v1, v27  }
0x2ae: {  	v35 =	vor.u32 v2, v27  }
0x2af: {  	v36 =	vor.u32 v3, v27  }
0x2b0: {  	v27 =	vor.u32 v4, v27  }
0x2b1: {  	[tilespmem:v33+s31+$0x0] =	vst.idx.add.f32.msk $0xffff, v23;
	v37, _, _ =	vpop (xrf2)  }
0x2b2: {  	[tilespmem:v34+s31+$0x0] =	vst.idx.add.f32.msk $0xffff, v24;
	v23 =	vbroadcast v37, $0xF  }
0x2b3: {  	[tilespmem:v35+s31+$0x0] =	vst.idx.add.f32.msk $0xffff, v25  }
0x2b4: {  	[tilespmem:v36+s31+$0x0] =	vst.idx.add.f32.msk $0xffff, v26;
	v23 =	vsel vm15, v23, v5  }
0x2b5: {  	[tilespmem:v27+s31+$0x0] =	vst.idx.add.f32.msk $0xffff, v23  }
0x2b6: {  	v23 =	vld [tilespmem:$0xF80]  }
0x2b7: {  	v24 =	vld [tilespmem:$0xF90];
	_ =	sdelay $0x1  }
0x2b8: {  	v25 =	vld [tilespmem:$0xFA0];
	_ =	sdelay $0x1  }
0x2b9: {  	v26 =	vld [tilespmem:$0xFB0]  }
0x2ba: {  	v38 =	vmul.f32 v23, v23;
	v39 =	vmul.f32 v24, v24;
	_ =	sdelay $0x1  }
0x2bb: {  	v40 =	vmul.f32 v25, v25;
	v27 =	vadd.f32 v39, v38;
	_ =	sdelay $0x1  }
0x2bc: {  	v41 =	vmul.f32 v26, v26;
	v27 =	vadd.f32 v40, v27;
	_ =	sdelay $0x1  }
0x2bd: {  	v27 =	vadd.f32 v41, v27;
	_ =	sdelay $0x1  }
0x2be: {  	(xrf2) =	vadd.scan.msk.f32 $0xffff, v27;
	_ =	sdelay $0x1  }
0x2bf: {  	v22 =	vperm.xlane v22, v21;
	_ =	sdelay $0x1  }
0x2c0: {  	v22 =	vshll.u32 v22, $0x7  }
0x2c1: {  	v42 =	vor.u32 v0, v22  }
0x2c2: {  	v43 =	vor.u32 v1, v22  }
0x2c3: {  	v44 =	vor.u32 v2, v22  }
0x2c4: {  	v45 =	vor.u32 v3, v22  }
0x2c5: {  	v22 =	vor.u32 v4, v22  }
0x2c6: {  	[tilespmem:v42+s31+$0x0] =	vst.idx.add.f32.msk $0xffff, v23;
	v46, _, _ =	vpop (xrf2)  }
0x2c7: {  	[tilespmem:v43+s31+$0x0] =	vst.idx.add.f32.msk $0xffff, v24;
	v47 =	vbroadcast v46, $0xF  }
0x2c8: {  	[tilespmem:v44+s31+$0x0] =	vst.idx.add.f32.msk $0xffff, v25  }
0x2c9: {  	[tilespmem:v45+s31+$0x0] =	vst.idx.add.f32.msk $0xffff, v26;
	v23 =	vsel vm15, v47, v5  }
0x2ca: {  	[tilespmem:v22+s31+$0x0] =	vst.idx.add.f32.msk $0xffff, v23  }
0x2cb: {  	v23 =	vld [tilespmem:$0x1000]  }
0x2cc: {  	v24 =	vld [tilespmem:$0x1010];
	_ =	sdelay $0x1  }
0x2cd: {  	v25 =	vld [tilespmem:$0x1020];
	_ =	sdelay $0x1  }
0x2ce: {  	v26 =	vld [tilespmem:$0x1030]  }
0x2cf: {  	v48 =	vmul.f32 v23, v23;
	v49 =	vmul.f32 v24, v24;
	_ =	sdelay $0x1  }
0x2d0: {  	v50 =	vmul.f32 v25, v25;
	v22 =	vadd.f32 v49, v48;
	_ =	sdelay $0x1  }
0x2d1: {  	v51 =	vmul.f32 v26, v26;
	v27 =	vadd.f32 v50, v22  }
0x2d2: {  	v22 =	vld [tilespmem:$0x2020]  }
0x2d3: {  	v27 =	vadd.f32 v51, v27;
	_ =	sdelay $0x1  }
0x2d4: {  	(xrf2) =	vadd.scan.msk.f32 $0xffff, v27;
	_ =	sdelay $0x1  }
0x2d5: {  	v52 =	vperm.xlane v22, v6;
	_ =	sdelay $0x1  }
0x2d6: {  	v27 =	vshll.u32 v52, $0x7  }
0x2d7: {  	v53 =	vor.u32 v0, v27  }
0x2d8: {  	v54 =	vor.u32 v1, v27  }
0x2d9: {  	v55 =	vor.u32 v2, v27  }
0x2da: {  	v56 =	vor.u32 v3, v27  }
0x2db: {  	v27 =	vor.u32 v4, v27  }
0x2dc: {  	[tilespmem:v53+s31+$0x0] =	vst.idx.add.f32.msk $0xffff, v23;
	v57, _, _ =	vpop (xrf2)  }
0x2dd: {  	[tilespmem:v54+s31+$0x0] =	vst.idx.add.f32.msk $0xffff, v24;
	v23 =	vbroadcast v57, $0xF  }
0x2de: {  	[tilespmem:v55+s31+$0x0] =	vst.idx.add.f32.msk $0xffff, v25  }
0x2df: {  	[tilespmem:v56+s31+$0x0] =	vst.idx.add.f32.msk $0xffff, v26;
	v23 =	vsel vm15, v23, v5  }
0x2e0: {  	[tilespmem:v27+s31+$0x0] =	vst.idx.add.f32.msk $0xffff, v23  }
0x2e1: {  	v23 =	vld [tilespmem:$0x1080]  }
0x2e2: {  	v24 =	vld [tilespmem:$0x1090];
	_ =	sdelay $0x1  }
0x2e3: {  	v25 =	vld [tilespmem:$0x10A0];
	_ =	sdelay $0x1  }
0x2e4: {  	v26 =	vld [tilespmem:$0x10B0]  }
0x2e5: {  	v58 =	vmul.f32 v23, v23;
	v59 =	vmul.f32 v24, v24;
	_ =	sdelay $0x1  }
0x2e6: {  	v60 =	vmul.f32 v25, v25;
	v27 =	vadd.f32 v59, v58;
	_ =	sdelay $0x1  }
0x2e7: {  	v61 =	vmul.f32 v26, v26;
	v27 =	vadd.f32 v60, v27;
	_ =	sdelay $0x1  }
0x2e8: {  	v27 =	vadd.f32 v61, v27;
	_ =	sdelay $0x1  }
0x2e9: {  	(xrf2) =	vadd.scan.msk.f32 $0xffff, v27;
	_ =	sdelay $0x1  }
0x2ea: {  	v62 =	vperm.xlane v22, v7;
	_ =	sdelay $0x1  }
0x2eb: {  	v27 =	vshll.u32 v62, $0x7  }
0x2ec: {  	v63 =	vor.u32 v0, v27  }
0x2ed: {  	v33 =	vor.u32 v1, v27  }
0x2ee: {  	v34 =	vor.u32 v2, v27  }
0x2ef: {  	v35 =	vor.u32 v3, v27  }
0x2f0: {  	v27 =	vor.u32 v4, v27  }
0x2f1: {  	[tilespmem:v63+s31+$0x0] =	vst.idx.add.f32.msk $0xffff, v23;
	v36, _, _ =	vpop (xrf2)  }
0x2f2: {  	[tilespmem:v33+s31+$0x0] =	vst.idx.add.f32.msk $0xffff, v24;
	v23 =	vbroadcast v36, $0xF  }
0x2f3: {  	[tilespmem:v34+s31+$0x0] =	vst.idx.add.f32.msk $0xffff, v25  }
0x2f4: {  	[tilespmem:v35+s31+$0x0] =	vst.idx.add.f32.msk $0xffff, v26;
	v23 =	vsel vm15, v23, v5  }
0x2f5: {  	[tilespmem:v27+s31+$0x0] =	vst.idx.add.f32.msk $0xffff, v23  }
0x2f6: {  	v23 =	vld [tilespmem:$0x1100]  }
0x2f7: {  	v24 =	vld [tilespmem:$0x1110];
	_ =	sdelay $0x1  }
0x2f8: {  	v25 =	vld [tilespmem:$0x1120];
	_ =	sdelay $0x1  }
0x2f9: {  	v26 =	vld [tilespmem:$0x1130]  }
0x2fa: {  	v37 =	vmul.f32 v23, v23;
	v38 =	vmul.f32 v24, v24;
	_ =	sdelay $0x1  }
0x2fb: {  	v39 =	vmul.f32 v25, v25;
	v27 =	vadd.f32 v38, v37;
	_ =	sdelay $0x1  }
0x2fc: {  	v40 =	vmul.f32 v26, v26;
	v27 =	vadd.f32 v39, v27;
	_ =	sdelay $0x1  }
0x2fd: {  	v27 =	vadd.f32 v40, v27;
	_ =	sdelay $0x1  }
0x2fe: {  	(xrf2) =	vadd.scan.msk.f32 $0xffff, v27;
	_ =	sdelay $0x1  }
0x2ff: {  	v41 =	vperm.xlane v22, v8;
	_ =	sdelay $0x1  }
0x300: {  	v27 =	vshll.u32 v41, $0x7  }
0x301: {  	v42 =	vor.u32 v0, v27  }
0x302: {  	v43 =	vor.u32 v1, v27  }
0x303: {  	v44 =	vor.u32 v2, v27  }
0x304: {  	v45 =	vor.u32 v3, v27  }
0x305: {  	v27 =	vor.u32 v4, v27  }
0x306: {  	[tilespmem:v42+s31+$0x0] =	vst.idx.add.f32.msk $0xffff, v23;
	v46, _, _ =	vpop (xrf2)  }
0x307: {  	[tilespmem:v43+s31+$0x0] =	vst.idx.add.f32.msk $0xffff, v24;
	v23 =	vbroadcast v46, $0xF  }
0x308: {  	[tilespmem:v44+s31+$0x0] =	vst.idx.add.f32.msk $0xffff, v25  }
0x309: {  	[tilespmem:v45+s31+$0x0] =	vst.idx.add.f32.msk $0xffff, v26;
	v23 =	vsel vm15, v23, v5  }
0x30a: {  	[tilespmem:v27+s31+$0x0] =	vst.idx.add.f32.msk $0xffff, v23  }
0x30b: {  	v23 =	vld [tilespmem:$0x1180]  }
0x30c: {  	v24 =	vld [tilespmem:$0x1190];
	_ =	sdelay $0x1  }
0x30d: {  	v25 =	vld [tilespmem:$0x11A0];
	_ =	sdelay $0x1  }
0x30e: {  	v26 =	vld [tilespmem:$0x11B0]  }
0x30f: {  	v47 =	vmul.f32 v23, v23;
	v48 =	vmul.f32 v24, v24;
	_ =	sdelay $0x1  }
0x310: {  	v49 =	vmul.f32 v25, v25;
	v27 =	vadd.f32 v48, v47;
	_ =	sdelay $0x1  }
0x311: {  	v50 =	vmul.f32 v26, v26;
	v27 =	vadd.f32 v49, v27;
	_ =	sdelay $0x1  }
0x312: {  	v27 =	vadd.f32 v50, v27;
	_ =	sdelay $0x1  }
0x313: {  	(xrf2) =	vadd.scan.msk.f32 $0xffff, v27;
	_ =	sdelay $0x1  }
0x314: {  	v51 =	vperm.xlane v22, v9;
	_ =	sdelay $0x1  }
0x315: {  	v27 =	vshll.u32 v51, $0x7  }
0x316: {  	v52 =	vor.u32 v0, v27  }
0x317: {  	v53 =	vor.u32 v1, v27  }
0x318: {  	v54 =	vor.u32 v2, v27  }
0x319: {  	v55 =	vor.u32 v3, v27  }
0x31a: {  	v27 =	vor.u32 v4, v27  }
0x31b: {  	[tilespmem:v52+s31+$0x0] =	vst.idx.add.f32.msk $0xffff, v23;
	v56, _, _ =	vpop (xrf2)  }
0x31c: {  	[tilespmem:v53+s31+$0x0] =	vst.idx.add.f32.msk $0xffff, v24;
	v23 =	vbroadcast v56, $0xF  }
0x31d: {  	[tilespmem:v54+s31+$0x0] =	vst.idx.add.f32.msk $0xffff, v25  }
0x31e: {  	[tilespmem:v55+s31+$0x0] =	vst.idx.add.f32.msk $0xffff, v26;
	v23 =	vsel vm15, v23, v5  }
0x31f: {  	[tilespmem:v27+s31+$0x0] =	vst.idx.add.f32.msk $0xffff, v23  }
0x320: {  	v23 =	vld [tilespmem:$0x1200]  }
0x321: {  	v24 =	vld [tilespmem:$0x1210];
	_ =	sdelay $0x1  }
0x322: {  	v25 =	vld [tilespmem:$0x1220];
	_ =	sdelay $0x1  }
0x323: {  	v26 =	vld [tilespmem:$0x1230]  }
0x324: {  	v57 =	vmul.f32 v23, v23;
	v58 =	vmul.f32 v24, v24;
	_ =	sdelay $0x1  }
0x325: {  	v59 =	vmul.f32 v25, v25;
	v27 =	vadd.f32 v58, v57;
	_ =	sdelay $0x1  }
0x326: {  	v60 =	vmul.f32 v26, v26;
	v27 =	vadd.f32 v59, v27;
	_ =	sdelay $0x1  }
0x327: {  	v27 =	vadd.f32 v60, v27;
	_ =	sdelay $0x1  }
0x328: {  	(xrf2) =	vadd.scan.msk.f32 $0xffff, v27;
	_ =	sdelay $0x1  }
0x329: {  	v61 =	vperm.xlane v22, v10;
	_ =	sdelay $0x1  }
0x32a: {  	v27 =	vshll.u32 v61, $0x7  }
0x32b: {  	v62 =	vor.u32 v0, v27  }
0x32c: {  	v63 =	vor.u32 v1, v27  }
0x32d: {  	v33 =	vor.u32 v2, v27  }
0x32e: {  	v34 =	vor.u32 v3, v27  }
0x32f: {  	v27 =	vor.u32 v4, v27  }
0x330: {  	[tilespmem:v62+s31+$0x0] =	vst.idx.add.f32.msk $0xffff, v23;
	v35, _, _ =	vpop (xrf2)  }
0x331: {  	[tilespmem:v63+s31+$0x0] =	vst.idx.add.f32.msk $0xffff, v24;
	v23 =	vbroadcast v35, $0xF  }
0x332: {  	[tilespmem:v33+s31+$0x0] =	vst.idx.add.f32.msk $0xffff, v25  }
0x333: {  	[tilespmem:v34+s31+$0x0] =	vst.idx.add.f32.msk $0xffff, v26;
	v23 =	vsel vm15, v23, v5  }
0x334: {  	[tilespmem:v27+s31+$0x0] =	vst.idx.add.f32.msk $0xffff, v23  }
0x335: {  	v23 =	vld [tilespmem:$0x1280]  }
0x336: {  	v24 =	vld [tilespmem:$0x1290];
	_ =	sdelay $0x1  }
0x337: {  	v25 =	vld [tilespmem:$0x12A0];
	_ =	sdelay $0x1  }
0x338: {  	v26 =	vld [tilespmem:$0x12B0]  }
0x339: {  	v36 =	vmul.f32 v23, v23;
	v37 =	vmul.f32 v24, v24;
	_ =	sdelay $0x1  }
0x33a: {  	v38 =	vmul.f32 v25, v25;
	v27 =	vadd.f32 v37, v36;
	_ =	sdelay $0x1  }
0x33b: {  	v39 =	vmul.f32 v26, v26;
	v27 =	vadd.f32 v38, v27;
	_ =	sdelay $0x1  }
0x33c: {  	v27 =	vadd.f32 v39, v27;
	_ =	sdelay $0x1  }
0x33d: {  	(xrf2) =	vadd.scan.msk.f32 $0xffff, v27;
	_ =	sdelay $0x1  }
0x33e: {  	v40 =	vperm.xlane v22, v11;
	_ =	sdelay $0x1  }
0x33f: {  	v27 =	vshll.u32 v40, $0x7  }
0x340: {  	v41 =	vor.u32 v0, v27  }
0x341: {  	v42 =	vor.u32 v1, v27  }
0x342: {  	v43 =	vor.u32 v2, v27  }
0x343: {  	v44 =	vor.u32 v3, v27  }
0x344: {  	v27 =	vor.u32 v4, v27  }
0x345: {  	[tilespmem:v41+s31+$0x0] =	vst.idx.add.f32.msk $0xffff, v23;
	v45, _, _ =	vpop (xrf2)  }
0x346: {  	[tilespmem:v42+s31+$0x0] =	vst.idx.add.f32.msk $0xffff, v24;
	v23 =	vbroadcast v45, $0xF  }
0x347: {  	[tilespmem:v43+s31+$0x0] =	vst.idx.add.f32.msk $0xffff, v25  }
0x348: {  	[tilespmem:v44+s31+$0x0] =	vst.idx.add.f32.msk $0xffff, v26;
	v23 =	vsel vm15, v23, v5  }
0x349: {  	[tilespmem:v27+s31+$0x0] =	vst.idx.add.f32.msk $0xffff, v23  }
0x34a: {  	v23 =	vld [tilespmem:$0x1300]  }
0x34b: {  	v24 =	vld [tilespmem:$0x1310];
	_ =	sdelay $0x1  }
0x34c: {  	v25 =	vld [tilespmem:$0x1320];
	_ =	sdelay $0x1  }
0x34d: {  	v26 =	vld [tilespmem:$0x1330]  }
0x34e: {  	v46 =	vmul.f32 v23, v23;
	v47 =	vmul.f32 v24, v24;
	_ =	sdelay $0x1  }
0x34f: {  	v48 =	vmul.f32 v25, v25;
	v27 =	vadd.f32 v47, v46;
	_ =	sdelay $0x1  }
0x350: {  	v49 =	vmul.f32 v26, v26;
	v27 =	vadd.f32 v48, v27;
	_ =	sdelay $0x1  }
0x351: {  	v27 =	vadd.f32 v49, v27;
	_ =	sdelay $0x1  }
0x352: {  	(xrf2) =	vadd.scan.msk.f32 $0xffff, v27;
	_ =	sdelay $0x1  }
0x353: {  	v50 =	vperm.xlane v22, v12;
	_ =	sdelay $0x1  }
0x354: {  	v27 =	vshll.u32 v50, $0x7  }
0x355: {  	v51 =	vor.u32 v0, v27  }
0x356: {  	v52 =	vor.u32 v1, v27  }
0x357: {  	v53 =	vor.u32 v2, v27  }
0x358: {  	v54 =	vor.u32 v3, v27  }
0x359: {  	v27 =	vor.u32 v4, v27  }
0x35a: {  	[tilespmem:v51+s31+$0x0] =	vst.idx.add.f32.msk $0xffff, v23;
	v55, _, _ =	vpop (xrf2)  }
0x35b: {  	[tilespmem:v52+s31+$0x0] =	vst.idx.add.f32.msk $0xffff, v24;
	v23 =	vbroadcast v55, $0xF  }
0x35c: {  	[tilespmem:v53+s31+$0x0] =	vst.idx.add.f32.msk $0xffff, v25  }
0x35d: {  	[tilespmem:v54+s31+$0x0] =	vst.idx.add.f32.msk $0xffff, v26;
	v23 =	vsel vm15, v23, v5  }
0x35e: {  	[tilespmem:v27+s31+$0x0] =	vst.idx.add.f32.msk $0xffff, v23  }
0x35f: {  	v23 =	vld [tilespmem:$0x1380]  }
0x360: {  	v24 =	vld [tilespmem:$0x1390];
	_ =	sdelay $0x1  }
0x361: {  	v25 =	vld [tilespmem:$0x13A0];
	_ =	sdelay $0x1  }
0x362: {  	v26 =	vld [tilespmem:$0x13B0]  }
0x363: {  	v56 =	vmul.f32 v23, v23;
	v57 =	vmul.f32 v24, v24;
	_ =	sdelay $0x1  }
0x364: {  	v58 =	vmul.f32 v25, v25;
	v27 =	vadd.f32 v57, v56;
	_ =	sdelay $0x1  }
0x365: {  	v59 =	vmul.f32 v26, v26;
	v27 =	vadd.f32 v58, v27;
	_ =	sdelay $0x1  }
0x366: {  	v27 =	vadd.f32 v59, v27;
	_ =	sdelay $0x1  }
0x367: {  	(xrf2) =	vadd.scan.msk.f32 $0xffff, v27;
	_ =	sdelay $0x1  }
0x368: {  	v60 =	vperm.xlane v22, v13;
	_ =	sdelay $0x1  }
0x369: {  	v27 =	vshll.u32 v60, $0x7  }
0x36a: {  	v61 =	vor.u32 v0, v27  }
0x36b: {  	v62 =	vor.u32 v1, v27  }
0x36c: {  	v63 =	vor.u32 v2, v27  }
0x36d: {  	v33 =	vor.u32 v3, v27  }
0x36e: {  	v27 =	vor.u32 v4, v27  }
0x36f: {  	[tilespmem:v61+s31+$0x0] =	vst.idx.add.f32.msk $0xffff, v23;
	v34, _, _ =	vpop (xrf2)  }
0x370: {  	[tilespmem:v62+s31+$0x0] =	vst.idx.add.f32.msk $0xffff, v24;
	v23 =	vbroadcast v34, $0xF  }
0x371: {  	[tilespmem:v63+s31+$0x0] =	vst.idx.add.f32.msk $0xffff, v25  }
0x372: {  	[tilespmem:v33+s31+$0x0] =	vst.idx.add.f32.msk $0xffff, v26;
	v23 =	vsel vm15, v23, v5  }
0x373: {  	[tilespmem:v27+s31+$0x0] =	vst.idx.add.f32.msk $0xffff, v23  }
0x374: {  	v23 =	vld [tilespmem:$0x1400]  }
0x375: {  	v24 =	vld [tilespmem:$0x1410];
	_ =	sdelay $0x1  }
0x376: {  	v25 =	vld [tilespmem:$0x1420];
	_ =	sdelay $0x1  }
0x377: {  	v26 =	vld [tilespmem:$0x1430]  }
0x378: {  	v35 =	vmul.f32 v23, v23;
	v36 =	vmul.f32 v24, v24;
	_ =	sdelay $0x1  }
0x379: {  	v37 =	vmul.f32 v25, v25;
	v27 =	vadd.f32 v36, v35;
	_ =	sdelay $0x1  }
0x37a: {  	v38 =	vmul.f32 v26, v26;
	v27 =	vadd.f32 v37, v27;
	_ =	sdelay $0x1  }
0x37b: {  	v27 =	vadd.f32 v38, v27;
	_ =	sdelay $0x1  }
0x37c: {  	(xrf2) =	vadd.scan.msk.f32 $0xffff, v27;
	_ =	sdelay $0x1  }
0x37d: {  	v39 =	vperm.xlane v22, v14;
	_ =	sdelay $0x1  }
0x37e: {  	v27 =	vshll.u32 v39, $0x7  }
0x37f: {  	v40 =	vor.u32 v0, v27  }
0x380: {  	v41 =	vor.u32 v1, v27  }
0x381: {  	v42 =	vor.u32 v2, v27  }
0x382: {  	v43 =	vor.u32 v3, v27  }
0x383: {  	v27 =	vor.u32 v4, v27  }
0x384: {  	[tilespmem:v40+s31+$0x0] =	vst.idx.add.f32.msk $0xffff, v23;
	v44, _, _ =	vpop (xrf2)  }
0x385: {  	[tilespmem:v41+s31+$0x0] =	vst.idx.add.f32.msk $0xffff, v24;
	v23 =	vbroadcast v44, $0xF  }
0x386: {  	[tilespmem:v42+s31+$0x0] =	vst.idx.add.f32.msk $0xffff, v25  }
0x387: {  	[tilespmem:v43+s31+$0x0] =	vst.idx.add.f32.msk $0xffff, v26;
	v23 =	vsel vm15, v23, v5  }
0x388: {  	[tilespmem:v27+s31+$0x0] =	vst.idx.add.f32.msk $0xffff, v23  }
0x389: {  	v23 =	vld [tilespmem:$0x1480]  }
0x38a: {  	v24 =	vld [tilespmem:$0x1490];
	_ =	sdelay $0x1  }
0x38b: {  	v25 =	vld [tilespmem:$0x14A0];
	_ =	sdelay $0x1  }
0x38c: {  	v26 =	vld [tilespmem:$0x14B0]  }
0x38d: {  	v45 =	vmul.f32 v23, v23;
	v46 =	vmul.f32 v24, v24;
	_ =	sdelay $0x1  }
0x38e: {  	v47 =	vmul.f32 v25, v25;
	v27 =	vadd.f32 v46, v45;
	_ =	sdelay $0x1  }
0x38f: {  	v48 =	vmul.f32 v26, v26;
	v27 =	vadd.f32 v47, v27;
	_ =	sdelay $0x1  }
0x390: {  	v27 =	vadd.f32 v48, v27;
	_ =	sdelay $0x1  }
0x391: {  	(xrf2) =	vadd.scan.msk.f32 $0xffff, v27;
	_ =	sdelay $0x1  }
0x392: {  	v49 =	vperm.xlane v22, v15;
	_ =	sdelay $0x1  }
0x393: {  	v27 =	vshll.u32 v49, $0x7  }
0x394: {  	v50 =	vor.u32 v0, v27  }
0x395: {  	v51 =	vor.u32 v1, v27  }
0x396: {  	v52 =	vor.u32 v2, v27  }
0x397: {  	v53 =	vor.u32 v3, v27  }
0x398: {  	v27 =	vor.u32 v4, v27  }
0x399: {  	[tilespmem:v50+s31+$0x0] =	vst.idx.add.f32.msk $0xffff, v23;
	v54, _, _ =	vpop (xrf2)  }
0x39a: {  	[tilespmem:v51+s31+$0x0] =	vst.idx.add.f32.msk $0xffff, v24;
	v23 =	vbroadcast v54, $0xF  }
0x39b: {  	[tilespmem:v52+s31+$0x0] =	vst.idx.add.f32.msk $0xffff, v25  }
0x39c: {  	[tilespmem:v53+s31+$0x0] =	vst.idx.add.f32.msk $0xffff, v26;
	v23 =	vsel vm15, v23, v5  }
0x39d: {  	[tilespmem:v27+s31+$0x0] =	vst.idx.add.f32.msk $0xffff, v23  }
0x39e: {  	v23 =	vld [tilespmem:$0x1500]  }
0x39f: {  	v24 =	vld [tilespmem:$0x1510];
	_ =	sdelay $0x1  }
0x3a0: {  	v25 =	vld [tilespmem:$0x1520];
	_ =	sdelay $0x1  }
0x3a1: {  	v26 =	vld [tilespmem:$0x1530]  }
0x3a2: {  	v55 =	vmul.f32 v23, v23;
	v56 =	vmul.f32 v24, v24;
	_ =	sdelay $0x1  }
0x3a3: {  	v57 =	vmul.f32 v25, v25;
	v27 =	vadd.f32 v56, v55;
	_ =	sdelay $0x1  }
0x3a4: {  	v58 =	vmul.f32 v26, v26;
	v27 =	vadd.f32 v57, v27;
	_ =	sdelay $0x1  }
0x3a5: {  	v27 =	vadd.f32 v58, v27;
	_ =	sdelay $0x1  }
0x3a6: {  	(xrf2) =	vadd.scan.msk.f32 $0xffff, v27;
	_ =	sdelay $0x1  }
0x3a7: {  	v59 =	vperm.xlane v22, v16;
	_ =	sdelay $0x1  }
0x3a8: {  	v27 =	vshll.u32 v59, $0x7  }
0x3a9: {  	v60 =	vor.u32 v0, v27  }
0x3aa: {  	v61 =	vor.u32 v1, v27  }
0x3ab: {  	v62 =	vor.u32 v2, v27  }
0x3ac: {  	v63 =	vor.u32 v3, v27  }
0x3ad: {  	v27 =	vor.u32 v4, v27  }
0x3ae: {  	[tilespmem:v60+s31+$0x0] =	vst.idx.add.f32.msk $0xffff, v23;
	v32, _, _ =	vpop (xrf2)  }
0x3af: {  	[tilespmem:v61+s31+$0x0] =	vst.idx.add.f32.msk $0xffff, v24;
	v23 =	vbroadcast v32, $0xF  }
0x3b0: {  	[tilespmem:v62+s31+$0x0] =	vst.idx.add.f32.msk $0xffff, v25  }
0x3b1: {  	[tilespmem:v63+s31+$0x0] =	vst.idx.add.f32.msk $0xffff, v26;
	v23 =	vsel vm15, v23, v5  }
0x3b2: {  	[tilespmem:v27+s31+$0x0] =	vst.idx.add.f32.msk $0xffff, v23  }
0x3b3: {  	v23 =	vld [tilespmem:$0x1580]  }
0x3b4: {  	v24 =	vld [tilespmem:$0x1590];
	_ =	sdelay $0x1  }
0x3b5: {  	v25 =	vld [tilespmem:$0x15A0];
	_ =	sdelay $0x1  }
0x3b6: {  	v26 =	vld [tilespmem:$0x15B0]  }
0x3b7: {  	v33 =	vmul.f32 v23, v23;
	v34 =	vmul.f32 v24, v24;
	_ =	sdelay $0x1  }
0x3b8: {  	v35 =	vmul.f32 v25, v25;
	v27 =	vadd.f32 v34, v33;
	_ =	sdelay $0x1  }
0x3b9: {  	v36 =	vmul.f32 v26, v26;
	v27 =	vadd.f32 v35, v27;
	_ =	sdelay $0x1  }
0x3ba: {  	v27 =	vadd.f32 v36, v27;
	_ =	sdelay $0x1  }
0x3bb: {  	(xrf2) =	vadd.scan.msk.f32 $0xffff, v27;
	_ =	sdelay $0x1  }
0x3bc: {  	v37 =	vperm.xlane v22, v17;
	_ =	sdelay $0x1  }
0x3bd: {  	v27 =	vshll.u32 v37, $0x7  }
0x3be: {  	v38 =	vor.u32 v0, v27  }
0x3bf: {  	v39 =	vor.u32 v1, v27  }
0x3c0: {  	v40 =	vor.u32 v2, v27  }
0x3c1: {  	v41 =	vor.u32 v3, v27  }
0x3c2: {  	v27 =	vor.u32 v4, v27  }
0x3c3: {  	[tilespmem:v38+s31+$0x0] =	vst.idx.add.f32.msk $0xffff, v23;
	v42, _, _ =	vpop (xrf2)  }
0x3c4: {  	[tilespmem:v39+s31+$0x0] =	vst.idx.add.f32.msk $0xffff, v24;
	v23 =	vbroadcast v42, $0xF  }
0x3c5: {  	[tilespmem:v40+s31+$0x0] =	vst.idx.add.f32.msk $0xffff, v25  }
0x3c6: {  	[tilespmem:v41+s31+$0x0] =	vst.idx.add.f32.msk $0xffff, v26;
	v23 =	vsel vm15, v23, v5  }
0x3c7: {  	[tilespmem:v27+s31+$0x0] =	vst.idx.add.f32.msk $0xffff, v23  }
0x3c8: {  	v23 =	vld [tilespmem:$0x1600]  }
0x3c9: {  	v24 =	vld [tilespmem:$0x1610];
	_ =	sdelay $0x1  }
0x3ca: {  	v25 =	vld [tilespmem:$0x1620];
	_ =	sdelay $0x1  }
0x3cb: {  	v26 =	vld [tilespmem:$0x1630]  }
0x3cc: {  	v43 =	vmul.f32 v23, v23;
	v44 =	vmul.f32 v24, v24;
	_ =	sdelay $0x1  }
0x3cd: {  	v45 =	vmul.f32 v25, v25;
	v27 =	vadd.f32 v44, v43;
	_ =	sdelay $0x1  }
0x3ce: {  	v46 =	vmul.f32 v26, v26;
	v27 =	vadd.f32 v45, v27;
	_ =	sdelay $0x1  }
0x3cf: {  	v27 =	vadd.f32 v46, v27;
	_ =	sdelay $0x1  }
0x3d0: {  	(xrf2) =	vadd.scan.msk.f32 $0xffff, v27;
	_ =	sdelay $0x1  }
0x3d1: {  	v47 =	vperm.xlane v22, v18;
	_ =	sdelay $0x1  }
0x3d2: {  	v27 =	vshll.u32 v47, $0x7  }
0x3d3: {  	v48 =	vor.u32 v0, v27  }
0x3d4: {  	v49 =	vor.u32 v1, v27  }
0x3d5: {  	v50 =	vor.u32 v2, v27  }
0x3d6: {  	v51 =	vor.u32 v3, v27  }
0x3d7: {  	v27 =	vor.u32 v4, v27  }
0x3d8: {  	[tilespmem:v48+s31+$0x0] =	vst.idx.add.f32.msk $0xffff, v23;
	v52, _, _ =	vpop (xrf2)  }
0x3d9: {  	[tilespmem:v49+s31+$0x0] =	vst.idx.add.f32.msk $0xffff, v24;
	v23 =	vbroadcast v52, $0xF  }
0x3da: {  	[tilespmem:v50+s31+$0x0] =	vst.idx.add.f32.msk $0xffff, v25  }
0x3db: {  	[tilespmem:v51+s31+$0x0] =	vst.idx.add.f32.msk $0xffff, v26;
	v23 =	vsel vm15, v23, v5  }
0x3dc: {  	[tilespmem:v27+s31+$0x0] =	vst.idx.add.f32.msk $0xffff, v23  }
0x3dd: {  	v23 =	vld [tilespmem:$0x1680]  }
0x3de: {  	v24 =	vld [tilespmem:$0x1690];
	_ =	sdelay $0x1  }
0x3df: {  	v25 =	vld [tilespmem:$0x16A0];
	_ =	sdelay $0x1  }
0x3e0: {  	v26 =	vld [tilespmem:$0x16B0]  }
0x3e1: {  	v53 =	vmul.f32 v23, v23;
	v54 =	vmul.f32 v24, v24;
	_ =	sdelay $0x1  }
0x3e2: {  	v55 =	vmul.f32 v25, v25;
	v27 =	vadd.f32 v54, v53;
	_ =	sdelay $0x1  }
0x3e3: {  	v56 =	vmul.f32 v26, v26;
	v27 =	vadd.f32 v55, v27;
	_ =	sdelay $0x1  }
0x3e4: {  	v27 =	vadd.f32 v56, v27;
	_ =	sdelay $0x1  }
0x3e5: {  	(xrf2) =	vadd.scan.msk.f32 $0xffff, v27;
	_ =	sdelay $0x1  }
0x3e6: {  	v57 =	vperm.xlane v22, v19;
	_ =	sdelay $0x1  }
0x3e7: {  	v27 =	vshll.u32 v57, $0x7  }
0x3e8: {  	v58 =	vor.u32 v0, v27  }
0x3e9: {  	v59 =	vor.u32 v1, v27  }
0x3ea: {  	v60 =	vor.u32 v2, v27  }
0x3eb: {  	v61 =	vor.u32 v3, v27  }
0x3ec: {  	v27 =	vor.u32 v4, v27  }
0x3ed: {  	[tilespmem:v58+s31+$0x0] =	vst.idx.add.f32.msk $0xffff, v23;
	v62, _, _ =	vpop (xrf2)  }
0x3ee: {  	[tilespmem:v59+s31+$0x0] =	vst.idx.add.f32.msk $0xffff, v24;
	v23 =	vbroadcast v62, $0xF  }
0x3ef: {  	[tilespmem:v60+s31+$0x0] =	vst.idx.add.f32.msk $0xffff, v25  }
0x3f0: {  	[tilespmem:v61+s31+$0x0] =	vst.idx.add.f32.msk $0xffff, v26;
	v23 =	vsel vm15, v23, v5  }
0x3f1: {  	[tilespmem:v27+s31+$0x0] =	vst.idx.add.f32.msk $0xffff, v23  }
0x3f2: {  	v23 =	vld [tilespmem:$0x1700]  }
0x3f3: {  	v24 =	vld [tilespmem:$0x1710];
	_ =	sdelay $0x1  }
0x3f4: {  	v25 =	vld [tilespmem:$0x1720];
	_ =	sdelay $0x1  }
0x3f5: {  	v26 =	vld [tilespmem:$0x1730]  }
0x3f6: {  	v63 =	vmul.f32 v23, v23;
	v32 =	vmul.f32 v24, v24;
	_ =	sdelay $0x1  }
0x3f7: {  	v33 =	vmul.f32 v25, v25;
	v27 =	vadd.f32 v32, v63;
	_ =	sdelay $0x1  }
0x3f8: {  	v34 =	vmul.f32 v26, v26;
	v27 =	vadd.f32 v33, v27;
	_ =	sdelay $0x1  }
0x3f9: {  	v27 =	vadd.f32 v34, v27;
	_ =	sdelay $0x1  }
0x3fa: {  	(xrf2) =	vadd.scan.msk.f32 $0xffff, v27;
	_ =	sdelay $0x1  }
0x3fb: {  	v35 =	vperm.xlane v22, v20;
	_ =	sdelay $0x1  }
0x3fc: {  	v27 =	vshll.u32 v35, $0x7  }
0x3fd: {  	v36 =	vor.u32 v0, v27  }
0x3fe: {  	v37 =	vor.u32 v1, v27  }
0x3ff: {  	v38 =	vor.u32 v2, v27  }
0x400: {  	v39 =	vor.u32 v3, v27  }
0x401: {  	v27 =	vor.u32 v4, v27  }
0x402: {  	[tilespmem:v36+s31+$0x0] =	vst.idx.add.f32.msk $0xffff, v23;
	v40, _, _ =	vpop (xrf2)  }
0x403: {  	[tilespmem:v37+s31+$0x0] =	vst.idx.add.f32.msk $0xffff, v24;
	v23 =	vbroadcast v40, $0xF  }
0x404: {  	[tilespmem:v38+s31+$0x0] =	vst.idx.add.f32.msk $0xffff, v25  }
0x405: {  	[tilespmem:v39+s31+$0x0] =	vst.idx.add.f32.msk $0xffff, v26;
	v23 =	vsel vm15, v23, v5  }
0x406: {  	[tilespmem:v27+s31+$0x0] =	vst.idx.add.f32.msk $0xffff, v23  }
0x407: {  	v23 =	vld [tilespmem:$0x1780]  }
0x408: {  	v24 =	vld [tilespmem:$0x1790];
	_ =	sdelay $0x1  }
0x409: {  	v25 =	vld [tilespmem:$0x17A0];
	_ =	sdelay $0x1  }
0x40a: {  	v26 =	vld [tilespmem:$0x17B0]  }
0x40b: {  	v41 =	vmul.f32 v23, v23;
	v42 =	vmul.f32 v24, v24;
	_ =	sdelay $0x1  }
0x40c: {  	v43 =	vmul.f32 v25, v25;
	v27 =	vadd.f32 v42, v41;
	_ =	sdelay $0x1  }
0x40d: {  	v44 =	vmul.f32 v26, v26;
	v27 =	vadd.f32 v43, v27;
	_ =	sdelay $0x1  }
0x40e: {  	v27 =	vadd.f32 v44, v27;
	_ =	sdelay $0x1  }
0x40f: {  	(xrf2) =	vadd.scan.msk.f32 $0xffff, v27;
	_ =	sdelay $0x1  }
0x410: {  	v22 =	vperm.xlane v22, v21;
	_ =	sdelay $0x1  }
0x411: {  	v22 =	vshll.u32 v22, $0x7  }
0x412: {  	v45 =	vor.u32 v0, v22  }
0x413: {  	v46 =	vor.u32 v1, v22  }
0x414: {  	v47 =	vor.u32 v2, v22  }
0x415: {  	v48 =	vor.u32 v3, v22  }
0x416: {  	v22 =	vor.u32 v4, v22  }
0x417: {  	[tilespmem:v45+s31+$0x0] =	vst.idx.add.f32.msk $0xffff, v23;
	v49, _, _ =	vpop (xrf2)  }
0x418: {  	[tilespmem:v46+s31+$0x0] =	vst.idx.add.f32.msk $0xffff, v24;
	v23 =	vbroadcast v49, $0xF  }
0x419: {  	[tilespmem:v47+s31+$0x0] =	vst.idx.add.f32.msk $0xffff, v25  }
0x41a: {  	[tilespmem:v48+s31+$0x0] =	vst.idx.add.f32.msk $0xffff, v26;
	v23 =	vsel vm15, v23, v5  }
0x41b: {  	[tilespmem:v22+s31+$0x0] =	vst.idx.add.f32.msk $0xffff, v23  }
0x41c: {  	v23 =	vld [tilespmem:$0x1800]  }
0x41d: {  	v24 =	vld [tilespmem:$0x1810];
	_ =	sdelay $0x1  }
0x41e: {  	v25 =	vld [tilespmem:$0x1820];
	_ =	sdelay $0x1  }
0x41f: {  	v26 =	vld [tilespmem:$0x1830]  }
0x420: {  	v50 =	vmul.f32 v23, v23;
	v51 =	vmul.f32 v24, v24;
	_ =	sdelay $0x1  }
0x421: {  	v52 =	vmul.f32 v25, v25;
	v22 =	vadd.f32 v51, v50;
	_ =	sdelay $0x1  }
0x422: {  	v53 =	vmul.f32 v26, v26;
	v27 =	vadd.f32 v52, v22  }
0x423: {  	v22 =	vld [tilespmem:$0x2030]  }
0x424: {  	v27 =	vadd.f32 v53, v27;
	_ =	sdelay $0x1  }
0x425: {  	(xrf2) =	vadd.scan.msk.f32 $0xffff, v27;
	_ =	sdelay $0x1  }
0x426: {  	v6 =	vperm.xlane v22, v6;
	_ =	sdelay $0x1  }
0x427: {  	v6 =	vshll.u32 v6, $0x7  }
0x428: {  	v54 =	vor.u32 v0, v6  }
0x429: {  	v55 =	vor.u32 v1, v6  }
0x42a: {  	v56 =	vor.u32 v2, v6  }
0x42b: {  	v57 =	vor.u32 v3, v6  }
0x42c: {  	v6 =	vor.u32 v4, v6  }
0x42d: {  	[tilespmem:v54+s31+$0x0] =	vst.idx.add.f32.msk $0xffff, v23;
	v58, _, _ =	vpop (xrf2)  }
0x42e: {  	[tilespmem:v55+s31+$0x0] =	vst.idx.add.f32.msk $0xffff, v24;
	v23 =	vbroadcast v58, $0xF  }
0x42f: {  	[tilespmem:v56+s31+$0x0] =	vst.idx.add.f32.msk $0xffff, v25  }
0x430: {  	[tilespmem:v57+s31+$0x0] =	vst.idx.add.f32.msk $0xffff, v26;
	v23 =	vsel vm15, v23, v5  }
0x431: {  	[tilespmem:v6+s31+$0x0] =	vst.idx.add.f32.msk $0xffff, v23  }
0x432: {  	v6 =	vld [tilespmem:$0x1880]  }
0x433: {  	v23 =	vld [tilespmem:$0x1890];
	_ =	sdelay $0x1  }
0x434: {  	v24 =	vld [tilespmem:$0x18A0];
	_ =	sdelay $0x1  }
0x435: {  	v25 =	vld [tilespmem:$0x18B0]  }
0x436: {  	v59 =	vmul.f32 v6, v6;
	v60 =	vmul.f32 v23, v23;
	_ =	sdelay $0x1  }
0x437: {  	v61 =	vmul.f32 v24, v24;
	v26 =	vadd.f32 v60, v59;
	_ =	sdelay $0x1  }
0x438: {  	v62 =	vmul.f32 v25, v25;
	v26 =	vadd.f32 v61, v26;
	_ =	sdelay $0x1  }
0x439: {  	v26 =	vadd.f32 v62, v26;
	_ =	sdelay $0x1  }
0x43a: {  	(xrf2) =	vadd.scan.msk.f32 $0xffff, v26;
	_ =	sdelay $0x1  }
0x43b: {  	v7 =	vperm.xlane v22, v7;
	_ =	sdelay $0x1  }
0x43c: {  	v7 =	vshll.u32 v7, $0x7  }
0x43d: {  	v63 =	vor.u32 v0, v7  }
0x43e: {  	v32 =	vor.u32 v1, v7  }
0x43f: {  	v33 =	vor.u32 v2, v7  }
0x440: {  	v34 =	vor.u32 v3, v7  }
0x441: {  	v7 =	vor.u32 v4, v7  }
0x442: {  	[tilespmem:v63+s31+$0x0] =	vst.idx.add.f32.msk $0xffff, v6;
	v35, _, _ =	vpop (xrf2)  }
0x443: {  	[tilespmem:v32+s31+$0x0] =	vst.idx.add.f32.msk $0xffff, v23;
	v6 =	vbroadcast v35, $0xF  }
0x444: {  	[tilespmem:v33+s31+$0x0] =	vst.idx.add.f32.msk $0xffff, v24  }
0x445: {  	[tilespmem:v34+s31+$0x0] =	vst.idx.add.f32.msk $0xffff, v25;
	v6 =	vsel vm15, v6, v5  }
0x446: {  	[tilespmem:v7+s31+$0x0] =	vst.idx.add.f32.msk $0xffff, v6  }
0x447: {  	v6 =	vld [tilespmem:$0x1900]  }
0x448: {  	v7 =	vld [tilespmem:$0x1910];
	_ =	sdelay $0x1  }
0x449: {  	v23 =	vld [tilespmem:$0x1920];
	_ =	sdelay $0x1  }
0x44a: {  	v24 =	vld [tilespmem:$0x1930]  }
0x44b: {  	v36 =	vmul.f32 v6, v6;
	v37 =	vmul.f32 v7, v7;
	_ =	sdelay $0x1  }
0x44c: {  	v38 =	vmul.f32 v23, v23;
	v25 =	vadd.f32 v37, v36;
	_ =	sdelay $0x1  }
0x44d: {  	v39 =	vmul.f32 v24, v24;
	v25 =	vadd.f32 v38, v25;
	_ =	sdelay $0x1  }
0x44e: {  	v25 =	vadd.f32 v39, v25;
	_ =	sdelay $0x1  }
0x44f: {  	(xrf2) =	vadd.scan.msk.f32 $0xffff, v25;
	_ =	sdelay $0x1  }
0x450: {  	v8 =	vperm.xlane v22, v8;
	_ =	sdelay $0x1  }
0x451: {  	v8 =	vshll.u32 v8, $0x7  }
0x452: {  	v40 =	vor.u32 v0, v8  }
0x453: {  	v41 =	vor.u32 v1, v8  }
0x454: {  	v42 =	vor.u32 v2, v8  }
0x455: {  	v43 =	vor.u32 v3, v8  }
0x456: {  	v8 =	vor.u32 v4, v8  }
0x457: {  	[tilespmem:v40+s31+$0x0] =	vst.idx.add.f32.msk $0xffff, v6;
	v44, _, _ =	vpop (xrf2)  }
0x458: {  	[tilespmem:v41+s31+$0x0] =	vst.idx.add.f32.msk $0xffff, v7;
	v45 =	vbroadcast v44, $0xF  }
0x459: {  	[tilespmem:v42+s31+$0x0] =	vst.idx.add.f32.msk $0xffff, v23  }
0x45a: {  	[tilespmem:v43+s31+$0x0] =	vst.idx.add.f32.msk $0xffff, v24;
	v6 =	vsel vm15, v45, v5  }
0x45b: {  	[tilespmem:v8+s31+$0x0] =	vst.idx.add.f32.msk $0xffff, v6  }
0x45c: {  	v6 =	vld [tilespmem:$0x1980]  }
0x45d: {  	v7 =	vld [tilespmem:$0x1990];
	_ =	sdelay $0x1  }
0x45e: {  	v8 =	vld [tilespmem:$0x19A0];
	_ =	sdelay $0x1  }
0x45f: {  	v23 =	vld [tilespmem:$0x19B0]  }
0x460: {  	v46 =	vmul.f32 v6, v6;
	v47 =	vmul.f32 v7, v7;
	_ =	sdelay $0x1  }
0x461: {  	v48 =	vmul.f32 v8, v8;
	v24 =	vadd.f32 v47, v46;
	_ =	sdelay $0x1  }
0x462: {  	v49 =	vmul.f32 v23, v23;
	v24 =	vadd.f32 v48, v24;
	_ =	sdelay $0x1  }
0x463: {  	v24 =	vadd.f32 v49, v24;
	_ =	sdelay $0x1  }
0x464: {  	(xrf2) =	vadd.scan.msk.f32 $0xffff, v24;
	_ =	sdelay $0x1  }
0x465: {  	v9 =	vperm.xlane v22, v9;
	_ =	sdelay $0x1  }
0x466: {  	v9 =	vshll.u32 v9, $0x7  }
0x467: {  	v50 =	vor.u32 v0, v9  }
0x468: {  	v51 =	vor.u32 v1, v9  }
0x469: {  	v52 =	vor.u32 v2, v9  }
0x46a: {  	v53 =	vor.u32 v3, v9  }
0x46b: {  	v9 =	vor.u32 v4, v9  }
0x46c: {  	[tilespmem:v50+s31+$0x0] =	vst.idx.add.f32.msk $0xffff, v6;
	v54, _, _ =	vpop (xrf2)  }
0x46d: {  	[tilespmem:v51+s31+$0x0] =	vst.idx.add.f32.msk $0xffff, v7;
	v55 =	vbroadcast v54, $0xF  }
0x46e: {  	[tilespmem:v52+s31+$0x0] =	vst.idx.add.f32.msk $0xffff, v8  }
0x46f: {  	[tilespmem:v53+s31+$0x0] =	vst.idx.add.f32.msk $0xffff, v23;
	v6 =	vsel vm15, v55, v5  }
0x470: {  	[tilespmem:v9+s31+$0x0] =	vst.idx.add.f32.msk $0xffff, v6  }
0x471: {  	v6 =	vld [tilespmem:$0x1A00]  }
0x472: {  	v7 =	vld [tilespmem:$0x1A10];
	_ =	sdelay $0x1  }
0x473: {  	v8 =	vld [tilespmem:$0x1A20];
	_ =	sdelay $0x1  }
0x474: {  	v9 =	vld [tilespmem:$0x1A30]  }
0x475: {  	v56 =	vmul.f32 v6, v6;
	v57 =	vmul.f32 v7, v7;
	_ =	sdelay $0x1  }
0x476: {  	v58 =	vmul.f32 v8, v8;
	v23 =	vadd.f32 v57, v56;
	_ =	sdelay $0x1  }
0x477: {  	v59 =	vmul.f32 v9, v9;
	v23 =	vadd.f32 v58, v23;
	_ =	sdelay $0x1  }
0x478: {  	v23 =	vadd.f32 v59, v23;
	_ =	sdelay $0x1  }
0x479: {  	(xrf2) =	vadd.scan.msk.f32 $0xffff, v23;
	_ =	sdelay $0x1  }
0x47a: {  	v10 =	vperm.xlane v22, v10;
	_ =	sdelay $0x1  }
0x47b: {  	v10 =	vshll.u32 v10, $0x7  }
0x47c: {  	v60 =	vor.u32 v0, v10  }
0x47d: {  	v61 =	vor.u32 v1, v10  }
0x47e: {  	v62 =	vor.u32 v2, v10  }
0x47f: {  	v63 =	vor.u32 v3, v10  }
0x480: {  	v10 =	vor.u32 v4, v10  }
0x481: {  	[tilespmem:v60+s31+$0x0] =	vst.idx.add.f32.msk $0xffff, v6;
	v30, _, _ =	vpop (xrf2)  }
0x482: {  	[tilespmem:v61+s31+$0x0] =	vst.idx.add.f32.msk $0xffff, v7;
	v31 =	vbroadcast v30, $0xF  }
0x483: {  	[tilespmem:v62+s31+$0x0] =	vst.idx.add.f32.msk $0xffff, v8  }
0x484: {  	[tilespmem:v63+s31+$0x0] =	vst.idx.add.f32.msk $0xffff, v9;
	v6 =	vsel vm15, v31, v5  }
0x485: {  	[tilespmem:v10+s31+$0x0] =	vst.idx.add.f32.msk $0xffff, v6  }
0x486: {  	v6 =	vld [tilespmem:$0x1A80]  }
0x487: {  	v7 =	vld [tilespmem:$0x1A90];
	_ =	sdelay $0x1  }
0x488: {  	v8 =	vld [tilespmem:$0x1AA0];
	_ =	sdelay $0x1  }
0x489: {  	v9 =	vld [tilespmem:$0x1AB0]  }
0x48a: {  	v32 =	vmul.f32 v6, v6;
	v33 =	vmul.f32 v7, v7;
	_ =	sdelay $0x1  }
0x48b: {  	v34 =	vmul.f32 v8, v8;
	v10 =	vadd.f32 v33, v32;
	_ =	sdelay $0x1  }
0x48c: {  	v35 =	vmul.f32 v9, v9;
	v10 =	vadd.f32 v34, v10;
	_ =	sdelay $0x1  }
0x48d: {  	v10 =	vadd.f32 v35, v10;
	_ =	sdelay $0x1  }
0x48e: {  	(xrf2) =	vadd.scan.msk.f32 $0xffff, v10;
	_ =	sdelay $0x1  }
0x48f: {  	v36 =	vperm.xlane v22, v11;
	_ =	sdelay $0x1  }
0x490: {  	v10 =	vshll.u32 v36, $0x7  }
0x491: {  	v37 =	vor.u32 v0, v10  }
0x492: {  	v38 =	vor.u32 v1, v10  }
0x493: {  	v39 =	vor.u32 v2, v10  }
0x494: {  	v40 =	vor.u32 v3, v10  }
0x495: {  	v10 =	vor.u32 v4, v10  }
0x496: {  	[tilespmem:v37+s31+$0x0] =	vst.idx.add.f32.msk $0xffff, v6;
	v41, _, _ =	vpop (xrf2)  }
0x497: {  	[tilespmem:v38+s31+$0x0] =	vst.idx.add.f32.msk $0xffff, v7;
	v42 =	vbroadcast v41, $0xF  }
0x498: {  	[tilespmem:v39+s31+$0x0] =	vst.idx.add.f32.msk $0xffff, v8  }
0x499: {  	[tilespmem:v40+s31+$0x0] =	vst.idx.add.f32.msk $0xffff, v9;
	v6 =	vsel vm15, v42, v5  }
0x49a: {  	[tilespmem:v10+s31+$0x0] =	vst.idx.add.f32.msk $0xffff, v6  }
0x49b: {  	v6 =	vld [tilespmem:$0x1B00]  }
0x49c: {  	v7 =	vld [tilespmem:$0x1B10];
	_ =	sdelay $0x1  }
0x49d: {  	v8 =	vld [tilespmem:$0x1B20];
	_ =	sdelay $0x1  }
0x49e: {  	v9 =	vld [tilespmem:$0x1B30]  }
0x49f: {  	v43 =	vmul.f32 v6, v6;
	v44 =	vmul.f32 v7, v7;
	_ =	sdelay $0x1  }
0x4a0: {  	v45 =	vmul.f32 v8, v8;
	v10 =	vadd.f32 v44, v43;
	_ =	sdelay $0x1  }
0x4a1: {  	v46 =	vmul.f32 v9, v9;
	v10 =	vadd.f32 v45, v10;
	_ =	sdelay $0x1  }
0x4a2: {  	v10 =	vadd.f32 v46, v10;
	_ =	sdelay $0x1  }
0x4a3: {  	(xrf2) =	vadd.scan.msk.f32 $0xffff, v10;
	_ =	sdelay $0x1  }
0x4a4: {  	v47 =	vperm.xlane v22, v12;
	_ =	sdelay $0x1  }
0x4a5: {  	v10 =	vshll.u32 v47, $0x7  }
0x4a6: {  	v48 =	vor.u32 v0, v10  }
0x4a7: {  	v49 =	vor.u32 v1, v10  }
0x4a8: {  	v50 =	vor.u32 v2, v10  }
0x4a9: {  	v51 =	vor.u32 v3, v10  }
0x4aa: {  	v10 =	vor.u32 v4, v10  }
0x4ab: {  	[tilespmem:v48+s31+$0x0] =	vst.idx.add.f32.msk $0xffff, v6;
	v52, _, _ =	vpop (xrf2)  }
0x4ac: {  	[tilespmem:v49+s31+$0x0] =	vst.idx.add.f32.msk $0xffff, v7;
	v53 =	vbroadcast v52, $0xF  }
0x4ad: {  	[tilespmem:v50+s31+$0x0] =	vst.idx.add.f32.msk $0xffff, v8  }
0x4ae: {  	[tilespmem:v51+s31+$0x0] =	vst.idx.add.f32.msk $0xffff, v9;
	v6 =	vsel vm15, v53, v5  }
0x4af: {  	[tilespmem:v10+s31+$0x0] =	vst.idx.add.f32.msk $0xffff, v6  }
0x4b0: {  	v6 =	vld [tilespmem:$0x1B80]  }
0x4b1: {  	v7 =	vld [tilespmem:$0x1B90];
	_ =	sdelay $0x1  }
0x4b2: {  	v8 =	vld [tilespmem:$0x1BA0];
	_ =	sdelay $0x1  }
0x4b3: {  	v9 =	vld [tilespmem:$0x1BB0]  }
0x4b4: {  	v54 =	vmul.f32 v6, v6;
	v55 =	vmul.f32 v7, v7;
	_ =	sdelay $0x1  }
0x4b5: {  	v56 =	vmul.f32 v8, v8;
	v10 =	vadd.f32 v55, v54;
	_ =	sdelay $0x1  }
0x4b6: {  	v57 =	vmul.f32 v9, v9;
	v10 =	vadd.f32 v56, v10;
	_ =	sdelay $0x1  }
0x4b7: {  	v10 =	vadd.f32 v57, v10;
	_ =	sdelay $0x1  }
0x4b8: {  	(xrf2) =	vadd.scan.msk.f32 $0xffff, v10;
	_ =	sdelay $0x1  }
0x4b9: {  	v58 =	vperm.xlane v22, v13;
	_ =	sdelay $0x1  }
0x4ba: {  	v10 =	vshll.u32 v58, $0x7  }
0x4bb: {  	v59 =	vor.u32 v0, v10  }
0x4bc: {  	v60 =	vor.u32 v1, v10  }
0x4bd: {  	v61 =	vor.u32 v2, v10  }
0x4be: {  	v62 =	vor.u32 v3, v10  }
0x4bf: {  	v10 =	vor.u32 v4, v10  }
0x4c0: {  	[tilespmem:v59+s31+$0x0] =	vst.idx.add.f32.msk $0xffff, v6;
	v63, _, _ =	vpop (xrf2)  }
0x4c1: {  	[tilespmem:v60+s31+$0x0] =	vst.idx.add.f32.msk $0xffff, v7;
	v11 =	vbroadcast v63, $0xF  }
0x4c2: {  	[tilespmem:v61+s31+$0x0] =	vst.idx.add.f32.msk $0xffff, v8  }
0x4c3: {  	[tilespmem:v62+s31+$0x0] =	vst.idx.add.f32.msk $0xffff, v9;
	v6 =	vsel vm15, v11, v5  }
0x4c4: {  	[tilespmem:v10+s31+$0x0] =	vst.idx.add.f32.msk $0xffff, v6  }
0x4c5: {  	v6 =	vld [tilespmem:$0x1C00]  }
0x4c6: {  	v7 =	vld [tilespmem:$0x1C10];
	_ =	sdelay $0x1  }
0x4c7: {  	v8 =	vld [tilespmem:$0x1C20];
	_ =	sdelay $0x1  }
0x4c8: {  	v9 =	vld [tilespmem:$0x1C30]  }
0x4c9: {  	v12 =	vmul.f32 v6, v6;
	v13 =	vmul.f32 v7, v7;
	_ =	sdelay $0x1  }
0x4ca: {  	v23 =	vmul.f32 v8, v8;
	v10 =	vadd.f32 v13, v12;
	_ =	sdelay $0x1  }
0x4cb: {  	v24 =	vmul.f32 v9, v9;
	v10 =	vadd.f32 v23, v10;
	_ =	sdelay $0x1  }
0x4cc: {  	v10 =	vadd.f32 v24, v10;
	_ =	sdelay $0x1  }
0x4cd: {  	(xrf2) =	vadd.scan.msk.f32 $0xffff, v10;
	_ =	sdelay $0x1  }
0x4ce: {  	v25 =	vperm.xlane v22, v14;
	_ =	sdelay $0x1  }
0x4cf: {  	v10 =	vshll.u32 v25, $0x7  }
0x4d0: {  	v26 =	vor.u32 v0, v10  }
0x4d1: {  	v27 =	vor.u32 v1, v10  }
0x4d2: {  	v28 =	vor.u32 v2, v10  }
0x4d3: {  	v29 =	vor.u32 v3, v10  }
0x4d4: {  	v10 =	vor.u32 v4, v10  }
0x4d5: {  	[tilespmem:v26+s31+$0x0] =	vst.idx.add.f32.msk $0xffff, v6;
	v30, _, _ =	vpop (xrf2)  }
0x4d6: {  	[tilespmem:v27+s31+$0x0] =	vst.idx.add.f32.msk $0xffff, v7;
	v31 =	vbroadcast v30, $0xF  }
0x4d7: {  	[tilespmem:v28+s31+$0x0] =	vst.idx.add.f32.msk $0xffff, v8  }
0x4d8: {  	[tilespmem:v29+s31+$0x0] =	vst.idx.add.f32.msk $0xffff, v9;
	v6 =	vsel vm15, v31, v5  }
0x4d9: {  	[tilespmem:v10+s31+$0x0] =	vst.idx.add.f32.msk $0xffff, v6  }
0x4da: {  	v6 =	vld [tilespmem:$0x1C80]  }
0x4db: {  	v7 =	vld [tilespmem:$0x1C90];
	_ =	sdelay $0x1  }
0x4dc: {  	v8 =	vld [tilespmem:$0x1CA0];
	_ =	sdelay $0x1  }
0x4dd: {  	v9 =	vld [tilespmem:$0x1CB0]  }
0x4de: {  	v32 =	vmul.f32 v6, v6;
	v33 =	vmul.f32 v7, v7;
	_ =	sdelay $0x1  }
0x4df: {  	v34 =	vmul.f32 v8, v8;
	v10 =	vadd.f32 v33, v32;
	_ =	sdelay $0x1  }
0x4e0: {  	v35 =	vmul.f32 v9, v9;
	v10 =	vadd.f32 v34, v10;
	_ =	sdelay $0x1  }
0x4e1: {  	v10 =	vadd.f32 v35, v10;
	_ =	sdelay $0x1  }
0x4e2: {  	(xrf2) =	vadd.scan.msk.f32 $0xffff, v10;
	_ =	sdelay $0x1  }
0x4e3: {  	v36 =	vperm.xlane v22, v15;
	_ =	sdelay $0x1  }
0x4e4: {  	v10 =	vshll.u32 v36, $0x7  }
0x4e5: {  	v37 =	vor.u32 v0, v10  }
0x4e6: {  	v38 =	vor.u32 v1, v10  }
0x4e7: {  	v39 =	vor.u32 v2, v10  }
0x4e8: {  	v40 =	vor.u32 v3, v10  }
0x4e9: {  	v10 =	vor.u32 v4, v10  }
0x4ea: {  	[tilespmem:v37+s31+$0x0] =	vst.idx.add.f32.msk $0xffff, v6;
	v41, _, _ =	vpop (xrf2)  }
0x4eb: {  	[tilespmem:v38+s31+$0x0] =	vst.idx.add.f32.msk $0xffff, v7;
	v42 =	vbroadcast v41, $0xF  }
0x4ec: {  	[tilespmem:v39+s31+$0x0] =	vst.idx.add.f32.msk $0xffff, v8  }
0x4ed: {  	[tilespmem:v40+s31+$0x0] =	vst.idx.add.f32.msk $0xffff, v9;
	v6 =	vsel vm15, v42, v5  }
0x4ee: {  	[tilespmem:v10+s31+$0x0] =	vst.idx.add.f32.msk $0xffff, v6  }
0x4ef: {  	v6 =	vld [tilespmem:$0x1D00]  }
0x4f0: {  	v7 =	vld [tilespmem:$0x1D10];
	_ =	sdelay $0x1  }
0x4f1: {  	v8 =	vld [tilespmem:$0x1D20];
	_ =	sdelay $0x1  }
0x4f2: {  	v9 =	vld [tilespmem:$0x1D30]  }
0x4f3: {  	v43 =	vmul.f32 v6, v6;
	v44 =	vmul.f32 v7, v7;
	_ =	sdelay $0x1  }
0x4f4: {  	v45 =	vmul.f32 v8, v8;
	v10 =	vadd.f32 v44, v43;
	_ =	sdelay $0x1  }
0x4f5: {  	v46 =	vmul.f32 v9, v9;
	v10 =	vadd.f32 v45, v10;
	_ =	sdelay $0x1  }
0x4f6: {  	v10 =	vadd.f32 v46, v10;
	_ =	sdelay $0x1  }
0x4f7: {  	(xrf2) =	vadd.scan.msk.f32 $0xffff, v10;
	_ =	sdelay $0x1  }
0x4f8: {  	v47 =	vperm.xlane v22, v16;
	_ =	sdelay $0x1  }
0x4f9: {  	v10 =	vshll.u32 v47, $0x7  }
0x4fa: {  	v48 =	vor.u32 v0, v10  }
0x4fb: {  	v49 =	vor.u32 v1, v10  }
0x4fc: {  	v50 =	vor.u32 v2, v10  }
0x4fd: {  	v51 =	vor.u32 v3, v10  }
0x4fe: {  	v10 =	vor.u32 v4, v10  }
0x4ff: {  	[tilespmem:v48+s31+$0x0] =	vst.idx.add.f32.msk $0xffff, v6;
	v52, _, _ =	vpop (xrf2)  }
0x500: {  	[tilespmem:v49+s31+$0x0] =	vst.idx.add.f32.msk $0xffff, v7;
	v53 =	vbroadcast v52, $0xF  }
0x501: {  	[tilespmem:v50+s31+$0x0] =	vst.idx.add.f32.msk $0xffff, v8  }
0x502: {  	[tilespmem:v51+s31+$0x0] =	vst.idx.add.f32.msk $0xffff, v9;
	v6 =	vsel vm15, v53, v5  }
0x503: {  	[tilespmem:v10+s31+$0x0] =	vst.idx.add.f32.msk $0xffff, v6  }
0x504: {  	v6 =	vld [tilespmem:$0x1D80]  }
0x505: {  	v7 =	vld [tilespmem:$0x1D90];
	_ =	sdelay $0x1  }
0x506: {  	v8 =	vld [tilespmem:$0x1DA0];
	_ =	sdelay $0x1  }
0x507: {  	v9 =	vld [tilespmem:$0x1DB0]  }
0x508: {  	v54 =	vmul.f32 v6, v6;
	v55 =	vmul.f32 v7, v7;
	_ =	sdelay $0x1  }
0x509: {  	v56 =	vmul.f32 v8, v8;
	v10 =	vadd.f32 v55, v54;
	_ =	sdelay $0x1  }
0x50a: {  	v57 =	vmul.f32 v9, v9;
	v10 =	vadd.f32 v56, v10;
	_ =	sdelay $0x1  }
0x50b: {  	v10 =	vadd.f32 v57, v10;
	_ =	sdelay $0x1  }
0x50c: {  	(xrf2) =	vadd.scan.msk.f32 $0xffff, v10;
	_ =	sdelay $0x1  }
0x50d: {  	v58 =	vperm.xlane v22, v17;
	_ =	sdelay $0x1  }
0x50e: {  	v10 =	vshll.u32 v58, $0x7  }
0x50f: {  	v59 =	vor.u32 v0, v10  }
0x510: {  	v60 =	vor.u32 v1, v10  }
0x511: {  	v61 =	vor.u32 v2, v10  }
0x512: {  	v62 =	vor.u32 v3, v10  }
0x513: {  	v10 =	vor.u32 v4, v10  }
0x514: {  	[tilespmem:v59+s31+$0x0] =	vst.idx.add.f32.msk $0xffff, v6;
	v63, _, _ =	vpop (xrf2)  }
0x515: {  	[tilespmem:v60+s31+$0x0] =	vst.idx.add.f32.msk $0xffff, v7;
	v23 =	vbroadcast v63, $0xF  }
0x516: {  	[tilespmem:v61+s31+$0x0] =	vst.idx.add.f32.msk $0xffff, v8  }
0x517: {  	[tilespmem:v62+s31+$0x0] =	vst.idx.add.f32.msk $0xffff, v9;
	v6 =	vsel vm15, v23, v5  }
0x518: {  	[tilespmem:v10+s31+$0x0] =	vst.idx.add.f32.msk $0xffff, v6  }
0x519: {  	v6 =	vld [tilespmem:$0x1E00]  }
0x51a: {  	v7 =	vld [tilespmem:$0x1E10];
	_ =	sdelay $0x1  }
0x51b: {  	v8 =	vld [tilespmem:$0x1E20];
	_ =	sdelay $0x1  }
0x51c: {  	v9 =	vld [tilespmem:$0x1E30]  }
0x51d: {  	v24 =	vmul.f32 v6, v6;
	v25 =	vmul.f32 v7, v7;
	_ =	sdelay $0x1  }
0x51e: {  	v26 =	vmul.f32 v8, v8;
	v10 =	vadd.f32 v25, v24;
	_ =	sdelay $0x1  }
0x51f: {  	v27 =	vmul.f32 v9, v9;
	v10 =	vadd.f32 v26, v10;
	_ =	sdelay $0x1  }
0x520: {  	v10 =	vadd.f32 v27, v10;
	_ =	sdelay $0x1  }
0x521: {  	(xrf2) =	vadd.scan.msk.f32 $0xffff, v10;
	_ =	sdelay $0x1  }
0x522: {  	v28 =	vperm.xlane v22, v18;
	_ =	sdelay $0x1  }
0x523: {  	v10 =	vshll.u32 v28, $0x7  }
0x524: {  	v29 =	vor.u32 v0, v10  }
0x525: {  	v30 =	vor.u32 v1, v10  }
0x526: {  	v31 =	vor.u32 v2, v10  }
0x527: {  	v32 =	vor.u32 v3, v10  }
0x528: {  	v10 =	vor.u32 v4, v10  }
0x529: {  	[tilespmem:v29+s31+$0x0] =	vst.idx.add.f32.msk $0xffff, v6;
	v33, _, _ =	vpop (xrf2)  }
0x52a: {  	[tilespmem:v30+s31+$0x0] =	vst.idx.add.f32.msk $0xffff, v7;
	v34 =	vbroadcast v33, $0xF  }
0x52b: {  	[tilespmem:v31+s31+$0x0] =	vst.idx.add.f32.msk $0xffff, v8  }
0x52c: {  	[tilespmem:v32+s31+$0x0] =	vst.idx.add.f32.msk $0xffff, v9;
	v6 =	vsel vm15, v34, v5  }
0x52d: {  	[tilespmem:v10+s31+$0x0] =	vst.idx.add.f32.msk $0xffff, v6  }
0x52e: {  	v6 =	vld [tilespmem:$0x1E80]  }
0x52f: {  	v7 =	vld [tilespmem:$0x1E90];
	_ =	sdelay $0x1  }
0x530: {  	v8 =	vld [tilespmem:$0x1EA0];
	_ =	sdelay $0x1  }
0x531: {  	v9 =	vld [tilespmem:$0x1EB0]  }
0x532: {  	v35 =	vmul.f32 v6, v6;
	v36 =	vmul.f32 v7, v7;
	_ =	sdelay $0x1  }
0x533: {  	v37 =	vmul.f32 v8, v8;
	v10 =	vadd.f32 v36, v35;
	_ =	sdelay $0x1  }
0x534: {  	v38 =	vmul.f32 v9, v9;
	v10 =	vadd.f32 v37, v10;
	_ =	sdelay $0x1  }
0x535: {  	v10 =	vadd.f32 v38, v10;
	_ =	sdelay $0x1  }
0x536: {  	(xrf2) =	vadd.scan.msk.f32 $0xffff, v10;
	_ =	sdelay $0x1  }
0x537: {  	v39 =	vperm.xlane v22, v19;
	_ =	sdelay $0x1  }
0x538: {  	v10 =	vshll.u32 v39, $0x7  }
0x539: {  	v40 =	vor.u32 v0, v10  }
0x53a: {  	v41 =	vor.u32 v1, v10  }
0x53b: {  	v42 =	vor.u32 v2, v10  }
0x53c: {  	v43 =	vor.u32 v3, v10  }
0x53d: {  	v10 =	vor.u32 v4, v10  }
0x53e: {  	[tilespmem:v40+s31+$0x0] =	vst.idx.add.f32.msk $0xffff, v6;
	v44, _, _ =	vpop (xrf2)  }
0x53f: {  	[tilespmem:v41+s31+$0x0] =	vst.idx.add.f32.msk $0xffff, v7;
	v45 =	vbroadcast v44, $0xF  }
0x540: {  	[tilespmem:v42+s31+$0x0] =	vst.idx.add.f32.msk $0xffff, v8  }
0x541: {  	[tilespmem:v43+s31+$0x0] =	vst.idx.add.f32.msk $0xffff, v9;
	v6 =	vsel vm15, v45, v5  }
0x542: {  	[tilespmem:v10+s31+$0x0] =	vst.idx.add.f32.msk $0xffff, v6  }
0x543: {  	v6 =	vld [tilespmem:$0x1F00]  }
0x544: {  	v7 =	vld [tilespmem:$0x1F10];
	_ =	sdelay $0x1  }
0x545: {  	v8 =	vld [tilespmem:$0x1F20];
	_ =	sdelay $0x1  }
0x546: {  	v9 =	vld [tilespmem:$0x1F30]  }
0x547: {  	v46 =	vmul.f32 v6, v6;
	v47 =	vmul.f32 v7, v7;
	_ =	sdelay $0x1  }
0x548: {  	v48 =	vmul.f32 v8, v8;
	v10 =	vadd.f32 v47, v46;
	_ =	sdelay $0x1  }
0x549: {  	v49 =	vmul.f32 v9, v9;
	v10 =	vadd.f32 v48, v10;
	_ =	sdelay $0x1  }
0x54a: {  	v10 =	vadd.f32 v49, v10;
	_ =	sdelay $0x1  }
0x54b: {  	(xrf2) =	vadd.scan.msk.f32 $0xffff, v10;
	_ =	sdelay $0x1  }
0x54c: {  	v50 =	vperm.xlane v22, v20;
	_ =	sdelay $0x1  }
0x54d: {  	v10 =	vshll.u32 v50, $0x7  }
0x54e: {  	v51 =	vor.u32 v0, v10  }
0x54f: {  	v52 =	vor.u32 v1, v10  }
0x550: {  	v53 =	vor.u32 v2, v10  }
0x551: {  	v54 =	vor.u32 v3, v10  }
0x552: {  	v10 =	vor.u32 v4, v10  }
0x553: {  	[tilespmem:v51+s31+$0x0] =	vst.idx.add.f32.msk $0xffff, v6;
	v55, _, _ =	vpop (xrf2)  }
0x554: {  	[tilespmem:v52+s31+$0x0] =	vst.idx.add.f32.msk $0xffff, v7;
	v56 =	vbroadcast v55, $0xF  }
0x555: {  	[tilespmem:v53+s31+$0x0] =	vst.idx.add.f32.msk $0xffff, v8  }
0x556: {  	[tilespmem:v54+s31+$0x0] =	vst.idx.add.f32.msk $0xffff, v9;
	v6 =	vsel vm15, v56, v5  }
0x557: {  	[tilespmem:v10+s31+$0x0] =	vst.idx.add.f32.msk $0xffff, v6  }
0x558: {  	v6 =	vld [tilespmem:$0x1F80]  }
0x559: {  	v7 =	vld [tilespmem:$0x1F90];
	_ =	sdelay $0x1  }
0x55a: {  	v8 =	vld [tilespmem:$0x1FA0];
	_ =	sdelay $0x1  }
0x55b: {  	v9 =	vld [tilespmem:$0x1FB0]  }
0x55c: {  	v57 =	vmul.f32 v6, v6;
	v58 =	vmul.f32 v7, v7;
	_ =	sdelay $0x1  }
0x55d: {  	v59 =	vmul.f32 v8, v8;
	v10 =	vadd.f32 v58, v57;
	_ =	sdelay $0x1  }
0x55e: {  	v60 =	vmul.f32 v9, v9;
	v10 =	vadd.f32 v59, v10;
	_ =	sdelay $0x1  }
0x55f: {  	v10 =	vadd.f32 v60, v10;
	_ =	sdelay $0x1  }
0x560: {  	(xrf2) =	vadd.scan.msk.f32 $0xffff, v10;
	_ =	sdelay $0x1  }
0x561: {  	v61 =	vperm.xlane v22, v21;
	_ =	sdelay $0x1  }
0x562: {  	v10 =	vshll.u32 v61, $0x7  }
0x563: {  	v0 =	vor.u32 v0, v10  }
0x564: {  	v1 =	vor.u32 v1, v10  }
0x565: {  	v2 =	vor.u32 v2, v10  }
0x566: {  	v3 =	vor.u32 v3, v10  }
0x567: {  	p0 =	sgt.s32 s1, $0x7;
	v4 =	vor.u32 v4, v10  }
.Ltmp1:
0x568: {  	[tilespmem:v0+s31+$0x0] =	vst.idx.add.f32.msk $0xffff, v6;
	v62, _, _ =	vpop (xrf2);
	(pc) =	sbr.rel @p0 .LBB2_8-.Ltmp1, $4  }
0x569: {  	[tilespmem:v1+s31+$0x0] =	vst.idx.add.f32.msk $0xffff, v7;
	v63 =	vbroadcast v62, $0xF  }
0x56a: {  	[tilespmem:v2+s31+$0x0] =	vst.idx.add.f32.msk $0xffff, v8  }
0x56b: {  	[tilespmem:v3+s31+$0x0] =	vst.idx.add.f32.msk $0xffff, v9;
	v0 =	vsel vm15, v63, v5  }
0x56c: {  	[tilespmem:v4+s31+$0x0] =	vst.idx.add.f32.msk $0xffff, v0  }
0x56d: {  	p0 =	sgt.s32 s1, $0x3  }
.Ltmp2:
0x56e: {  	_ = 	snop;
	(pc) =	sbr.rel @p0 .LBB2_7-.Ltmp2, $1  }
0x56f: {  	_ =	sdelay $0x3  }
0x570: {  	p0 =	sgt.s32 s1, $0x1  }
.Ltmp3:
0x571: {  	_ = 	snop;
	(pc) =	sbr.rel @p0 .LBB2_6-.Ltmp3, $1  }
0x572: {  	_ =	sdelay $0x3  }
0x573: {  	p0 =	seq.s32 s1, $0x0  }
.Ltmp4:
0x574: {  	_ = 	snop;
	(pc) =	sbr.rel @!p0 .LBB2_9-.Ltmp4, $4  }
.Ltmp5:
0x575: {  	_ = 	snop;
	(pc) =	sbr.rel @p0 .LBB2_10-.Ltmp5, $4  }
0x576: {  	_ = 	snop  }
0x577: {  	_ = 	snop  }
0x578: {  	s3 =	simm.s32 $0x800  }
0x579: {  	_ = 	snop  }
.LBB2_8:
0x57a: {  	p0 =	sgt.s32 s1, $0xB  }
0x57b: {  	p4 =	sgt.s32 @p0 s1, $0xD  }
0x57c: {  	p1 =	por !p4, !p0  }
0x57d: {  	s3 =	simm.s32 @!p1 $0x0;
	p2 =	seq.s32 @!p1 s1, $0xE  }
0x57e: {  	s3 =	simm.s32 @p1 $0x1;
	p3 =	por @p0 p2, !p4;
	p2 =	por @p0 !p2, !p4  }
0x57f: {  	[smem:$0x7FD] =	sst s3;
	p3 =	por p3, !p0;
	p2 =	por !p2, !p0  }
0x580: {  	s4 =	simm.s32 @!p3 $0x7800;
	p3 =	por p4, !p0;
	s7 =	sld [smem:$0x7FD]  }
0x581: {  	p5 =	seq.s32 @!p3 s1, $0xC;
	p3 =	sgt.s32 @!p0 s1, $0x9;
	s4 =	simm.s32 @p2 $0x7000  }
0x582: {  	p6 =	por @p0 p5, p4;
	p2 =	por !p3, p0;
	p4 =	por @p0 !p5, p4  }
0x583: {  	p1 =	por p3, p0;
	p5 =	por p6, !p0;
	p6 =	seq.s32 @!p2 s1, $0xA  }
0x584: {  	p4 =	por !p4, !p0;
	s5 =	simm.s32 @!p5 $0x6800;
	p5 =	por @!p0 p6, !p3  }
0x585: {  	p1 =	seq.s32 @!p1 s1, $0x8;
	p5 =	por p5, p0;
	s5 =	simm.s32 @p4 $0x6000  }
0x586: {  	p4 =	por @!p0 p1, p3;
	p1 =	por @!p0 !p1, p3;
	s3 =	simm.s32 @!p5 $0x5800  }
.Ltmp6:
0x587: {  	p5 =	por @!p0 !p6, !p3;
	p3 =	por p4, p0;
	(pc) =	sbr.rel .LBB2_9-.Ltmp6, $4  }
0x588: {  	p1 =	por !p1, p0;
	s6 =	simm.s32 @!p3 $0x4800;
	p3 =	por !p5, p0  }
0x589: {  	s3 =	simm.s32 @p3 $0x5000;
	s6 =	simm.s32 @p1 $0x4000;
	p1 =	seq.s32 s7, $0x1  }
0x58a: {  	s4 =	smov.u32 @p1 s5;
	s3 =	smov.u32 @p2 s6  }
0x58b: {  	s3 =	smov.u32 @p0 s4  }
.LBB2_7:
0x58c: {  	p0 =	sgt.s32 s1, $0x5  }
.Ltmp7:
0x58d: {  	p1 =	seq.s32 @p0 s1, $0x6;
	p2 =	seq.s32 @!p0 s1, $0x4;
	(pc) =	sbr.rel .LBB2_9-.Ltmp7, $4  }
0x58e: {  	p1 =	por !p1, !p0;
	p2 =	por !p2, p0  }
0x58f: {  	s4 =	simm.s32 @!p1 $0x3000;
	s3 =	simm.s32 @!p2 $0x2000  }
0x590: {  	s4 =	simm.s32 @p1 $0x3800;
	s3 =	simm.s32 @p2 $0x2800  }
0x591: {  	s3 =	smov.u32 @p0 s4  }
.LBB2_6:
0x592: {  	p0 =	seq.s32 s1, $0x2  }
0x593: {  	s3 =	simm.s32 @!p0 $0x1800  }
0x594: {  	s3 =	simm.s32 @p0 $0x1000  }
.LBB2_9:
0x595: {  	s2 =	sadd.s32 s3, s2  }
.LBB2_10:
0x596: {  	s3 =	simm.s32 $0x0;
	s4 =	simm.s32 $0x2080;
	s31 =	simm.s32 $0x1  }
0x597: {  	[hbm4b:s2+s3] =	stream.linear.scatter [tilespmem:s4], [sflag:$0x1], $0x4000, $0x38;
	[tilespmem:$0x6080] =	vst v63  }
0x598: {  	_ =	swait.ge [sflag:s31], $0x4000  }
0x599: {  	[sflag:s31] =	ssyncset.done $0x0  }
0x59a: {  	[sflag:s31] =	ssyncadd.s32 $0xFFFFC000  }
0x59b: {  	_ =	sfence.sel $0x180000  }
0x59c: {  	[bflag:$0x0] =	sbarrier.arrive $0xFFFF  }
0x59d: {  	p0 =	sne.s32 s1, $0x0;
	_ =	strace $0x90000047  }
0x59e: {  	s0 =	sadd.s32 @!p0 $0x100000, s0;
	[bflag:$0x2] =	sbarrier.arrive $0xFFFF  }
0x59f: {  	[sflag:s0] =	ssyncadd.tile.s32 @!p0 $0x1;
	_ =	shalt  }
.Lfunc_end2:
_tile_overlayer_lowered:
.L_overlay_start_2:
0x5a0: {  	(tag) =	ssettag $0x2  }
0x5a1: {  	s0 =	rddreg [dreg:$0x0];
	s2 =	stileid.u32  }
0x5a2: {  	s1 =	rddreg [dreg:$0x1];
	p0 =	sne.s32 s2, $0x0  }
0x5a3: {  	s3 =	rddreg [dreg:$0x2];
	[bflag:$0x3] =	sbarrier.arrive $0xFFFF;
	s2 =	simm.s32 @!p0 $0x1C01  }
0x5a4: {  	[timem:s3], [sflag:s2] =	dma.local @!p0 [hbm:s0], s1  }
0x5a5: {  	s0 =	simm.s32 @!p0 $0x1  }
0x5a6: {  	_ =	swait.ge @!p0 [sflag:s0], s1  }
0x5a7: {  	s1 =	ssub.s32 @!p0 $0x0, s1;
	[sflag:s0] =	ssyncset.done @!p0 $0x0  }
0x5a8: {  	[sflag:s0] =	ssyncadd.s32 @!p0 s1  }
0x5a9: {  	[bflag:$0x3] =	sbarrier.arrive $0xFFFF  }
0x5aa: {  	_ =	shalt  }

</sc_bundles>
